<compile_context>
chip_gen: v7x
topology: tpu7x:2x2x1
jax: 0.10.2.dev20260603
libtpu: 0.0.44.dev20260713+nightly
codegen_flags: <defaults>
</compile_context>

<pallas_src>
import functools

import jax
import jax.numpy as jnp
from jax import lax
from jax.experimental import pallas as pl
from jax.experimental.pallas import tpu as pltpu
from jax.experimental.pallas import tpu_sc as plsc

N = 10000
E = 320000
DIM = 128
NUM_GRAPHS = 256

NC = 2
NS = 16
NW = NC * NS
E_TILE = E // NW
CHUNK = 80
NG = CHUNK // 16
NCHUNK = E_TILE // CHUNK
ROW_TILE = 624
R8 = 8

NBLK = 1000
NGRID = N // NBLK


def _row_span(s):
    row_lo = s * ROW_TILE
    n8 = jnp.where(s == NS - 1, (N - (NS - 1) * ROW_TILE) // R8, ROW_TILE // R8)
    return row_lo, n8


def _sc_numerator(xl, xr, att, sd4):
    mesh = plsc.VectorSubcoreMesh(core_axis_name="c", subcore_axis_name="s")

    @functools.partial(
        pl.kernel,
        out_type=(
            jax.ShapeDtypeStruct((NC, N, DIM), jnp.float32),
            jax.ShapeDtypeStruct((E,), jnp.float32),
        ),
        mesh=mesh,
        scratch_types=(
            pltpu.VMEM_SHARED((N, DIM), jnp.float32),
            pltpu.VMEM((2, CHUNK), jnp.int32),
            pltpu.VMEM((CHUNK, DIM), jnp.float32),
            pltpu.VMEM((CHUNK, DIM), jnp.float32),
            pltpu.VMEM((CHUNK,), jnp.float32),
            pltpu.VMEM((DIM,), jnp.float32),
            pltpu.VMEM((R8, DIM), jnp.float32),
        ),
    )
    def body(xl_h, xr_h, att_h, sd_h, out_n, out_w,
             accn, sdv, xlr, xrr, wv, attv, zbn):
        c = lax.axis_index("c")
        s = lax.axis_index("s")
        tid = c * NS + s
        zro = jnp.zeros((16,), jnp.float32)

        def zrow(r, _):
            for k in range(DIM // 16):
                zbn[r, pl.ds(k * 16, 16)] = zro
            return 0
        lax.fori_loop(0, R8, zrow, 0)

        row_lo, n8 = _row_span(s)

        def zacc(r, _):
            pltpu.sync_copy(zbn, accn.at[pl.ds(row_lo + r * R8, R8)])
            return 0
        lax.fori_loop(0, n8, zacc, 0)
        plsc.subcore_barrier()

        pltpu.sync_copy(att_h, attv)
        attc = [attv[pl.ds(k * 16, 16)] for k in range(DIM // 16)]
        lane_i = lax.broadcasted_iota(jnp.int32, (16,), 0)
        perms = [jnp.bitwise_xor(lane_i, sh) for sh in (1, 2, 4, 8)]

        def hsum(v):
            for pm in perms:
                v = v + v.at[pm].get(mode="promise_in_bounds")
            return v

        def chunk_body(i, _):
            base = tid * E_TILE + i * CHUNK
            pltpu.sync_copy(sd_h.at[tid, i], sdv)
            pltpu.sync_copy(xl_h.at[sdv.at[0]], xlr)
            pltpu.sync_copy(xr_h.at[sdv.at[1]], xrr)

            def group_body(g, _):
                def p1(e16, evec):
                    e = g * 16 + e16
                    p = zro
                    for k in range(DIM // 16):
                        sl = pl.ds(k * 16, 16)
                        z = xlr[e, sl] + xrr[e, sl]
                        y = jnp.maximum(z, 0.2 * z)
                        p = p + y * attc[k]
                    return jnp.where(lane_i == e16, hsum(p), evec)
                evec = lax.fori_loop(0, 16, p1, zro)
                exvec = jnp.exp(evec)
                wv[pl.ds(g * 16, 16)] = exvec

                def p2(e16, _):
                    e = g * 16 + e16
                    w = exvec.at[jnp.full((16,), e16, jnp.int32)].get(
                        mode="promise_in_bounds")
                    for k in range(DIM // 16):
                        sl = pl.ds(k * 16, 16)
                        xlr[e, sl] = w * xlr[e, sl]
                    return 0
                lax.fori_loop(0, 16, p2, 0)
                return 0
            lax.fori_loop(0, NG, group_body, 0)

            pltpu.sync_copy(wv, out_w.at[pl.ds(base, CHUNK)])
            pltpu.sync_copy(xlr, accn.at[sdv.at[1]], add=True)
            return 0
        lax.fori_loop(0, NCHUNK, chunk_body, 0)

        plsc.subcore_barrier()

        def wout(r, _):
            off = row_lo + r * R8
            pltpu.sync_copy(accn.at[pl.ds(off, R8)],
                            out_n.at[c, pl.ds(off, R8)])
            return 0
        lax.fori_loop(0, n8, wout, 0)

    return body(xl, xr, att, sd4)


def _sc_denominator(w_edge, dst):
    mesh = plsc.VectorSubcoreMesh(core_axis_name="c", subcore_axis_name="s")

    @functools.partial(
        pl.kernel,
        out_type=jax.ShapeDtypeStruct((NC, N, 16), jnp.float32),
        mesh=mesh,
        scratch_types=(
            pltpu.VMEM_SHARED((N, 16), jnp.float32),
            pltpu.VMEM((NCHUNK, CHUNK), jnp.int32),
            pltpu.VMEM((E_TILE,), jnp.float32),
            pltpu.VMEM((CHUNK, 16), jnp.float32),
            pltpu.VMEM((R8, 16), jnp.float32),
        ),
    )
    def body(w_h, dst_h, out_d, accd, dstall, wall, den, zbd):
        c = lax.axis_index("c")
        s = lax.axis_index("s")
        tid = c * NS + s
        zro = jnp.zeros((16,), jnp.float32)
        lane_i = lax.broadcasted_iota(jnp.int32, (16,), 0)

        def zrow(r, _):
            zbd[r, pl.ds(0, 16)] = zro
            return 0
        lax.fori_loop(0, R8, zrow, 0)

        row_lo, n8 = _row_span(s)

        def zacc(r, _):
            pltpu.sync_copy(zbd, accd.at[pl.ds(row_lo + r * R8, R8)])
            return 0
        lax.fori_loop(0, n8, zacc, 0)
        plsc.subcore_barrier()

        pltpu.sync_copy(dst_h.at[tid], dstall)
        pltpu.sync_copy(w_h.at[pl.ds(tid * E_TILE, E_TILE)], wall)

        def chunk_body(i, _):

            def group_body(g, _):
                exvec = wall[pl.ds(i * CHUNK + g * 16, 16)]

                def p2(e16, _):
                    e = g * 16 + e16
                    w = exvec.at[jnp.full((16,), e16, jnp.int32)].get(
                        mode="promise_in_bounds")
                    den[e, pl.ds(0, 16)] = jnp.where(lane_i == e16, w, 0.0)
                    return 0
                lax.fori_loop(0, 16, p2, 0)
                return 0
            lax.fori_loop(0, NG, group_body, 0)

            pltpu.sync_copy(den, accd.at[dstall.at[i]], add=True)
            return 0
        lax.fori_loop(0, NCHUNK, chunk_body, 0)

        plsc.subcore_barrier()

        def wout(r, _):
            off = row_lo + r * R8
            pltpu.sync_copy(accd.at[pl.ds(off, R8)],
                            out_d.at[c, pl.ds(off, R8)])
            return 0
        lax.fori_loop(0, n8, wout, 0)

    return body(w_edge, dst)


def _sc_edge_attention(xl, xr, att, src, dst):
    src3 = src.reshape(NW, NCHUNK, CHUNK)
    dst3 = dst.reshape(NW, NCHUNK, CHUNK)
    sd4 = jnp.stack([src3, dst3], axis=2)
    num, w_edge = _sc_numerator(xl, xr, att, sd4)
    den = _sc_denominator(w_edge, dst3)
    return num, den


def _tc_first_kernel(x_ref, wl_ref, wr_ref, xl_ref, xr_ref):
    x = x_ref[...]
    xl_ref[...] = jnp.dot(x, wl_ref[...], preferred_element_type=jnp.float32)
    xr_ref[...] = jnp.dot(x, wr_ref[...], preferred_element_type=jnp.float32)


def _tc_first(x, wl, wr):
    return pl.pallas_call(
        _tc_first_kernel,
        grid=(NGRID,),
        in_specs=[
            pl.BlockSpec((NBLK, DIM), lambda i: (i, 0)),
            pl.BlockSpec((DIM, DIM), lambda i: (0, 0)),
            pl.BlockSpec((DIM, DIM), lambda i: (0, 0)),
        ],
        out_specs=[
            pl.BlockSpec((NBLK, DIM), lambda i: (i, 0)),
            pl.BlockSpec((NBLK, DIM), lambda i: (i, 0)),
        ],
        out_shape=[
            jax.ShapeDtypeStruct((N, DIM), jnp.float32),
            jax.ShapeDtypeStruct((N, DIM), jnp.float32),
        ],
    )(x, wl, wr)


def _tc_mid_kernel(n_ref, d_ref, b_ref, wl_ref, wr_ref, xl_ref, xr_ref):
    num = n_ref[0] + n_ref[1]
    den = jnp.sum(d_ref[0] + d_ref[1], axis=1, keepdims=True)
    h = jnp.maximum(num / (den + 1e-16) + b_ref[0], 0.0)
    xl_ref[...] = jnp.dot(h, wl_ref[...], preferred_element_type=jnp.float32)
    xr_ref[...] = jnp.dot(h, wr_ref[...], preferred_element_type=jnp.float32)


def _tc_mid(num, den, b, wl, wr):
    return pl.pallas_call(
        _tc_mid_kernel,
        grid=(NGRID,),
        in_specs=[
            pl.BlockSpec((NC, NBLK, DIM), lambda i: (0, i, 0)),
            pl.BlockSpec((NC, NBLK, 16), lambda i: (0, i, 0)),
            pl.BlockSpec((1, DIM), lambda i: (0, 0)),
            pl.BlockSpec((DIM, DIM), lambda i: (0, 0)),
            pl.BlockSpec((DIM, DIM), lambda i: (0, 0)),
        ],
        out_specs=[
            pl.BlockSpec((NBLK, DIM), lambda i: (i, 0)),
            pl.BlockSpec((NBLK, DIM), lambda i: (i, 0)),
        ],
        out_shape=[
            jax.ShapeDtypeStruct((N, DIM), jnp.float32),
            jax.ShapeDtypeStruct((N, DIM), jnp.float32),
        ],
    )(num, den, b.reshape(1, DIM), wl, wr)


def _tc_final_kernel(n_ref, d_ref, b_ref, batch_ref, wout_ref, bout_ref, out_ref):
    i = pl.program_id(0)
    num = n_ref[0] + n_ref[1]
    den = jnp.sum(d_ref[0] + d_ref[1], axis=1, keepdims=True)
    h = jnp.maximum(num / (den + 1e-16) + b_ref[0], 0.0)
    v = jnp.dot(h, wout_ref[...], preferred_element_type=jnp.float32)
    bb = batch_ref[0, 0, :]
    gids = lax.broadcasted_iota(jnp.int32, (NUM_GRAPHS, NBLK), 0)
    oh = (bb[None, :] == gids).astype(jnp.float32)
    contrib = jnp.dot(oh, v, preferred_element_type=jnp.float32)

    @pl.when(i == 0)
    def _():
        out_ref[...] = contrib + bout_ref[0, 0]

    @pl.when(i > 0)
    def _():
        out_ref[...] = out_ref[...] + contrib


def _tc_final(num, den, b, batch3, wout, bout):
    return pl.pallas_call(
        _tc_final_kernel,
        grid=(NGRID,),
        in_specs=[
            pl.BlockSpec((NC, NBLK, DIM), lambda i: (0, i, 0)),
            pl.BlockSpec((NC, NBLK, 16), lambda i: (0, i, 0)),
            pl.BlockSpec((1, DIM), lambda i: (0, 0)),
            pl.BlockSpec((1, 1, NBLK), lambda i: (i, 0, 0)),
            pl.BlockSpec((DIM, 1), lambda i: (0, 0)),
            pl.BlockSpec((1, 1), lambda i: (0, 0)),
        ],
        out_specs=pl.BlockSpec((NUM_GRAPHS, 1), lambda i: (0, 0)),
        out_shape=jax.ShapeDtypeStruct((NUM_GRAPHS, 1), jnp.float32),
    )(num, den, b.reshape(1, DIM), batch3, wout, bout.reshape(1, 1))


def kernel(x, edge_index, batch, Wl1, Wr1, att1, b1, Wln, Wrn, attn, bn, Wout, bout):
    src = edge_index[0].astype(jnp.int32)
    dst = edge_index[1].astype(jnp.int32)
    batch3 = batch.astype(jnp.int32).reshape(NGRID, 1, NBLK)

    xl, xr = _tc_first(x, Wl1, Wr1)
    num, den = _sc_edge_attention(xl, xr, att1, src, dst)
    xl, xr = _tc_mid(num, den, b1, Wln, Wrn)
    num, den = _sc_edge_attention(xl, xr, attn, src, dst)
    xl, xr = _tc_mid(num, den, bn, Wln, Wrn)
    num, den = _sc_edge_attention(xl, xr, attn, src, dst)
    return _tc_final(num, den, bn, batch3, Wout, bout)

# --- scband reference (transcript-rebuilt; emitter-appended) ---
"""Pipeline reference for scband-gatv2-n-76630806495981 (READ-ONLY COPY).

The authoritative reference and input builder live on the scoring server;
editing this copy changes nothing except your own understanding.
"""

import jax, jax.numpy as jnp
import numpy as np

N = 10000
E = 320000
D_IN = 128
DIM = 128
NUM_GRAPHS = 256
LAYER = 3


def setup_inputs(seed: int = 0) -> dict:
    key = jax.random.key(seed)
    ks = jax.random.split(key, 16)
    x = jax.random.normal(ks[0], (N, D_IN), dtype=jnp.float32)
    edge_index = jax.random.randint(ks[1], (2, E), 0, N, dtype=jnp.int64)
    batch = jnp.sort(jax.random.randint(ks[2], (N,), 0, NUM_GRAPHS, dtype=jnp.int64))
    s1 = 1.0 / np.sqrt(D_IN)
    s2 = 1.0 / np.sqrt(DIM)
    Wl1 = jax.random.uniform(ks[3], (D_IN, DIM), jnp.float32, -s1, s1)
    Wr1 = jax.random.uniform(ks[4], (D_IN, DIM), jnp.float32, -s1, s1)
    att1 = jax.random.uniform(ks[5], (DIM,), jnp.float32, -s2, s2)
    b1 = jnp.zeros((DIM,), jnp.float32)
    Wln = jax.random.uniform(ks[6], (DIM, DIM), jnp.float32, -s2, s2)
    Wrn = jax.random.uniform(ks[7], (DIM, DIM), jnp.float32, -s2, s2)
    attn = jax.random.uniform(ks[8], (DIM,), jnp.float32, -s2, s2)
    bn = jnp.zeros((DIM,), jnp.float32)
    Wout = jax.random.uniform(ks[9], (DIM, 1), jnp.float32, -s2, s2)
    bout = jnp.zeros((1,), jnp.float32)
    return {"x": x, "edge_index": edge_index, "batch": batch,
            "Wl1": Wl1, "Wr1": Wr1, "att1": att1, "b1": b1,
            "Wln": Wln, "Wrn": Wrn, "attn": attn, "bn": bn,
            "Wout": Wout, "bout": bout}


def _gatv2_layer(h, src, dst, Wl, Wr, att, bias):
    # GATv2Conv, single head, negative_slope=0.2
    xl = h @ Wl  # source transform
    xr = h @ Wr  # target transform
    e = jax.nn.leaky_relu(xl[src] + xr[dst], negative_slope=0.2) @ att  # [E]
    m = jax.ops.segment_max(e, dst, num_segments=N)
    ex = jnp.exp(e - m[dst])
    denom = jax.ops.segment_sum(ex, dst, num_segments=N)
    alpha = ex / (denom[dst] + 1e-16)
    out = jax.ops.segment_sum(alpha[:, None] * xl[src], dst, num_segments=N)
    return out + bias


def reference(x, edge_index, batch, Wl1, Wr1, att1, b1, Wln, Wrn, attn, bn, Wout, bout):
    src = edge_index[0]
    dst = edge_index[1]
    h = _gatv2_layer(x, src, dst, Wl1, Wr1, att1, b1)
    h = jax.nn.relu(h)
    for _ in range(2, LAYER + 1):
        h = _gatv2_layer(h, src, dst, Wln, Wrn, attn, bn)
        h = jax.nn.relu(h)
    pooled = jax.ops.segment_sum(h, batch, num_segments=NUM_GRAPHS)  # global_add_pool
    out = pooled @ Wout + bout
    return out

if __name__ == "__main__":
    import jax
    _d = setup_inputs()
    print(jax.jit(kernel)(*tuple(_d.values())))

</pallas_src>

<mosaic_0001>
#map = affine_map<(d0, d1) -> (0, 0)>
#map1 = affine_map<(d0, d1) -> (0)>
#map2 = affine_map<(d0, d1) -> (0, 0, 0, 0)>
#map3 = affine_map<(d0, d1) -> (0, 0, 0)>
module attributes {stable_mosaic.version = 14 : i64} {
  func.func @body(%arg0: i32, %arg1: i32, %arg2: memref<10000x128xf32, #tpu.memory_space<hbm>>, %arg3: memref<10000x128xf32, #tpu.memory_space<hbm>>, %arg4: memref<128xf32, #tpu.memory_space<hbm>>, %arg5: memref<32x125x2x80xi32, #tpu.memory_space<hbm>>, %arg6: memref<2x10000x128xf32, #tpu.memory_space<hbm>>, %arg7: memref<320000xf32, #tpu.memory_space<hbm>>, %arg8: memref<10000x128xf32, #tpu.memory_space<vmem_shared>>, %arg9: memref<2x80xi32, #tpu.memory_space<vmem>>, %arg10: memref<80x128xf32, #tpu.memory_space<vmem>>, %arg11: memref<80x128xf32, #tpu.memory_space<vmem>>, %arg12: memref<80xf32, #tpu.memory_space<vmem>>, %arg13: memref<128xf32, #tpu.memory_space<vmem>>, %arg14: memref<8x128xf32, #tpu.memory_space<vmem>>) attributes {dimension_semantics = [#tpu.dimension_semantics<core_parallel>, #tpu.dimension_semantics<subcore_parallel>], iteration_bounds = array<i64: 2, 16>, scalar_prefetch = 0 : i64, scratch_operands = 7 : i64, tpu.core_type = #tpu.core_type<sc_vector_subcore>, window_params = [{transform_indices = #map}, {transform_indices = #map}, {transform_indices = #map1}, {transform_indices = #map2}, {transform_indices = #map3}, {transform_indices = #map1}]} {
    %mul3A = arith.constant 16 : i32
    %mul3A_0 = arith.muli %arg0, %mul3A : i32
    %add3A = arith.addi %mul3A_0, %arg1 : i32
    %broadcast_in_dim3A = arith.constant 0.000000e+00 : f32
    %broadcast_in_dim3A_1 = vector.broadcast %broadcast_in_dim3A : f32 to vector<16xf32>
    %scan3A = arith.constant 0 : i32
    %scan3A_2 = arith.constant 0 : i32
    %scan3A_3 = arith.constant 8 : i32
    %scan3A_4 = arith.addi %scan3A_2, %scan3A_3 : i32
    %scan3A_5 = arith.constant 1 : i32
    %scan3A_6 = scf.for %scan3A_77 = %scan3A_2 to %scan3A_4 step %scan3A_5 iter_args(%scan3A_78 = %scan3A) -> (i32)  : i32 {
      %swap3A = arith.index_cast %scan3A_77 : i32 to index
      %swap3A_79 = arith.constant 0 : index
      %swap3A_80 = tpu.vector_load %arg14[%swap3A, %swap3A_79] {strides = array<i32>} : memref<8x128xf32, #tpu.memory_space<vmem>>, vector<1x16xf32>,
      %swap3A_81 = vector.shape_cast %swap3A_80 : vector<1x16xf32> to vector<16xf32>
      %swap3A_82 = vector.shape_cast %broadcast_in_dim3A_1 : vector<16xf32> to vector<1x16xf32>
      tpu.vector_store %arg14[%swap3A, %swap3A_79], %swap3A_82 {strides = array<i32>} : memref<8x128xf32, #tpu.memory_space<vmem>>, vector<1x16xf32>,
      %swap3A_83 = arith.index_cast %scan3A_77 : i32 to index
      %swap3A_84 = arith.constant 16 : index
      %swap3A_85 = tpu.vector_load %arg14[%swap3A_83, %swap3A_84] {strides = array<i32>} : memref<8x128xf32, #tpu.memory_space<vmem>>, vector<1x16xf32>,
      %swap3A_86 = vector.shape_cast %swap3A_85 : vector<1x16xf32> to vector<16xf32>
      %swap3A_87 = vector.shape_cast %broadcast_in_dim3A_1 : vector<16xf32> to vector<1x16xf32>
      tpu.vector_store %arg14[%swap3A_83, %swap3A_84], %swap3A_87 {strides = array<i32>} : memref<8x128xf32, #tpu.memory_space<vmem>>, vector<1x16xf32>,
      %swap3A_88 = arith.index_cast %scan3A_77 : i32 to index
      %swap3A_89 = arith.constant 32 : index
      %swap3A_90 = tpu.vector_load %arg14[%swap3A_88, %swap3A_89] {strides = array<i32>} : memref<8x128xf32, #tpu.memory_space<vmem>>, vector<1x16xf32>,
      %swap3A_91 = vector.shape_cast %swap3A_90 : vector<1x16xf32> to vector<16xf32>
      %swap3A_92 = vector.shape_cast %broadcast_in_dim3A_1 : vector<16xf32> to vector<1x16xf32>
      tpu.vector_store %arg14[%swap3A_88, %swap3A_89], %swap3A_92 {strides = array<i32>} : memref<8x128xf32, #tpu.memory_space<vmem>>, vector<1x16xf32>,
      %swap3A_93 = arith.index_cast %scan3A_77 : i32 to index
      %swap3A_94 = arith.constant 48 : index
      %swap3A_95 = tpu.vector_load %arg14[%swap3A_93, %swap3A_94] {strides = array<i32>} : memref<8x128xf32, #tpu.memory_space<vmem>>, vector<1x16xf32>,
      %swap3A_96 = vector.shape_cast %swap3A_95 : vector<1x16xf32> to vector<16xf32>
      %swap3A_97 = vector.shape_cast %broadcast_in_dim3A_1 : vector<16xf32> to vector<1x16xf32>
      tpu.vector_store %arg14[%swap3A_93, %swap3A_94], %swap3A_97 {strides = array<i32>} : memref<8x128xf32, #tpu.memory_space<vmem>>, vector<1x16xf32>,
      %swap3A_98 = arith.index_cast %scan3A_77 : i32 to index
      %swap3A_99 = arith.constant 64 : index
      %swap3A_100 = tpu.vector_load %arg14[%swap3A_98, %swap3A_99] {strides = array<i32>} : memref<8x128xf32, #tpu.memory_space<vmem>>, vector<1x16xf32>,
      %swap3A_101 = vector.shape_cast %swap3A_100 : vector<1x16xf32> to vector<16xf32>
      %swap3A_102 = vector.shape_cast %broadcast_in_dim3A_1 : vector<16xf32> to vector<1x16xf32>
      tpu.vector_store %arg14[%swap3A_98, %swap3A_99], %swap3A_102 {strides = array<i32>} : memref<8x128xf32, #tpu.memory_space<vmem>>, vector<1x16xf32>,
      %swap3A_103 = arith.index_cast %scan3A_77 : i32 to index
      %swap3A_104 = arith.constant 80 : index
      %swap3A_105 = tpu.vector_load %arg14[%swap3A_103, %swap3A_104] {strides = array<i32>} : memref<8x128xf32, #tpu.memory_space<vmem>>, vector<1x16xf32>,
      %swap3A_106 = vector.shape_cast %swap3A_105 : vector<1x16xf32> to vector<16xf32>
      %swap3A_107 = vector.shape_cast %broadcast_in_dim3A_1 : vector<16xf32> to vector<1x16xf32>
      tpu.vector_store %arg14[%swap3A_103, %swap3A_104], %swap3A_107 {strides = array<i32>} : memref<8x128xf32, #tpu.memory_space<vmem>>, vector<1x16xf32>,
      %swap3A_108 = arith.index_cast %scan3A_77 : i32 to index
      %swap3A_109 = arith.constant 96 : index
      %swap3A_110 = tpu.vector_load %arg14[%swap3A_108, %swap3A_109] {strides = array<i32>} : memref<8x128xf32, #tpu.memory_space<vmem>>, vector<1x16xf32>,
      %swap3A_111 = vector.shape_cast %swap3A_110 : vector<1x16xf32> to vector<16xf32>
      %swap3A_112 = vector.shape_cast %broadcast_in_dim3A_1 : vector<16xf32> to vector<1x16xf32>
      tpu.vector_store %arg14[%swap3A_108, %swap3A_109], %swap3A_112 {strides = array<i32>} : memref<8x128xf32, #tpu.memory_space<vmem>>, vector<1x16xf32>,
      %swap3A_113 = arith.index_cast %scan3A_77 : i32 to index
      %swap3A_114 = arith.constant 112 : index
      %swap3A_115 = tpu.vector_load %arg14[%swap3A_113, %swap3A_114] {strides = array<i32>} : memref<8x128xf32, #tpu.memory_space<vmem>>, vector<1x16xf32>,
      %swap3A_116 = vector.shape_cast %swap3A_115 : vector<1x16xf32> to vector<16xf32>
      %swap3A_117 = vector.shape_cast %broadcast_in_dim3A_1 : vector<16xf32> to vector<1x16xf32>
      tpu.vector_store %arg14[%swap3A_113, %swap3A_114], %swap3A_117 {strides = array<i32>} : memref<8x128xf32, #tpu.memory_space<vmem>>, vector<1x16xf32>,
      %scan3A_118 = arith.constant 0 : i32
      scf.yield %scan3A_118 : i32
    }
    %scan3A_7 = arith.constant 8 : i32
    %mul3A_8 = arith.constant 624 : i32
    %mul3A_9 = arith.muli %arg1, %mul3A_8 : i32
    %eq3A = arith.constant 15 : i32
    %eq3A_10 = arith.cmpi eq, %arg1, %eq3A : i32
    %jit3A = arith.constant 80 : i32
    %jit3A_11 = arith.constant 78 : i32
    %select_n3A = arith.select %eq3A_10, %jit3A, %jit3A_11 : i32
    %while3A = arith.constant 0 : i32
    %while3A_12 = arith.constant 0 : i32
    %while3A_13 = arith.subi %select_n3A, %while3A : i32
    %while3A_14 = arith.addi %while3A, %while3A_13 : i32
    %while3A_15 = arith.constant 1 : i32
    %while3A_16 = arith.divsi %while3A_13, %while3A_15 : i32
    %while3A_17 = arith.muli %while3A_16, %while3A_15 : i32
    %while3A_18 = arith.addi %while3A, %while3A_17 : i32
    %while3A_19 = arith.constant 1 : i32
    %while3A_20 = scf.for %while3A_77 = %while3A to %while3A_18 step %while3A_19 iter_args(%while3A_78 = %while3A_12) -> (i32)  : i32 {
      %mul3A_79 = arith.constant 8 : i32
      %mul3A_80 = arith.muli %while3A_77, %mul3A_79 : i32
      %add3A_81 = arith.addi %mul3A_9, %mul3A_80 : i32
      "tpu.region"() ({
        %run_scoped3A = tpu.sem_alloc : memref<!tpu.dma_semaphore, #tpu.memory_space<semaphore_mem>>
        %dma_start3A = arith.constant 0 : i32
        %dma_start3A_83 = tpu.memref_slice %arg8[%add3A_81, %dma_start3A] : memref<10000x128xf32, #tpu.memory_space<vmem_shared>> -> memref<8x128xf32, #tpu.memory_space<vmem_shared>>
        %dma_start3A_84 = arith.constant 0 : i32
        %dma_start3A_85 = tpu.memref_slice %arg8[%add3A_81, %dma_start3A_84] : memref<10000x128xf32, #tpu.memory_space<vmem_shared>> -> memref<8x128xf32, #tpu.memory_space<vmem_shared>>
        tpu.enqueue_dma source(%arg14 : memref<8x128xf32, #tpu.memory_space<vmem>>) target(%dma_start3A_85 : memref<8x128xf32, #tpu.memory_space<vmem_shared>>) target_semaphore(%run_scoped3A : memref<!tpu.dma_semaphore, #tpu.memory_space<semaphore_mem>>)
        %dma_wait3A = arith.constant 0 : i32
        %dma_wait3A_86 = tpu.memref_slice %arg8[%add3A_81, %dma_wait3A] : memref<10000x128xf32, #tpu.memory_space<vmem_shared>> -> memref<8x128xf32, #tpu.memory_space<vmem_shared>>
        %dma_wait3A_87 = arith.constant 0 : i32
        %dma_wait3A_88 = tpu.memref_slice %arg8[%add3A_81, %dma_wait3A_87] : memref<10000x128xf32, #tpu.memory_space<vmem_shared>> -> memref<8x128xf32, #tpu.memory_space<vmem_shared>>
        tpu.wait_dma2 semaphore(%run_scoped3A : memref<!tpu.dma_semaphore, #tpu.memory_space<semaphore_mem>>) src(%arg14 : memref<8x128xf32, #tpu.memory_space<vmem>>) dst(%dma_wait3A_88 : memref<8x128xf32, #tpu.memory_space<vmem_shared>>)
        tpu.yield
      }) : () -> ()
      %while3A_82 = arith.constant 0 : i32
      scf.yield %while3A_82 : i32
    }
    %while3A_21 = arith.constant 1 : i32
    %while3A_22 = scf.for %while3A_77 = %while3A_18 to %while3A_14 step %while3A_21 iter_args(%while3A_78 = %while3A_20) -> (i32)  : i32 {
      %mul3A_79 = arith.constant 8 : i32
      %mul3A_80 = arith.muli %while3A_77, %mul3A_79 : i32
      %add3A_81 = arith.addi %mul3A_9, %mul3A_80 : i32
      "tpu.region"() ({
        %run_scoped3A = tpu.sem_alloc : memref<!tpu.dma_semaphore, #tpu.memory_space<semaphore_mem>>
        %dma_start3A = arith.constant 0 : i32
        %dma_start3A_83 = tpu.memref_slice %arg8[%add3A_81, %dma_start3A] : memref<10000x128xf32, #tpu.memory_space<vmem_shared>> -> memref<8x128xf32, #tpu.memory_space<vmem_shared>>
        %dma_start3A_84 = arith.constant 0 : i32
        %dma_start3A_85 = tpu.memref_slice %arg8[%add3A_81, %dma_start3A_84] : memref<10000x128xf32, #tpu.memory_space<vmem_shared>> -> memref<8x128xf32, #tpu.memory_space<vmem_shared>>
        tpu.enqueue_dma source(%arg14 : memref<8x128xf32, #tpu.memory_space<vmem>>) target(%dma_start3A_85 : memref<8x128xf32, #tpu.memory_space<vmem_shared>>) target_semaphore(%run_scoped3A : memref<!tpu.dma_semaphore, #tpu.memory_space<semaphore_mem>>)
        %dma_wait3A = arith.constant 0 : i32
        %dma_wait3A_86 = tpu.memref_slice %arg8[%add3A_81, %dma_wait3A] : memref<10000x128xf32, #tpu.memory_space<vmem_shared>> -> memref<8x128xf32, #tpu.memory_space<vmem_shared>>
        %dma_wait3A_87 = arith.constant 0 : i32
        %dma_wait3A_88 = tpu.memref_slice %arg8[%add3A_81, %dma_wait3A_87] : memref<10000x128xf32, #tpu.memory_space<vmem_shared>> -> memref<8x128xf32, #tpu.memory_space<vmem_shared>>
        tpu.wait_dma2 semaphore(%run_scoped3A : memref<!tpu.dma_semaphore, #tpu.memory_space<semaphore_mem>>) src(%arg14 : memref<8x128xf32, #tpu.memory_space<vmem>>) dst(%dma_wait3A_88 : memref<8x128xf32, #tpu.memory_space<vmem_shared>>)
        tpu.yield
      }) : () -> ()
      %while3A_82 = arith.constant 0 : i32
      scf.yield %while3A_82 : i32
    }
    %barrier3A = arith.constant 0 : index
    tpu.barrier barrier_id(%barrier3A)
    "tpu.region"() ({
      %run_scoped3A = tpu.sem_alloc : memref<!tpu.dma_semaphore, #tpu.memory_space<semaphore_mem>>
      tpu.enqueue_dma source(%arg4 : memref<128xf32, #tpu.memory_space<hbm>>) target(%arg13 : memref<128xf32, #tpu.memory_space<vmem>>) target_semaphore(%run_scoped3A : memref<!tpu.dma_semaphore, #tpu.memory_space<semaphore_mem>>)
      tpu.wait_dma2 semaphore(%run_scoped3A : memref<!tpu.dma_semaphore, #tpu.memory_space<semaphore_mem>>) src(%arg4 : memref<128xf32, #tpu.memory_space<hbm>>) dst(%arg13 : memref<128xf32, #tpu.memory_space<vmem>>)
      tpu.yield
    }) : () -> ()
    %get3A = arith.constant 0 : index
    %get3A_23 = tpu.vector_load %arg13[%get3A] {strides = array<i32>} : memref<128xf32, #tpu.memory_space<vmem>>, vector<16xf32>,
    %get3A_24 = vector.shape_cast %get3A_23 : vector<16xf32> to vector<16xf32>
    %get3A_25 = arith.constant 16 : index
    %get3A_26 = tpu.vector_load %arg13[%get3A_25] {strides = array<i32>} : memref<128xf32, #tpu.memory_space<vmem>>, vector<16xf32>,
    %get3A_27 = vector.shape_cast %get3A_26 : vector<16xf32> to vector<16xf32>
    %get3A_28 = arith.constant 32 : index
    %get3A_29 = tpu.vector_load %arg13[%get3A_28] {strides = array<i32>} : memref<128xf32, #tpu.memory_space<vmem>>, vector<16xf32>,
    %get3A_30 = vector.shape_cast %get3A_29 : vector<16xf32> to vector<16xf32>
    %get3A_31 = arith.constant 48 : index
    %get3A_32 = tpu.vector_load %arg13[%get3A_31] {strides = array<i32>} : memref<128xf32, #tpu.memory_space<vmem>>, vector<16xf32>,
    %get3A_33 = vector.shape_cast %get3A_32 : vector<16xf32> to vector<16xf32>
    %get3A_34 = arith.constant 64 : index
    %get3A_35 = tpu.vector_load %arg13[%get3A_34] {strides = array<i32>} : memref<128xf32, #tpu.memory_space<vmem>>, vector<16xf32>,
    %get3A_36 = vector.shape_cast %get3A_35 : vector<16xf32> to vector<16xf32>
    %get3A_37 = arith.constant 80 : index
    %get3A_38 = tpu.vector_load %arg13[%get3A_37] {strides = array<i32>} : memref<128xf32, #tpu.memory_space<vmem>>, vector<16xf32>,
    %get3A_39 = vector.shape_cast %get3A_38 : vector<16xf32> to vector<16xf32>
    %get3A_40 = arith.constant 96 : index
    %get3A_41 = tpu.vector_load %arg13[%get3A_40] {strides = array<i32>} : memref<128xf32, #tpu.memory_space<vmem>>, vector<16xf32>,
    %get3A_42 = vector.shape_cast %get3A_41 : vector<16xf32> to vector<16xf32>
    %get3A_43 = arith.constant 112 : index
    %get3A_44 = tpu.vector_load %arg13[%get3A_43] {strides = array<i32>} : memref<128xf32, #tpu.memory_space<vmem>>, vector<16xf32>,
    %get3A_45 = vector.shape_cast %get3A_44 : vector<16xf32> to vector<16xf32>
    %iota3A = tpu.iota {dimensions = array<i32: 0>} : vector<16xi32>
    %xor3A = arith.constant 1 : i32
    %xor3A_46 = vector.broadcast %xor3A : i32 to vector<16xi32>
    %xor3A_47 = arith.xori %iota3A, %xor3A_46 : vector<16xi32>
    %xor3A_48 = arith.constant 2 : i32
    %xor3A_49 = vector.broadcast %xor3A_48 : i32 to vector<16xi32>
    %xor3A_50 = arith.xori %iota3A, %xor3A_49 : vector<16xi32>
    %xor3A_51 = arith.constant 4 : i32
    %xor3A_52 = vector.broadcast %xor3A_51 : i32 to vector<16xi32>
    %xor3A_53 = arith.xori %iota3A, %xor3A_52 : vector<16xi32>
    %xor3A_54 = arith.constant 8 : i32
    %xor3A_55 = vector.broadcast %xor3A_54 : i32 to vector<16xi32>
    %xor3A_56 = arith.xori %iota3A, %xor3A_55 : vector<16xi32>
    %scan3A_57 = arith.constant 0 : i32
    %scan3A_58 = arith.constant 0 : i32
    %scan3A_59 = arith.constant 125 : i32
    %scan3A_60 = arith.addi %scan3A_58, %scan3A_59 : i32
    %scan3A_61 = arith.constant 1 : i32
    %scan3A_62 = scf.for %scan3A_77 = %scan3A_58 to %scan3A_60 step %scan3A_61 iter_args(%scan3A_78 = %scan3A_57) -> (i32)  : i32 {
      %mul3A_79 = arith.constant 10000 : i32
      %mul3A_80 = arith.muli %add3A, %mul3A_79 : i32
      %mul3A_81 = arith.constant 80 : i32
      %mul3A_82 = arith.muli %scan3A_77, %mul3A_81 : i32
      %add3A_83 = arith.addi %mul3A_80, %mul3A_82 : i32
      "tpu.region"() ({
        %run_scoped3A_94 = tpu.sem_alloc : memref<!tpu.dma_semaphore, #tpu.memory_space<semaphore_mem>>
        %dma_start3A = arith.constant 0 : i32
        %dma_start3A_95 = arith.constant 0 : i32
        %dma_start3A_96 = tpu.memref_slice %arg5[%add3A, %scan3A_77, %dma_start3A, %dma_start3A_95] : memref<32x125x2x80xi32, #tpu.memory_space<hbm>> -> memref<1x1x2x80xi32, #tpu.memory_space<hbm>>
        %dma_start3A_97 = tpu.memref_squeeze %dma_start3A_96 : memref<1x1x2x80xi32, #tpu.memory_space<hbm>> -> memref<2x80xi32, #tpu.memory_space<hbm>>
        %dma_start3A_98 = arith.constant 0 : i32
        %dma_start3A_99 = arith.constant 0 : i32
        %dma_start3A_100 = tpu.memref_slice %arg5[%add3A, %scan3A_77, %dma_start3A_98, %dma_start3A_99] : memref<32x125x2x80xi32, #tpu.memory_space<hbm>> -> memref<1x1x2x80xi32, #tpu.memory_space<hbm>>
        %dma_start3A_101 = tpu.memref_squeeze %dma_start3A_100 : memref<1x1x2x80xi32, #tpu.memory_space<hbm>> -> memref<2x80xi32, #tpu.memory_space<hbm>>
        tpu.enqueue_dma source(%dma_start3A_101 : memref<2x80xi32, #tpu.memory_space<hbm>>) target(%arg9 : memref<2x80xi32, #tpu.memory_space<vmem>>) target_semaphore(%run_scoped3A_94 : memref<!tpu.dma_semaphore, #tpu.memory_space<semaphore_mem>>)
        %dma_wait3A = arith.constant 0 : i32
        %dma_wait3A_102 = arith.constant 0 : i32
        %dma_wait3A_103 = tpu.memref_slice %arg5[%add3A, %scan3A_77, %dma_wait3A, %dma_wait3A_102] : memref<32x125x2x80xi32, #tpu.memory_space<hbm>> -> memref<1x1x2x80xi32, #tpu.memory_space<hbm>>
        %dma_wait3A_104 = tpu.memref_squeeze %dma_wait3A_103 : memref<1x1x2x80xi32, #tpu.memory_space<hbm>> -> memref<2x80xi32, #tpu.memory_space<hbm>>
        %dma_wait3A_105 = arith.constant 0 : i32
        %dma_wait3A_106 = arith.constant 0 : i32
        %dma_wait3A_107 = tpu.memref_slice %arg5[%add3A, %scan3A_77, %dma_wait3A_105, %dma_wait3A_106] : memref<32x125x2x80xi32, #tpu.memory_space<hbm>> -> memref<1x1x2x80xi32, #tpu.memory_space<hbm>>
        %dma_wait3A_108 = tpu.memref_squeeze %dma_wait3A_107 : memref<1x1x2x80xi32, #tpu.memory_space<hbm>> -> memref<2x80xi32, #tpu.memory_space<hbm>>
        tpu.wait_dma2 semaphore(%run_scoped3A_94 : memref<!tpu.dma_semaphore, #tpu.memory_space<semaphore_mem>>) src(%dma_wait3A_108 : memref<2x80xi32, #tpu.memory_space<hbm>>) dst(%arg9 : memref<2x80xi32, #tpu.memory_space<vmem>>)
        tpu.yield
      }) : () -> ()
      %run_scoped3A = arith.constant 0 : i32
      "tpu.region"() ({
        %run_scoped3A_94 = tpu.sem_alloc : memref<!tpu.dma_semaphore, #tpu.memory_space<semaphore_mem>>
        %dma_start3A = arith.constant 0 : i32
        %dma_start3A_95 = tpu.memref_slice %arg9[%run_scoped3A, %dma_start3A] : memref<2x80xi32, #tpu.memory_space<vmem>> -> memref<1x80xi32, #tpu.memory_space<vmem>>
        %dma_start3A_96 = tpu.memref_squeeze %dma_start3A_95 : memref<1x80xi32, #tpu.memory_space<vmem>> -> memref<80xi32, #tpu.memory_space<vmem>>
        %dma_start3A_97 = arith.constant 0 : i32
        %dma_start3A_98 = arith.constant 0 : i32
        %dma_start3A_99 = tpu.memref_slice %arg2[%dma_start3A_97, %dma_start3A_98] : memref<10000x128xf32, #tpu.memory_space<hbm>> -> memref<10000x128xf32, #tpu.memory_space<hbm>>
        tpu.enqueue_indirect_dma source(%dma_start3A_99 : memref<10000x128xf32, #tpu.memory_space<hbm>>) target(%arg10 : memref<80x128xf32, #tpu.memory_space<vmem>>) offsets(%dma_start3A_96 : memref<80xi32, #tpu.memory_space<vmem>>) semaphore(%run_scoped3A_94 : memref<!tpu.dma_semaphore, #tpu.memory_space<semaphore_mem>>)
        %dma_wait3A = arith.constant 0 : i32
        %dma_wait3A_100 = tpu.memref_slice %arg9[%run_scoped3A, %dma_wait3A] : memref<2x80xi32, #tpu.memory_space<vmem>> -> memref<1x80xi32, #tpu.memory_space<vmem>>
        %dma_wait3A_101 = tpu.memref_squeeze %dma_wait3A_100 : memref<1x80xi32, #tpu.memory_space<vmem>> -> memref<80xi32, #tpu.memory_space<vmem>>
        %dma_wait3A_102 = arith.constant 0 : i32
        %dma_wait3A_103 = arith.constant 0 : i32
        %dma_wait3A_104 = tpu.memref_slice %arg2[%dma_wait3A_102, %dma_wait3A_103] : memref<10000x128xf32, #tpu.memory_space<hbm>> -> memref<10000x128xf32, #tpu.memory_space<hbm>>
        tpu.wait_indirect_dma semaphore(%run_scoped3A_94 : memref<!tpu.dma_semaphore, #tpu.memory_space<semaphore_mem>>) src(%dma_wait3A_104 : memref<10000x128xf32, #tpu.memory_space<hbm>>) dst(%arg10 : memref<80x128xf32, #tpu.memory_space<vmem>>)
        tpu.yield
      }) : () -> ()
      %run_scoped3A_84 = arith.constant 1 : i32
      "tpu.region"() ({
        %run_scoped3A_94 = tpu.sem_alloc : memref<!tpu.dma_semaphore, #tpu.memory_space<semaphore_mem>>
        %dma_start3A = arith.constant 0 : i32
        %dma_start3A_95 = tpu.memref_slice %arg9[%run_scoped3A_84, %dma_start3A] : memref<2x80xi32, #tpu.memory_space<vmem>> -> memref<1x80xi32, #tpu.memory_space<vmem>>
        %dma_start3A_96 = tpu.memref_squeeze %dma_start3A_95 : memref<1x80xi32, #tpu.memory_space<vmem>> -> memref<80xi32, #tpu.memory_space<vmem>>
        %dma_start3A_97 = arith.constant 0 : i32
        %dma_start3A_98 = arith.constant 0 : i32
        %dma_start3A_99 = tpu.memref_slice %arg3[%dma_start3A_97, %dma_start3A_98] : memref<10000x128xf32, #tpu.memory_space<hbm>> -> memref<10000x128xf32, #tpu.memory_space<hbm>>
        tpu.enqueue_indirect_dma source(%dma_start3A_99 : memref<10000x128xf32, #tpu.memory_space<hbm>>) target(%arg11 : memref<80x128xf32, #tpu.memory_space<vmem>>) offsets(%dma_start3A_96 : memref<80xi32, #tpu.memory_space<vmem>>) semaphore(%run_scoped3A_94 : memref<!tpu.dma_semaphore, #tpu.memory_space<semaphore_mem>>)
        %dma_wait3A = arith.constant 0 : i32
        %dma_wait3A_100 = tpu.memref_slice %arg9[%run_scoped3A_84, %dma_wait3A] : memref<2x80xi32, #tpu.memory_space<vmem>> -> memref<1x80xi32, #tpu.memory_space<vmem>>
        %dma_wait3A_101 = tpu.memref_squeeze %dma_wait3A_100 : memref<1x80xi32, #tpu.memory_space<vmem>> -> memref<80xi32, #tpu.memory_space<vmem>>
        %dma_wait3A_102 = arith.constant 0 : i32
        %dma_wait3A_103 = arith.constant 0 : i32
        %dma_wait3A_104 = tpu.memref_slice %arg3[%dma_wait3A_102, %dma_wait3A_103] : memref<10000x128xf32, #tpu.memory_space<hbm>> -> memref<10000x128xf32, #tpu.memory_space<hbm>>
        tpu.wait_indirect_dma semaphore(%run_scoped3A_94 : memref<!tpu.dma_semaphore, #tpu.memory_space<semaphore_mem>>) src(%dma_wait3A_104 : memref<10000x128xf32, #tpu.memory_space<hbm>>) dst(%arg11 : memref<80x128xf32, #tpu.memory_space<vmem>>)
        tpu.yield
      }) : () -> ()
      %scan3A_85 = arith.constant 0 : i32
      %scan3A_86 = arith.constant 0 : i32
      %scan3A_87 = arith.constant 5 : i32
      %scan3A_88 = arith.addi %scan3A_86, %scan3A_87 : i32
      %scan3A_89 = arith.constant 1 : i32
      %scan3A_90 = scf.for %scan3A_94 = %scan3A_86 to %scan3A_88 step %scan3A_89 iter_args(%scan3A_95 = %scan3A_85) -> (i32)  : i32 {
        %scan3A_96 = arith.constant 0 : i32
        %scan3A_97 = arith.constant 16 : i32
        %scan3A_98 = arith.addi %scan3A_96, %scan3A_97 : i32
        %scan3A_99 = arith.constant 1 : i32
        %scan3A_100 = scf.for %scan3A_115 = %scan3A_96 to %scan3A_98 step %scan3A_99 iter_args(%scan3A_116 = %broadcast_in_dim3A_1) -> (vector<16xf32>)  : i32 {
          %mul3A_117 = arith.constant 16 : i32
          %mul3A_118 = arith.muli %scan3A_94, %mul3A_117 : i32
          %add3A_119 = arith.addi %mul3A_118, %scan3A_115 : i32
          %get3A_120 = arith.index_cast %add3A_119 : i32 to index
          %get3A_121 = arith.constant 0 : index
          %get3A_122 = tpu.vector_load %arg10[%get3A_120, %get3A_121] {strides = array<i32>} : memref<80x128xf32, #tpu.memory_space<vmem>>, vector<1x16xf32>,
          %get3A_123 = vector.shape_cast %get3A_122 : vector<1x16xf32> to vector<16xf32>
          %get3A_124 = arith.index_cast %add3A_119 : i32 to index
          %get3A_125 = arith.constant 0 : index
          %get3A_126 = tpu.vector_load %arg11[%get3A_124, %get3A_125] {strides = array<i32>} : memref<80x128xf32, #tpu.memory_space<vmem>>, vector<1x16xf32>,
          %get3A_127 = vector.shape_cast %get3A_126 : vector<1x16xf32> to vector<16xf32>
          %add3A_128 = arith.addf %get3A_123, %get3A_127 : vector<16xf32>
          %mul3A_129 = arith.constant 2.000000e-01 : f32
          %mul3A_130 = vector.broadcast %mul3A_129 : f32 to vector<16xf32>
          %mul3A_131 = arith.mulf %mul3A_130, %add3A_128 : vector<16xf32>
          %max3A = arith.maximumf %add3A_128, %mul3A_131 : vector<16xf32>
          %mul3A_132 = arith.mulf %max3A, %get3A_24 : vector<16xf32>
          %add3A_133 = arith.addf %broadcast_in_dim3A_1, %mul3A_132 : vector<16xf32>
          %get3A_134 = arith.index_cast %add3A_119 : i32 to index
          %get3A_135 = arith.constant 16 : index
          %get3A_136 = tpu.vector_load %arg10[%get3A_134, %get3A_135] {strides = array<i32>} : memref<80x128xf32, #tpu.memory_space<vmem>>, vector<1x16xf32>,
          %get3A_137 = vector.shape_cast %get3A_136 : vector<1x16xf32> to vector<16xf32>
          %get3A_138 = arith.index_cast %add3A_119 : i32 to index
          %get3A_139 = arith.constant 16 : index
          %get3A_140 = tpu.vector_load %arg11[%get3A_138, %get3A_139] {strides = array<i32>} : memref<80x128xf32, #tpu.memory_space<vmem>>, vector<1x16xf32>,
          %get3A_141 = vector.shape_cast %get3A_140 : vector<1x16xf32> to vector<16xf32>
          %add3A_142 = arith.addf %get3A_137, %get3A_141 : vector<16xf32>
          %mul3A_143 = arith.constant 2.000000e-01 : f32
          %mul3A_144 = vector.broadcast %mul3A_143 : f32 to vector<16xf32>
          %mul3A_145 = arith.mulf %mul3A_144, %add3A_142 : vector<16xf32>
          %max3A_146 = arith.maximumf %add3A_142, %mul3A_145 : vector<16xf32>
          %mul3A_147 = arith.mulf %max3A_146, %get3A_27 : vector<16xf32>
          %add3A_148 = arith.addf %add3A_133, %mul3A_147 : vector<16xf32>
          %get3A_149 = arith.index_cast %add3A_119 : i32 to index
          %get3A_150 = arith.constant 32 : index
          %get3A_151 = tpu.vector_load %arg10[%get3A_149, %get3A_150] {strides = array<i32>} : memref<80x128xf32, #tpu.memory_space<vmem>>, vector<1x16xf32>,
          %get3A_152 = vector.shape_cast %get3A_151 : vector<1x16xf32> to vector<16xf32>
          %get3A_153 = arith.index_cast %add3A_119 : i32 to index
          %get3A_154 = arith.constant 32 : index
          %get3A_155 = tpu.vector_load %arg11[%get3A_153, %get3A_154] {strides = array<i32>} : memref<80x128xf32, #tpu.memory_space<vmem>>, vector<1x16xf32>,
          %get3A_156 = vector.shape_cast %get3A_155 : vector<1x16xf32> to vector<16xf32>
          %add3A_157 = arith.addf %get3A_152, %get3A_156 : vector<16xf32>
          %mul3A_158 = arith.constant 2.000000e-01 : f32
          %mul3A_159 = vector.broadcast %mul3A_158 : f32 to vector<16xf32>
          %mul3A_160 = arith.mulf %mul3A_159, %add3A_157 : vector<16xf32>
          %max3A_161 = arith.maximumf %add3A_157, %mul3A_160 : vector<16xf32>
          %mul3A_162 = arith.mulf %max3A_161, %get3A_30 : vector<16xf32>
          %add3A_163 = arith.addf %add3A_148, %mul3A_162 : vector<16xf32>
          %get3A_164 = arith.index_cast %add3A_119 : i32 to index
          %get3A_165 = arith.constant 48 : index
          %get3A_166 = tpu.vector_load %arg10[%get3A_164, %get3A_165] {strides = array<i32>} : memref<80x128xf32, #tpu.memory_space<vmem>>, vector<1x16xf32>,
          %get3A_167 = vector.shape_cast %get3A_166 : vector<1x16xf32> to vector<16xf32>
          %get3A_168 = arith.index_cast %add3A_119 : i32 to index
          %get3A_169 = arith.constant 48 : index
          %get3A_170 = tpu.vector_load %arg11[%get3A_168, %get3A_169] {strides = array<i32>} : memref<80x128xf32, #tpu.memory_space<vmem>>, vector<1x16xf32>,
          %get3A_171 = vector.shape_cast %get3A_170 : vector<1x16xf32> to vector<16xf32>
          %add3A_172 = arith.addf %get3A_167, %get3A_171 : vector<16xf32>
          %mul3A_173 = arith.constant 2.000000e-01 : f32
          %mul3A_174 = vector.broadcast %mul3A_173 : f32 to vector<16xf32>
          %mul3A_175 = arith.mulf %mul3A_174, %add3A_172 : vector<16xf32>
          %max3A_176 = arith.maximumf %add3A_172, %mul3A_175 : vector<16xf32>
          %mul3A_177 = arith.mulf %max3A_176, %get3A_33 : vector<16xf32>
          %add3A_178 = arith.addf %add3A_163, %mul3A_177 : vector<16xf32>
          %get3A_179 = arith.index_cast %add3A_119 : i32 to index
          %get3A_180 = arith.constant 64 : index
          %get3A_181 = tpu.vector_load %arg10[%get3A_179, %get3A_180] {strides = array<i32>} : memref<80x128xf32, #tpu.memory_space<vmem>>, vector<1x16xf32>,
          %get3A_182 = vector.shape_cast %get3A_181 : vector<1x16xf32> to vector<16xf32>
          %get3A_183 = arith.index_cast %add3A_119 : i32 to index
          %get3A_184 = arith.constant 64 : index
          %get3A_185 = tpu.vector_load %arg11[%get3A_183, %get3A_184] {strides = array<i32>} : memref<80x128xf32, #tpu.memory_space<vmem>>, vector<1x16xf32>,
          %get3A_186 = vector.shape_cast %get3A_185 : vector<1x16xf32> to vector<16xf32>
          %add3A_187 = arith.addf %get3A_182, %get3A_186 : vector<16xf32>
          %mul3A_188 = arith.constant 2.000000e-01 : f32
          %mul3A_189 = vector.broadcast %mul3A_188 : f32 to vector<16xf32>
          %mul3A_190 = arith.mulf %mul3A_189, %add3A_187 : vector<16xf32>
          %max3A_191 = arith.maximumf %add3A_187, %mul3A_190 : vector<16xf32>
          %mul3A_192 = arith.mulf %max3A_191, %get3A_36 : vector<16xf32>
          %add3A_193 = arith.addf %add3A_178, %mul3A_192 : vector<16xf32>
          %get3A_194 = arith.index_cast %add3A_119 : i32 to index
          %get3A_195 = arith.constant 80 : index
          %get3A_196 = tpu.vector_load %arg10[%get3A_194, %get3A_195] {strides = array<i32>} : memref<80x128xf32, #tpu.memory_space<vmem>>, vector<1x16xf32>,
          %get3A_197 = vector.shape_cast %get3A_196 : vector<1x16xf32> to vector<16xf32>
          %get3A_198 = arith.index_cast %add3A_119 : i32 to index
          %get3A_199 = arith.constant 80 : index
          %get3A_200 = tpu.vector_load %arg11[%get3A_198, %get3A_199] {strides = array<i32>} : memref<80x128xf32, #tpu.memory_space<vmem>>, vector<1x16xf32>,
          %get3A_201 = vector.shape_cast %get3A_200 : vector<1x16xf32> to vector<16xf32>
          %add3A_202 = arith.addf %get3A_197, %get3A_201 : vector<16xf32>
          %mul3A_203 = arith.constant 2.000000e-01 : f32
          %mul3A_204 = vector.broadcast %mul3A_203 : f32 to vector<16xf32>
          %mul3A_205 = arith.mulf %mul3A_204, %add3A_202 : vector<16xf32>
          %max3A_206 = arith.maximumf %add3A_202, %mul3A_205 : vector<16xf32>
          %mul3A_207 = arith.mulf %max3A_206, %get3A_39 : vector<16xf32>
          %add3A_208 = arith.addf %add3A_193, %mul3A_207 : vector<16xf32>
          %get3A_209 = arith.index_cast %add3A_119 : i32 to index
          %get3A_210 = arith.constant 96 : index
          %get3A_211 = tpu.vector_load %arg10[%get3A_209, %get3A_210] {strides = array<i32>} : memref<80x128xf32, #tpu.memory_space<vmem>>, vector<1x16xf32>,
          %get3A_212 = vector.shape_cast %get3A_211 : vector<1x16xf32> to vector<16xf32>
          %get3A_213 = arith.index_cast %add3A_119 : i32 to index
          %get3A_214 = arith.constant 96 : index
          %get3A_215 = tpu.vector_load %arg11[%get3A_213, %get3A_214] {strides = array<i32>} : memref<80x128xf32, #tpu.memory_space<vmem>>, vector<1x16xf32>,
          %get3A_216 = vector.shape_cast %get3A_215 : vector<1x16xf32> to vector<16xf32>
          %add3A_217 = arith.addf %get3A_212, %get3A_216 : vector<16xf32>
          %mul3A_218 = arith.constant 2.000000e-01 : f32
          %mul3A_219 = vector.broadcast %mul3A_218 : f32 to vector<16xf32>
          %mul3A_220 = arith.mulf %mul3A_219, %add3A_217 : vector<16xf32>
          %max3A_221 = arith.maximumf %add3A_217, %mul3A_220 : vector<16xf32>
          %mul3A_222 = arith.mulf %max3A_221, %get3A_42 : vector<16xf32>
          %add3A_223 = arith.addf %add3A_208, %mul3A_222 : vector<16xf32>
          %get3A_224 = arith.index_cast %add3A_119 : i32 to index
          %get3A_225 = arith.constant 112 : index
          %get3A_226 = tpu.vector_load %arg10[%get3A_224, %get3A_225] {strides = array<i32>} : memref<80x128xf32, #tpu.memory_space<vmem>>, vector<1x16xf32>,
          %get3A_227 = vector.shape_cast %get3A_226 : vector<1x16xf32> to vector<16xf32>
          %get3A_228 = arith.index_cast %add3A_119 : i32 to index
          %get3A_229 = arith.constant 112 : index
          %get3A_230 = tpu.vector_load %arg11[%get3A_228, %get3A_229] {strides = array<i32>} : memref<80x128xf32, #tpu.memory_space<vmem>>, vector<1x16xf32>,
          %get3A_231 = vector.shape_cast %get3A_230 : vector<1x16xf32> to vector<16xf32>
          %add3A_232 = arith.addf %get3A_227, %get3A_231 : vector<16xf32>
          %mul3A_233 = arith.constant 2.000000e-01 : f32
          %mul3A_234 = vector.broadcast %mul3A_233 : f32 to vector<16xf32>
          %mul3A_235 = arith.mulf %mul3A_234, %add3A_232 : vector<16xf32>
          %max3A_236 = arith.maximumf %add3A_232, %mul3A_235 : vector<16xf32>
          %mul3A_237 = arith.mulf %max3A_236, %get3A_45 : vector<16xf32>
          %add3A_238 = arith.addf %add3A_223, %mul3A_237 : vector<16xf32>
          %eq3A_239 = vector.broadcast %scan3A_115 : i32 to vector<16xi32>
          %eq3A_240 = arith.cmpi eq, %iota3A, %eq3A_239 : vector<16xi32>
          %lt3A = arith.constant 0 : i32
          %lt3A_241 = vector.broadcast %lt3A : i32 to vector<16xi32>
          %lt3A_242 = arith.cmpi slt, %xor3A_47, %lt3A_241 : vector<16xi32>
          %add3A_243 = arith.constant 16 : i32
          %add3A_244 = vector.broadcast %add3A_243 : i32 to vector<16xi32>
          %add3A_245 = arith.addi %xor3A_47, %add3A_244 : vector<16xi32>
          %select_n3A_246 = arith.select %lt3A_242, %add3A_245, %xor3A_47 : vector<16xi1>, vector<16xi32>
          %broadcast_in_dim3A_247 = vector.shape_cast %select_n3A_246 : vector<16xi32> to vector<16x1xi32>
          %gather3A = vector.shape_cast %broadcast_in_dim3A_247 : vector<16x1xi32> to vector<16xi32>
          %gather3A_248 = tpu.dynamic_gather %add3A_238[%gather3A] in [0] : vector<16xf32>, vector<16xi32> -> vector<16xf32>
          %add3A_249 = arith.addf %add3A_238, %gather3A_248 : vector<16xf32>
          %lt3A_250 = arith.constant 0 : i32
          %lt3A_251 = vector.broadcast %lt3A_250 : i32 to vector<16xi32>
          %lt3A_252 = arith.cmpi slt, %xor3A_50, %lt3A_251 : vector<16xi32>
          %add3A_253 = arith.constant 16 : i32
          %add3A_254 = vector.broadcast %add3A_253 : i32 to vector<16xi32>
          %add3A_255 = arith.addi %xor3A_50, %add3A_254 : vector<16xi32>
          %select_n3A_256 = arith.select %lt3A_252, %add3A_255, %xor3A_50 : vector<16xi1>, vector<16xi32>
          %broadcast_in_dim3A_257 = vector.shape_cast %select_n3A_256 : vector<16xi32> to vector<16x1xi32>
          %gather3A_258 = vector.shape_cast %broadcast_in_dim3A_257 : vector<16x1xi32> to vector<16xi32>
          %gather3A_259 = tpu.dynamic_gather %add3A_249[%gather3A_258] in [0] : vector<16xf32>, vector<16xi32> -> vector<16xf32>
          %add3A_260 = arith.addf %add3A_249, %gather3A_259 : vector<16xf32>
          %lt3A_261 = arith.constant 0 : i32
          %lt3A_262 = vector.broadcast %lt3A_261 : i32 to vector<16xi32>
          %lt3A_263 = arith.cmpi slt, %xor3A_53, %lt3A_262 : vector<16xi32>
          %add3A_264 = arith.constant 16 : i32
          %add3A_265 = vector.broadcast %add3A_264 : i32 to vector<16xi32>
          %add3A_266 = arith.addi %xor3A_53, %add3A_265 : vector<16xi32>
          %select_n3A_267 = arith.select %lt3A_263, %add3A_266, %xor3A_53 : vector<16xi1>, vector<16xi32>
          %broadcast_in_dim3A_268 = vector.shape_cast %select_n3A_267 : vector<16xi32> to vector<16x1xi32>
          %gather3A_269 = vector.shape_cast %broadcast_in_dim3A_268 : vector<16x1xi32> to vector<16xi32>
          %gather3A_270 = tpu.dynamic_gather %add3A_260[%gather3A_269] in [0] : vector<16xf32>, vector<16xi32> -> vector<16xf32>
          %add3A_271 = arith.addf %add3A_260, %gather3A_270 : vector<16xf32>
          %lt3A_272 = arith.constant 0 : i32
          %lt3A_273 = vector.broadcast %lt3A_272 : i32 to vector<16xi32>
          %lt3A_274 = arith.cmpi slt, %xor3A_56, %lt3A_273 : vector<16xi32>
          %add3A_275 = arith.constant 16 : i32
          %add3A_276 = vector.broadcast %add3A_275 : i32 to vector<16xi32>
          %add3A_277 = arith.addi %xor3A_56, %add3A_276 : vector<16xi32>
          %select_n3A_278 = arith.select %lt3A_274, %add3A_277, %xor3A_56 : vector<16xi1>, vector<16xi32>
          %broadcast_in_dim3A_279 = vector.shape_cast %select_n3A_278 : vector<16xi32> to vector<16x1xi32>
          %gather3A_280 = vector.shape_cast %broadcast_in_dim3A_279 : vector<16x1xi32> to vector<16xi32>
          %gather3A_281 = tpu.dynamic_gather %add3A_271[%gather3A_280] in [0] : vector<16xf32>, vector<16xi32> -> vector<16xf32>
          %add3A_282 = arith.addf %add3A_271, %gather3A_281 : vector<16xf32>
          %select_n3A_283 = arith.select %eq3A_240, %add3A_282, %scan3A_116 : vector<16xi1>, vector<16xf32>
          scf.yield %select_n3A_283 : vector<16xf32>
        }
        %scan3A_101 = arith.constant 16 : i32
        %exp3A = math.exp %scan3A_100 : vector<16xf32>
        %mul3A_102 = arith.constant 16 : i32
        %mul3A_103 = arith.muli %scan3A_94, %mul3A_102 : i32
        %swap3A = arith.index_cast %mul3A_103 : i32 to index
        %swap3A_104 = tpu.vector_load %arg12[%swap3A] {strides = array<i32>} : memref<80xf32, #tpu.memory_space<vmem>>, vector<16xf32>,
        %swap3A_105 = vector.shape_cast %swap3A_104 : vector<16xf32> to vector<16xf32>
        %swap3A_106 = vector.shape_cast %exp3A : vector<16xf32> to vector<16xf32>
        tpu.vector_store %arg12[%swap3A], %swap3A_106 {strides = array<i32>} : memref<80xf32, #tpu.memory_space<vmem>>, vector<16xf32>,
        %scan3A_107 = arith.constant 0 : i32
        %scan3A_108 = arith.constant 0 : i32
        %scan3A_109 = arith.constant 16 : i32
        %scan3A_110 = arith.addi %scan3A_108, %scan3A_109 : i32
        %scan3A_111 = arith.constant 1 : i32
        %scan3A_112 = scf.for %scan3A_115 = %scan3A_108 to %scan3A_110 step %scan3A_111 iter_args(%scan3A_116 = %scan3A_107) -> (i32)  : i32 {
          %mul3A_117 = arith.constant 16 : i32
          %mul3A_118 = arith.muli %scan3A_94, %mul3A_117 : i32
          %add3A_119 = arith.addi %mul3A_118, %scan3A_115 : i32
          %broadcast_in_dim3A_120 = vector.broadcast %scan3A_115 : i32 to vector<16xi32>
          %lt3A = arith.constant 0 : i32
          %lt3A_121 = vector.broadcast %lt3A : i32 to vector<16xi32>
          %lt3A_122 = arith.cmpi slt, %broadcast_in_dim3A_120, %lt3A_121 : vector<16xi32>
          %add3A_123 = arith.constant 16 : i32
          %add3A_124 = vector.broadcast %add3A_123 : i32 to vector<16xi32>
          %add3A_125 = arith.addi %broadcast_in_dim3A_120, %add3A_124 : vector<16xi32>
          %select_n3A_126 = arith.select %lt3A_122, %add3A_125, %broadcast_in_dim3A_120 : vector<16xi1>, vector<16xi32>
          %broadcast_in_dim3A_127 = vector.shape_cast %select_n3A_126 : vector<16xi32> to vector<16x1xi32>
          %gather3A = vector.shape_cast %broadcast_in_dim3A_127 : vector<16x1xi32> to vector<16xi32>
          %gather3A_128 = tpu.dynamic_gather %exp3A[%gather3A] in [0] : vector<16xf32>, vector<16xi32> -> vector<16xf32>
          %get3A_129 = arith.index_cast %add3A_119 : i32 to index
          %get3A_130 = arith.constant 0 : index
          %get3A_131 = tpu.vector_load %arg10[%get3A_129, %get3A_130] {strides = array<i32>} : memref<80x128xf32, #tpu.memory_space<vmem>>, vector<1x16xf32>,
          %get3A_132 = vector.shape_cast %get3A_131 : vector<1x16xf32> to vector<16xf32>
          %mul3A_133 = arith.mulf %gather3A_128, %get3A_132 : vector<16xf32>
          %swap3A_134 = arith.index_cast %add3A_119 : i32 to index
          %swap3A_135 = arith.constant 0 : index
          %swap3A_136 = tpu.vector_load %arg10[%swap3A_134, %swap3A_135] {strides = array<i32>} : memref<80x128xf32, #tpu.memory_space<vmem>>, vector<1x16xf32>,
          %swap3A_137 = vector.shape_cast %swap3A_136 : vector<1x16xf32> to vector<16xf32>
          %swap3A_138 = vector.shape_cast %mul3A_133 : vector<16xf32> to vector<1x16xf32>
          tpu.vector_store %arg10[%swap3A_134, %swap3A_135], %swap3A_138 {strides = array<i32>} : memref<80x128xf32, #tpu.memory_space<vmem>>, vector<1x16xf32>,
          %get3A_139 = arith.index_cast %add3A_119 : i32 to index
          %get3A_140 = arith.constant 16 : index
          %get3A_141 = tpu.vector_load %arg10[%get3A_139, %get3A_140] {strides = array<i32>} : memref<80x128xf32, #tpu.memory_space<vmem>>, vector<1x16xf32>,
          %get3A_142 = vector.shape_cast %get3A_141 : vector<1x16xf32> to vector<16xf32>
          %mul3A_143 = arith.mulf %gather3A_128, %get3A_142 : vector<16xf32>
          %swap3A_144 = arith.index_cast %add3A_119 : i32 to index
          %swap3A_145 = arith.constant 16 : index
          %swap3A_146 = tpu.vector_load %arg10[%swap3A_144, %swap3A_145] {strides = array<i32>} : memref<80x128xf32, #tpu.memory_space<vmem>>, vector<1x16xf32>,
          %swap3A_147 = vector.shape_cast %swap3A_146 : vector<1x16xf32> to vector<16xf32>
          %swap3A_148 = vector.shape_cast %mul3A_143 : vector<16xf32> to vector<1x16xf32>
          tpu.vector_store %arg10[%swap3A_144, %swap3A_145], %swap3A_148 {strides = array<i32>} : memref<80x128xf32, #tpu.memory_space<vmem>>, vector<1x16xf32>,
          %get3A_149 = arith.index_cast %add3A_119 : i32 to index
          %get3A_150 = arith.constant 32 : index
          %get3A_151 = tpu.vector_load %arg10[%get3A_149, %get3A_150] {strides = array<i32>} : memref<80x128xf32, #tpu.memory_space<vmem>>, vector<1x16xf32>,
          %get3A_152 = vector.shape_cast %get3A_151 : vector<1x16xf32> to vector<16xf32>
          %mul3A_153 = arith.mulf %gather3A_128, %get3A_152 : vector<16xf32>
          %swap3A_154 = arith.index_cast %add3A_119 : i32 to index
          %swap3A_155 = arith.constant 32 : index
          %swap3A_156 = tpu.vector_load %arg10[%swap3A_154, %swap3A_155] {strides = array<i32>} : memref<80x128xf32, #tpu.memory_space<vmem>>, vector<1x16xf32>,
          %swap3A_157 = vector.shape_cast %swap3A_156 : vector<1x16xf32> to vector<16xf32>
          %swap3A_158 = vector.shape_cast %mul3A_153 : vector<16xf32> to vector<1x16xf32>
          tpu.vector_store %arg10[%swap3A_154, %swap3A_155], %swap3A_158 {strides = array<i32>} : memref<80x128xf32, #tpu.memory_space<vmem>>, vector<1x16xf32>,
          %get3A_159 = arith.index_cast %add3A_119 : i32 to index
          %get3A_160 = arith.constant 48 : index
          %get3A_161 = tpu.vector_load %arg10[%get3A_159, %get3A_160] {strides = array<i32>} : memref<80x128xf32, #tpu.memory_space<vmem>>, vector<1x16xf32>,
          %get3A_162 = vector.shape_cast %get3A_161 : vector<1x16xf32> to vector<16xf32>
          %mul3A_163 = arith.mulf %gather3A_128, %get3A_162 : vector<16xf32>
          %swap3A_164 = arith.index_cast %add3A_119 : i32 to index
          %swap3A_165 = arith.constant 48 : index
          %swap3A_166 = tpu.vector_load %arg10[%swap3A_164, %swap3A_165] {strides = array<i32>} : memref<80x128xf32, #tpu.memory_space<vmem>>, vector<1x16xf32>,
          %swap3A_167 = vector.shape_cast %swap3A_166 : vector<1x16xf32> to vector<16xf32>
          %swap3A_168 = vector.shape_cast %mul3A_163 : vector<16xf32> to vector<1x16xf32>
          tpu.vector_store %arg10[%swap3A_164, %swap3A_165], %swap3A_168 {strides = array<i32>} : memref<80x128xf32, #tpu.memory_space<vmem>>, vector<1x16xf32>,
          %get3A_169 = arith.index_cast %add3A_119 : i32 to index
          %get3A_170 = arith.constant 64 : index
          %get3A_171 = tpu.vector_load %arg10[%get3A_169, %get3A_170] {strides = array<i32>} : memref<80x128xf32, #tpu.memory_space<vmem>>, vector<1x16xf32>,
          %get3A_172 = vector.shape_cast %get3A_171 : vector<1x16xf32> to vector<16xf32>
          %mul3A_173 = arith.mulf %gather3A_128, %get3A_172 : vector<16xf32>
          %swap3A_174 = arith.index_cast %add3A_119 : i32 to index
          %swap3A_175 = arith.constant 64 : index
          %swap3A_176 = tpu.vector_load %arg10[%swap3A_174, %swap3A_175] {strides = array<i32>} : memref<80x128xf32, #tpu.memory_space<vmem>>, vector<1x16xf32>,
          %swap3A_177 = vector.shape_cast %swap3A_176 : vector<1x16xf32> to vector<16xf32>
          %swap3A_178 = vector.shape_cast %mul3A_173 : vector<16xf32> to vector<1x16xf32>
          tpu.vector_store %arg10[%swap3A_174, %swap3A_175], %swap3A_178 {strides = array<i32>} : memref<80x128xf32, #tpu.memory_space<vmem>>, vector<1x16xf32>,
          %get3A_179 = arith.index_cast %add3A_119 : i32 to index
          %get3A_180 = arith.constant 80 : index
          %get3A_181 = tpu.vector_load %arg10[%get3A_179, %get3A_180] {strides = array<i32>} : memref<80x128xf32, #tpu.memory_space<vmem>>, vector<1x16xf32>,
          %get3A_182 = vector.shape_cast %get3A_181 : vector<1x16xf32> to vector<16xf32>
          %mul3A_183 = arith.mulf %gather3A_128, %get3A_182 : vector<16xf32>
          %swap3A_184 = arith.index_cast %add3A_119 : i32 to index
          %swap3A_185 = arith.constant 80 : index
          %swap3A_186 = tpu.vector_load %arg10[%swap3A_184, %swap3A_185] {strides = array<i32>} : memref<80x128xf32, #tpu.memory_space<vmem>>, vector<1x16xf32>,
          %swap3A_187 = vector.shape_cast %swap3A_186 : vector<1x16xf32> to vector<16xf32>
          %swap3A_188 = vector.shape_cast %mul3A_183 : vector<16xf32> to vector<1x16xf32>
          tpu.vector_store %arg10[%swap3A_184, %swap3A_185], %swap3A_188 {strides = array<i32>} : memref<80x128xf32, #tpu.memory_space<vmem>>, vector<1x16xf32>,
          %get3A_189 = arith.index_cast %add3A_119 : i32 to index
          %get3A_190 = arith.constant 96 : index
          %get3A_191 = tpu.vector_load %arg10[%get3A_189, %get3A_190] {strides = array<i32>} : memref<80x128xf32, #tpu.memory_space<vmem>>, vector<1x16xf32>,
          %get3A_192 = vector.shape_cast %get3A_191 : vector<1x16xf32> to vector<16xf32>
          %mul3A_193 = arith.mulf %gather3A_128, %get3A_192 : vector<16xf32>
          %swap3A_194 = arith.index_cast %add3A_119 : i32 to index
          %swap3A_195 = arith.constant 96 : index
          %swap3A_196 = tpu.vector_load %arg10[%swap3A_194, %swap3A_195] {strides = array<i32>} : memref<80x128xf32, #tpu.memory_space<vmem>>, vector<1x16xf32>,
          %swap3A_197 = vector.shape_cast %swap3A_196 : vector<1x16xf32> to vector<16xf32>
          %swap3A_198 = vector.shape_cast %mul3A_193 : vector<16xf32> to vector<1x16xf32>
          tpu.vector_store %arg10[%swap3A_194, %swap3A_195], %swap3A_198 {strides = array<i32>} : memref<80x128xf32, #tpu.memory_space<vmem>>, vector<1x16xf32>,
          %get3A_199 = arith.index_cast %add3A_119 : i32 to index
          %get3A_200 = arith.constant 112 : index
          %get3A_201 = tpu.vector_load %arg10[%get3A_199, %get3A_200] {strides = array<i32>} : memref<80x128xf32, #tpu.memory_space<vmem>>, vector<1x16xf32>,
          %get3A_202 = vector.shape_cast %get3A_201 : vector<1x16xf32> to vector<16xf32>
          %mul3A_203 = arith.mulf %gather3A_128, %get3A_202 : vector<16xf32>
          %swap3A_204 = arith.index_cast %add3A_119 : i32 to index
          %swap3A_205 = arith.constant 112 : index
          %swap3A_206 = tpu.vector_load %arg10[%swap3A_204, %swap3A_205] {strides = array<i32>} : memref<80x128xf32, #tpu.memory_space<vmem>>, vector<1x16xf32>,
          %swap3A_207 = vector.shape_cast %swap3A_206 : vector<1x16xf32> to vector<16xf32>
          %swap3A_208 = vector.shape_cast %mul3A_203 : vector<16xf32> to vector<1x16xf32>
          tpu.vector_store %arg10[%swap3A_204, %swap3A_205], %swap3A_208 {strides = array<i32>} : memref<80x128xf32, #tpu.memory_space<vmem>>, vector<1x16xf32>,
          %scan3A_209 = arith.constant 0 : i32
          scf.yield %scan3A_209 : i32
        }
        %scan3A_113 = arith.constant 16 : i32
        %scan3A_114 = arith.constant 0 : i32
        scf.yield %scan3A_114 : i32
      }
      %scan3A_91 = arith.constant 5 : i32
      "tpu.region"() ({
        %run_scoped3A_94 = tpu.sem_alloc : memref<!tpu.dma_semaphore, #tpu.memory_space<semaphore_mem>>
        %dma_start3A = tpu.memref_slice %arg7[%add3A_83] : memref<320000xf32, #tpu.memory_space<hbm>> -> memref<80xf32, #tpu.memory_space<hbm>>
        %dma_start3A_95 = tpu.memref_slice %arg7[%add3A_83] : memref<320000xf32, #tpu.memory_space<hbm>> -> memref<80xf32, #tpu.memory_space<hbm>>
        tpu.enqueue_dma source(%arg12 : memref<80xf32, #tpu.memory_space<vmem>>) target(%dma_start3A_95 : memref<80xf32, #tpu.memory_space<hbm>>) target_semaphore(%run_scoped3A_94 : memref<!tpu.dma_semaphore, #tpu.memory_space<semaphore_mem>>)
        %dma_wait3A = tpu.memref_slice %arg7[%add3A_83] : memref<320000xf32, #tpu.memory_space<hbm>> -> memref<80xf32, #tpu.memory_space<hbm>>
        %dma_wait3A_96 = tpu.memref_slice %arg7[%add3A_83] : memref<320000xf32, #tpu.memory_space<hbm>> -> memref<80xf32, #tpu.memory_space<hbm>>
        tpu.wait_dma2 semaphore(%run_scoped3A_94 : memref<!tpu.dma_semaphore, #tpu.memory_space<semaphore_mem>>) src(%arg12 : memref<80xf32, #tpu.memory_space<vmem>>) dst(%dma_wait3A_96 : memref<80xf32, #tpu.memory_space<hbm>>)
        tpu.yield
      }) : () -> ()
      %run_scoped3A_92 = arith.constant 1 : i32
      "tpu.region"() ({
        %run_scoped3A_94 = tpu.sem_alloc : memref<!tpu.dma_semaphore, #tpu.memory_space<semaphore_mem>>
        %dma_start3A = arith.constant 0 : i32
        %dma_start3A_95 = tpu.memref_slice %arg9[%run_scoped3A_92, %dma_start3A] : memref<2x80xi32, #tpu.memory_space<vmem>> -> memref<1x80xi32, #tpu.memory_space<vmem>>
        %dma_start3A_96 = tpu.memref_squeeze %dma_start3A_95 : memref<1x80xi32, #tpu.memory_space<vmem>> -> memref<80xi32, #tpu.memory_space<vmem>>
        %dma_start3A_97 = arith.constant 0 : i32
        %dma_start3A_98 = arith.constant 0 : i32
        %dma_start3A_99 = tpu.memref_slice %arg8[%dma_start3A_97, %dma_start3A_98] : memref<10000x128xf32, #tpu.memory_space<vmem_shared>> -> memref<10000x128xf32, #tpu.memory_space<vmem_shared>>
        tpu.enqueue_indirect_dma source(%arg10 : memref<80x128xf32, #tpu.memory_space<vmem>>) target(%dma_start3A_99 : memref<10000x128xf32, #tpu.memory_space<vmem_shared>>) offsets(%dma_start3A_96 : memref<80xi32, #tpu.memory_space<vmem>>) semaphore(%run_scoped3A_94 : memref<!tpu.dma_semaphore, #tpu.memory_space<semaphore_mem>>) {add = true}
        %dma_wait3A = arith.constant 0 : i32
        %dma_wait3A_100 = tpu.memref_slice %arg9[%run_scoped3A_92, %dma_wait3A] : memref<2x80xi32, #tpu.memory_space<vmem>> -> memref<1x80xi32, #tpu.memory_space<vmem>>
        %dma_wait3A_101 = tpu.memref_squeeze %dma_wait3A_100 : memref<1x80xi32, #tpu.memory_space<vmem>> -> memref<80xi32, #tpu.memory_space<vmem>>
        %dma_wait3A_102 = arith.constant 0 : i32
        %dma_wait3A_103 = arith.constant 0 : i32
        %dma_wait3A_104 = tpu.memref_slice %arg8[%dma_wait3A_102, %dma_wait3A_103] : memref<10000x128xf32, #tpu.memory_space<vmem_shared>> -> memref<10000x128xf32, #tpu.memory_space<vmem_shared>>
        tpu.wait_indirect_dma semaphore(%run_scoped3A_94 : memref<!tpu.dma_semaphore, #tpu.memory_space<semaphore_mem>>) src(%arg10 : memref<80x128xf32, #tpu.memory_space<vmem>>) dst(%dma_wait3A_104 : memref<10000x128xf32, #tpu.memory_space<vmem_shared>>)
        tpu.yield
      }) : () -> ()
      %scan3A_93 = arith.constant 0 : i32
      scf.yield %scan3A_93 : i32
    }
    %scan3A_63 = arith.constant 125 : i32
    %barrier3A_64 = arith.constant 0 : index
    tpu.barrier barrier_id(%barrier3A_64)
    %while3A_65 = arith.constant 0 : i32
    %while3A_66 = arith.constant 0 : i32
    %while3A_67 = arith.subi %select_n3A, %while3A_65 : i32
    %while3A_68 = arith.addi %while3A_65, %while3A_67 : i32
    %while3A_69 = arith.constant 1 : i32
    %while3A_70 = arith.divsi %while3A_67, %while3A_69 : i32
    %while3A_71 = arith.muli %while3A_70, %while3A_69 : i32
    %while3A_72 = arith.addi %while3A_65, %while3A_71 : i32
    %while3A_73 = arith.constant 1 : i32
    %while3A_74 = scf.for %while3A_77 = %while3A_65 to %while3A_72 step %while3A_73 iter_args(%while3A_78 = %while3A_66) -> (i32)  : i32 {
      %mul3A_79 = arith.constant 8 : i32
      %mul3A_80 = arith.muli %while3A_77, %mul3A_79 : i32
      %add3A_81 = arith.addi %mul3A_9, %mul3A_80 : i32
      "tpu.region"() ({
        %run_scoped3A = tpu.sem_alloc : memref<!tpu.dma_semaphore, #tpu.memory_space<semaphore_mem>>
        %dma_start3A = arith.constant 0 : i32
        %dma_start3A_83 = tpu.memref_slice %arg6[%arg0, %add3A_81, %dma_start3A] : memref<2x10000x128xf32, #tpu.memory_space<hbm>> -> memref<1x8x128xf32, #tpu.memory_space<hbm>>
        %dma_start3A_84 = tpu.memref_squeeze %dma_start3A_83 : memref<1x8x128xf32, #tpu.memory_space<hbm>> -> memref<8x128xf32, #tpu.memory_space<hbm>>
        %dma_start3A_85 = arith.constant 0 : i32
        %dma_start3A_86 = tpu.memref_slice %arg8[%add3A_81, %dma_start3A_85] : memref<10000x128xf32, #tpu.memory_space<vmem_shared>> -> memref<8x128xf32, #tpu.memory_space<vmem_shared>>
        tpu.enqueue_dma source(%dma_start3A_86 : memref<8x128xf32, #tpu.memory_space<vmem_shared>>) target(%dma_start3A_84 : memref<8x128xf32, #tpu.memory_space<hbm>>) target_semaphore(%run_scoped3A : memref<!tpu.dma_semaphore, #tpu.memory_space<semaphore_mem>>)
        %dma_wait3A = arith.constant 0 : i32
        %dma_wait3A_87 = tpu.memref_slice %arg6[%arg0, %add3A_81, %dma_wait3A] : memref<2x10000x128xf32, #tpu.memory_space<hbm>> -> memref<1x8x128xf32, #tpu.memory_space<hbm>>
        %dma_wait3A_88 = tpu.memref_squeeze %dma_wait3A_87 : memref<1x8x128xf32, #tpu.memory_space<hbm>> -> memref<8x128xf32, #tpu.memory_space<hbm>>
        %dma_wait3A_89 = arith.constant 0 : i32
        %dma_wait3A_90 = tpu.memref_slice %arg8[%add3A_81, %dma_wait3A_89] : memref<10000x128xf32, #tpu.memory_space<vmem_shared>> -> memref<8x128xf32, #tpu.memory_space<vmem_shared>>
        tpu.wait_dma2 semaphore(%run_scoped3A : memref<!tpu.dma_semaphore, #tpu.memory_space<semaphore_mem>>) src(%dma_wait3A_90 : memref<8x128xf32, #tpu.memory_space<vmem_shared>>) dst(%dma_wait3A_88 : memref<8x128xf32, #tpu.memory_space<hbm>>)
        tpu.yield
      }) : () -> ()
      %while3A_82 = arith.constant 0 : i32
      scf.yield %while3A_82 : i32
    }
    %while3A_75 = arith.constant 1 : i32
    %while3A_76 = scf.for %while3A_77 = %while3A_72 to %while3A_68 step %while3A_75 iter_args(%while3A_78 = %while3A_74) -> (i32)  : i32 {
      %mul3A_79 = arith.constant 8 : i32
      %mul3A_80 = arith.muli %while3A_77, %mul3A_79 : i32
      %add3A_81 = arith.addi %mul3A_9, %mul3A_80 : i32
      "tpu.region"() ({
        %run_scoped3A = tpu.sem_alloc : memref<!tpu.dma_semaphore, #tpu.memory_space<semaphore_mem>>
        %dma_start3A = arith.constant 0 : i32
        %dma_start3A_83 = tpu.memref_slice %arg6[%arg0, %add3A_81, %dma_start3A] : memref<2x10000x128xf32, #tpu.memory_space<hbm>> -> memref<1x8x128xf32, #tpu.memory_space<hbm>>
        %dma_start3A_84 = tpu.memref_squeeze %dma_start3A_83 : memref<1x8x128xf32, #tpu.memory_space<hbm>> -> memref<8x128xf32, #tpu.memory_space<hbm>>
        %dma_start3A_85 = arith.constant 0 : i32
        %dma_start3A_86 = tpu.memref_slice %arg8[%add3A_81, %dma_start3A_85] : memref<10000x128xf32, #tpu.memory_space<vmem_shared>> -> memref<8x128xf32, #tpu.memory_space<vmem_shared>>
        tpu.enqueue_dma source(%dma_start3A_86 : memref<8x128xf32, #tpu.memory_space<vmem_shared>>) target(%dma_start3A_84 : memref<8x128xf32, #tpu.memory_space<hbm>>) target_semaphore(%run_scoped3A : memref<!tpu.dma_semaphore, #tpu.memory_space<semaphore_mem>>)
        %dma_wait3A = arith.constant 0 : i32
        %dma_wait3A_87 = tpu.memref_slice %arg6[%arg0, %add3A_81, %dma_wait3A] : memref<2x10000x128xf32, #tpu.memory_space<hbm>> -> memref<1x8x128xf32, #tpu.memory_space<hbm>>
        %dma_wait3A_88 = tpu.memref_squeeze %dma_wait3A_87 : memref<1x8x128xf32, #tpu.memory_space<hbm>> -> memref<8x128xf32, #tpu.memory_space<hbm>>
        %dma_wait3A_89 = arith.constant 0 : i32
        %dma_wait3A_90 = tpu.memref_slice %arg8[%add3A_81, %dma_wait3A_89] : memref<10000x128xf32, #tpu.memory_space<vmem_shared>> -> memref<8x128xf32, #tpu.memory_space<vmem_shared>>
        tpu.wait_dma2 semaphore(%run_scoped3A : memref<!tpu.dma_semaphore, #tpu.memory_space<semaphore_mem>>) src(%dma_wait3A_90 : memref<8x128xf32, #tpu.memory_space<vmem_shared>>) dst(%dma_wait3A_88 : memref<8x128xf32, #tpu.memory_space<hbm>>)
        tpu.yield
      }) : () -> ()
      %while3A_82 = arith.constant 0 : i32
      scf.yield %while3A_82 : i32
    }
    return
  }
}

#map = affine_map<(d0, d1) -> (0, 0)>
#map1 = affine_map<(d0, d1) -> (0)>
#map2 = affine_map<(d0, d1) -> (0, 0, 0, 0)>
#map3 = affine_map<(d0, d1) -> (0, 0, 0)>
module attributes {stable_mosaic.version = 14 : i64} {
  func.func @body(%arg0: i32, %arg1: i32, %arg2: memref<10000x128xf32, #tpu.memory_space<hbm>>, %arg3: memref<10000x128xf32, #tpu.memory_space<hbm>>, %arg4: memref<128xf32, #tpu.memory_space<hbm>>, %arg5: memref<32x125x2x80xi32, #tpu.memory_space<hbm>>, %arg6: memref<2x10000x128xf32, #tpu.memory_space<hbm>>, %arg7: memref<320000xf32, #tpu.memory_space<hbm>>, %arg8: memref<10000x128xf32, #tpu.memory_space<vmem_shared>>, %arg9: memref<2x80xi32, #tpu.memory_space<vmem>>, %arg10: memref<80x128xf32, #tpu.memory_space<vmem>>, %arg11: memref<80x128xf32, #tpu.memory_space<vmem>>, %arg12: memref<80xf32, #tpu.memory_space<vmem>>, %arg13: memref<128xf32, #tpu.memory_space<vmem>>, %arg14: memref<8x128xf32, #tpu.memory_space<vmem>>) attributes {dimension_semantics = [#tpu.dimension_semantics<core_parallel>, #tpu.dimension_semantics<subcore_parallel>], iteration_bounds = array<i64: 2, 16>, scalar_prefetch = 0 : i64, scratch_operands = 7 : i64, tpu.core_type = #tpu.core_type<sc_vector_subcore>, window_params = [{transform_indices = #map}, {transform_indices = #map}, {transform_indices = #map1}, {transform_indices = #map2}, {transform_indices = #map3}, {transform_indices = #map1}]} {
    %mul3A = arith.constant 16 : i32
    %mul3A_0 = arith.muli %arg0, %mul3A : i32
    %add3A = arith.addi %mul3A_0, %arg1 : i32
    %broadcast_in_dim3A = arith.constant 0.000000e+00 : f32
    %broadcast_in_dim3A_1 = vector.broadcast %broadcast_in_dim3A : f32 to vector<16xf32>
    %scan3A = arith.constant 0 : i32
    %scan3A_2 = arith.constant 0 : i32
    %scan3A_3 = arith.constant 8 : i32
    %scan3A_4 = arith.addi %scan3A_2, %scan3A_3 : i32
    %scan3A_5 = arith.constant 1 : i32
    %scan3A_6 = scf.for %scan3A_77 = %scan3A_2 to %scan3A_4 step %scan3A_5 iter_args(%scan3A_78 = %scan3A) -> (i32)  : i32 {
      %swap3A = arith.index_cast %scan3A_77 : i32 to index
      %swap3A_79 = arith.constant 0 : index
      %swap3A_80 = tpu.vector_load %arg14[%swap3A, %swap3A_79] {strides = array<i32>} : memref<8x128xf32, #tpu.memory_space<vmem>>, vector<1x16xf32>,
      %swap3A_81 = vector.shape_cast %swap3A_80 : vector<1x16xf32> to vector<16xf32>
      %swap3A_82 = vector.shape_cast %broadcast_in_dim3A_1 : vector<16xf32> to vector<1x16xf32>
      tpu.vector_store %arg14[%swap3A, %swap3A_79], %swap3A_82 {strides = array<i32>} : memref<8x128xf32, #tpu.memory_space<vmem>>, vector<1x16xf32>,
      %swap3A_83 = arith.index_cast %scan3A_77 : i32 to index
      %swap3A_84 = arith.constant 16 : index
      %swap3A_85 = tpu.vector_load %arg14[%swap3A_83, %swap3A_84] {strides = array<i32>} : memref<8x128xf32, #tpu.memory_space<vmem>>, vector<1x16xf32>,
      %swap3A_86 = vector.shape_cast %swap3A_85 : vector<1x16xf32> to vector<16xf32>
      %swap3A_87 = vector.shape_cast %broadcast_in_dim3A_1 : vector<16xf32> to vector<1x16xf32>
      tpu.vector_store %arg14[%swap3A_83, %swap3A_84], %swap3A_87 {strides = array<i32>} : memref<8x128xf32, #tpu.memory_space<vmem>>, vector<1x16xf32>,
      %swap3A_88 = arith.index_cast %scan3A_77 : i32 to index
      %swap3A_89 = arith.constant 32 : index
      %swap3A_90 = tpu.vector_load %arg14[%swap3A_88, %swap3A_89] {strides = array<i32>} : memref<8x128xf32, #tpu.memory_space<vmem>>, vector<1x16xf32>,
      %swap3A_91 = vector.shape_cast %swap3A_90 : vector<1x16xf32> to vector<16xf32>
      %swap3A_92 = vector.shape_cast %broadcast_in_dim3A_1 : vector<16xf32> to vector<1x16xf32>
      tpu.vector_store %arg14[%swap3A_88, %swap3A_89], %swap3A_92 {strides = array<i32>} : memref<8x128xf32, #tpu.memory_space<vmem>>, vector<1x16xf32>,
      %swap3A_93 = arith.index_cast %scan3A_77 : i32 to index
      %swap3A_94 = arith.constant 48 : index
      %swap3A_95 = tpu.vector_load %arg14[%swap3A_93, %swap3A_94] {strides = array<i32>} : memref<8x128xf32, #tpu.memory_space<vmem>>, vector<1x16xf32>,
      %swap3A_96 = vector.shape_cast %swap3A_95 : vector<1x16xf32> to vector<16xf32>
      %swap3A_97 = vector.shape_cast %broadcast_in_dim3A_1 : vector<16xf32> to vector<1x16xf32>
      tpu.vector_store %arg14[%swap3A_93, %swap3A_94], %swap3A_97 {strides = array<i32>} : memref<8x128xf32, #tpu.memory_space<vmem>>, vector<1x16xf32>,
      %swap3A_98 = arith.index_cast %scan3A_77 : i32 to index
      %swap3A_99 = arith.constant 64 : index
      %swap3A_100 = tpu.vector_load %arg14[%swap3A_98, %swap3A_99] {strides = array<i32>} : memref<8x128xf32, #tpu.memory_space<vmem>>, vector<1x16xf32>,
      %swap3A_101 = vector.shape_cast %swap3A_100 : vector<1x16xf32> to vector<16xf32>
      %swap3A_102 = vector.shape_cast %broadcast_in_dim3A_1 : vector<16xf32> to vector<1x16xf32>
      tpu.vector_store %arg14[%swap3A_98, %swap3A_99], %swap3A_102 {strides = array<i32>} : memref<8x128xf32, #tpu.memory_space<vmem>>, vector<1x16xf32>,
      %swap3A_103 = arith.index_cast %scan3A_77 : i32 to index
      %swap3A_104 = arith.constant 80 : index
      %swap3A_105 = tpu.vector_load %arg14[%swap3A_103, %swap3A_104] {strides = array<i32>} : memref<8x128xf32, #tpu.memory_space<vmem>>, vector<1x16xf32>,
      %swap3A_106 = vector.shape_cast %swap3A_105 : vector<1x16xf32> to vector<16xf32>
      %swap3A_107 = vector.shape_cast %broadcast_in_dim3A_1 : vector<16xf32> to vector<1x16xf32>
      tpu.vector_store %arg14[%swap3A_103, %swap3A_104], %swap3A_107 {strides = array<i32>} : memref<8x128xf32, #tpu.memory_space<vmem>>, vector<1x16xf32>,
      %swap3A_108 = arith.index_cast %scan3A_77 : i32 to index
      %swap3A_109 = arith.constant 96 : index
      %swap3A_110 = tpu.vector_load %arg14[%swap3A_108, %swap3A_109] {strides = array<i32>} : memref<8x128xf32, #tpu.memory_space<vmem>>, vector<1x16xf32>,
      %swap3A_111 = vector.shape_cast %swap3A_110 : vector<1x16xf32> to vector<16xf32>
      %swap3A_112 = vector.shape_cast %broadcast_in_dim3A_1 : vector<16xf32> to vector<1x16xf32>
      tpu.vector_store %arg14[%swap3A_108, %swap3A_109], %swap3A_112 {strides = array<i32>} : memref<8x128xf32, #tpu.memory_space<vmem>>, vector<1x16xf32>,
      %swap3A_113 = arith.index_cast %scan3A_77 : i32 to index
      %swap3A_114 = arith.constant 112 : index
      %swap3A_115 = tpu.vector_load %arg14[%swap3A_113, %swap3A_114] {strides = array<i32>} : memref<8x128xf32, #tpu.memory_space<vmem>>, vector<1x16xf32>,
      %swap3A_116 = vector.shape_cast %swap3A_115 : vector<1x16xf32> to vector<16xf32>
      %swap3A_117 = vector.shape_cast %broadcast_in_dim3A_1 : vector<16xf32> to vector<1x16xf32>
      tpu.vector_store %arg14[%swap3A_113, %swap3A_114], %swap3A_117 {strides = array<i32>} : memref<8x128xf32, #tpu.memory_space<vmem>>, vector<1x16xf32>,
      %scan3A_118 = arith.constant 0 : i32
      scf.yield %scan3A_118 : i32
    }
    %scan3A_7 = arith.constant 8 : i32
    %mul3A_8 = arith.constant 624 : i32
    %mul3A_9 = arith.muli %arg1, %mul3A_8 : i32
    %eq3A = arith.constant 15 : i32
    %eq3A_10 = arith.cmpi eq, %arg1, %eq3A : i32
    %jit3A = arith.constant 80 : i32
    %jit3A_11 = arith.constant 78 : i32
    %select_n3A = arith.select %eq3A_10, %jit3A, %jit3A_11 : i32
    %while3A = arith.constant 0 : i32
    %while3A_12 = arith.constant 0 : i32
    %while3A_13 = arith.subi %select_n3A, %while3A : i32
    %while3A_14 = arith.addi %while3A, %while3A_13 : i32
    %while3A_15 = arith.constant 1 : i32
    %while3A_16 = arith.divsi %while3A_13, %while3A_15 : i32
    %while3A_17 = arith.muli %while3A_16, %while3A_15 : i32
    %while3A_18 = arith.addi %while3A, %while3A_17 : i32
    %while3A_19 = arith.constant 1 : i32
    %while3A_20 = scf.for %while3A_77 = %while3A to %while3A_18 step %while3A_19 iter_args(%while3A_78 = %while3A_12) -> (i32)  : i32 {
      %mul3A_79 = arith.constant 8 : i32
      %mul3A_80 = arith.muli %while3A_77, %mul3A_79 : i32
      %add3A_81 = arith.addi %mul3A_9, %mul3A_80 : i32
      "tpu.region"() ({
        %run_scoped3A = tpu.sem_alloc : memref<!tpu.dma_semaphore, #tpu.memory_space<semaphore_mem>>
        %dma_start3A = arith.constant 0 : i32
        %dma_start3A_83 = tpu.memref_slice %arg8[%add3A_81, %dma_start3A] : memref<10000x128xf32, #tpu.memory_space<vmem_shared>> -> memref<8x128xf32, #tpu.memory_space<vmem_shared>>
        %dma_start3A_84 = arith.constant 0 : i32
        %dma_start3A_85 = tpu.memref_slice %arg8[%add3A_81, %dma_start3A_84] : memref<10000x128xf32, #tpu.memory_space<vmem_shared>> -> memref<8x128xf32, #tpu.memory_space<vmem_shared>>
        tpu.enqueue_dma source(%arg14 : memref<8x128xf32, #tpu.memory_space<vmem>>) target(%dma_start3A_85 : memref<8x128xf32, #tpu.memory_space<vmem_shared>>) target_semaphore(%run_scoped3A : memref<!tpu.dma_semaphore, #tpu.memory_space<semaphore_mem>>)
        %dma_wait3A = arith.constant 0 : i32
        %dma_wait3A_86 = tpu.memref_slice %arg8[%add3A_81, %dma_wait3A] : memref<10000x128xf32, #tpu.memory_space<vmem_shared>> -> memref<8x128xf32, #tpu.memory_space<vmem_shared>>
        %dma_wait3A_87 = arith.constant 0 : i32
        %dma_wait3A_88 = tpu.memref_slice %arg8[%add3A_81, %dma_wait3A_87] : memref<10000x128xf32, #tpu.memory_space<vmem_shared>> -> memref<8x128xf32, #tpu.memory_space<vmem_shared>>
        tpu.wait_dma2 semaphore(%run_scoped3A : memref<!tpu.dma_semaphore, #tpu.memory_space<semaphore_mem>>) src(%arg14 : memref<8x128xf32, #tpu.memory_space<vmem>>) dst(%dma_wait3A_88 : memref<8x128xf32, #tpu.memory_space<vmem_shared>>)
        tpu.yield
      }) : () -> ()
      %while3A_82 = arith.constant 0 : i32
      scf.yield %while3A_82 : i32
    }
    %while3A_21 = arith.constant 1 : i32
    %while3A_22 = scf.for %while3A_77 = %while3A_18 to %while3A_14 step %while3A_21 iter_args(%while3A_78 = %while3A_20) -> (i32)  : i32 {
      %mul3A_79 = arith.constant 8 : i32
      %mul3A_80 = arith.muli %while3A_77, %mul3A_79 : i32
      %add3A_81 = arith.addi %mul3A_9, %mul3A_80 : i32
      "tpu.region"() ({
        %run_scoped3A = tpu.sem_alloc : memref<!tpu.dma_semaphore, #tpu.memory_space<semaphore_mem>>
        %dma_start3A = arith.constant 0 : i32
        %dma_start3A_83 = tpu.memref_slice %arg8[%add3A_81, %dma_start3A] : memref<10000x128xf32, #tpu.memory_space<vmem_shared>> -> memref<8x128xf32, #tpu.memory_space<vmem_shared>>
        %dma_start3A_84 = arith.constant 0 : i32
        %dma_start3A_85 = tpu.memref_slice %arg8[%add3A_81, %dma_start3A_84] : memref<10000x128xf32, #tpu.memory_space<vmem_shared>> -> memref<8x128xf32, #tpu.memory_space<vmem_shared>>
        tpu.enqueue_dma source(%arg14 : memref<8x128xf32, #tpu.memory_space<vmem>>) target(%dma_start3A_85 : memref<8x128xf32, #tpu.memory_space<vmem_shared>>) target_semaphore(%run_scoped3A : memref<!tpu.dma_semaphore, #tpu.memory_space<semaphore_mem>>)
        %dma_wait3A = arith.constant 0 : i32
        %dma_wait3A_86 = tpu.memref_slice %arg8[%add3A_81, %dma_wait3A] : memref<10000x128xf32, #tpu.memory_space<vmem_shared>> -> memref<8x128xf32, #tpu.memory_space<vmem_shared>>
        %dma_wait3A_87 = arith.constant 0 : i32
        %dma_wait3A_88 = tpu.memref_slice %arg8[%add3A_81, %dma_wait3A_87] : memref<10000x128xf32, #tpu.memory_space<vmem_shared>> -> memref<8x128xf32, #tpu.memory_space<vmem_shared>>
        tpu.wait_dma2 semaphore(%run_scoped3A : memref<!tpu.dma_semaphore, #tpu.memory_space<semaphore_mem>>) src(%arg14 : memref<8x128xf32, #tpu.memory_space<vmem>>) dst(%dma_wait3A_88 : memref<8x128xf32, #tpu.memory_space<vmem_shared>>)
        tpu.yield
      }) : () -> ()
      %while3A_82 = arith.constant 0 : i32
      scf.yield %while3A_82 : i32
    }
    %barrier3A = arith.constant 0 : index
    tpu.barrier barrier_id(%barrier3A)
    "tpu.region"() ({
      %run_scoped3A = tpu.sem_alloc : memref<!tpu.dma_semaphore, #tpu.memory_space<semaphore_mem>>
      tpu.enqueue_dma source(%arg4 : memref<128xf32, #tpu.memory_space<hbm>>) target(%arg13 : memref<128xf32, #tpu.memory_space<vmem>>) target_semaphore(%run_scoped3A : memref<!tpu.dma_semaphore, #tpu.memory_space<semaphore_mem>>)
      tpu.wait_dma2 semaphore(%run_scoped3A : memref<!tpu.dma_semaphore, #tpu.memory_space<semaphore_mem>>) src(%arg4 : memref<128xf32, #tpu.memory_space<hbm>>) dst(%arg13 : memref<128xf32, #tpu.memory_space<vmem>>)
      tpu.yield
    }) : () -> ()
    %get3A = arith.constant 0 : index
    %get3A_23 = tpu.vector_load %arg13[%get3A] {strides = array<i32>} : memref<128xf32, #tpu.memory_space<vmem>>, vector<16xf32>,
    %get3A_24 = vector.shape_cast %get3A_23 : vector<16xf32> to vector<16xf32>
    %get3A_25 = arith.constant 16 : index
    %get3A_26 = tpu.vector_load %arg13[%get3A_25] {strides = array<i32>} : memref<128xf32, #tpu.memory_space<vmem>>, vector<16xf32>,
    %get3A_27 = vector.shape_cast %get3A_26 : vector<16xf32> to vector<16xf32>
    %get3A_28 = arith.constant 32 : index
    %get3A_29 = tpu.vector_load %arg13[%get3A_28] {strides = array<i32>} : memref<128xf32, #tpu.memory_space<vmem>>, vector<16xf32>,
    %get3A_30 = vector.shape_cast %get3A_29 : vector<16xf32> to vector<16xf32>
    %get3A_31 = arith.constant 48 : index
    %get3A_32 = tpu.vector_load %arg13[%get3A_31] {strides = array<i32>} : memref<128xf32, #tpu.memory_space<vmem>>, vector<16xf32>,
    %get3A_33 = vector.shape_cast %get3A_32 : vector<16xf32> to vector<16xf32>
    %get3A_34 = arith.constant 64 : index
    %get3A_35 = tpu.vector_load %arg13[%get3A_34] {strides = array<i32>} : memref<128xf32, #tpu.memory_space<vmem>>, vector<16xf32>,
    %get3A_36 = vector.shape_cast %get3A_35 : vector<16xf32> to vector<16xf32>
    %get3A_37 = arith.constant 80 : index
    %get3A_38 = tpu.vector_load %arg13[%get3A_37] {strides = array<i32>} : memref<128xf32, #tpu.memory_space<vmem>>, vector<16xf32>,
    %get3A_39 = vector.shape_cast %get3A_38 : vector<16xf32> to vector<16xf32>
    %get3A_40 = arith.constant 96 : index
    %get3A_41 = tpu.vector_load %arg13[%get3A_40] {strides = array<i32>} : memref<128xf32, #tpu.memory_space<vmem>>, vector<16xf32>,
    %get3A_42 = vector.shape_cast %get3A_41 : vector<16xf32> to vector<16xf32>
    %get3A_43 = arith.constant 112 : index
    %get3A_44 = tpu.vector_load %arg13[%get3A_43] {strides = array<i32>} : memref<128xf32, #tpu.memory_space<vmem>>, vector<16xf32>,
    %get3A_45 = vector.shape_cast %get3A_44 : vector<16xf32> to vector<16xf32>
    %iota3A = tpu.iota {dimensions = array<i32: 0>} : vector<16xi32>
    %xor3A = arith.constant 1 : i32
    %xor3A_46 = vector.broadcast %xor3A : i32 to vector<16xi32>
    %xor3A_47 = arith.xori %iota3A, %xor3A_46 : vector<16xi32>
    %xor3A_48 = arith.constant 2 : i32
    %xor3A_49 = vector.broadcast %xor3A_48 : i32 to vector<16xi32>
    %xor3A_50 = arith.xori %iota3A, %xor3A_49 : vector<16xi32>
    %xor3A_51 = arith.constant 4 : i32
    %xor3A_52 = vector.broadcast %xor3A_51 : i32 to vector<16xi32>
    %xor3A_53 = arith.xori %iota3A, %xor3A_52 : vector<16xi32>
    %xor3A_54 = arith.constant 8 : i32
    %xor3A_55 = vector.broadcast %xor3A_54 : i32 to vector<16xi32>
    %xor3A_56 = arith.xori %iota3A, %xor3A_55 : vector<16xi32>
    %scan3A_57 = arith.constant 0 : i32
    %scan3A_58 = arith.constant 0 : i32
    %scan3A_59 = arith.constant 125 : i32
    %scan3A_60 = arith.addi %scan3A_58, %scan3A_59 : i32
    %scan3A_61 = arith.constant 1 : i32
    %scan3A_62 = scf.for %scan3A_77 = %scan3A_58 to %scan3A_60 step %scan3A_61 iter_args(%scan3A_78 = %scan3A_57) -> (i32)  : i32 {
      %mul3A_79 = arith.constant 10000 : i32
      %mul3A_80 = arith.muli %add3A, %mul3A_79 : i32
      %mul3A_81 = arith.constant 80 : i32
      %mul3A_82 = arith.muli %scan3A_77, %mul3A_81 : i32
      %add3A_83 = arith.addi %mul3A_80, %mul3A_82 : i32
      "tpu.region"() ({
        %run_scoped3A_94 = tpu.sem_alloc : memref<!tpu.dma_semaphore, #tpu.memory_space<semaphore_mem>>
        %dma_start3A = arith.constant 0 : i32
        %dma_start3A_95 = arith.constant 0 : i32
        %dma_start3A_96 = tpu.memref_slice %arg5[%add3A, %scan3A_77, %dma_start3A, %dma_start3A_95] : memref<32x125x2x80xi32, #tpu.memory_space<hbm>> -> memref<1x1x2x80xi32, #tpu.memory_space<hbm>>
        %dma_start3A_97 = tpu.memref_squeeze %dma_start3A_96 : memref<1x1x2x80xi32, #tpu.memory_space<hbm>> -> memref<2x80xi32, #tpu.memory_space<hbm>>
        %dma_start3A_98 = arith.constant 0 : i32
        %dma_start3A_99 = arith.constant 0 : i32
        %dma_start3A_100 = tpu.memref_slice %arg5[%add3A, %scan3A_77, %dma_start3A_98, %dma_start3A_99] : memref<32x125x2x80xi32, #tpu.memory_space<hbm>> -> memref<1x1x2x80xi32, #tpu.memory_space<hbm>>
        %dma_start3A_101 = tpu.memref_squeeze %dma_start3A_100 : memref<1x1x2x80xi32, #tpu.memory_space<hbm>> -> memref<2x80xi32, #tpu.memory_space<hbm>>
        tpu.enqueue_dma source(%dma_start3A_101 : memref<2x80xi32, #tpu.memory_space<hbm>>) target(%arg9 : memref<2x80xi32, #tpu.memory_space<vmem>>) target_semaphore(%run_scoped3A_94 : memref<!tpu.dma_semaphore, #tpu.memory_space<semaphore_mem>>)
        %dma_wait3A = arith.constant 0 : i32
        %dma_wait3A_102 = arith.constant 0 : i32
        %dma_wait3A_103 = tpu.memref_slice %arg5[%add3A, %scan3A_77, %dma_wait3A, %dma_wait3A_102] : memref<32x125x2x80xi32, #tpu.memory_space<hbm>> -> memref<1x1x2x80xi32, #tpu.memory_space<hbm>>
        %dma_wait3A_104 = tpu.memref_squeeze %dma_wait3A_103 : memref<1x1x2x80xi32, #tpu.memory_space<hbm>> -> memref<2x80xi32, #tpu.memory_space<hbm>>
        %dma_wait3A_105 = arith.constant 0 : i32
        %dma_wait3A_106 = arith.constant 0 : i32
        %dma_wait3A_107 = tpu.memref_slice %arg5[%add3A, %scan3A_77, %dma_wait3A_105, %dma_wait3A_106] : memref<32x125x2x80xi32, #tpu.memory_space<hbm>> -> memref<1x1x2x80xi32, #tpu.memory_space<hbm>>
        %dma_wait3A_108 = tpu.memref_squeeze %dma_wait3A_107 : memref<1x1x2x80xi32, #tpu.memory_space<hbm>> -> memref<2x80xi32, #tpu.memory_space<hbm>>
        tpu.wait_dma2 semaphore(%run_scoped3A_94 : memref<!tpu.dma_semaphore, #tpu.memory_space<semaphore_mem>>) src(%dma_wait3A_108 : memref<2x80xi32, #tpu.memory_space<hbm>>) dst(%arg9 : memref<2x80xi32, #tpu.memory_space<vmem>>)
        tpu.yield
      }) : () -> ()
      %run_scoped3A = arith.constant 0 : i32
      "tpu.region"() ({
        %run_scoped3A_94 = tpu.sem_alloc : memref<!tpu.dma_semaphore, #tpu.memory_space<semaphore_mem>>
        %dma_start3A = arith.constant 0 : i32
        %dma_start3A_95 = tpu.memref_slice %arg9[%run_scoped3A, %dma_start3A] : memref<2x80xi32, #tpu.memory_space<vmem>> -> memref<1x80xi32, #tpu.memory_space<vmem>>
        %dma_start3A_96 = tpu.memref_squeeze %dma_start3A_95 : memref<1x80xi32, #tpu.memory_space<vmem>> -> memref<80xi32, #tpu.memory_space<vmem>>
        %dma_start3A_97 = arith.constant 0 : i32
        %dma_start3A_98 = arith.constant 0 : i32
        %dma_start3A_99 = tpu.memref_slice %arg2[%dma_start3A_97, %dma_start3A_98] : memref<10000x128xf32, #tpu.memory_space<hbm>> -> memref<10000x128xf32, #tpu.memory_space<hbm>>
        tpu.enqueue_indirect_dma source(%dma_start3A_99 : memref<10000x128xf32, #tpu.memory_space<hbm>>) target(%arg10 : memref<80x128xf32, #tpu.memory_space<vmem>>) offsets(%dma_start3A_96 : memref<80xi32, #tpu.memory_space<vmem>>) semaphore(%run_scoped3A_94 : memref<!tpu.dma_semaphore, #tpu.memory_space<semaphore_mem>>)
        %dma_wait3A = arith.constant 0 : i32
        %dma_wait3A_100 = tpu.memref_slice %arg9[%run_scoped3A, %dma_wait3A] : memref<2x80xi32, #tpu.memory_space<vmem>> -> memref<1x80xi32, #tpu.memory_space<vmem>>
        %dma_wait3A_101 = tpu.memref_squeeze %dma_wait3A_100 : memref<1x80xi32, #tpu.memory_space<vmem>> -> memref<80xi32, #tpu.memory_space<vmem>>
        %dma_wait3A_102 = arith.constant 0 : i32
        %dma_wait3A_103 = arith.constant 0 : i32
        %dma_wait3A_104 = tpu.memref_slice %arg2[%dma_wait3A_102, %dma_wait3A_103] : memref<10000x128xf32, #tpu.memory_space<hbm>> -> memref<10000x128xf32, #tpu.memory_space<hbm>>
        tpu.wait_indirect_dma semaphore(%run_scoped3A_94 : memref<!tpu.dma_semaphore, #tpu.memory_space<semaphore_mem>>) src(%dma_wait3A_104 : memref<10000x128xf32, #tpu.memory_space<hbm>>) dst(%arg10 : memref<80x128xf32, #tpu.memory_space<vmem>>)
        tpu.yield
      }) : () -> ()
      %run_scoped3A_84 = arith.constant 1 : i32
      "tpu.region"() ({
        %run_scoped3A_94 = tpu.sem_alloc : memref<!tpu.dma_semaphore, #tpu.memory_space<semaphore_mem>>
        %dma_start3A = arith.constant 0 : i32
        %dma_start3A_95 = tpu.memref_slice %arg9[%run_scoped3A_84, %dma_start3A] : memref<2x80xi32, #tpu.memory_space<vmem>> -> memref<1x80xi32, #tpu.memory_space<vmem>>
        %dma_start3A_96 = tpu.memref_squeeze %dma_start3A_95 : memref<1x80xi32, #tpu.memory_space<vmem>> -> memref<80xi32, #tpu.memory_space<vmem>>
        %dma_start3A_97 = arith.constant 0 : i32
        %dma_start3A_98 = arith.constant 0 : i32
        %dma_start3A_99 = tpu.memref_slice %arg3[%dma_start3A_97, %dma_start3A_98] : memref<10000x128xf32, #tpu.memory_space<hbm>> -> memref<10000x128xf32, #tpu.memory_space<hbm>>
        tpu.enqueue_indirect_dma source(%dma_start3A_99 : memref<10000x128xf32, #tpu.memory_space<hbm>>) target(%arg11 : memref<80x128xf32, #tpu.memory_space<vmem>>) offsets(%dma_start3A_96 : memref<80xi32, #tpu.memory_space<vmem>>) semaphore(%run_scoped3A_94 : memref<!tpu.dma_semaphore, #tpu.memory_space<semaphore_mem>>)
        %dma_wait3A = arith.constant 0 : i32
        %dma_wait3A_100 = tpu.memref_slice %arg9[%run_scoped3A_84, %dma_wait3A] : memref<2x80xi32, #tpu.memory_space<vmem>> -> memref<1x80xi32, #tpu.memory_space<vmem>>
        %dma_wait3A_101 = tpu.memref_squeeze %dma_wait3A_100 : memref<1x80xi32, #tpu.memory_space<vmem>> -> memref<80xi32, #tpu.memory_space<vmem>>
        %dma_wait3A_102 = arith.constant 0 : i32
        %dma_wait3A_103 = arith.constant 0 : i32
        %dma_wait3A_104 = tpu.memref_slice %arg3[%dma_wait3A_102, %dma_wait3A_103] : memref<10000x128xf32, #tpu.memory_space<hbm>> -> memref<10000x128xf32, #tpu.memory_space<hbm>>
        tpu.wait_indirect_dma semaphore(%run_scoped3A_94 : memref<!tpu.dma_semaphore, #tpu.memory_space<semaphore_mem>>) src(%dma_wait3A_104 : memref<10000x128xf32, #tpu.memory_space<hbm>>) dst(%arg11 : memref<80x128xf32, #tpu.memory_space<vmem>>)
        tpu.yield
      }) : () -> ()
      %scan3A_85 = arith.constant 0 : i32
      %scan3A_86 = arith.constant 0 : i32
      %scan3A_87 = arith.constant 5 : i32
      %scan3A_88 = arith.addi %scan3A_86, %scan3A_87 : i32
      %scan3A_89 = arith.constant 1 : i32
      %scan3A_90 = scf.for %scan3A_94 = %scan3A_86 to %scan3A_88 step %scan3A_89 iter_args(%scan3A_95 = %scan3A_85) -> (i32)  : i32 {
        %scan3A_96 = arith.constant 0 : i32
        %scan3A_97 = arith.constant 16 : i32
        %scan3A_98 = arith.addi %scan3A_96, %scan3A_97 : i32
        %scan3A_99 = arith.constant 1 : i32
        %scan3A_100 = scf.for %scan3A_115 = %scan3A_96 to %scan3A_98 step %scan3A_99 iter_args(%scan3A_116 = %broadcast_in_dim3A_1) -> (vector<16xf32>)  : i32 {
          %mul3A_117 = arith.constant 16 : i32
          %mul3A_118 = arith.muli %scan3A_94, %mul3A_117 : i32
          %add3A_119 = arith.addi %mul3A_118, %scan3A_115 : i32
          %get3A_120 = arith.index_cast %add3A_119 : i32 to index
          %get3A_121 = arith.constant 0 : index
          %get3A_122 = tpu.vector_load %arg10[%get3A_120, %get3A_121] {strides = array<i32>} : memref<80x128xf32, #tpu.memory_space<vmem>>, vector<1x16xf32>,
          %get3A_123 = vector.shape_cast %get3A_122 : vector<1x16xf32> to vector<16xf32>
          %get3A_124 = arith.index_cast %add3A_119 : i32 to index
          %get3A_125 = arith.constant 0 : index
          %get3A_126 = tpu.vector_load %arg11[%get3A_124, %get3A_125] {strides = array<i32>} : memref<80x128xf32, #tpu.memory_space<vmem>>, vector<1x16xf32>,
          %get3A_127 = vector.shape_cast %get3A_126 : vector<1x16xf32> to vector<16xf32>
          %add3A_128 = arith.addf %get3A_123, %get3A_127 : vector<16xf32>
          %mul3A_129 = arith.constant 2.000000e-01 : f32
          %mul3A_130 = vector.broadcast %mul3A_129 : f32 to vector<16xf32>
          %mul3A_131 = arith.mulf %mul3A_130, %add3A_128 : vector<16xf32>
          %max3A = arith.maximumf %add3A_128, %mul3A_131 : vector<16xf32>
          %mul3A_132 = arith.mulf %max3A, %get3A_24 : vector<16xf32>
          %add3A_133 = arith.addf %broadcast_in_dim3A_1, %mul3A_132 : vector<16xf32>
          %get3A_134 = arith.index_cast %add3A_119 : i32 to index
          %get3A_135 = arith.constant 16 : index
          %get3A_136 = tpu.vector_load %arg10[%get3A_134, %get3A_135] {strides = array<i32>} : memref<80x128xf32, #tpu.memory_space<vmem>>, vector<1x16xf32>,
          %get3A_137 = vector.shape_cast %get3A_136 : vector<1x16xf32> to vector<16xf32>
          %get3A_138 = arith.index_cast %add3A_119 : i32 to index
          %get3A_139 = arith.constant 16 : index
          %get3A_140 = tpu.vector_load %arg11[%get3A_138, %get3A_139] {strides = array<i32>} : memref<80x128xf32, #tpu.memory_space<vmem>>, vector<1x16xf32>,
          %get3A_141 = vector.shape_cast %get3A_140 : vector<1x16xf32> to vector<16xf32>
          %add3A_142 = arith.addf %get3A_137, %get3A_141 : vector<16xf32>
          %mul3A_143 = arith.constant 2.000000e-01 : f32
          %mul3A_144 = vector.broadcast %mul3A_143 : f32 to vector<16xf32>
          %mul3A_145 = arith.mulf %mul3A_144, %add3A_142 : vector<16xf32>
          %max3A_146 = arith.maximumf %add3A_142, %mul3A_145 : vector<16xf32>
          %mul3A_147 = arith.mulf %max3A_146, %get3A_27 : vector<16xf32>
          %add3A_148 = arith.addf %add3A_133, %mul3A_147 : vector<16xf32>
          %get3A_149 = arith.index_cast %add3A_119 : i32 to index
          %get3A_150 = arith.constant 32 : index
          %get3A_151 = tpu.vector_load %arg10[%get3A_149, %get3A_150] {strides = array<i32>} : memref<80x128xf32, #tpu.memory_space<vmem>>, vector<1x16xf32>,
          %get3A_152 = vector.shape_cast %get3A_151 : vector<1x16xf32> to vector<16xf32>
          %get3A_153 = arith.index_cast %add3A_119 : i32 to index
          %get3A_154 = arith.constant 32 : index
          %get3A_155 = tpu.vector_load %arg11[%get3A_153, %get3A_154] {strides = array<i32>} : memref<80x128xf32, #tpu.memory_space<vmem>>, vector<1x16xf32>,
          %get3A_156 = vector.shape_cast %get3A_155 : vector<1x16xf32> to vector<16xf32>
          %add3A_157 = arith.addf %get3A_152, %get3A_156 : vector<16xf32>
          %mul3A_158 = arith.constant 2.000000e-01 : f32
          %mul3A_159 = vector.broadcast %mul3A_158 : f32 to vector<16xf32>
          %mul3A_160 = arith.mulf %mul3A_159, %add3A_157 : vector<16xf32>
          %max3A_161 = arith.maximumf %add3A_157, %mul3A_160 : vector<16xf32>
          %mul3A_162 = arith.mulf %max3A_161, %get3A_30 : vector<16xf32>
          %add3A_163 = arith.addf %add3A_148, %mul3A_162 : vector<16xf32>
          %get3A_164 = arith.index_cast %add3A_119 : i32 to index
          %get3A_165 = arith.constant 48 : index
          %get3A_166 = tpu.vector_load %arg10[%get3A_164, %get3A_165] {strides = array<i32>} : memref<80x128xf32, #tpu.memory_space<vmem>>, vector<1x16xf32>,
          %get3A_167 = vector.shape_cast %get3A_166 : vector<1x16xf32> to vector<16xf32>
          %get3A_168 = arith.index_cast %add3A_119 : i32 to index
          %get3A_169 = arith.constant 48 : index
          %get3A_170 = tpu.vector_load %arg11[%get3A_168, %get3A_169] {strides = array<i32>} : memref<80x128xf32, #tpu.memory_space<vmem>>, vector<1x16xf32>,
          %get3A_171 = vector.shape_cast %get3A_170 : vector<1x16xf32> to vector<16xf32>
          %add3A_172 = arith.addf %get3A_167, %get3A_171 : vector<16xf32>
          %mul3A_173 = arith.constant 2.000000e-01 : f32
          %mul3A_174 = vector.broadcast %mul3A_173 : f32 to vector<16xf32>
          %mul3A_175 = arith.mulf %mul3A_174, %add3A_172 : vector<16xf32>
          %max3A_176 = arith.maximumf %add3A_172, %mul3A_175 : vector<16xf32>
          %mul3A_177 = arith.mulf %max3A_176, %get3A_33 : vector<16xf32>
          %add3A_178 = arith.addf %add3A_163, %mul3A_177 : vector<16xf32>
          %get3A_179 = arith.index_cast %add3A_119 : i32 to index
          %get3A_180 = arith.constant 64 : index
          %get3A_181 = tpu.vector_load %arg10[%get3A_179, %get3A_180] {strides = array<i32>} : memref<80x128xf32, #tpu.memory_space<vmem>>, vector<1x16xf32>,
          %get3A_182 = vector.shape_cast %get3A_181 : vector<1x16xf32> to vector<16xf32>
          %get3A_183 = arith.index_cast %add3A_119 : i32 to index
          %get3A_184 = arith.constant 64 : index
          %get3A_185 = tpu.vector_load %arg11[%get3A_183, %get3A_184] {strides = array<i32>} : memref<80x128xf32, #tpu.memory_space<vmem>>, vector<1x16xf32>,
          %get3A_186 = vector.shape_cast %get3A_185 : vector<1x16xf32> to vector<16xf32>
          %add3A_187 = arith.addf %get3A_182, %get3A_186 : vector<16xf32>
          %mul3A_188 = arith.constant 2.000000e-01 : f32
          %mul3A_189 = vector.broadcast %mul3A_188 : f32 to vector<16xf32>
          %mul3A_190 = arith.mulf %mul3A_189, %add3A_187 : vector<16xf32>
          %max3A_191 = arith.maximumf %add3A_187, %mul3A_190 : vector<16xf32>
          %mul3A_192 = arith.mulf %max3A_191, %get3A_36 : vector<16xf32>
          %add3A_193 = arith.addf %add3A_178, %mul3A_192 : vector<16xf32>
          %get3A_194 = arith.index_cast %add3A_119 : i32 to index
          %get3A_195 = arith.constant 80 : index
          %get3A_196 = tpu.vector_load %arg10[%get3A_194, %get3A_195] {strides = array<i32>} : memref<80x128xf32, #tpu.memory_space<vmem>>, vector<1x16xf32>,
          %get3A_197 = vector.shape_cast %get3A_196 : vector<1x16xf32> to vector<16xf32>
          %get3A_198 = arith.index_cast %add3A_119 : i32 to index
          %get3A_199 = arith.constant 80 : index
          %get3A_200 = tpu.vector_load %arg11[%get3A_198, %get3A_199] {strides = array<i32>} : memref<80x128xf32, #tpu.memory_space<vmem>>, vector<1x16xf32>,
          %get3A_201 = vector.shape_cast %get3A_200 : vector<1x16xf32> to vector<16xf32>
          %add3A_202 = arith.addf %get3A_197, %get3A_201 : vector<16xf32>
          %mul3A_203 = arith.constant 2.000000e-01 : f32
          %mul3A_204 = vector.broadcast %mul3A_203 : f32 to vector<16xf32>
          %mul3A_205 = arith.mulf %mul3A_204, %add3A_202 : vector<16xf32>
          %max3A_206 = arith.maximumf %add3A_202, %mul3A_205 : vector<16xf32>
          %mul3A_207 = arith.mulf %max3A_206, %get3A_39 : vector<16xf32>
          %add3A_208 = arith.addf %add3A_193, %mul3A_207 : vector<16xf32>
          %get3A_209 = arith.index_cast %add3A_119 : i32 to index
          %get3A_210 = arith.constant 96 : index
          %get3A_211 = tpu.vector_load %arg10[%get3A_209, %get3A_210] {strides = array<i32>} : memref<80x128xf32, #tpu.memory_space<vmem>>, vector<1x16xf32>,
          %get3A_212 = vector.shape_cast %get3A_211 : vector<1x16xf32> to vector<16xf32>
          %get3A_213 = arith.index_cast %add3A_119 : i32 to index
          %get3A_214 = arith.constant 96 : index
          %get3A_215 = tpu.vector_load %arg11[%get3A_213, %get3A_214] {strides = array<i32>} : memref<80x128xf32, #tpu.memory_space<vmem>>, vector<1x16xf32>,
          %get3A_216 = vector.shape_cast %get3A_215 : vector<1x16xf32> to vector<16xf32>
          %add3A_217 = arith.addf %get3A_212, %get3A_216 : vector<16xf32>
          %mul3A_218 = arith.constant 2.000000e-01 : f32
          %mul3A_219 = vector.broadcast %mul3A_218 : f32 to vector<16xf32>
          %mul3A_220 = arith.mulf %mul3A_219, %add3A_217 : vector<16xf32>
          %max3A_221 = arith.maximumf %add3A_217, %mul3A_220 : vector<16xf32>
          %mul3A_222 = arith.mulf %max3A_221, %get3A_42 : vector<16xf32>
          %add3A_223 = arith.addf %add3A_208, %mul3A_222 : vector<16xf32>
          %get3A_224 = arith.index_cast %add3A_119 : i32 to index
          %get3A_225 = arith.constant 112 : index
          %get3A_226 = tpu.vector_load %arg10[%get3A_224, %get3A_225] {strides = array<i32>} : memref<80x128xf32, #tpu.memory_space<vmem>>, vector<1x16xf32>,
          %get3A_227 = vector.shape_cast %get3A_226 : vector<1x16xf32> to vector<16xf32>
          %get3A_228 = arith.index_cast %add3A_119 : i32 to index
          %get3A_229 = arith.constant 112 : index
          %get3A_230 = tpu.vector_load %arg11[%get3A_228, %get3A_229] {strides = array<i32>} : memref<80x128xf32, #tpu.memory_space<vmem>>, vector<1x16xf32>,
          %get3A_231 = vector.shape_cast %get3A_230 : vector<1x16xf32> to vector<16xf32>
          %add3A_232 = arith.addf %get3A_227, %get3A_231 : vector<16xf32>
          %mul3A_233 = arith.constant 2.000000e-01 : f32
          %mul3A_234 = vector.broadcast %mul3A_233 : f32 to vector<16xf32>
          %mul3A_235 = arith.mulf %mul3A_234, %add3A_232 : vector<16xf32>
          %max3A_236 = arith.maximumf %add3A_232, %mul3A_235 : vector<16xf32>
          %mul3A_237 = arith.mulf %max3A_236, %get3A_45 : vector<16xf32>
          %add3A_238 = arith.addf %add3A_223, %mul3A_237 : vector<16xf32>
          %eq3A_239 = vector.broadcast %scan3A_115 : i32 to vector<16xi32>
          %eq3A_240 = arith.cmpi eq, %iota3A, %eq3A_239 : vector<16xi32>
          %lt3A = arith.constant 0 : i32
          %lt3A_241 = vector.broadcast %lt3A : i32 to vector<16xi32>
          %lt3A_242 = arith.cmpi slt, %xor3A_47, %lt3A_241 : vector<16xi32>
          %add3A_243 = arith.constant 16 : i32
          %add3A_244 = vector.broadcast %add3A_243 : i32 to vector<16xi32>
          %add3A_245 = arith.addi %xor3A_47, %add3A_244 : vector<16xi32>
          %select_n3A_246 = arith.select %lt3A_242, %add3A_245, %xor3A_47 : vector<16xi1>, vector<16xi32>
          %broadcast_in_dim3A_247 = vector.shape_cast %select_n3A_246 : vector<16xi32> to vector<16x1xi32>
          %gather3A = vector.shape_cast %broadcast_in_dim3A_247 : vector<16x1xi32> to vector<16xi32>
          %gather3A_248 = tpu.dynamic_gather %add3A_238[%gather3A] in [0] : vector<16xf32>, vector<16xi32> -> vector<16xf32>
          %add3A_249 = arith.addf %add3A_238, %gather3A_248 : vector<16xf32>
          %lt3A_250 = arith.constant 0 : i32
          %lt3A_251 = vector.broadcast %lt3A_250 : i32 to vector<16xi32>
          %lt3A_252 = arith.cmpi slt, %xor3A_50, %lt3A_251 : vector<16xi32>
          %add3A_253 = arith.constant 16 : i32
          %add3A_254 = vector.broadcast %add3A_253 : i32 to vector<16xi32>
          %add3A_255 = arith.addi %xor3A_50, %add3A_254 : vector<16xi32>
          %select_n3A_256 = arith.select %lt3A_252, %add3A_255, %xor3A_50 : vector<16xi1>, vector<16xi32>
          %broadcast_in_dim3A_257 = vector.shape_cast %select_n3A_256 : vector<16xi32> to vector<16x1xi32>
          %gather3A_258 = vector.shape_cast %broadcast_in_dim3A_257 : vector<16x1xi32> to vector<16xi32>
          %gather3A_259 = tpu.dynamic_gather %add3A_249[%gather3A_258] in [0] : vector<16xf32>, vector<16xi32> -> vector<16xf32>
          %add3A_260 = arith.addf %add3A_249, %gather3A_259 : vector<16xf32>
          %lt3A_261 = arith.constant 0 : i32
          %lt3A_262 = vector.broadcast %lt3A_261 : i32 to vector<16xi32>
          %lt3A_263 = arith.cmpi slt, %xor3A_53, %lt3A_262 : vector<16xi32>
          %add3A_264 = arith.constant 16 : i32
          %add3A_265 = vector.broadcast %add3A_264 : i32 to vector<16xi32>
          %add3A_266 = arith.addi %xor3A_53, %add3A_265 : vector<16xi32>
          %select_n3A_267 = arith.select %lt3A_263, %add3A_266, %xor3A_53 : vector<16xi1>, vector<16xi32>
          %broadcast_in_dim3A_268 = vector.shape_cast %select_n3A_267 : vector<16xi32> to vector<16x1xi32>
          %gather3A_269 = vector.shape_cast %broadcast_in_dim3A_268 : vector<16x1xi32> to vector<16xi32>
          %gather3A_270 = tpu.dynamic_gather %add3A_260[%gather3A_269] in [0] : vector<16xf32>, vector<16xi32> -> vector<16xf32>
          %add3A_271 = arith.addf %add3A_260, %gather3A_270 : vector<16xf32>
          %lt3A_272 = arith.constant 0 : i32
          %lt3A_273 = vector.broadcast %lt3A_272 : i32 to vector<16xi32>
          %lt3A_274 = arith.cmpi slt, %xor3A_56, %lt3A_273 : vector<16xi32>
          %add3A_275 = arith.constant 16 : i32
          %add3A_276 = vector.broadcast %add3A_275 : i32 to vector<16xi32>
          %add3A_277 = arith.addi %xor3A_56, %add3A_276 : vector<16xi32>
          %select_n3A_278 = arith.select %lt3A_274, %add3A_277, %xor3A_56 : vector<16xi1>, vector<16xi32>
          %broadcast_in_dim3A_279 = vector.shape_cast %select_n3A_278 : vector<16xi32> to vector<16x1xi32>
          %gather3A_280 = vector.shape_cast %broadcast_in_dim3A_279 : vector<16x1xi32> to vector<16xi32>
          %gather3A_281 = tpu.dynamic_gather %add3A_271[%gather3A_280] in [0] : vector<16xf32>, vector<16xi32> -> vector<16xf32>
          %add3A_282 = arith.addf %add3A_271, %gather3A_281 : vector<16xf32>
          %select_n3A_283 = arith.select %eq3A_240, %add3A_282, %scan3A_116 : vector<16xi1>, vector<16xf32>
          scf.yield %select_n3A_283 : vector<16xf32>
        }
        %scan3A_101 = arith.constant 16 : i32
        %exp3A = math.exp %scan3A_100 : vector<16xf32>
        %mul3A_102 = arith.constant 16 : i32
        %mul3A_103 = arith.muli %scan3A_94, %mul3A_102 : i32
        %swap3A = arith.index_cast %mul3A_103 : i32 to index
        %swap3A_104 = tpu.vector_load %arg12[%swap3A] {strides = array<i32>} : memref<80xf32, #tpu.memory_space<vmem>>, vector<16xf32>,
        %swap3A_105 = vector.shape_cast %swap3A_104 : vector<16xf32> to vector<16xf32>
        %swap3A_106 = vector.shape_cast %exp3A : vector<16xf32> to vector<16xf32>
        tpu.vector_store %arg12[%swap3A], %swap3A_106 {strides = array<i32>} : memref<80xf32, #tpu.memory_space<vmem>>, vector<16xf32>,
        %scan3A_107 = arith.constant 0 : i32
        %scan3A_108 = arith.constant 0 : i32
        %scan3A_109 = arith.constant 16 : i32
        %scan3A_110 = arith.addi %scan3A_108, %scan3A_109 : i32
        %scan3A_111 = arith.constant 1 : i32
        %scan3A_112 = scf.for %scan3A_115 = %scan3A_108 to %scan3A_110 step %scan3A_111 iter_args(%scan3A_116 = %scan3A_107) -> (i32)  : i32 {
          %mul3A_117 = arith.constant 16 : i32
          %mul3A_118 = arith.muli %scan3A_94, %mul3A_117 : i32
          %add3A_119 = arith.addi %mul3A_118, %scan3A_115 : i32
          %broadcast_in_dim3A_120 = vector.broadcast %scan3A_115 : i32 to vector<16xi32>
          %lt3A = arith.constant 0 : i32
          %lt3A_121 = vector.broadcast %lt3A : i32 to vector<16xi32>
          %lt3A_122 = arith.cmpi slt, %broadcast_in_dim3A_120, %lt3A_121 : vector<16xi32>
          %add3A_123 = arith.constant 16 : i32
          %add3A_124 = vector.broadcast %add3A_123 : i32 to vector<16xi32>
          %add3A_125 = arith.addi %broadcast_in_dim3A_120, %add3A_124 : vector<16xi32>
          %select_n3A_126 = arith.select %lt3A_122, %add3A_125, %broadcast_in_dim3A_120 : vector<16xi1>, vector<16xi32>
          %broadcast_in_dim3A_127 = vector.shape_cast %select_n3A_126 : vector<16xi32> to vector<16x1xi32>
          %gather3A = vector.shape_cast %broadcast_in_dim3A_127 : vector<16x1xi32> to vector<16xi32>
          %gather3A_128 = tpu.dynamic_gather %exp3A[%gather3A] in [0] : vector<16xf32>, vector<16xi32> -> vector<16xf32>
          %get3A_129 = arith.index_cast %add3A_119 : i32 to index
          %get3A_130 = arith.constant 0 : index
          %get3A_131 = tpu.vector_load %arg10[%get3A_129, %get3A_130] {strides = array<i32>} : memref<80x128xf32, #tpu.memory_space<vmem>>, vector<1x16xf32>,
          %get3A_132 = vector.shape_cast %get3A_131 : vector<1x16xf32> to vector<16xf32>
          %mul3A_133 = arith.mulf %gather3A_128, %get3A_132 : vector<16xf32>
          %swap3A_134 = arith.index_cast %add3A_119 : i32 to index
          %swap3A_135 = arith.constant 0 : index
          %swap3A_136 = tpu.vector_load %arg10[%swap3A_134, %swap3A_135] {strides = array<i32>} : memref<80x128xf32, #tpu.memory_space<vmem>>, vector<1x16xf32>,
          %swap3A_137 = vector.shape_cast %swap3A_136 : vector<1x16xf32> to vector<16xf32>
          %swap3A_138 = vector.shape_cast %mul3A_133 : vector<16xf32> to vector<1x16xf32>
          tpu.vector_store %arg10[%swap3A_134, %swap3A_135], %swap3A_138 {strides = array<i32>} : memref<80x128xf32, #tpu.memory_space<vmem>>, vector<1x16xf32>,
          %get3A_139 = arith.index_cast %add3A_119 : i32 to index
          %get3A_140 = arith.constant 16 : index
          %get3A_141 = tpu.vector_load %arg10[%get3A_139, %get3A_140] {strides = array<i32>} : memref<80x128xf32, #tpu.memory_space<vmem>>, vector<1x16xf32>,
          %get3A_142 = vector.shape_cast %get3A_141 : vector<1x16xf32> to vector<16xf32>
          %mul3A_143 = arith.mulf %gather3A_128, %get3A_142 : vector<16xf32>
          %swap3A_144 = arith.index_cast %add3A_119 : i32 to index
          %swap3A_145 = arith.constant 16 : index
          %swap3A_146 = tpu.vector_load %arg10[%swap3A_144, %swap3A_145] {strides = array<i32>} : memref<80x128xf32, #tpu.memory_space<vmem>>, vector<1x16xf32>,
          %swap3A_147 = vector.shape_cast %swap3A_146 : vector<1x16xf32> to vector<16xf32>
          %swap3A_148 = vector.shape_cast %mul3A_143 : vector<16xf32> to vector<1x16xf32>
          tpu.vector_store %arg10[%swap3A_144, %swap3A_145], %swap3A_148 {strides = array<i32>} : memref<80x128xf32, #tpu.memory_space<vmem>>, vector<1x16xf32>,
          %get3A_149 = arith.index_cast %add3A_119 : i32 to index
          %get3A_150 = arith.constant 32 : index
          %get3A_151 = tpu.vector_load %arg10[%get3A_149, %get3A_150] {strides = array<i32>} : memref<80x128xf32, #tpu.memory_space<vmem>>, vector<1x16xf32>,
          %get3A_152 = vector.shape_cast %get3A_151 : vector<1x16xf32> to vector<16xf32>
          %mul3A_153 = arith.mulf %gather3A_128, %get3A_152 : vector<16xf32>
          %swap3A_154 = arith.index_cast %add3A_119 : i32 to index
          %swap3A_155 = arith.constant 32 : index
          %swap3A_156 = tpu.vector_load %arg10[%swap3A_154, %swap3A_155] {strides = array<i32>} : memref<80x128xf32, #tpu.memory_space<vmem>>, vector<1x16xf32>,
          %swap3A_157 = vector.shape_cast %swap3A_156 : vector<1x16xf32> to vector<16xf32>
          %swap3A_158 = vector.shape_cast %mul3A_153 : vector<16xf32> to vector<1x16xf32>
          tpu.vector_store %arg10[%swap3A_154, %swap3A_155], %swap3A_158 {strides = array<i32>} : memref<80x128xf32, #tpu.memory_space<vmem>>, vector<1x16xf32>,
          %get3A_159 = arith.index_cast %add3A_119 : i32 to index
          %get3A_160 = arith.constant 48 : index
          %get3A_161 = tpu.vector_load %arg10[%get3A_159, %get3A_160] {strides = array<i32>} : memref<80x128xf32, #tpu.memory_space<vmem>>, vector<1x16xf32>,
          %get3A_162 = vector.shape_cast %get3A_161 : vector<1x16xf32> to vector<16xf32>
          %mul3A_163 = arith.mulf %gather3A_128, %get3A_162 : vector<16xf32>
          %swap3A_164 = arith.index_cast %add3A_119 : i32 to index
          %swap3A_165 = arith.constant 48 : index
          %swap3A_166 = tpu.vector_load %arg10[%swap3A_164, %swap3A_165] {strides = array<i32>} : memref<80x128xf32, #tpu.memory_space<vmem>>, vector<1x16xf32>,
          %swap3A_167 = vector.shape_cast %swap3A_166 : vector<1x16xf32> to vector<16xf32>
          %swap3A_168 = vector.shape_cast %mul3A_163 : vector<16xf32> to vector<1x16xf32>
          tpu.vector_store %arg10[%swap3A_164, %swap3A_165], %swap3A_168 {strides = array<i32>} : memref<80x128xf32, #tpu.memory_space<vmem>>, vector<1x16xf32>,
          %get3A_169 = arith.index_cast %add3A_119 : i32 to index
          %get3A_170 = arith.constant 64 : index
          %get3A_171 = tpu.vector_load %arg10[%get3A_169, %get3A_170] {strides = array<i32>} : memref<80x128xf32, #tpu.memory_space<vmem>>, vector<1x16xf32>,
          %get3A_172 = vector.shape_cast %get3A_171 : vector<1x16xf32> to vector<16xf32>
          %mul3A_173 = arith.mulf %gather3A_128, %get3A_172 : vector<16xf32>
          %swap3A_174 = arith.index_cast %add3A_119 : i32 to index
          %swap3A_175 = arith.constant 64 : index
          %swap3A_176 = tpu.vector_load %arg10[%swap3A_174, %swap3A_175] {strides = array<i32>} : memref<80x128xf32, #tpu.memory_space<vmem>>, vector<1x16xf32>,
          %swap3A_177 = vector.shape_cast %swap3A_176 : vector<1x16xf32> to vector<16xf32>
          %swap3A_178 = vector.shape_cast %mul3A_173 : vector<16xf32> to vector<1x16xf32>
          tpu.vector_store %arg10[%swap3A_174, %swap3A_175], %swap3A_178 {strides = array<i32>} : memref<80x128xf32, #tpu.memory_space<vmem>>, vector<1x16xf32>,
          %get3A_179 = arith.index_cast %add3A_119 : i32 to index
          %get3A_180 = arith.constant 80 : index
          %get3A_181 = tpu.vector_load %arg10[%get3A_179, %get3A_180] {strides = array<i32>} : memref<80x128xf32, #tpu.memory_space<vmem>>, vector<1x16xf32>,
          %get3A_182 = vector.shape_cast %get3A_181 : vector<1x16xf32> to vector<16xf32>
          %mul3A_183 = arith.mulf %gather3A_128, %get3A_182 : vector<16xf32>
          %swap3A_184 = arith.index_cast %add3A_119 : i32 to index
          %swap3A_185 = arith.constant 80 : index
          %swap3A_186 = tpu.vector_load %arg10[%swap3A_184, %swap3A_185] {strides = array<i32>} : memref<80x128xf32, #tpu.memory_space<vmem>>, vector<1x16xf32>,
          %swap3A_187 = vector.shape_cast %swap3A_186 : vector<1x16xf32> to vector<16xf32>
          %swap3A_188 = vector.shape_cast %mul3A_183 : vector<16xf32> to vector<1x16xf32>
          tpu.vector_store %arg10[%swap3A_184, %swap3A_185], %swap3A_188 {strides = array<i32>} : memref<80x128xf32, #tpu.memory_space<vmem>>, vector<1x16xf32>,
          %get3A_189 = arith.index_cast %add3A_119 : i32 to index
          %get3A_190 = arith.constant 96 : index
          %get3A_191 = tpu.vector_load %arg10[%get3A_189, %get3A_190] {strides = array<i32>} : memref<80x128xf32, #tpu.memory_space<vmem>>, vector<1x16xf32>,
          %get3A_192 = vector.shape_cast %get3A_191 : vector<1x16xf32> to vector<16xf32>
          %mul3A_193 = arith.mulf %gather3A_128, %get3A_192 : vector<16xf32>
          %swap3A_194 = arith.index_cast %add3A_119 : i32 to index
          %swap3A_195 = arith.constant 96 : index
          %swap3A_196 = tpu.vector_load %arg10[%swap3A_194, %swap3A_195] {strides = array<i32>} : memref<80x128xf32, #tpu.memory_space<vmem>>, vector<1x16xf32>,
          %swap3A_197 = vector.shape_cast %swap3A_196 : vector<1x16xf32> to vector<16xf32>
          %swap3A_198 = vector.shape_cast %mul3A_193 : vector<16xf32> to vector<1x16xf32>
          tpu.vector_store %arg10[%swap3A_194, %swap3A_195], %swap3A_198 {strides = array<i32>} : memref<80x128xf32, #tpu.memory_space<vmem>>, vector<1x16xf32>,
          %get3A_199 = arith.index_cast %add3A_119 : i32 to index
          %get3A_200 = arith.constant 112 : index
          %get3A_201 = tpu.vector_load %arg10[%get3A_199, %get3A_200] {strides = array<i32>} : memref<80x128xf32, #tpu.memory_space<vmem>>, vector<1x16xf32>,
          %get3A_202 = vector.shape_cast %get3A_201 : vector<1x16xf32> to vector<16xf32>
          %mul3A_203 = arith.mulf %gather3A_128, %get3A_202 : vector<16xf32>
          %swap3A_204 = arith.index_cast %add3A_119 : i32 to index
          %swap3A_205 = arith.constant 112 : index
          %swap3A_206 = tpu.vector_load %arg10[%swap3A_204, %swap3A_205] {strides = array<i32>} : memref<80x128xf32, #tpu.memory_space<vmem>>, vector<1x16xf32>,
          %swap3A_207 = vector.shape_cast %swap3A_206 : vector<1x16xf32> to vector<16xf32>
          %swap3A_208 = vector.shape_cast %mul3A_203 : vector<16xf32> to vector<1x16xf32>
          tpu.vector_store %arg10[%swap3A_204, %swap3A_205], %swap3A_208 {strides = array<i32>} : memref<80x128xf32, #tpu.memory_space<vmem>>, vector<1x16xf32>,
          %scan3A_209 = arith.constant 0 : i32
          scf.yield %scan3A_209 : i32
        }
        %scan3A_113 = arith.constant 16 : i32
        %scan3A_114 = arith.constant 0 : i32
        scf.yield %scan3A_114 : i32
      }
      %scan3A_91 = arith.constant 5 : i32
      "tpu.region"() ({
        %run_scoped3A_94 = tpu.sem_alloc : memref<!tpu.dma_semaphore, #tpu.memory_space<semaphore_mem>>
        %dma_start3A = tpu.memref_slice %arg7[%add3A_83] : memref<320000xf32, #tpu.memory_space<hbm>> -> memref<80xf32, #tpu.memory_space<hbm>>
        %dma_start3A_95 = tpu.memref_slice %arg7[%add3A_83] : memref<320000xf32, #tpu.memory_space<hbm>> -> memref<80xf32, #tpu.memory_space<hbm>>
        tpu.enqueue_dma source(%arg12 : memref<80xf32, #tpu.memory_space<vmem>>) target(%dma_start3A_95 : memref<80xf32, #tpu.memory_space<hbm>>) target_semaphore(%run_scoped3A_94 : memref<!tpu.dma_semaphore, #tpu.memory_space<semaphore_mem>>)
        %dma_wait3A = tpu.memref_slice %arg7[%add3A_83] : memref<320000xf32, #tpu.memory_space<hbm>> -> memref<80xf32, #tpu.memory_space<hbm>>
        %dma_wait3A_96 = tpu.memref_slice %arg7[%add3A_83] : memref<320000xf32, #tpu.memory_space<hbm>> -> memref<80xf32, #tpu.memory_space<hbm>>
        tpu.wait_dma2 semaphore(%run_scoped3A_94 : memref<!tpu.dma_semaphore, #tpu.memory_space<semaphore_mem>>) src(%arg12 : memref<80xf32, #tpu.memory_space<vmem>>) dst(%dma_wait3A_96 : memref<80xf32, #tpu.memory_space<hbm>>)
        tpu.yield
      }) : () -> ()
      %run_scoped3A_92 = arith.constant 1 : i32
      "tpu.region"() ({
        %run_scoped3A_94 = tpu.sem_alloc : memref<!tpu.dma_semaphore, #tpu.memory_space<semaphore_mem>>
        %dma_start3A = arith.constant 0 : i32
        %dma_start3A_95 = tpu.memref_slice %arg9[%run_scoped3A_92, %dma_start3A] : memref<2x80xi32, #tpu.memory_space<vmem>> -> memref<1x80xi32, #tpu.memory_space<vmem>>
        %dma_start3A_96 = tpu.memref_squeeze %dma_start3A_95 : memref<1x80xi32, #tpu.memory_space<vmem>> -> memref<80xi32, #tpu.memory_space<vmem>>
        %dma_start3A_97 = arith.constant 0 : i32
        %dma_start3A_98 = arith.constant 0 : i32
        %dma_start3A_99 = tpu.memref_slice %arg8[%dma_start3A_97, %dma_start3A_98] : memref<10000x128xf32, #tpu.memory_space<vmem_shared>> -> memref<10000x128xf32, #tpu.memory_space<vmem_shared>>
        tpu.enqueue_indirect_dma source(%arg10 : memref<80x128xf32, #tpu.memory_space<vmem>>) target(%dma_start3A_99 : memref<10000x128xf32, #tpu.memory_space<vmem_shared>>) offsets(%dma_start3A_96 : memref<80xi32, #tpu.memory_space<vmem>>) semaphore(%run_scoped3A_94 : memref<!tpu.dma_semaphore, #tpu.memory_space<semaphore_mem>>) {add = true}
        %dma_wait3A = arith.constant 0 : i32
        %dma_wait3A_100 = tpu.memref_slice %arg9[%run_scoped3A_92, %dma_wait3A] : memref<2x80xi32, #tpu.memory_space<vmem>> -> memref<1x80xi32, #tpu.memory_space<vmem>>
        %dma_wait3A_101 = tpu.memref_squeeze %dma_wait3A_100 : memref<1x80xi32, #tpu.memory_space<vmem>> -> memref<80xi32, #tpu.memory_space<vmem>>
        %dma_wait3A_102 = arith.constant 0 : i32
        %dma_wait3A_103 = arith.constant 0 : i32
        %dma_wait3A_104 = tpu.memref_slice %arg8[%dma_wait3A_102, %dma_wait3A_103] : memref<10000x128xf32, #tpu.memory_space<vmem_shared>> -> memref<10000x128xf32, #tpu.memory_space<vmem_shared>>
        tpu.wait_indirect_dma semaphore(%run_scoped3A_94 : memref<!tpu.dma_semaphore, #tpu.memory_space<semaphore_mem>>) src(%arg10 : memref<80x128xf32, #tpu.memory_space<vmem>>) dst(%dma_wait3A_104 : memref<10000x128xf32, #tpu.memory_space<vmem_shared>>)
        tpu.yield
      }) : () -> ()
      %scan3A_93 = arith.constant 0 : i32
      scf.yield %scan3A_93 : i32
    }
    %scan3A_63 = arith.constant 125 : i32
    %barrier3A_64 = arith.constant 0 : index
    tpu.barrier barrier_id(%barrier3A_64)
    %while3A_65 = arith.constant 0 : i32
    %while3A_66 = arith.constant 0 : i32
    %while3A_67 = arith.subi %select_n3A, %while3A_65 : i32
    %while3A_68 = arith.addi %while3A_65, %while3A_67 : i32
    %while3A_69 = arith.constant 1 : i32
    %while3A_70 = arith.divsi %while3A_67, %while3A_69 : i32
    %while3A_71 = arith.muli %while3A_70, %while3A_69 : i32
    %while3A_72 = arith.addi %while3A_65, %while3A_71 : i32
    %while3A_73 = arith.constant 1 : i32
    %while3A_74 = scf.for %while3A_77 = %while3A_65 to %while3A_72 step %while3A_73 iter_args(%while3A_78 = %while3A_66) -> (i32)  : i32 {
      %mul3A_79 = arith.constant 8 : i32
      %mul3A_80 = arith.muli %while3A_77, %mul3A_79 : i32
      %add3A_81 = arith.addi %mul3A_9, %mul3A_80 : i32
      "tpu.region"() ({
        %run_scoped3A = tpu.sem_alloc : memref<!tpu.dma_semaphore, #tpu.memory_space<semaphore_mem>>
        %dma_start3A = arith.constant 0 : i32
        %dma_start3A_83 = tpu.memref_slice %arg6[%arg0, %add3A_81, %dma_start3A] : memref<2x10000x128xf32, #tpu.memory_space<hbm>> -> memref<1x8x128xf32, #tpu.memory_space<hbm>>
        %dma_start3A_84 = tpu.memref_squeeze %dma_start3A_83 : memref<1x8x128xf32, #tpu.memory_space<hbm>> -> memref<8x128xf32, #tpu.memory_space<hbm>>
        %dma_start3A_85 = arith.constant 0 : i32
        %dma_start3A_86 = tpu.memref_slice %arg8[%add3A_81, %dma_start3A_85] : memref<10000x128xf32, #tpu.memory_space<vmem_shared>> -> memref<8x128xf32, #tpu.memory_space<vmem_shared>>
        tpu.enqueue_dma source(%dma_start3A_86 : memref<8x128xf32, #tpu.memory_space<vmem_shared>>) target(%dma_start3A_84 : memref<8x128xf32, #tpu.memory_space<hbm>>) target_semaphore(%run_scoped3A : memref<!tpu.dma_semaphore, #tpu.memory_space<semaphore_mem>>)
        %dma_wait3A = arith.constant 0 : i32
        %dma_wait3A_87 = tpu.memref_slice %arg6[%arg0, %add3A_81, %dma_wait3A] : memref<2x10000x128xf32, #tpu.memory_space<hbm>> -> memref<1x8x128xf32, #tpu.memory_space<hbm>>
        %dma_wait3A_88 = tpu.memref_squeeze %dma_wait3A_87 : memref<1x8x128xf32, #tpu.memory_space<hbm>> -> memref<8x128xf32, #tpu.memory_space<hbm>>
        %dma_wait3A_89 = arith.constant 0 : i32
        %dma_wait3A_90 = tpu.memref_slice %arg8[%add3A_81, %dma_wait3A_89] : memref<10000x128xf32, #tpu.memory_space<vmem_shared>> -> memref<8x128xf32, #tpu.memory_space<vmem_shared>>
        tpu.wait_dma2 semaphore(%run_scoped3A : memref<!tpu.dma_semaphore, #tpu.memory_space<semaphore_mem>>) src(%dma_wait3A_90 : memref<8x128xf32, #tpu.memory_space<vmem_shared>>) dst(%dma_wait3A_88 : memref<8x128xf32, #tpu.memory_space<hbm>>)
        tpu.yield
      }) : () -> ()
      %while3A_82 = arith.constant 0 : i32
      scf.yield %while3A_82 : i32
    }
    %while3A_75 = arith.constant 1 : i32
    %while3A_76 = scf.for %while3A_77 = %while3A_72 to %while3A_68 step %while3A_75 iter_args(%while3A_78 = %while3A_74) -> (i32)  : i32 {
      %mul3A_79 = arith.constant 8 : i32
      %mul3A_80 = arith.muli %while3A_77, %mul3A_79 : i32
      %add3A_81 = arith.addi %mul3A_9, %mul3A_80 : i32
      "tpu.region"() ({
        %run_scoped3A = tpu.sem_alloc : memref<!tpu.dma_semaphore, #tpu.memory_space<semaphore_mem>>
        %dma_start3A = arith.constant 0 : i32
        %dma_start3A_83 = tpu.memref_slice %arg6[%arg0, %add3A_81, %dma_start3A] : memref<2x10000x128xf32, #tpu.memory_space<hbm>> -> memref<1x8x128xf32, #tpu.memory_space<hbm>>
        %dma_start3A_84 = tpu.memref_squeeze %dma_start3A_83 : memref<1x8x128xf32, #tpu.memory_space<hbm>> -> memref<8x128xf32, #tpu.memory_space<hbm>>
        %dma_start3A_85 = arith.constant 0 : i32
        %dma_start3A_86 = tpu.memref_slice %arg8[%add3A_81, %dma_start3A_85] : memref<10000x128xf32, #tpu.memory_space<vmem_shared>> -> memref<8x128xf32, #tpu.memory_space<vmem_shared>>
        tpu.enqueue_dma source(%dma_start3A_86 : memref<8x128xf32, #tpu.memory_space<vmem_shared>>) target(%dma_start3A_84 : memref<8x128xf32, #tpu.memory_space<hbm>>) target_semaphore(%run_scoped3A : memref<!tpu.dma_semaphore, #tpu.memory_space<semaphore_mem>>)
        %dma_wait3A = arith.constant 0 : i32
        %dma_wait3A_87 = tpu.memref_slice %arg6[%arg0, %add3A_81, %dma_wait3A] : memref<2x10000x128xf32, #tpu.memory_space<hbm>> -> memref<1x8x128xf32, #tpu.memory_space<hbm>>
        %dma_wait3A_88 = tpu.memref_squeeze %dma_wait3A_87 : memref<1x8x128xf32, #tpu.memory_space<hbm>> -> memref<8x128xf32, #tpu.memory_space<hbm>>
        %dma_wait3A_89 = arith.constant 0 : i32
        %dma_wait3A_90 = tpu.memref_slice %arg8[%add3A_81, %dma_wait3A_89] : memref<10000x128xf32, #tpu.memory_space<vmem_shared>> -> memref<8x128xf32, #tpu.memory_space<vmem_shared>>
        tpu.wait_dma2 semaphore(%run_scoped3A : memref<!tpu.dma_semaphore, #tpu.memory_space<semaphore_mem>>) src(%dma_wait3A_90 : memref<8x128xf32, #tpu.memory_space<vmem_shared>>) dst(%dma_wait3A_88 : memref<8x128xf32, #tpu.memory_space<hbm>>)
        tpu.yield
      }) : () -> ()
      %while3A_82 = arith.constant 0 : i32
      scf.yield %while3A_82 : i32
    }
    return
  }
}

#map = affine_map<(d0, d1) -> (0)>
#map1 = affine_map<(d0, d1) -> (0, 0, 0)>
module attributes {stable_mosaic.version = 14 : i64} {
  func.func @body(%arg0: i32, %arg1: i32, %arg2: memref<320000xf32, #tpu.memory_space<hbm>>, %arg3: memref<32x125x80xi32, #tpu.memory_space<hbm>>, %arg4: memref<2x10000x16xf32, #tpu.memory_space<hbm>>, %arg5: memref<10000x16xf32, #tpu.memory_space<vmem_shared>>, %arg6: memref<125x80xi32, #tpu.memory_space<vmem>>, %arg7: memref<10000xf32, #tpu.memory_space<vmem>>, %arg8: memref<80x16xf32, #tpu.memory_space<vmem>>, %arg9: memref<8x16xf32, #tpu.memory_space<vmem>>) attributes {dimension_semantics = [#tpu.dimension_semantics<core_parallel>, #tpu.dimension_semantics<subcore_parallel>], iteration_bounds = array<i64: 2, 16>, scalar_prefetch = 0 : i64, scratch_operands = 5 : i64, tpu.core_type = #tpu.core_type<sc_vector_subcore>, window_params = [{transform_indices = #map}, {transform_indices = #map1}, {transform_indices = #map1}]} {
    %mul3A = arith.constant 16 : i32
    %mul3A_0 = arith.muli %arg0, %mul3A : i32
    %add3A = arith.addi %mul3A_0, %arg1 : i32
    %broadcast_in_dim3A = arith.constant 0.000000e+00 : f32
    %broadcast_in_dim3A_1 = vector.broadcast %broadcast_in_dim3A : f32 to vector<16xf32>
    %iota3A = tpu.iota {dimensions = array<i32: 0>} : vector<16xi32>
    %scan3A = arith.constant 0 : i32
    %scan3A_2 = arith.constant 0 : i32
    %scan3A_3 = arith.constant 8 : i32
    %scan3A_4 = arith.addi %scan3A_2, %scan3A_3 : i32
    %scan3A_5 = arith.constant 1 : i32
    %scan3A_6 = scf.for %scan3A_45 = %scan3A_2 to %scan3A_4 step %scan3A_5 iter_args(%scan3A_46 = %scan3A) -> (i32)  : i32 {
      %swap3A = arith.index_cast %scan3A_45 : i32 to index
      %swap3A_47 = arith.constant 0 : index
      %swap3A_48 = tpu.vector_load %arg9[%swap3A, %swap3A_47] {strides = array<i32>} : memref<8x16xf32, #tpu.memory_space<vmem>>, vector<1x16xf32>,
      %swap3A_49 = vector.shape_cast %swap3A_48 : vector<1x16xf32> to vector<16xf32>
      %swap3A_50 = vector.shape_cast %broadcast_in_dim3A_1 : vector<16xf32> to vector<1x16xf32>
      tpu.vector_store %arg9[%swap3A, %swap3A_47], %swap3A_50 {strides = array<i32>} : memref<8x16xf32, #tpu.memory_space<vmem>>, vector<1x16xf32>,
      %scan3A_51 = arith.constant 0 : i32
      scf.yield %scan3A_51 : i32
    }
    %scan3A_7 = arith.constant 8 : i32
    %mul3A_8 = arith.constant 624 : i32
    %mul3A_9 = arith.muli %arg1, %mul3A_8 : i32
    %eq3A = arith.constant 15 : i32
    %eq3A_10 = arith.cmpi eq, %arg1, %eq3A : i32
    %jit3A = arith.constant 80 : i32
    %jit3A_11 = arith.constant 78 : i32
    %select_n3A = arith.select %eq3A_10, %jit3A, %jit3A_11 : i32
    %while3A = arith.constant 0 : i32
    %while3A_12 = arith.constant 0 : i32
    %while3A_13 = arith.subi %select_n3A, %while3A : i32
    %while3A_14 = arith.addi %while3A, %while3A_13 : i32
    %while3A_15 = arith.constant 1 : i32
    %while3A_16 = arith.divsi %while3A_13, %while3A_15 : i32
    %while3A_17 = arith.muli %while3A_16, %while3A_15 : i32
    %while3A_18 = arith.addi %while3A, %while3A_17 : i32
    %while3A_19 = arith.constant 1 : i32
    %while3A_20 = scf.for %while3A_45 = %while3A to %while3A_18 step %while3A_19 iter_args(%while3A_46 = %while3A_12) -> (i32)  : i32 {
      %mul3A_47 = arith.constant 8 : i32
      %mul3A_48 = arith.muli %while3A_45, %mul3A_47 : i32
      %add3A_49 = arith.addi %mul3A_9, %mul3A_48 : i32
      "tpu.region"() ({
        %run_scoped3A = tpu.sem_alloc : memref<!tpu.dma_semaphore, #tpu.memory_space<semaphore_mem>>
        %dma_start3A = arith.constant 0 : i32
        %dma_start3A_51 = tpu.memref_slice %arg5[%add3A_49, %dma_start3A] : memref<10000x16xf32, #tpu.memory_space<vmem_shared>> -> memref<8x16xf32, #tpu.memory_space<vmem_shared>>
        %dma_start3A_52 = arith.constant 0 : i32
        %dma_start3A_53 = tpu.memref_slice %arg5[%add3A_49, %dma_start3A_52] : memref<10000x16xf32, #tpu.memory_space<vmem_shared>> -> memref<8x16xf32, #tpu.memory_space<vmem_shared>>
        tpu.enqueue_dma source(%arg9 : memref<8x16xf32, #tpu.memory_space<vmem>>) target(%dma_start3A_53 : memref<8x16xf32, #tpu.memory_space<vmem_shared>>) target_semaphore(%run_scoped3A : memref<!tpu.dma_semaphore, #tpu.memory_space<semaphore_mem>>)
        %dma_wait3A = arith.constant 0 : i32
        %dma_wait3A_54 = tpu.memref_slice %arg5[%add3A_49, %dma_wait3A] : memref<10000x16xf32, #tpu.memory_space<vmem_shared>> -> memref<8x16xf32, #tpu.memory_space<vmem_shared>>
        %dma_wait3A_55 = arith.constant 0 : i32
        %dma_wait3A_56 = tpu.memref_slice %arg5[%add3A_49, %dma_wait3A_55] : memref<10000x16xf32, #tpu.memory_space<vmem_shared>> -> memref<8x16xf32, #tpu.memory_space<vmem_shared>>
        tpu.wait_dma2 semaphore(%run_scoped3A : memref<!tpu.dma_semaphore, #tpu.memory_space<semaphore_mem>>) src(%arg9 : memref<8x16xf32, #tpu.memory_space<vmem>>) dst(%dma_wait3A_56 : memref<8x16xf32, #tpu.memory_space<vmem_shared>>)
        tpu.yield
      }) : () -> ()
      %while3A_50 = arith.constant 0 : i32
      scf.yield %while3A_50 : i32
    }
    %while3A_21 = arith.constant 1 : i32
    %while3A_22 = scf.for %while3A_45 = %while3A_18 to %while3A_14 step %while3A_21 iter_args(%while3A_46 = %while3A_20) -> (i32)  : i32 {
      %mul3A_47 = arith.constant 8 : i32
      %mul3A_48 = arith.muli %while3A_45, %mul3A_47 : i32
      %add3A_49 = arith.addi %mul3A_9, %mul3A_48 : i32
      "tpu.region"() ({
        %run_scoped3A = tpu.sem_alloc : memref<!tpu.dma_semaphore, #tpu.memory_space<semaphore_mem>>
        %dma_start3A = arith.constant 0 : i32
        %dma_start3A_51 = tpu.memref_slice %arg5[%add3A_49, %dma_start3A] : memref<10000x16xf32, #tpu.memory_space<vmem_shared>> -> memref<8x16xf32, #tpu.memory_space<vmem_shared>>
        %dma_start3A_52 = arith.constant 0 : i32
        %dma_start3A_53 = tpu.memref_slice %arg5[%add3A_49, %dma_start3A_52] : memref<10000x16xf32, #tpu.memory_space<vmem_shared>> -> memref<8x16xf32, #tpu.memory_space<vmem_shared>>
        tpu.enqueue_dma source(%arg9 : memref<8x16xf32, #tpu.memory_space<vmem>>) target(%dma_start3A_53 : memref<8x16xf32, #tpu.memory_space<vmem_shared>>) target_semaphore(%run_scoped3A : memref<!tpu.dma_semaphore, #tpu.memory_space<semaphore_mem>>)
        %dma_wait3A = arith.constant 0 : i32
        %dma_wait3A_54 = tpu.memref_slice %arg5[%add3A_49, %dma_wait3A] : memref<10000x16xf32, #tpu.memory_space<vmem_shared>> -> memref<8x16xf32, #tpu.memory_space<vmem_shared>>
        %dma_wait3A_55 = arith.constant 0 : i32
        %dma_wait3A_56 = tpu.memref_slice %arg5[%add3A_49, %dma_wait3A_55] : memref<10000x16xf32, #tpu.memory_space<vmem_shared>> -> memref<8x16xf32, #tpu.memory_space<vmem_shared>>
        tpu.wait_dma2 semaphore(%run_scoped3A : memref<!tpu.dma_semaphore, #tpu.memory_space<semaphore_mem>>) src(%arg9 : memref<8x16xf32, #tpu.memory_space<vmem>>) dst(%dma_wait3A_56 : memref<8x16xf32, #tpu.memory_space<vmem_shared>>)
        tpu.yield
      }) : () -> ()
      %while3A_50 = arith.constant 0 : i32
      scf.yield %while3A_50 : i32
    }
    %barrier3A = arith.constant 0 : index
    tpu.barrier barrier_id(%barrier3A)
    "tpu.region"() ({
      %run_scoped3A = tpu.sem_alloc : memref<!tpu.dma_semaphore, #tpu.memory_space<semaphore_mem>>
      %dma_start3A = arith.constant 0 : i32
      %dma_start3A_45 = arith.constant 0 : i32
      %dma_start3A_46 = tpu.memref_slice %arg3[%add3A, %dma_start3A, %dma_start3A_45] : memref<32x125x80xi32, #tpu.memory_space<hbm>> -> memref<1x125x80xi32, #tpu.memory_space<hbm>>
      %dma_start3A_47 = tpu.memref_squeeze %dma_start3A_46 : memref<1x125x80xi32, #tpu.memory_space<hbm>> -> memref<125x80xi32, #tpu.memory_space<hbm>>
      %dma_start3A_48 = arith.constant 0 : i32
      %dma_start3A_49 = arith.constant 0 : i32
      %dma_start3A_50 = tpu.memref_slice %arg3[%add3A, %dma_start3A_48, %dma_start3A_49] : memref<32x125x80xi32, #tpu.memory_space<hbm>> -> memref<1x125x80xi32, #tpu.memory_space<hbm>>
      %dma_start3A_51 = tpu.memref_squeeze %dma_start3A_50 : memref<1x125x80xi32, #tpu.memory_space<hbm>> -> memref<125x80xi32, #tpu.memory_space<hbm>>
      tpu.enqueue_dma source(%dma_start3A_51 : memref<125x80xi32, #tpu.memory_space<hbm>>) target(%arg6 : memref<125x80xi32, #tpu.memory_space<vmem>>) target_semaphore(%run_scoped3A : memref<!tpu.dma_semaphore, #tpu.memory_space<semaphore_mem>>)
      %dma_wait3A = arith.constant 0 : i32
      %dma_wait3A_52 = arith.constant 0 : i32
      %dma_wait3A_53 = tpu.memref_slice %arg3[%add3A, %dma_wait3A, %dma_wait3A_52] : memref<32x125x80xi32, #tpu.memory_space<hbm>> -> memref<1x125x80xi32, #tpu.memory_space<hbm>>
      %dma_wait3A_54 = tpu.memref_squeeze %dma_wait3A_53 : memref<1x125x80xi32, #tpu.memory_space<hbm>> -> memref<125x80xi32, #tpu.memory_space<hbm>>
      %dma_wait3A_55 = arith.constant 0 : i32
      %dma_wait3A_56 = arith.constant 0 : i32
      %dma_wait3A_57 = tpu.memref_slice %arg3[%add3A, %dma_wait3A_55, %dma_wait3A_56] : memref<32x125x80xi32, #tpu.memory_space<hbm>> -> memref<1x125x80xi32, #tpu.memory_space<hbm>>
      %dma_wait3A_58 = tpu.memref_squeeze %dma_wait3A_57 : memref<1x125x80xi32, #tpu.memory_space<hbm>> -> memref<125x80xi32, #tpu.memory_space<hbm>>
      tpu.wait_dma2 semaphore(%run_scoped3A : memref<!tpu.dma_semaphore, #tpu.memory_space<semaphore_mem>>) src(%dma_wait3A_58 : memref<125x80xi32, #tpu.memory_space<hbm>>) dst(%arg6 : memref<125x80xi32, #tpu.memory_space<vmem>>)
      tpu.yield
    }) : () -> ()
    %mul3A_23 = arith.constant 10000 : i32
    %mul3A_24 = arith.muli %add3A, %mul3A_23 : i32
    "tpu.region"() ({
      %run_scoped3A = tpu.sem_alloc : memref<!tpu.dma_semaphore, #tpu.memory_space<semaphore_mem>>
      %dma_start3A = tpu.memref_slice %arg2[%mul3A_24] : memref<320000xf32, #tpu.memory_space<hbm>> -> memref<10000xf32, #tpu.memory_space<hbm>>
      %dma_start3A_45 = tpu.memref_slice %arg2[%mul3A_24] : memref<320000xf32, #tpu.memory_space<hbm>> -> memref<10000xf32, #tpu.memory_space<hbm>>
      tpu.enqueue_dma source(%dma_start3A_45 : memref<10000xf32, #tpu.memory_space<hbm>>) target(%arg7 : memref<10000xf32, #tpu.memory_space<vmem>>) target_semaphore(%run_scoped3A : memref<!tpu.dma_semaphore, #tpu.memory_space<semaphore_mem>>)
      %dma_wait3A = tpu.memref_slice %arg2[%mul3A_24] : memref<320000xf32, #tpu.memory_space<hbm>> -> memref<10000xf32, #tpu.memory_space<hbm>>
      %dma_wait3A_46 = tpu.memref_slice %arg2[%mul3A_24] : memref<320000xf32, #tpu.memory_space<hbm>> -> memref<10000xf32, #tpu.memory_space<hbm>>
      tpu.wait_dma2 semaphore(%run_scoped3A : memref<!tpu.dma_semaphore, #tpu.memory_space<semaphore_mem>>) src(%dma_wait3A_46 : memref<10000xf32, #tpu.memory_space<hbm>>) dst(%arg7 : memref<10000xf32, #tpu.memory_space<vmem>>)
      tpu.yield
    }) : () -> ()
    %scan3A_25 = arith.constant 0 : i32
    %scan3A_26 = arith.constant 0 : i32
    %scan3A_27 = arith.constant 125 : i32
    %scan3A_28 = arith.addi %scan3A_26, %scan3A_27 : i32
    %scan3A_29 = arith.constant 1 : i32
    %scan3A_30 = scf.for %scan3A_45 = %scan3A_26 to %scan3A_28 step %scan3A_29 iter_args(%scan3A_46 = %scan3A_25) -> (i32)  : i32 {
      %scan3A_47 = arith.constant 0 : i32
      %scan3A_48 = arith.constant 0 : i32
      %scan3A_49 = arith.constant 5 : i32
      %scan3A_50 = arith.addi %scan3A_48, %scan3A_49 : i32
      %scan3A_51 = arith.constant 1 : i32
      %scan3A_52 = scf.for %scan3A_55 = %scan3A_48 to %scan3A_50 step %scan3A_51 iter_args(%scan3A_56 = %scan3A_47) -> (i32)  : i32 {
        %mul3A_57 = arith.constant 80 : i32
        %mul3A_58 = arith.muli %scan3A_45, %mul3A_57 : i32
        %mul3A_59 = arith.constant 16 : i32
        %mul3A_60 = arith.muli %scan3A_55, %mul3A_59 : i32
        %add3A_61 = arith.addi %mul3A_58, %mul3A_60 : i32
        %get3A = arith.index_cast %add3A_61 : i32 to index
        %get3A_62 = tpu.vector_load %arg7[%get3A] {strides = array<i32>} : memref<10000xf32, #tpu.memory_space<vmem>>, vector<16xf32>,
        %get3A_63 = vector.shape_cast %get3A_62 : vector<16xf32> to vector<16xf32>
        %scan3A_64 = arith.constant 0 : i32
        %scan3A_65 = arith.constant 0 : i32
        %scan3A_66 = arith.constant 16 : i32
        %scan3A_67 = arith.addi %scan3A_65, %scan3A_66 : i32
        %scan3A_68 = arith.constant 1 : i32
        %scan3A_69 = scf.for %scan3A_72 = %scan3A_65 to %scan3A_67 step %scan3A_68 iter_args(%scan3A_73 = %scan3A_64) -> (i32)  : i32 {
          %mul3A_74 = arith.constant 16 : i32
          %mul3A_75 = arith.muli %scan3A_55, %mul3A_74 : i32
          %add3A_76 = arith.addi %mul3A_75, %scan3A_72 : i32
          %broadcast_in_dim3A_77 = vector.broadcast %scan3A_72 : i32 to vector<16xi32>
          %lt3A = arith.constant 0 : i32
          %lt3A_78 = vector.broadcast %lt3A : i32 to vector<16xi32>
          %lt3A_79 = arith.cmpi slt, %broadcast_in_dim3A_77, %lt3A_78 : vector<16xi32>
          %add3A_80 = arith.constant 16 : i32
          %add3A_81 = vector.broadcast %add3A_80 : i32 to vector<16xi32>
          %add3A_82 = arith.addi %broadcast_in_dim3A_77, %add3A_81 : vector<16xi32>
          %select_n3A_83 = arith.select %lt3A_79, %add3A_82, %broadcast_in_dim3A_77 : vector<16xi1>, vector<16xi32>
          %broadcast_in_dim3A_84 = vector.shape_cast %select_n3A_83 : vector<16xi32> to vector<16x1xi32>
          %gather3A = vector.shape_cast %broadcast_in_dim3A_84 : vector<16x1xi32> to vector<16xi32>
          %gather3A_85 = tpu.dynamic_gather %get3A_63[%gather3A] in [0] : vector<16xf32>, vector<16xi32> -> vector<16xf32>
          %eq3A_86 = vector.broadcast %scan3A_72 : i32 to vector<16xi32>
          %eq3A_87 = arith.cmpi eq, %iota3A, %eq3A_86 : vector<16xi32>
          %jit3A_88 = arith.constant 0.000000e+00 : f32
          %broadcast_in_dim3A_89 = vector.broadcast %jit3A_88 : f32 to vector<16xf32>
          %select_n3A_90 = arith.select %eq3A_87, %gather3A_85, %broadcast_in_dim3A_89 : vector<16xi1>, vector<16xf32>
          %swap3A = arith.index_cast %add3A_76 : i32 to index
          %swap3A_91 = arith.constant 0 : index
          %swap3A_92 = tpu.vector_load %arg8[%swap3A, %swap3A_91] {strides = array<i32>} : memref<80x16xf32, #tpu.memory_space<vmem>>, vector<1x16xf32>,
          %swap3A_93 = vector.shape_cast %swap3A_92 : vector<1x16xf32> to vector<16xf32>
          %swap3A_94 = vector.shape_cast %select_n3A_90 : vector<16xf32> to vector<1x16xf32>
          tpu.vector_store %arg8[%swap3A, %swap3A_91], %swap3A_94 {strides = array<i32>} : memref<80x16xf32, #tpu.memory_space<vmem>>, vector<1x16xf32>,
          %scan3A_95 = arith.constant 0 : i32
          scf.yield %scan3A_95 : i32
        }
        %scan3A_70 = arith.constant 16 : i32
        %scan3A_71 = arith.constant 0 : i32
        scf.yield %scan3A_71 : i32
      }
      %scan3A_53 = arith.constant 5 : i32
      "tpu.region"() ({
        %run_scoped3A = tpu.sem_alloc : memref<!tpu.dma_semaphore, #tpu.memory_space<semaphore_mem>>
        %dma_start3A = arith.constant 0 : i32
        %dma_start3A_55 = tpu.memref_slice %arg6[%scan3A_45, %dma_start3A] : memref<125x80xi32, #tpu.memory_space<vmem>> -> memref<1x80xi32, #tpu.memory_space<vmem>>
        %dma_start3A_56 = tpu.memref_squeeze %dma_start3A_55 : memref<1x80xi32, #tpu.memory_space<vmem>> -> memref<80xi32, #tpu.memory_space<vmem>>
        %dma_start3A_57 = arith.constant 0 : i32
        %dma_start3A_58 = arith.constant 0 : i32
        %dma_start3A_59 = tpu.memref_slice %arg5[%dma_start3A_57, %dma_start3A_58] : memref<10000x16xf32, #tpu.memory_space<vmem_shared>> -> memref<10000x16xf32, #tpu.memory_space<vmem_shared>>
        tpu.enqueue_indirect_dma source(%arg8 : memref<80x16xf32, #tpu.memory_space<vmem>>) target(%dma_start3A_59 : memref<10000x16xf32, #tpu.memory_space<vmem_shared>>) offsets(%dma_start3A_56 : memref<80xi32, #tpu.memory_space<vmem>>) semaphore(%run_scoped3A : memref<!tpu.dma_semaphore, #tpu.memory_space<semaphore_mem>>) {add = true}
        %dma_wait3A = arith.constant 0 : i32
        %dma_wait3A_60 = tpu.memref_slice %arg6[%scan3A_45, %dma_wait3A] : memref<125x80xi32, #tpu.memory_space<vmem>> -> memref<1x80xi32, #tpu.memory_space<vmem>>
        %dma_wait3A_61 = tpu.memref_squeeze %dma_wait3A_60 : memref<1x80xi32, #tpu.memory_space<vmem>> -> memref<80xi32, #tpu.memory_space<vmem>>
        %dma_wait3A_62 = arith.constant 0 : i32
        %dma_wait3A_63 = arith.constant 0 : i32
        %dma_wait3A_64 = tpu.memref_slice %arg5[%dma_wait3A_62, %dma_wait3A_63] : memref<10000x16xf32, #tpu.memory_space<vmem_shared>> -> memref<10000x16xf32, #tpu.memory_space<vmem_shared>>
        tpu.wait_indirect_dma semaphore(%run_scoped3A : memref<!tpu.dma_semaphore, #tpu.memory_space<semaphore_mem>>) src(%arg8 : memref<80x16xf32, #tpu.memory_space<vmem>>) dst(%dma_wait3A_64 : memref<10000x16xf32, #tpu.memory_space<vmem_shared>>)
        tpu.yield
      }) : () -> ()
      %scan3A_54 = arith.constant 0 : i32
      scf.yield %scan3A_54 : i32
    }
    %scan3A_31 = arith.constant 125 : i32
    %barrier3A_32 = arith.constant 0 : index
    tpu.barrier barrier_id(%barrier3A_32)
    %while3A_33 = arith.constant 0 : i32
    %while3A_34 = arith.constant 0 : i32
    %while3A_35 = arith.subi %select_n3A, %while3A_33 : i32
    %while3A_36 = arith.addi %while3A_33, %while3A_35 : i32
    %while3A_37 = arith.constant 1 : i32
    %while3A_38 = arith.divsi %while3A_35, %while3A_37 : i32
    %while3A_39 = arith.muli %while3A_38, %while3A_37 : i32
    %while3A_40 = arith.addi %while3A_33, %while3A_39 : i32
    %while3A_41 = arith.constant 1 : i32
    %while3A_42 = scf.for %while3A_45 = %while3A_33 to %while3A_40 step %while3A_41 iter_args(%while3A_46 = %while3A_34) -> (i32)  : i32 {
      %mul3A_47 = arith.constant 8 : i32
      %mul3A_48 = arith.muli %while3A_45, %mul3A_47 : i32
      %add3A_49 = arith.addi %mul3A_9, %mul3A_48 : i32
      "tpu.region"() ({
        %run_scoped3A = tpu.sem_alloc : memref<!tpu.dma_semaphore, #tpu.memory_space<semaphore_mem>>
        %dma_start3A = arith.constant 0 : i32
        %dma_start3A_51 = tpu.memref_slice %arg4[%arg0, %add3A_49, %dma_start3A] : memref<2x10000x16xf32, #tpu.memory_space<hbm>> -> memref<1x8x16xf32, #tpu.memory_space<hbm>>
        %dma_start3A_52 = tpu.memref_squeeze %dma_start3A_51 : memref<1x8x16xf32, #tpu.memory_space<hbm>> -> memref<8x16xf32, #tpu.memory_space<hbm>>
        %dma_start3A_53 = arith.constant 0 : i32
        %dma_start3A_54 = tpu.memref_slice %arg5[%add3A_49, %dma_start3A_53] : memref<10000x16xf32, #tpu.memory_space<vmem_shared>> -> memref<8x16xf32, #tpu.memory_space<vmem_shared>>
        tpu.enqueue_dma source(%dma_start3A_54 : memref<8x16xf32, #tpu.memory_space<vmem_shared>>) target(%dma_start3A_52 : memref<8x16xf32, #tpu.memory_space<hbm>>) target_semaphore(%run_scoped3A : memref<!tpu.dma_semaphore, #tpu.memory_space<semaphore_mem>>)
        %dma_wait3A = arith.constant 0 : i32
        %dma_wait3A_55 = tpu.memref_slice %arg4[%arg0, %add3A_49, %dma_wait3A] : memref<2x10000x16xf32, #tpu.memory_space<hbm>> -> memref<1x8x16xf32, #tpu.memory_space<hbm>>
        %dma_wait3A_56 = tpu.memref_squeeze %dma_wait3A_55 : memref<1x8x16xf32, #tpu.memory_space<hbm>> -> memref<8x16xf32, #tpu.memory_space<hbm>>
        %dma_wait3A_57 = arith.constant 0 : i32
        %dma_wait3A_58 = tpu.memref_slice %arg5[%add3A_49, %dma_wait3A_57] : memref<10000x16xf32, #tpu.memory_space<vmem_shared>> -> memref<8x16xf32, #tpu.memory_space<vmem_shared>>
        tpu.wait_dma2 semaphore(%run_scoped3A : memref<!tpu.dma_semaphore, #tpu.memory_space<semaphore_mem>>) src(%dma_wait3A_58 : memref<8x16xf32, #tpu.memory_space<vmem_shared>>) dst(%dma_wait3A_56 : memref<8x16xf32, #tpu.memory_space<hbm>>)
        tpu.yield
      }) : () -> ()
      %while3A_50 = arith.constant 0 : i32
      scf.yield %while3A_50 : i32
    }
    %while3A_43 = arith.constant 1 : i32
    %while3A_44 = scf.for %while3A_45 = %while3A_40 to %while3A_36 step %while3A_43 iter_args(%while3A_46 = %while3A_42) -> (i32)  : i32 {
      %mul3A_47 = arith.constant 8 : i32
      %mul3A_48 = arith.muli %while3A_45, %mul3A_47 : i32
      %add3A_49 = arith.addi %mul3A_9, %mul3A_48 : i32
      "tpu.region"() ({
        %run_scoped3A = tpu.sem_alloc : memref<!tpu.dma_semaphore, #tpu.memory_space<semaphore_mem>>
        %dma_start3A = arith.constant 0 : i32
        %dma_start3A_51 = tpu.memref_slice %arg4[%arg0, %add3A_49, %dma_start3A] : memref<2x10000x16xf32, #tpu.memory_space<hbm>> -> memref<1x8x16xf32, #tpu.memory_space<hbm>>
        %dma_start3A_52 = tpu.memref_squeeze %dma_start3A_51 : memref<1x8x16xf32, #tpu.memory_space<hbm>> -> memref<8x16xf32, #tpu.memory_space<hbm>>
        %dma_start3A_53 = arith.constant 0 : i32
        %dma_start3A_54 = tpu.memref_slice %arg5[%add3A_49, %dma_start3A_53] : memref<10000x16xf32, #tpu.memory_space<vmem_shared>> -> memref<8x16xf32, #tpu.memory_space<vmem_shared>>
        tpu.enqueue_dma source(%dma_start3A_54 : memref<8x16xf32, #tpu.memory_space<vmem_shared>>) target(%dma_start3A_52 : memref<8x16xf32, #tpu.memory_space<hbm>>) target_semaphore(%run_scoped3A : memref<!tpu.dma_semaphore, #tpu.memory_space<semaphore_mem>>)
        %dma_wait3A = arith.constant 0 : i32
        %dma_wait3A_55 = tpu.memref_slice %arg4[%arg0, %add3A_49, %dma_wait3A] : memref<2x10000x16xf32, #tpu.memory_space<hbm>> -> memref<1x8x16xf32, #tpu.memory_space<hbm>>
        %dma_wait3A_56 = tpu.memref_squeeze %dma_wait3A_55 : memref<1x8x16xf32, #tpu.memory_space<hbm>> -> memref<8x16xf32, #tpu.memory_space<hbm>>
        %dma_wait3A_57 = arith.constant 0 : i32
        %dma_wait3A_58 = tpu.memref_slice %arg5[%add3A_49, %dma_wait3A_57] : memref<10000x16xf32, #tpu.memory_space<vmem_shared>> -> memref<8x16xf32, #tpu.memory_space<vmem_shared>>
        tpu.wait_dma2 semaphore(%run_scoped3A : memref<!tpu.dma_semaphore, #tpu.memory_space<semaphore_mem>>) src(%dma_wait3A_58 : memref<8x16xf32, #tpu.memory_space<vmem_shared>>) dst(%dma_wait3A_56 : memref<8x16xf32, #tpu.memory_space<hbm>>)
        tpu.yield
      }) : () -> ()
      %while3A_50 = arith.constant 0 : i32
      scf.yield %while3A_50 : i32
    }
    return
  }
}

#map = affine_map<(d0, d1) -> (0)>
#map1 = affine_map<(d0, d1) -> (0, 0, 0)>
module attributes {stable_mosaic.version = 14 : i64} {
  func.func @body(%arg0: i32, %arg1: i32, %arg2: memref<320000xf32, #tpu.memory_space<hbm>>, %arg3: memref<32x125x80xi32, #tpu.memory_space<hbm>>, %arg4: memref<2x10000x16xf32, #tpu.memory_space<hbm>>, %arg5: memref<10000x16xf32, #tpu.memory_space<vmem_shared>>, %arg6: memref<125x80xi32, #tpu.memory_space<vmem>>, %arg7: memref<10000xf32, #tpu.memory_space<vmem>>, %arg8: memref<80x16xf32, #tpu.memory_space<vmem>>, %arg9: memref<8x16xf32, #tpu.memory_space<vmem>>) attributes {dimension_semantics = [#tpu.dimension_semantics<core_parallel>, #tpu.dimension_semantics<subcore_parallel>], iteration_bounds = array<i64: 2, 16>, scalar_prefetch = 0 : i64, scratch_operands = 5 : i64, tpu.core_type = #tpu.core_type<sc_vector_subcore>, window_params = [{transform_indices = #map}, {transform_indices = #map1}, {transform_indices = #map1}]} {
    %mul3A = arith.constant 16 : i32
    %mul3A_0 = arith.muli %arg0, %mul3A : i32
    %add3A = arith.addi %mul3A_0, %arg1 : i32
    %broadcast_in_dim3A = arith.constant 0.000000e+00 : f32
    %broadcast_in_dim3A_1 = vector.broadcast %broadcast_in_dim3A : f32 to vector<16xf32>
    %iota3A = tpu.iota {dimensions = array<i32: 0>} : vector<16xi32>
    %scan3A = arith.constant 0 : i32
    %scan3A_2 = arith.constant 0 : i32
    %scan3A_3 = arith.constant 8 : i32
    %scan3A_4 = arith.addi %scan3A_2, %scan3A_3 : i32
    %scan3A_5 = arith.constant 1 : i32
    %scan3A_6 = scf.for %scan3A_45 = %scan3A_2 to %scan3A_4 step %scan3A_5 iter_args(%scan3A_46 = %scan3A) -> (i32)  : i32 {
      %swap3A = arith.index_cast %scan3A_45 : i32 to index
      %swap3A_47 = arith.constant 0 : index
      %swap3A_48 = tpu.vector_load %arg9[%swap3A, %swap3A_47] {strides = array<i32>} : memref<8x16xf32, #tpu.memory_space<vmem>>, vector<1x16xf32>,
      %swap3A_49 = vector.shape_cast %swap3A_48 : vector<1x16xf32> to vector<16xf32>
      %swap3A_50 = vector.shape_cast %broadcast_in_dim3A_1 : vector<16xf32> to vector<1x16xf32>
      tpu.vector_store %arg9[%swap3A, %swap3A_47], %swap3A_50 {strides = array<i32>} : memref<8x16xf32, #tpu.memory_space<vmem>>, vector<1x16xf32>,
      %scan3A_51 = arith.constant 0 : i32
      scf.yield %scan3A_51 : i32
    }
    %scan3A_7 = arith.constant 8 : i32
    %mul3A_8 = arith.constant 624 : i32
    %mul3A_9 = arith.muli %arg1, %mul3A_8 : i32
    %eq3A = arith.constant 15 : i32
    %eq3A_10 = arith.cmpi eq, %arg1, %eq3A : i32
    %jit3A = arith.constant 80 : i32
    %jit3A_11 = arith.constant 78 : i32
    %select_n3A = arith.select %eq3A_10, %jit3A, %jit3A_11 : i32
    %while3A = arith.constant 0 : i32
    %while3A_12 = arith.constant 0 : i32
    %while3A_13 = arith.subi %select_n3A, %while3A : i32
    %while3A_14 = arith.addi %while3A, %while3A_13 : i32
    %while3A_15 = arith.constant 1 : i32
    %while3A_16 = arith.divsi %while3A_13, %while3A_15 : i32
    %while3A_17 = arith.muli %while3A_16, %while3A_15 : i32
    %while3A_18 = arith.addi %while3A, %while3A_17 : i32
    %while3A_19 = arith.constant 1 : i32
    %while3A_20 = scf.for %while3A_45 = %while3A to %while3A_18 step %while3A_19 iter_args(%while3A_46 = %while3A_12) -> (i32)  : i32 {
      %mul3A_47 = arith.constant 8 : i32
      %mul3A_48 = arith.muli %while3A_45, %mul3A_47 : i32
      %add3A_49 = arith.addi %mul3A_9, %mul3A_48 : i32
      "tpu.region"() ({
        %run_scoped3A = tpu.sem_alloc : memref<!tpu.dma_semaphore, #tpu.memory_space<semaphore_mem>>
        %dma_start3A = arith.constant 0 : i32
        %dma_start3A_51 = tpu.memref_slice %arg5[%add3A_49, %dma_start3A] : memref<10000x16xf32, #tpu.memory_space<vmem_shared>> -> memref<8x16xf32, #tpu.memory_space<vmem_shared>>
        %dma_start3A_52 = arith.constant 0 : i32
        %dma_start3A_53 = tpu.memref_slice %arg5[%add3A_49, %dma_start3A_52] : memref<10000x16xf32, #tpu.memory_space<vmem_shared>> -> memref<8x16xf32, #tpu.memory_space<vmem_shared>>
        tpu.enqueue_dma source(%arg9 : memref<8x16xf32, #tpu.memory_space<vmem>>) target(%dma_start3A_53 : memref<8x16xf32, #tpu.memory_space<vmem_shared>>) target_semaphore(%run_scoped3A : memref<!tpu.dma_semaphore, #tpu.memory_space<semaphore_mem>>)
        %dma_wait3A = arith.constant 0 : i32
        %dma_wait3A_54 = tpu.memref_slice %arg5[%add3A_49, %dma_wait3A] : memref<10000x16xf32, #tpu.memory_space<vmem_shared>> -> memref<8x16xf32, #tpu.memory_space<vmem_shared>>
        %dma_wait3A_55 = arith.constant 0 : i32
        %dma_wait3A_56 = tpu.memref_slice %arg5[%add3A_49, %dma_wait3A_55] : memref<10000x16xf32, #tpu.memory_space<vmem_shared>> -> memref<8x16xf32, #tpu.memory_space<vmem_shared>>
        tpu.wait_dma2 semaphore(%run_scoped3A : memref<!tpu.dma_semaphore, #tpu.memory_space<semaphore_mem>>) src(%arg9 : memref<8x16xf32, #tpu.memory_space<vmem>>) dst(%dma_wait3A_56 : memref<8x16xf32, #tpu.memory_space<vmem_shared>>)
        tpu.yield
      }) : () -> ()
      %while3A_50 = arith.constant 0 : i32
      scf.yield %while3A_50 : i32
    }
    %while3A_21 = arith.constant 1 : i32
    %while3A_22 = scf.for %while3A_45 = %while3A_18 to %while3A_14 step %while3A_21 iter_args(%while3A_46 = %while3A_20) -> (i32)  : i32 {
      %mul3A_47 = arith.constant 8 : i32
      %mul3A_48 = arith.muli %while3A_45, %mul3A_47 : i32
      %add3A_49 = arith.addi %mul3A_9, %mul3A_48 : i32
      "tpu.region"() ({
        %run_scoped3A = tpu.sem_alloc : memref<!tpu.dma_semaphore, #tpu.memory_space<semaphore_mem>>
        %dma_start3A = arith.constant 0 : i32
        %dma_start3A_51 = tpu.memref_slice %arg5[%add3A_49, %dma_start3A] : memref<10000x16xf32, #tpu.memory_space<vmem_shared>> -> memref<8x16xf32, #tpu.memory_space<vmem_shared>>
        %dma_start3A_52 = arith.constant 0 : i32
        %dma_start3A_53 = tpu.memref_slice %arg5[%add3A_49, %dma_start3A_52] : memref<10000x16xf32, #tpu.memory_space<vmem_shared>> -> memref<8x16xf32, #tpu.memory_space<vmem_shared>>
        tpu.enqueue_dma source(%arg9 : memref<8x16xf32, #tpu.memory_space<vmem>>) target(%dma_start3A_53 : memref<8x16xf32, #tpu.memory_space<vmem_shared>>) target_semaphore(%run_scoped3A : memref<!tpu.dma_semaphore, #tpu.memory_space<semaphore_mem>>)
        %dma_wait3A = arith.constant 0 : i32
        %dma_wait3A_54 = tpu.memref_slice %arg5[%add3A_49, %dma_wait3A] : memref<10000x16xf32, #tpu.memory_space<vmem_shared>> -> memref<8x16xf32, #tpu.memory_space<vmem_shared>>
        %dma_wait3A_55 = arith.constant 0 : i32
        %dma_wait3A_56 = tpu.memref_slice %arg5[%add3A_49, %dma_wait3A_55] : memref<10000x16xf32, #tpu.memory_space<vmem_shared>> -> memref<8x16xf32, #tpu.memory_space<vmem_shared>>
        tpu.wait_dma2 semaphore(%run_scoped3A : memref<!tpu.dma_semaphore, #tpu.memory_space<semaphore_mem>>) src(%arg9 : memref<8x16xf32, #tpu.memory_space<vmem>>) dst(%dma_wait3A_56 : memref<8x16xf32, #tpu.memory_space<vmem_shared>>)
        tpu.yield
      }) : () -> ()
      %while3A_50 = arith.constant 0 : i32
      scf.yield %while3A_50 : i32
    }
    %barrier3A = arith.constant 0 : index
    tpu.barrier barrier_id(%barrier3A)
    "tpu.region"() ({
      %run_scoped3A = tpu.sem_alloc : memref<!tpu.dma_semaphore, #tpu.memory_space<semaphore_mem>>
      %dma_start3A = arith.constant 0 : i32
      %dma_start3A_45 = arith.constant 0 : i32
      %dma_start3A_46 = tpu.memref_slice %arg3[%add3A, %dma_start3A, %dma_start3A_45] : memref<32x125x80xi32, #tpu.memory_space<hbm>> -> memref<1x125x80xi32, #tpu.memory_space<hbm>>
      %dma_start3A_47 = tpu.memref_squeeze %dma_start3A_46 : memref<1x125x80xi32, #tpu.memory_space<hbm>> -> memref<125x80xi32, #tpu.memory_space<hbm>>
      %dma_start3A_48 = arith.constant 0 : i32
      %dma_start3A_49 = arith.constant 0 : i32
      %dma_start3A_50 = tpu.memref_slice %arg3[%add3A, %dma_start3A_48, %dma_start3A_49] : memref<32x125x80xi32, #tpu.memory_space<hbm>> -> memref<1x125x80xi32, #tpu.memory_space<hbm>>
      %dma_start3A_51 = tpu.memref_squeeze %dma_start3A_50 : memref<1x125x80xi32, #tpu.memory_space<hbm>> -> memref<125x80xi32, #tpu.memory_space<hbm>>
      tpu.enqueue_dma source(%dma_start3A_51 : memref<125x80xi32, #tpu.memory_space<hbm>>) target(%arg6 : memref<125x80xi32, #tpu.memory_space<vmem>>) target_semaphore(%run_scoped3A : memref<!tpu.dma_semaphore, #tpu.memory_space<semaphore_mem>>)
      %dma_wait3A = arith.constant 0 : i32
      %dma_wait3A_52 = arith.constant 0 : i32
      %dma_wait3A_53 = tpu.memref_slice %arg3[%add3A, %dma_wait3A, %dma_wait3A_52] : memref<32x125x80xi32, #tpu.memory_space<hbm>> -> memref<1x125x80xi32, #tpu.memory_space<hbm>>
      %dma_wait3A_54 = tpu.memref_squeeze %dma_wait3A_53 : memref<1x125x80xi32, #tpu.memory_space<hbm>> -> memref<125x80xi32, #tpu.memory_space<hbm>>
      %dma_wait3A_55 = arith.constant 0 : i32
      %dma_wait3A_56 = arith.constant 0 : i32
      %dma_wait3A_57 = tpu.memref_slice %arg3[%add3A, %dma_wait3A_55, %dma_wait3A_56] : memref<32x125x80xi32, #tpu.memory_space<hbm>> -> memref<1x125x80xi32, #tpu.memory_space<hbm>>
      %dma_wait3A_58 = tpu.memref_squeeze %dma_wait3A_57 : memref<1x125x80xi32, #tpu.memory_space<hbm>> -> memref<125x80xi32, #tpu.memory_space<hbm>>
      tpu.wait_dma2 semaphore(%run_scoped3A : memref<!tpu.dma_semaphore, #tpu.memory_space<semaphore_mem>>) src(%dma_wait3A_58 : memref<125x80xi32, #tpu.memory_space<hbm>>) dst(%arg6 : memref<125x80xi32, #tpu.memory_space<vmem>>)
      tpu.yield
    }) : () -> ()
    %mul3A_23 = arith.constant 10000 : i32
    %mul3A_24 = arith.muli %add3A, %mul3A_23 : i32
    "tpu.region"() ({
      %run_scoped3A = tpu.sem_alloc : memref<!tpu.dma_semaphore, #tpu.memory_space<semaphore_mem>>
      %dma_start3A = tpu.memref_slice %arg2[%mul3A_24] : memref<320000xf32, #tpu.memory_space<hbm>> -> memref<10000xf32, #tpu.memory_space<hbm>>
      %dma_start3A_45 = tpu.memref_slice %arg2[%mul3A_24] : memref<320000xf32, #tpu.memory_space<hbm>> -> memref<10000xf32, #tpu.memory_space<hbm>>
      tpu.enqueue_dma source(%dma_start3A_45 : memref<10000xf32, #tpu.memory_space<hbm>>) target(%arg7 : memref<10000xf32, #tpu.memory_space<vmem>>) target_semaphore(%run_scoped3A : memref<!tpu.dma_semaphore, #tpu.memory_space<semaphore_mem>>)
      %dma_wait3A = tpu.memref_slice %arg2[%mul3A_24] : memref<320000xf32, #tpu.memory_space<hbm>> -> memref<10000xf32, #tpu.memory_space<hbm>>
      %dma_wait3A_46 = tpu.memref_slice %arg2[%mul3A_24] : memref<320000xf32, #tpu.memory_space<hbm>> -> memref<10000xf32, #tpu.memory_space<hbm>>
      tpu.wait_dma2 semaphore(%run_scoped3A : memref<!tpu.dma_semaphore, #tpu.memory_space<semaphore_mem>>) src(%dma_wait3A_46 : memref<10000xf32, #tpu.memory_space<hbm>>) dst(%arg7 : memref<10000xf32, #tpu.memory_space<vmem>>)
      tpu.yield
    }) : () -> ()
    %scan3A_25 = arith.constant 0 : i32
    %scan3A_26 = arith.constant 0 : i32
    %scan3A_27 = arith.constant 125 : i32
    %scan3A_28 = arith.addi %scan3A_26, %scan3A_27 : i32
    %scan3A_29 = arith.constant 1 : i32
    %scan3A_30 = scf.for %scan3A_45 = %scan3A_26 to %scan3A_28 step %scan3A_29 iter_args(%scan3A_46 = %scan3A_25) -> (i32)  : i32 {
      %scan3A_47 = arith.constant 0 : i32
      %scan3A_48 = arith.constant 0 : i32
      %scan3A_49 = arith.constant 5 : i32
      %scan3A_50 = arith.addi %scan3A_48, %scan3A_49 : i32
      %scan3A_51 = arith.constant 1 : i32
      %scan3A_52 = scf.for %scan3A_55 = %scan3A_48 to %scan3A_50 step %scan3A_51 iter_args(%scan3A_56 = %scan3A_47) -> (i32)  : i32 {
        %mul3A_57 = arith.constant 80 : i32
        %mul3A_58 = arith.muli %scan3A_45, %mul3A_57 : i32
        %mul3A_59 = arith.constant 16 : i32
        %mul3A_60 = arith.muli %scan3A_55, %mul3A_59 : i32
        %add3A_61 = arith.addi %mul3A_58, %mul3A_60 : i32
        %get3A = arith.index_cast %add3A_61 : i32 to index
        %get3A_62 = tpu.vector_load %arg7[%get3A] {strides = array<i32>} : memref<10000xf32, #tpu.memory_space<vmem>>, vector<16xf32>,
        %get3A_63 = vector.shape_cast %get3A_62 : vector<16xf32> to vector<16xf32>
        %scan3A_64 = arith.constant 0 : i32
        %scan3A_65 = arith.constant 0 : i32
        %scan3A_66 = arith.constant 16 : i32
        %scan3A_67 = arith.addi %scan3A_65, %scan3A_66 : i32
        %scan3A_68 = arith.constant 1 : i32
        %scan3A_69 = scf.for %scan3A_72 = %scan3A_65 to %scan3A_67 step %scan3A_68 iter_args(%scan3A_73 = %scan3A_64) -> (i32)  : i32 {
          %mul3A_74 = arith.constant 16 : i32
          %mul3A_75 = arith.muli %scan3A_55, %mul3A_74 : i32
          %add3A_76 = arith.addi %mul3A_75, %scan3A_72 : i32
          %broadcast_in_dim3A_77 = vector.broadcast %scan3A_72 : i32 to vector<16xi32>
          %lt3A = arith.constant 0 : i32
          %lt3A_78 = vector.broadcast %lt3A : i32 to vector<16xi32>
          %lt3A_79 = arith.cmpi slt, %broadcast_in_dim3A_77, %lt3A_78 : vector<16xi32>
          %add3A_80 = arith.constant 16 : i32
          %add3A_81 = vector.broadcast %add3A_80 : i32 to vector<16xi32>
          %add3A_82 = arith.addi %broadcast_in_dim3A_77, %add3A_81 : vector<16xi32>
          %select_n3A_83 = arith.select %lt3A_79, %add3A_82, %broadcast_in_dim3A_77 : vector<16xi1>, vector<16xi32>
          %broadcast_in_dim3A_84 = vector.shape_cast %select_n3A_83 : vector<16xi32> to vector<16x1xi32>
          %gather3A = vector.shape_cast %broadcast_in_dim3A_84 : vector<16x1xi32> to vector<16xi32>
          %gather3A_85 = tpu.dynamic_gather %get3A_63[%gather3A] in [0] : vector<16xf32>, vector<16xi32> -> vector<16xf32>
          %eq3A_86 = vector.broadcast %scan3A_72 : i32 to vector<16xi32>
          %eq3A_87 = arith.cmpi eq, %iota3A, %eq3A_86 : vector<16xi32>
          %jit3A_88 = arith.constant 0.000000e+00 : f32
          %broadcast_in_dim3A_89 = vector.broadcast %jit3A_88 : f32 to vector<16xf32>
          %select_n3A_90 = arith.select %eq3A_87, %gather3A_85, %broadcast_in_dim3A_89 : vector<16xi1>, vector<16xf32>
          %swap3A = arith.index_cast %add3A_76 : i32 to index
          %swap3A_91 = arith.constant 0 : index
          %swap3A_92 = tpu.vector_load %arg8[%swap3A, %swap3A_91] {strides = array<i32>} : memref<80x16xf32, #tpu.memory_space<vmem>>, vector<1x16xf32>,
          %swap3A_93 = vector.shape_cast %swap3A_92 : vector<1x16xf32> to vector<16xf32>
          %swap3A_94 = vector.shape_cast %select_n3A_90 : vector<16xf32> to vector<1x16xf32>
          tpu.vector_store %arg8[%swap3A, %swap3A_91], %swap3A_94 {strides = array<i32>} : memref<80x16xf32, #tpu.memory_space<vmem>>, vector<1x16xf32>,
          %scan3A_95 = arith.constant 0 : i32
          scf.yield %scan3A_95 : i32
        }
        %scan3A_70 = arith.constant 16 : i32
        %scan3A_71 = arith.constant 0 : i32
        scf.yield %scan3A_71 : i32
      }
      %scan3A_53 = arith.constant 5 : i32
      "tpu.region"() ({
        %run_scoped3A = tpu.sem_alloc : memref<!tpu.dma_semaphore, #tpu.memory_space<semaphore_mem>>
        %dma_start3A = arith.constant 0 : i32
        %dma_start3A_55 = tpu.memref_slice %arg6[%scan3A_45, %dma_start3A] : memref<125x80xi32, #tpu.memory_space<vmem>> -> memref<1x80xi32, #tpu.memory_space<vmem>>
        %dma_start3A_56 = tpu.memref_squeeze %dma_start3A_55 : memref<1x80xi32, #tpu.memory_space<vmem>> -> memref<80xi32, #tpu.memory_space<vmem>>
        %dma_start3A_57 = arith.constant 0 : i32
        %dma_start3A_58 = arith.constant 0 : i32
        %dma_start3A_59 = tpu.memref_slice %arg5[%dma_start3A_57, %dma_start3A_58] : memref<10000x16xf32, #tpu.memory_space<vmem_shared>> -> memref<10000x16xf32, #tpu.memory_space<vmem_shared>>
        tpu.enqueue_indirect_dma source(%arg8 : memref<80x16xf32, #tpu.memory_space<vmem>>) target(%dma_start3A_59 : memref<10000x16xf32, #tpu.memory_space<vmem_shared>>) offsets(%dma_start3A_56 : memref<80xi32, #tpu.memory_space<vmem>>) semaphore(%run_scoped3A : memref<!tpu.dma_semaphore, #tpu.memory_space<semaphore_mem>>) {add = true}
        %dma_wait3A = arith.constant 0 : i32
        %dma_wait3A_60 = tpu.memref_slice %arg6[%scan3A_45, %dma_wait3A] : memref<125x80xi32, #tpu.memory_space<vmem>> -> memref<1x80xi32, #tpu.memory_space<vmem>>
        %dma_wait3A_61 = tpu.memref_squeeze %dma_wait3A_60 : memref<1x80xi32, #tpu.memory_space<vmem>> -> memref<80xi32, #tpu.memory_space<vmem>>
        %dma_wait3A_62 = arith.constant 0 : i32
        %dma_wait3A_63 = arith.constant 0 : i32
        %dma_wait3A_64 = tpu.memref_slice %arg5[%dma_wait3A_62, %dma_wait3A_63] : memref<10000x16xf32, #tpu.memory_space<vmem_shared>> -> memref<10000x16xf32, #tpu.memory_space<vmem_shared>>
        tpu.wait_indirect_dma semaphore(%run_scoped3A : memref<!tpu.dma_semaphore, #tpu.memory_space<semaphore_mem>>) src(%arg8 : memref<80x16xf32, #tpu.memory_space<vmem>>) dst(%dma_wait3A_64 : memref<10000x16xf32, #tpu.memory_space<vmem_shared>>)
        tpu.yield
      }) : () -> ()
      %scan3A_54 = arith.constant 0 : i32
      scf.yield %scan3A_54 : i32
    }
    %scan3A_31 = arith.constant 125 : i32
    %barrier3A_32 = arith.constant 0 : index
    tpu.barrier barrier_id(%barrier3A_32)
    %while3A_33 = arith.constant 0 : i32
    %while3A_34 = arith.constant 0 : i32
    %while3A_35 = arith.subi %select_n3A, %while3A_33 : i32
    %while3A_36 = arith.addi %while3A_33, %while3A_35 : i32
    %while3A_37 = arith.constant 1 : i32
    %while3A_38 = arith.divsi %while3A_35, %while3A_37 : i32
    %while3A_39 = arith.muli %while3A_38, %while3A_37 : i32
    %while3A_40 = arith.addi %while3A_33, %while3A_39 : i32
    %while3A_41 = arith.constant 1 : i32
    %while3A_42 = scf.for %while3A_45 = %while3A_33 to %while3A_40 step %while3A_41 iter_args(%while3A_46 = %while3A_34) -> (i32)  : i32 {
      %mul3A_47 = arith.constant 8 : i32
      %mul3A_48 = arith.muli %while3A_45, %mul3A_47 : i32
      %add3A_49 = arith.addi %mul3A_9, %mul3A_48 : i32
      "tpu.region"() ({
        %run_scoped3A = tpu.sem_alloc : memref<!tpu.dma_semaphore, #tpu.memory_space<semaphore_mem>>
        %dma_start3A = arith.constant 0 : i32
        %dma_start3A_51 = tpu.memref_slice %arg4[%arg0, %add3A_49, %dma_start3A] : memref<2x10000x16xf32, #tpu.memory_space<hbm>> -> memref<1x8x16xf32, #tpu.memory_space<hbm>>
        %dma_start3A_52 = tpu.memref_squeeze %dma_start3A_51 : memref<1x8x16xf32, #tpu.memory_space<hbm>> -> memref<8x16xf32, #tpu.memory_space<hbm>>
        %dma_start3A_53 = arith.constant 0 : i32
        %dma_start3A_54 = tpu.memref_slice %arg5[%add3A_49, %dma_start3A_53] : memref<10000x16xf32, #tpu.memory_space<vmem_shared>> -> memref<8x16xf32, #tpu.memory_space<vmem_shared>>
        tpu.enqueue_dma source(%dma_start3A_54 : memref<8x16xf32, #tpu.memory_space<vmem_shared>>) target(%dma_start3A_52 : memref<8x16xf32, #tpu.memory_space<hbm>>) target_semaphore(%run_scoped3A : memref<!tpu.dma_semaphore, #tpu.memory_space<semaphore_mem>>)
        %dma_wait3A = arith.constant 0 : i32
        %dma_wait3A_55 = tpu.memref_slice %arg4[%arg0, %add3A_49, %dma_wait3A] : memref<2x10000x16xf32, #tpu.memory_space<hbm>> -> memref<1x8x16xf32, #tpu.memory_space<hbm>>
        %dma_wait3A_56 = tpu.memref_squeeze %dma_wait3A_55 : memref<1x8x16xf32, #tpu.memory_space<hbm>> -> memref<8x16xf32, #tpu.memory_space<hbm>>
        %dma_wait3A_57 = arith.constant 0 : i32
        %dma_wait3A_58 = tpu.memref_slice %arg5[%add3A_49, %dma_wait3A_57] : memref<10000x16xf32, #tpu.memory_space<vmem_shared>> -> memref<8x16xf32, #tpu.memory_space<vmem_shared>>
        tpu.wait_dma2 semaphore(%run_scoped3A : memref<!tpu.dma_semaphore, #tpu.memory_space<semaphore_mem>>) src(%dma_wait3A_58 : memref<8x16xf32, #tpu.memory_space<vmem_shared>>) dst(%dma_wait3A_56 : memref<8x16xf32, #tpu.memory_space<hbm>>)
        tpu.yield
      }) : () -> ()
      %while3A_50 = arith.constant 0 : i32
      scf.yield %while3A_50 : i32
    }
    %while3A_43 = arith.constant 1 : i32
    %while3A_44 = scf.for %while3A_45 = %while3A_40 to %while3A_36 step %while3A_43 iter_args(%while3A_46 = %while3A_42) -> (i32)  : i32 {
      %mul3A_47 = arith.constant 8 : i32
      %mul3A_48 = arith.muli %while3A_45, %mul3A_47 : i32
      %add3A_49 = arith.addi %mul3A_9, %mul3A_48 : i32
      "tpu.region"() ({
        %run_scoped3A = tpu.sem_alloc : memref<!tpu.dma_semaphore, #tpu.memory_space<semaphore_mem>>
        %dma_start3A = arith.constant 0 : i32
        %dma_start3A_51 = tpu.memref_slice %arg4[%arg0, %add3A_49, %dma_start3A] : memref<2x10000x16xf32, #tpu.memory_space<hbm>> -> memref<1x8x16xf32, #tpu.memory_space<hbm>>
        %dma_start3A_52 = tpu.memref_squeeze %dma_start3A_51 : memref<1x8x16xf32, #tpu.memory_space<hbm>> -> memref<8x16xf32, #tpu.memory_space<hbm>>
        %dma_start3A_53 = arith.constant 0 : i32
        %dma_start3A_54 = tpu.memref_slice %arg5[%add3A_49, %dma_start3A_53] : memref<10000x16xf32, #tpu.memory_space<vmem_shared>> -> memref<8x16xf32, #tpu.memory_space<vmem_shared>>
        tpu.enqueue_dma source(%dma_start3A_54 : memref<8x16xf32, #tpu.memory_space<vmem_shared>>) target(%dma_start3A_52 : memref<8x16xf32, #tpu.memory_space<hbm>>) target_semaphore(%run_scoped3A : memref<!tpu.dma_semaphore, #tpu.memory_space<semaphore_mem>>)
        %dma_wait3A = arith.constant 0 : i32
        %dma_wait3A_55 = tpu.memref_slice %arg4[%arg0, %add3A_49, %dma_wait3A] : memref<2x10000x16xf32, #tpu.memory_space<hbm>> -> memref<1x8x16xf32, #tpu.memory_space<hbm>>
        %dma_wait3A_56 = tpu.memref_squeeze %dma_wait3A_55 : memref<1x8x16xf32, #tpu.memory_space<hbm>> -> memref<8x16xf32, #tpu.memory_space<hbm>>
        %dma_wait3A_57 = arith.constant 0 : i32
        %dma_wait3A_58 = tpu.memref_slice %arg5[%add3A_49, %dma_wait3A_57] : memref<10000x16xf32, #tpu.memory_space<vmem_shared>> -> memref<8x16xf32, #tpu.memory_space<vmem_shared>>
        tpu.wait_dma2 semaphore(%run_scoped3A : memref<!tpu.dma_semaphore, #tpu.memory_space<semaphore_mem>>) src(%dma_wait3A_58 : memref<8x16xf32, #tpu.memory_space<vmem_shared>>) dst(%dma_wait3A_56 : memref<8x16xf32, #tpu.memory_space<hbm>>)
        tpu.yield
      }) : () -> ()
      %while3A_50 = arith.constant 0 : i32
      scf.yield %while3A_50 : i32
    }
    return
  }
}

#map = affine_map<(d0, d1) -> (0, 0)>
#map1 = affine_map<(d0, d1) -> (0)>
#map2 = affine_map<(d0, d1) -> (0, 0, 0, 0)>
#map3 = affine_map<(d0, d1) -> (0, 0, 0)>
module attributes {stable_mosaic.version = 14 : i64} {
  func.func @body(%arg0: i32, %arg1: i32, %arg2: memref<10000x128xf32, #tpu.memory_space<hbm>>, %arg3: memref<10000x128xf32, #tpu.memory_space<hbm>>, %arg4: memref<128xf32, #tpu.memory_space<hbm>>, %arg5: memref<32x125x2x80xi32, #tpu.memory_space<hbm>>, %arg6: memref<2x10000x128xf32, #tpu.memory_space<hbm>>, %arg7: memref<320000xf32, #tpu.memory_space<hbm>>, %arg8: memref<10000x128xf32, #tpu.memory_space<vmem_shared>>, %arg9: memref<2x80xi32, #tpu.memory_space<vmem>>, %arg10: memref<80x128xf32, #tpu.memory_space<vmem>>, %arg11: memref<80x128xf32, #tpu.memory_space<vmem>>, %arg12: memref<80xf32, #tpu.memory_space<vmem>>, %arg13: memref<128xf32, #tpu.memory_space<vmem>>, %arg14: memref<8x128xf32, #tpu.memory_space<vmem>>) attributes {dimension_semantics = [#tpu.dimension_semantics<core_parallel>, #tpu.dimension_semantics<subcore_parallel>], iteration_bounds = array<i64: 2, 16>, scalar_prefetch = 0 : i64, scratch_operands = 7 : i64, tpu.core_type = #tpu.core_type<sc_vector_subcore>, window_params = [{transform_indices = #map}, {transform_indices = #map}, {transform_indices = #map1}, {transform_indices = #map2}, {transform_indices = #map3}, {transform_indices = #map1}]} {
    %mul3A = arith.constant 16 : i32
    %mul3A_0 = arith.muli %arg0, %mul3A : i32
    %add3A = arith.addi %mul3A_0, %arg1 : i32
    %broadcast_in_dim3A = arith.constant 0.000000e+00 : f32
    %broadcast_in_dim3A_1 = vector.broadcast %broadcast_in_dim3A : f32 to vector<16xf32>
    %scan3A = arith.constant 0 : i32
    %scan3A_2 = arith.constant 0 : i32
    %scan3A_3 = arith.constant 8 : i32
    %scan3A_4 = arith.addi %scan3A_2, %scan3A_3 : i32
    %scan3A_5 = arith.constant 1 : i32
    %scan3A_6 = scf.for %scan3A_77 = %scan3A_2 to %scan3A_4 step %scan3A_5 iter_args(%scan3A_78 = %scan3A) -> (i32)  : i32 {
      %swap3A = arith.index_cast %scan3A_77 : i32 to index
      %swap3A_79 = arith.constant 0 : index
      %swap3A_80 = tpu.vector_load %arg14[%swap3A, %swap3A_79] {strides = array<i32>} : memref<8x128xf32, #tpu.memory_space<vmem>>, vector<1x16xf32>,
      %swap3A_81 = vector.shape_cast %swap3A_80 : vector<1x16xf32> to vector<16xf32>
      %swap3A_82 = vector.shape_cast %broadcast_in_dim3A_1 : vector<16xf32> to vector<1x16xf32>
      tpu.vector_store %arg14[%swap3A, %swap3A_79], %swap3A_82 {strides = array<i32>} : memref<8x128xf32, #tpu.memory_space<vmem>>, vector<1x16xf32>,
      %swap3A_83 = arith.index_cast %scan3A_77 : i32 to index
      %swap3A_84 = arith.constant 16 : index
      %swap3A_85 = tpu.vector_load %arg14[%swap3A_83, %swap3A_84] {strides = array<i32>} : memref<8x128xf32, #tpu.memory_space<vmem>>, vector<1x16xf32>,
      %swap3A_86 = vector.shape_cast %swap3A_85 : vector<1x16xf32> to vector<16xf32>
      %swap3A_87 = vector.shape_cast %broadcast_in_dim3A_1 : vector<16xf32> to vector<1x16xf32>
      tpu.vector_store %arg14[%swap3A_83, %swap3A_84], %swap3A_87 {strides = array<i32>} : memref<8x128xf32, #tpu.memory_space<vmem>>, vector<1x16xf32>,
      %swap3A_88 = arith.index_cast %scan3A_77 : i32 to index
      %swap3A_89 = arith.constant 32 : index
      %swap3A_90 = tpu.vector_load %arg14[%swap3A_88, %swap3A_89] {strides = array<i32>} : memref<8x128xf32, #tpu.memory_space<vmem>>, vector<1x16xf32>,
      %swap3A_91 = vector.shape_cast %swap3A_90 : vector<1x16xf32> to vector<16xf32>
      %swap3A_92 = vector.shape_cast %broadcast_in_dim3A_1 : vector<16xf32> to vector<1x16xf32>
      tpu.vector_store %arg14[%swap3A_88, %swap3A_89], %swap3A_92 {strides = array<i32>} : memref<8x128xf32, #tpu.memory_space<vmem>>, vector<1x16xf32>,
      %swap3A_93 = arith.index_cast %scan3A_77 : i32 to index
      %swap3A_94 = arith.constant 48 : index
      %swap3A_95 = tpu.vector_load %arg14[%swap3A_93, %swap3A_94] {strides = array<i32>} : memref<8x128xf32, #tpu.memory_space<vmem>>, vector<1x16xf32>,
      %swap3A_96 = vector.shape_cast %swap3A_95 : vector<1x16xf32> to vector<16xf32>
      %swap3A_97 = vector.shape_cast %broadcast_in_dim3A_1 : vector<16xf32> to vector<1x16xf32>
      tpu.vector_store %arg14[%swap3A_93, %swap3A_94], %swap3A_97 {strides = array<i32>} : memref<8x128xf32, #tpu.memory_space<vmem>>, vector<1x16xf32>,
      %swap3A_98 = arith.index_cast %scan3A_77 : i32 to index
      %swap3A_99 = arith.constant 64 : index
      %swap3A_100 = tpu.vector_load %arg14[%swap3A_98, %swap3A_99] {strides = array<i32>} : memref<8x128xf32, #tpu.memory_space<vmem>>, vector<1x16xf32>,
      %swap3A_101 = vector.shape_cast %swap3A_100 : vector<1x16xf32> to vector<16xf32>
      %swap3A_102 = vector.shape_cast %broadcast_in_dim3A_1 : vector<16xf32> to vector<1x16xf32>
      tpu.vector_store %arg14[%swap3A_98, %swap3A_99], %swap3A_102 {strides = array<i32>} : memref<8x128xf32, #tpu.memory_space<vmem>>, vector<1x16xf32>,
      %swap3A_103 = arith.index_cast %scan3A_77 : i32 to index
      %swap3A_104 = arith.constant 80 : index
      %swap3A_105 = tpu.vector_load %arg14[%swap3A_103, %swap3A_104] {strides = array<i32>} : memref<8x128xf32, #tpu.memory_space<vmem>>, vector<1x16xf32>,
      %swap3A_106 = vector.shape_cast %swap3A_105 : vector<1x16xf32> to vector<16xf32>
      %swap3A_107 = vector.shape_cast %broadcast_in_dim3A_1 : vector<16xf32> to vector<1x16xf32>
      tpu.vector_store %arg14[%swap3A_103, %swap3A_104], %swap3A_107 {strides = array<i32>} : memref<8x128xf32, #tpu.memory_space<vmem>>, vector<1x16xf32>,
      %swap3A_108 = arith.index_cast %scan3A_77 : i32 to index
      %swap3A_109 = arith.constant 96 : index
      %swap3A_110 = tpu.vector_load %arg14[%swap3A_108, %swap3A_109] {strides = array<i32>} : memref<8x128xf32, #tpu.memory_space<vmem>>, vector<1x16xf32>,
      %swap3A_111 = vector.shape_cast %swap3A_110 : vector<1x16xf32> to vector<16xf32>
      %swap3A_112 = vector.shape_cast %broadcast_in_dim3A_1 : vector<16xf32> to vector<1x16xf32>
      tpu.vector_store %arg14[%swap3A_108, %swap3A_109], %swap3A_112 {strides = array<i32>} : memref<8x128xf32, #tpu.memory_space<vmem>>, vector<1x16xf32>,
      %swap3A_113 = arith.index_cast %scan3A_77 : i32 to index
      %swap3A_114 = arith.constant 112 : index
      %swap3A_115 = tpu.vector_load %arg14[%swap3A_113, %swap3A_114] {strides = array<i32>} : memref<8x128xf32, #tpu.memory_space<vmem>>, vector<1x16xf32>,
      %swap3A_116 = vector.shape_cast %swap3A_115 : vector<1x16xf32> to vector<16xf32>
      %swap3A_117 = vector.shape_cast %broadcast_in_dim3A_1 : vector<16xf32> to vector<1x16xf32>
      tpu.vector_store %arg14[%swap3A_113, %swap3A_114], %swap3A_117 {strides = array<i32>} : memref<8x128xf32, #tpu.memory_space<vmem>>, vector<1x16xf32>,
      %scan3A_118 = arith.constant 0 : i32
      scf.yield %scan3A_118 : i32
    }
    %scan3A_7 = arith.constant 8 : i32
    %mul3A_8 = arith.constant 624 : i32
    %mul3A_9 = arith.muli %arg1, %mul3A_8 : i32
    %eq3A = arith.constant 15 : i32
    %eq3A_10 = arith.cmpi eq, %arg1, %eq3A : i32
    %jit3A = arith.constant 80 : i32
    %jit3A_11 = arith.constant 78 : i32
    %select_n3A = arith.select %eq3A_10, %jit3A, %jit3A_11 : i32
    %while3A = arith.constant 0 : i32
    %while3A_12 = arith.constant 0 : i32
    %while3A_13 = arith.subi %select_n3A, %while3A : i32
    %while3A_14 = arith.addi %while3A, %while3A_13 : i32
    %while3A_15 = arith.constant 1 : i32
    %while3A_16 = arith.divsi %while3A_13, %while3A_15 : i32
    %while3A_17 = arith.muli %while3A_16, %while3A_15 : i32
    %while3A_18 = arith.addi %while3A, %while3A_17 : i32
    %while3A_19 = arith.constant 1 : i32
    %while3A_20 = scf.for %while3A_77 = %while3A to %while3A_18 step %while3A_19 iter_args(%while3A_78 = %while3A_12) -> (i32)  : i32 {
      %mul3A_79 = arith.constant 8 : i32
      %mul3A_80 = arith.muli %while3A_77, %mul3A_79 : i32
      %add3A_81 = arith.addi %mul3A_9, %mul3A_80 : i32
      "tpu.region"() ({
        %run_scoped3A = tpu.sem_alloc : memref<!tpu.dma_semaphore, #tpu.memory_space<semaphore_mem>>
        %dma_start3A = arith.constant 0 : i32
        %dma_start3A_83 = tpu.memref_slice %arg8[%add3A_81, %dma_start3A] : memref<10000x128xf32, #tpu.memory_space<vmem_shared>> -> memref<8x128xf32, #tpu.memory_space<vmem_shared>>
        %dma_start3A_84 = arith.constant 0 : i32
        %dma_start3A_85 = tpu.memref_slice %arg8[%add3A_81, %dma_start3A_84] : memref<10000x128xf32, #tpu.memory_space<vmem_shared>> -> memref<8x128xf32, #tpu.memory_space<vmem_shared>>
        tpu.enqueue_dma source(%arg14 : memref<8x128xf32, #tpu.memory_space<vmem>>) target(%dma_start3A_85 : memref<8x128xf32, #tpu.memory_space<vmem_shared>>) target_semaphore(%run_scoped3A : memref<!tpu.dma_semaphore, #tpu.memory_space<semaphore_mem>>)
        %dma_wait3A = arith.constant 0 : i32
        %dma_wait3A_86 = tpu.memref_slice %arg8[%add3A_81, %dma_wait3A] : memref<10000x128xf32, #tpu.memory_space<vmem_shared>> -> memref<8x128xf32, #tpu.memory_space<vmem_shared>>
        %dma_wait3A_87 = arith.constant 0 : i32
        %dma_wait3A_88 = tpu.memref_slice %arg8[%add3A_81, %dma_wait3A_87] : memref<10000x128xf32, #tpu.memory_space<vmem_shared>> -> memref<8x128xf32, #tpu.memory_space<vmem_shared>>
        tpu.wait_dma2 semaphore(%run_scoped3A : memref<!tpu.dma_semaphore, #tpu.memory_space<semaphore_mem>>) src(%arg14 : memref<8x128xf32, #tpu.memory_space<vmem>>) dst(%dma_wait3A_88 : memref<8x128xf32, #tpu.memory_space<vmem_shared>>)
        tpu.yield
      }) : () -> ()
      %while3A_82 = arith.constant 0 : i32
      scf.yield %while3A_82 : i32
    }
    %while3A_21 = arith.constant 1 : i32
    %while3A_22 = scf.for %while3A_77 = %while3A_18 to %while3A_14 step %while3A_21 iter_args(%while3A_78 = %while3A_20) -> (i32)  : i32 {
      %mul3A_79 = arith.constant 8 : i32
      %mul3A_80 = arith.muli %while3A_77, %mul3A_79 : i32
      %add3A_81 = arith.addi %mul3A_9, %mul3A_80 : i32
      "tpu.region"() ({
        %run_scoped3A = tpu.sem_alloc : memref<!tpu.dma_semaphore, #tpu.memory_space<semaphore_mem>>
        %dma_start3A = arith.constant 0 : i32
        %dma_start3A_83 = tpu.memref_slice %arg8[%add3A_81, %dma_start3A] : memref<10000x128xf32, #tpu.memory_space<vmem_shared>> -> memref<8x128xf32, #tpu.memory_space<vmem_shared>>
        %dma_start3A_84 = arith.constant 0 : i32
        %dma_start3A_85 = tpu.memref_slice %arg8[%add3A_81, %dma_start3A_84] : memref<10000x128xf32, #tpu.memory_space<vmem_shared>> -> memref<8x128xf32, #tpu.memory_space<vmem_shared>>
        tpu.enqueue_dma source(%arg14 : memref<8x128xf32, #tpu.memory_space<vmem>>) target(%dma_start3A_85 : memref<8x128xf32, #tpu.memory_space<vmem_shared>>) target_semaphore(%run_scoped3A : memref<!tpu.dma_semaphore, #tpu.memory_space<semaphore_mem>>)
        %dma_wait3A = arith.constant 0 : i32
        %dma_wait3A_86 = tpu.memref_slice %arg8[%add3A_81, %dma_wait3A] : memref<10000x128xf32, #tpu.memory_space<vmem_shared>> -> memref<8x128xf32, #tpu.memory_space<vmem_shared>>
        %dma_wait3A_87 = arith.constant 0 : i32
        %dma_wait3A_88 = tpu.memref_slice %arg8[%add3A_81, %dma_wait3A_87] : memref<10000x128xf32, #tpu.memory_space<vmem_shared>> -> memref<8x128xf32, #tpu.memory_space<vmem_shared>>
        tpu.wait_dma2 semaphore(%run_scoped3A : memref<!tpu.dma_semaphore, #tpu.memory_space<semaphore_mem>>) src(%arg14 : memref<8x128xf32, #tpu.memory_space<vmem>>) dst(%dma_wait3A_88 : memref<8x128xf32, #tpu.memory_space<vmem_shared>>)
        tpu.yield
      }) : () -> ()
      %while3A_82 = arith.constant 0 : i32
      scf.yield %while3A_82 : i32
    }
    %barrier3A = arith.constant 0 : index
    tpu.barrier barrier_id(%barrier3A)
    "tpu.region"() ({
      %run_scoped3A = tpu.sem_alloc : memref<!tpu.dma_semaphore, #tpu.memory_space<semaphore_mem>>
      tpu.enqueue_dma source(%arg4 : memref<128xf32, #tpu.memory_space<hbm>>) target(%arg13 : memref<128xf32, #tpu.memory_space<vmem>>) target_semaphore(%run_scoped3A : memref<!tpu.dma_semaphore, #tpu.memory_space<semaphore_mem>>)
      tpu.wait_dma2 semaphore(%run_scoped3A : memref<!tpu.dma_semaphore, #tpu.memory_space<semaphore_mem>>) src(%arg4 : memref<128xf32, #tpu.memory_space<hbm>>) dst(%arg13 : memref<128xf32, #tpu.memory_space<vmem>>)
      tpu.yield
    }) : () -> ()
    %get3A = arith.constant 0 : index
    %get3A_23 = tpu.vector_load %arg13[%get3A] {strides = array<i32>} : memref<128xf32, #tpu.memory_space<vmem>>, vector<16xf32>,
    %get3A_24 = vector.shape_cast %get3A_23 : vector<16xf32> to vector<16xf32>
    %get3A_25 = arith.constant 16 : index
    %get3A_26 = tpu.vector_load %arg13[%get3A_25] {strides = array<i32>} : memref<128xf32, #tpu.memory_space<vmem>>, vector<16xf32>,
    %get3A_27 = vector.shape_cast %get3A_26 : vector<16xf32> to vector<16xf32>
    %get3A_28 = arith.constant 32 : index
    %get3A_29 = tpu.vector_load %arg13[%get3A_28] {strides = array<i32>} : memref<128xf32, #tpu.memory_space<vmem>>, vector<16xf32>,
    %get3A_30 = vector.shape_cast %get3A_29 : vector<16xf32> to vector<16xf32>
    %get3A_31 = arith.constant 48 : index
    %get3A_32 = tpu.vector_load %arg13[%get3A_31] {strides = array<i32>} : memref<128xf32, #tpu.memory_space<vmem>>, vector<16xf32>,
    %get3A_33 = vector.shape_cast %get3A_32 : vector<16xf32> to vector<16xf32>
    %get3A_34 = arith.constant 64 : index
    %get3A_35 = tpu.vector_load %arg13[%get3A_34] {strides = array<i32>} : memref<128xf32, #tpu.memory_space<vmem>>, vector<16xf32>,
    %get3A_36 = vector.shape_cast %get3A_35 : vector<16xf32> to vector<16xf32>
    %get3A_37 = arith.constant 80 : index
    %get3A_38 = tpu.vector_load %arg13[%get3A_37] {strides = array<i32>} : memref<128xf32, #tpu.memory_space<vmem>>, vector<16xf32>,
    %get3A_39 = vector.shape_cast %get3A_38 : vector<16xf32> to vector<16xf32>
    %get3A_40 = arith.constant 96 : index
    %get3A_41 = tpu.vector_load %arg13[%get3A_40] {strides = array<i32>} : memref<128xf32, #tpu.memory_space<vmem>>, vector<16xf32>,
    %get3A_42 = vector.shape_cast %get3A_41 : vector<16xf32> to vector<16xf32>
    %get3A_43 = arith.constant 112 : index
    %get3A_44 = tpu.vector_load %arg13[%get3A_43] {strides = array<i32>} : memref<128xf32, #tpu.memory_space<vmem>>, vector<16xf32>,
    %get3A_45 = vector.shape_cast %get3A_44 : vector<16xf32> to vector<16xf32>
    %iota3A = tpu.iota {dimensions = array<i32: 0>} : vector<16xi32>
    %xor3A = arith.constant 1 : i32
    %xor3A_46 = vector.broadcast %xor3A : i32 to vector<16xi32>
    %xor3A_47 = arith.xori %iota3A, %xor3A_46 : vector<16xi32>
    %xor3A_48 = arith.constant 2 : i32
    %xor3A_49 = vector.broadcast %xor3A_48 : i32 to vector<16xi32>
    %xor3A_50 = arith.xori %iota3A, %xor3A_49 : vector<16xi32>
    %xor3A_51 = arith.constant 4 : i32
    %xor3A_52 = vector.broadcast %xor3A_51 : i32 to vector<16xi32>
    %xor3A_53 = arith.xori %iota3A, %xor3A_52 : vector<16xi32>
    %xor3A_54 = arith.constant 8 : i32
    %xor3A_55 = vector.broadcast %xor3A_54 : i32 to vector<16xi32>
    %xor3A_56 = arith.xori %iota3A, %xor3A_55 : vector<16xi32>
    %scan3A_57 = arith.constant 0 : i32
    %scan3A_58 = arith.constant 0 : i32
    %scan3A_59 = arith.constant 125 : i32
    %scan3A_60 = arith.addi %scan3A_58, %scan3A_59 : i32
    %scan3A_61 = arith.constant 1 : i32
    %scan3A_62 = scf.for %scan3A_77 = %scan3A_58 to %scan3A_60 step %scan3A_61 iter_args(%scan3A_78 = %scan3A_57) -> (i32)  : i32 {
      %mul3A_79 = arith.constant 10000 : i32
      %mul3A_80 = arith.muli %add3A, %mul3A_79 : i32
      %mul3A_81 = arith.constant 80 : i32
      %mul3A_82 = arith.muli %scan3A_77, %mul3A_81 : i32
      %add3A_83 = arith.addi %mul3A_80, %mul3A_82 : i32
      "tpu.region"() ({
        %run_scoped3A_94 = tpu.sem_alloc : memref<!tpu.dma_semaphore, #tpu.memory_space<semaphore_mem>>
        %dma_start3A = arith.constant 0 : i32
        %dma_start3A_95 = arith.constant 0 : i32
        %dma_start3A_96 = tpu.memref_slice %arg5[%add3A, %scan3A_77, %dma_start3A, %dma_start3A_95] : memref<32x125x2x80xi32, #tpu.memory_space<hbm>> -> memref<1x1x2x80xi32, #tpu.memory_space<hbm>>
        %dma_start3A_97 = tpu.memref_squeeze %dma_start3A_96 : memref<1x1x2x80xi32, #tpu.memory_space<hbm>> -> memref<2x80xi32, #tpu.memory_space<hbm>>
        %dma_start3A_98 = arith.constant 0 : i32
        %dma_start3A_99 = arith.constant 0 : i32
        %dma_start3A_100 = tpu.memref_slice %arg5[%add3A, %scan3A_77, %dma_start3A_98, %dma_start3A_99] : memref<32x125x2x80xi32, #tpu.memory_space<hbm>> -> memref<1x1x2x80xi32, #tpu.memory_space<hbm>>
        %dma_start3A_101 = tpu.memref_squeeze %dma_start3A_100 : memref<1x1x2x80xi32, #tpu.memory_space<hbm>> -> memref<2x80xi32, #tpu.memory_space<hbm>>
        tpu.enqueue_dma source(%dma_start3A_101 : memref<2x80xi32, #tpu.memory_space<hbm>>) target(%arg9 : memref<2x80xi32, #tpu.memory_space<vmem>>) target_semaphore(%run_scoped3A_94 : memref<!tpu.dma_semaphore, #tpu.memory_space<semaphore_mem>>)
        %dma_wait3A = arith.constant 0 : i32
        %dma_wait3A_102 = arith.constant 0 : i32
        %dma_wait3A_103 = tpu.memref_slice %arg5[%add3A, %scan3A_77, %dma_wait3A, %dma_wait3A_102] : memref<32x125x2x80xi32, #tpu.memory_space<hbm>> -> memref<1x1x2x80xi32, #tpu.memory_space<hbm>>
        %dma_wait3A_104 = tpu.memref_squeeze %dma_wait3A_103 : memref<1x1x2x80xi32, #tpu.memory_space<hbm>> -> memref<2x80xi32, #tpu.memory_space<hbm>>
        %dma_wait3A_105 = arith.constant 0 : i32
        %dma_wait3A_106 = arith.constant 0 : i32
        %dma_wait3A_107 = tpu.memref_slice %arg5[%add3A, %scan3A_77, %dma_wait3A_105, %dma_wait3A_106] : memref<32x125x2x80xi32, #tpu.memory_space<hbm>> -> memref<1x1x2x80xi32, #tpu.memory_space<hbm>>
        %dma_wait3A_108 = tpu.memref_squeeze %dma_wait3A_107 : memref<1x1x2x80xi32, #tpu.memory_space<hbm>> -> memref<2x80xi32, #tpu.memory_space<hbm>>
        tpu.wait_dma2 semaphore(%run_scoped3A_94 : memref<!tpu.dma_semaphore, #tpu.memory_space<semaphore_mem>>) src(%dma_wait3A_108 : memref<2x80xi32, #tpu.memory_space<hbm>>) dst(%arg9 : memref<2x80xi32, #tpu.memory_space<vmem>>)
        tpu.yield
      }) : () -> ()
      %run_scoped3A = arith.constant 0 : i32
      "tpu.region"() ({
        %run_scoped3A_94 = tpu.sem_alloc : memref<!tpu.dma_semaphore, #tpu.memory_space<semaphore_mem>>
        %dma_start3A = arith.constant 0 : i32
        %dma_start3A_95 = tpu.memref_slice %arg9[%run_scoped3A, %dma_start3A] : memref<2x80xi32, #tpu.memory_space<vmem>> -> memref<1x80xi32, #tpu.memory_space<vmem>>
        %dma_start3A_96 = tpu.memref_squeeze %dma_start3A_95 : memref<1x80xi32, #tpu.memory_space<vmem>> -> memref<80xi32, #tpu.memory_space<vmem>>
        %dma_start3A_97 = arith.constant 0 : i32
        %dma_start3A_98 = arith.constant 0 : i32
        %dma_start3A_99 = tpu.memref_slice %arg2[%dma_start3A_97, %dma_start3A_98] : memref<10000x128xf32, #tpu.memory_space<hbm>> -> memref<10000x128xf32, #tpu.memory_space<hbm>>
        tpu.enqueue_indirect_dma source(%dma_start3A_99 : memref<10000x128xf32, #tpu.memory_space<hbm>>) target(%arg10 : memref<80x128xf32, #tpu.memory_space<vmem>>) offsets(%dma_start3A_96 : memref<80xi32, #tpu.memory_space<vmem>>) semaphore(%run_scoped3A_94 : memref<!tpu.dma_semaphore, #tpu.memory_space<semaphore_mem>>)
        %dma_wait3A = arith.constant 0 : i32
        %dma_wait3A_100 = tpu.memref_slice %arg9[%run_scoped3A, %dma_wait3A] : memref<2x80xi32, #tpu.memory_space<vmem>> -> memref<1x80xi32, #tpu.memory_space<vmem>>
        %dma_wait3A_101 = tpu.memref_squeeze %dma_wait3A_100 : memref<1x80xi32, #tpu.memory_space<vmem>> -> memref<80xi32, #tpu.memory_space<vmem>>
        %dma_wait3A_102 = arith.constant 0 : i32
        %dma_wait3A_103 = arith.constant 0 : i32
        %dma_wait3A_104 = tpu.memref_slice %arg2[%dma_wait3A_102, %dma_wait3A_103] : memref<10000x128xf32, #tpu.memory_space<hbm>> -> memref<10000x128xf32, #tpu.memory_space<hbm>>
        tpu.wait_indirect_dma semaphore(%run_scoped3A_94 : memref<!tpu.dma_semaphore, #tpu.memory_space<semaphore_mem>>) src(%dma_wait3A_104 : memref<10000x128xf32, #tpu.memory_space<hbm>>) dst(%arg10 : memref<80x128xf32, #tpu.memory_space<vmem>>)
        tpu.yield
      }) : () -> ()
      %run_scoped3A_84 = arith.constant 1 : i32
      "tpu.region"() ({
        %run_scoped3A_94 = tpu.sem_alloc : memref<!tpu.dma_semaphore, #tpu.memory_space<semaphore_mem>>
        %dma_start3A = arith.constant 0 : i32
        %dma_start3A_95 = tpu.memref_slice %arg9[%run_scoped3A_84, %dma_start3A] : memref<2x80xi32, #tpu.memory_space<vmem>> -> memref<1x80xi32, #tpu.memory_space<vmem>>
        %dma_start3A_96 = tpu.memref_squeeze %dma_start3A_95 : memref<1x80xi32, #tpu.memory_space<vmem>> -> memref<80xi32, #tpu.memory_space<vmem>>
        %dma_start3A_97 = arith.constant 0 : i32
        %dma_start3A_98 = arith.constant 0 : i32
        %dma_start3A_99 = tpu.memref_slice %arg3[%dma_start3A_97, %dma_start3A_98] : memref<10000x128xf32, #tpu.memory_space<hbm>> -> memref<10000x128xf32, #tpu.memory_space<hbm>>
        tpu.enqueue_indirect_dma source(%dma_start3A_99 : memref<10000x128xf32, #tpu.memory_space<hbm>>) target(%arg11 : memref<80x128xf32, #tpu.memory_space<vmem>>) offsets(%dma_start3A_96 : memref<80xi32, #tpu.memory_space<vmem>>) semaphore(%run_scoped3A_94 : memref<!tpu.dma_semaphore, #tpu.memory_space<semaphore_mem>>)
        %dma_wait3A = arith.constant 0 : i32
        %dma_wait3A_100 = tpu.memref_slice %arg9[%run_scoped3A_84, %dma_wait3A] : memref<2x80xi32, #tpu.memory_space<vmem>> -> memref<1x80xi32, #tpu.memory_space<vmem>>
        %dma_wait3A_101 = tpu.memref_squeeze %dma_wait3A_100 : memref<1x80xi32, #tpu.memory_space<vmem>> -> memref<80xi32, #tpu.memory_space<vmem>>
        %dma_wait3A_102 = arith.constant 0 : i32
        %dma_wait3A_103 = arith.constant 0 : i32
        %dma_wait3A_104 = tpu.memref_slice %arg3[%dma_wait3A_102, %dma_wait3A_103] : memref<10000x128xf32, #tpu.memory_space<hbm>> -> memref<10000x128xf32, #tpu.memory_space<hbm>>
        tpu.wait_indirect_dma semaphore(%run_scoped3A_94 : memref<!tpu.dma_semaphore, #tpu.memory_space<semaphore_mem>>) src(%dma_wait3A_104 : memref<10000x128xf32, #tpu.memory_space<hbm>>) dst(%arg11 : memref<80x128xf32, #tpu.memory_space<vmem>>)
        tpu.yield
      }) : () -> ()
      %scan3A_85 = arith.constant 0 : i32
      %scan3A_86 = arith.constant 0 : i32
      %scan3A_87 = arith.constant 5 : i32
      %scan3A_88 = arith.addi %scan3A_86, %scan3A_87 : i32
      %scan3A_89 = arith.constant 1 : i32
      %scan3A_90 = scf.for %scan3A_94 = %scan3A_86 to %scan3A_88 step %scan3A_89 iter_args(%scan3A_95 = %scan3A_85) -> (i32)  : i32 {
        %scan3A_96 = arith.constant 0 : i32
        %scan3A_97 = arith.constant 16 : i32
        %scan3A_98 = arith.addi %scan3A_96, %scan3A_97 : i32
        %scan3A_99 = arith.constant 1 : i32
        %scan3A_100 = scf.for %scan3A_115 = %scan3A_96 to %scan3A_98 step %scan3A_99 iter_args(%scan3A_116 = %broadcast_in_dim3A_1) -> (vector<16xf32>)  : i32 {
          %mul3A_117 = arith.constant 16 : i32
          %mul3A_118 = arith.muli %scan3A_94, %mul3A_117 : i32
          %add3A_119 = arith.addi %mul3A_118, %scan3A_115 : i32
          %get3A_120 = arith.index_cast %add3A_119 : i32 to index
          %get3A_121 = arith.constant 0 : index
          %get3A_122 = tpu.vector_load %arg10[%get3A_120, %get3A_121] {strides = array<i32>} : memref<80x128xf32, #tpu.memory_space<vmem>>, vector<1x16xf32>,
          %get3A_123 = vector.shape_cast %get3A_122 : vector<1x16xf32> to vector<16xf32>
          %get3A_124 = arith.index_cast %add3A_119 : i32 to index
          %get3A_125 = arith.constant 0 : index
          %get3A_126 = tpu.vector_load %arg11[%get3A_124, %get3A_125] {strides = array<i32>} : memref<80x128xf32, #tpu.memory_space<vmem>>, vector<1x16xf32>,
          %get3A_127 = vector.shape_cast %get3A_126 : vector<1x16xf32> to vector<16xf32>
          %add3A_128 = arith.addf %get3A_123, %get3A_127 : vector<16xf32>
          %mul3A_129 = arith.constant 2.000000e-01 : f32
          %mul3A_130 = vector.broadcast %mul3A_129 : f32 to vector<16xf32>
          %mul3A_131 = arith.mulf %mul3A_130, %add3A_128 : vector<16xf32>
          %max3A = arith.maximumf %add3A_128, %mul3A_131 : vector<16xf32>
          %mul3A_132 = arith.mulf %max3A, %get3A_24 : vector<16xf32>
          %add3A_133 = arith.addf %broadcast_in_dim3A_1, %mul3A_132 : vector<16xf32>
          %get3A_134 = arith.index_cast %add3A_119 : i32 to index
          %get3A_135 = arith.constant 16 : index
          %get3A_136 = tpu.vector_load %arg10[%get3A_134, %get3A_135] {strides = array<i32>} : memref<80x128xf32, #tpu.memory_space<vmem>>, vector<1x16xf32>,
          %get3A_137 = vector.shape_cast %get3A_136 : vector<1x16xf32> to vector<16xf32>
          %get3A_138 = arith.index_cast %add3A_119 : i32 to index
          %get3A_139 = arith.constant 16 : index
          %get3A_140 = tpu.vector_load %arg11[%get3A_138, %get3A_139] {strides = array<i32>} : memref<80x128xf32, #tpu.memory_space<vmem>>, vector<1x16xf32>,
          %get3A_141 = vector.shape_cast %get3A_140 : vector<1x16xf32> to vector<16xf32>
          %add3A_142 = arith.addf %get3A_137, %get3A_141 : vector<16xf32>
          %mul3A_143 = arith.constant 2.000000e-01 : f32
          %mul3A_144 = vector.broadcast %mul3A_143 : f32 to vector<16xf32>
          %mul3A_145 = arith.mulf %mul3A_144, %add3A_142 : vector<16xf32>
          %max3A_146 = arith.maximumf %add3A_142, %mul3A_145 : vector<16xf32>
          %mul3A_147 = arith.mulf %max3A_146, %get3A_27 : vector<16xf32>
          %add3A_148 = arith.addf %add3A_133, %mul3A_147 : vector<16xf32>
          %get3A_149 = arith.index_cast %add3A_119 : i32 to index
          %get3A_150 = arith.constant 32 : index
          %get3A_151 = tpu.vector_load %arg10[%get3A_149, %get3A_150] {strides = array<i32>} : memref<80x128xf32, #tpu.memory_space<vmem>>, vector<1x16xf32>,
          %get3A_152 = vector.shape_cast %get3A_151 : vector<1x16xf32> to vector<16xf32>
          %get3A_153 = arith.index_cast %add3A_119 : i32 to index
          %get3A_154 = arith.constant 32 : index
          %get3A_155 = tpu.vector_load %arg11[%get3A_153, %get3A_154] {strides = array<i32>} : memref<80x128xf32, #tpu.memory_space<vmem>>, vector<1x16xf32>,
          %get3A_156 = vector.shape_cast %get3A_155 : vector<1x16xf32> to vector<16xf32>
          %add3A_157 = arith.addf %get3A_152, %get3A_156 : vector<16xf32>
          %mul3A_158 = arith.constant 2.000000e-01 : f32
          %mul3A_159 = vector.broadcast %mul3A_158 : f32 to vector<16xf32>
          %mul3A_160 = arith.mulf %mul3A_159, %add3A_157 : vector<16xf32>
          %max3A_161 = arith.maximumf %add3A_157, %mul3A_160 : vector<16xf32>
          %mul3A_162 = arith.mulf %max3A_161, %get3A_30 : vector<16xf32>
          %add3A_163 = arith.addf %add3A_148, %mul3A_162 : vector<16xf32>
          %get3A_164 = arith.index_cast %add3A_119 : i32 to index
          %get3A_165 = arith.constant 48 : index
          %get3A_166 = tpu.vector_load %arg10[%get3A_164, %get3A_165] {strides = array<i32>} : memref<80x128xf32, #tpu.memory_space<vmem>>, vector<1x16xf32>,
          %get3A_167 = vector.shape_cast %get3A_166 : vector<1x16xf32> to vector<16xf32>
          %get3A_168 = arith.index_cast %add3A_119 : i32 to index
          %get3A_169 = arith.constant 48 : index
          %get3A_170 = tpu.vector_load %arg11[%get3A_168, %get3A_169] {strides = array<i32>} : memref<80x128xf32, #tpu.memory_space<vmem>>, vector<1x16xf32>,
          %get3A_171 = vector.shape_cast %get3A_170 : vector<1x16xf32> to vector<16xf32>
          %add3A_172 = arith.addf %get3A_167, %get3A_171 : vector<16xf32>
          %mul3A_173 = arith.constant 2.000000e-01 : f32
          %mul3A_174 = vector.broadcast %mul3A_173 : f32 to vector<16xf32>
          %mul3A_175 = arith.mulf %mul3A_174, %add3A_172 : vector<16xf32>
          %max3A_176 = arith.maximumf %add3A_172, %mul3A_175 : vector<16xf32>
          %mul3A_177 = arith.mulf %max3A_176, %get3A_33 : vector<16xf32>
          %add3A_178 = arith.addf %add3A_163, %mul3A_177 : vector<16xf32>
          %get3A_179 = arith.index_cast %add3A_119 : i32 to index
          %get3A_180 = arith.constant 64 : index
          %get3A_181 = tpu.vector_load %arg10[%get3A_179, %get3A_180] {strides = array<i32>} : memref<80x128xf32, #tpu.memory_space<vmem>>, vector<1x16xf32>,
          %get3A_182 = vector.shape_cast %get3A_181 : vector<1x16xf32> to vector<16xf32>
          %get3A_183 = arith.index_cast %add3A_119 : i32 to index
          %get3A_184 = arith.constant 64 : index
          %get3A_185 = tpu.vector_load %arg11[%get3A_183, %get3A_184] {strides = array<i32>} : memref<80x128xf32, #tpu.memory_space<vmem>>, vector<1x16xf32>,
          %get3A_186 = vector.shape_cast %get3A_185 : vector<1x16xf32> to vector<16xf32>
          %add3A_187 = arith.addf %get3A_182, %get3A_186 : vector<16xf32>
          %mul3A_188 = arith.constant 2.000000e-01 : f32
          %mul3A_189 = vector.broadcast %mul3A_188 : f32 to vector<16xf32>
          %mul3A_190 = arith.mulf %mul3A_189, %add3A_187 : vector<16xf32>
          %max3A_191 = arith.maximumf %add3A_187, %mul3A_190 : vector<16xf32>
          %mul3A_192 = arith.mulf %max3A_191, %get3A_36 : vector<16xf32>
          %add3A_193 = arith.addf %add3A_178, %mul3A_192 : vector<16xf32>
          %get3A_194 = arith.index_cast %add3A_119 : i32 to index
          %get3A_195 = arith.constant 80 : index
          %get3A_196 = tpu.vector_load %arg10[%get3A_194, %get3A_195] {strides = array<i32>} : memref<80x128xf32, #tpu.memory_space<vmem>>, vector<1x16xf32>,
          %get3A_197 = vector.shape_cast %get3A_196 : vector<1x16xf32> to vector<16xf32>
          %get3A_198 = arith.index_cast %add3A_119 : i32 to index
          %get3A_199 = arith.constant 80 : index
          %get3A_200 = tpu.vector_load %arg11[%get3A_198, %get3A_199] {strides = array<i32>} : memref<80x128xf32, #tpu.memory_space<vmem>>, vector<1x16xf32>,
          %get3A_201 = vector.shape_cast %get3A_200 : vector<1x16xf32> to vector<16xf32>
          %add3A_202 = arith.addf %get3A_197, %get3A_201 : vector<16xf32>
          %mul3A_203 = arith.constant 2.000000e-01 : f32
          %mul3A_204 = vector.broadcast %mul3A_203 : f32 to vector<16xf32>
          %mul3A_205 = arith.mulf %mul3A_204, %add3A_202 : vector<16xf32>
          %max3A_206 = arith.maximumf %add3A_202, %mul3A_205 : vector<16xf32>
          %mul3A_207 = arith.mulf %max3A_206, %get3A_39 : vector<16xf32>
          %add3A_208 = arith.addf %add3A_193, %mul3A_207 : vector<16xf32>
          %get3A_209 = arith.index_cast %add3A_119 : i32 to index
          %get3A_210 = arith.constant 96 : index
          %get3A_211 = tpu.vector_load %arg10[%get3A_209, %get3A_210] {strides = array<i32>} : memref<80x128xf32, #tpu.memory_space<vmem>>, vector<1x16xf32>,
          %get3A_212 = vector.shape_cast %get3A_211 : vector<1x16xf32> to vector<16xf32>
          %get3A_213 = arith.index_cast %add3A_119 : i32 to index
          %get3A_214 = arith.constant 96 : index
          %get3A_215 = tpu.vector_load %arg11[%get3A_213, %get3A_214] {strides = array<i32>} : memref<80x128xf32, #tpu.memory_space<vmem>>, vector<1x16xf32>,
          %get3A_216 = vector.shape_cast %get3A_215 : vector<1x16xf32> to vector<16xf32>
          %add3A_217 = arith.addf %get3A_212, %get3A_216 : vector<16xf32>
          %mul3A_218 = arith.constant 2.000000e-01 : f32
          %mul3A_219 = vector.broadcast %mul3A_218 : f32 to vector<16xf32>
          %mul3A_220 = arith.mulf %mul3A_219, %add3A_217 : vector<16xf32>
          %max3A_221 = arith.maximumf %add3A_217, %mul3A_220 : vector<16xf32>
          %mul3A_222 = arith.mulf %max3A_221, %get3A_42 : vector<16xf32>
          %add3A_223 = arith.addf %add3A_208, %mul3A_222 : vector<16xf32>
          %get3A_224 = arith.index_cast %add3A_119 : i32 to index
          %get3A_225 = arith.constant 112 : index
          %get3A_226 = tpu.vector_load %arg10[%get3A_224, %get3A_225] {strides = array<i32>} : memref<80x128xf32, #tpu.memory_space<vmem>>, vector<1x16xf32>,
          %get3A_227 = vector.shape_cast %get3A_226 : vector<1x16xf32> to vector<16xf32>
          %get3A_228 = arith.index_cast %add3A_119 : i32 to index
          %get3A_229 = arith.constant 112 : index
          %get3A_230 = tpu.vector_load %arg11[%get3A_228, %get3A_229] {strides = array<i32>} : memref<80x128xf32, #tpu.memory_space<vmem>>, vector<1x16xf32>,
          %get3A_231 = vector.shape_cast %get3A_230 : vector<1x16xf32> to vector<16xf32>
          %add3A_232 = arith.addf %get3A_227, %get3A_231 : vector<16xf32>
          %mul3A_233 = arith.constant 2.000000e-01 : f32
          %mul3A_234 = vector.broadcast %mul3A_233 : f32 to vector<16xf32>
          %mul3A_235 = arith.mulf %mul3A_234, %add3A_232 : vector<16xf32>
          %max3A_236 = arith.maximumf %add3A_232, %mul3A_235 : vector<16xf32>
          %mul3A_237 = arith.mulf %max3A_236, %get3A_45 : vector<16xf32>
          %add3A_238 = arith.addf %add3A_223, %mul3A_237 : vector<16xf32>
          %eq3A_239 = vector.broadcast %scan3A_115 : i32 to vector<16xi32>
          %eq3A_240 = arith.cmpi eq, %iota3A, %eq3A_239 : vector<16xi32>
          %lt3A = arith.constant 0 : i32
          %lt3A_241 = vector.broadcast %lt3A : i32 to vector<16xi32>
          %lt3A_242 = arith.cmpi slt, %xor3A_47, %lt3A_241 : vector<16xi32>
          %add3A_243 = arith.constant 16 : i32
          %add3A_244 = vector.broadcast %add3A_243 : i32 to vector<16xi32>
          %add3A_245 = arith.addi %xor3A_47, %add3A_244 : vector<16xi32>
          %select_n3A_246 = arith.select %lt3A_242, %add3A_245, %xor3A_47 : vector<16xi1>, vector<16xi32>
          %broadcast_in_dim3A_247 = vector.shape_cast %select_n3A_246 : vector<16xi32> to vector<16x1xi32>
          %gather3A = vector.shape_cast %broadcast_in_dim3A_247 : vector<16x1xi32> to vector<16xi32>
          %gather3A_248 = tpu.dynamic_gather %add3A_238[%gather3A] in [0] : vector<16xf32>, vector<16xi32> -> vector<16xf32>
          %add3A_249 = arith.addf %add3A_238, %gather3A_248 : vector<16xf32>
          %lt3A_250 = arith.constant 0 : i32
          %lt3A_251 = vector.broadcast %lt3A_250 : i32 to vector<16xi32>
          %lt3A_252 = arith.cmpi slt, %xor3A_50, %lt3A_251 : vector<16xi32>
          %add3A_253 = arith.constant 16 : i32
          %add3A_254 = vector.broadcast %add3A_253 : i32 to vector<16xi32>
          %add3A_255 = arith.addi %xor3A_50, %add3A_254 : vector<16xi32>
          %select_n3A_256 = arith.select %lt3A_252, %add3A_255, %xor3A_50 : vector<16xi1>, vector<16xi32>
          %broadcast_in_dim3A_257 = vector.shape_cast %select_n3A_256 : vector<16xi32> to vector<16x1xi32>
          %gather3A_258 = vector.shape_cast %broadcast_in_dim3A_257 : vector<16x1xi32> to vector<16xi32>
          %gather3A_259 = tpu.dynamic_gather %add3A_249[%gather3A_258] in [0] : vector<16xf32>, vector<16xi32> -> vector<16xf32>
          %add3A_260 = arith.addf %add3A_249, %gather3A_259 : vector<16xf32>
          %lt3A_261 = arith.constant 0 : i32
          %lt3A_262 = vector.broadcast %lt3A_261 : i32 to vector<16xi32>
          %lt3A_263 = arith.cmpi slt, %xor3A_53, %lt3A_262 : vector<16xi32>
          %add3A_264 = arith.constant 16 : i32
          %add3A_265 = vector.broadcast %add3A_264 : i32 to vector<16xi32>
          %add3A_266 = arith.addi %xor3A_53, %add3A_265 : vector<16xi32>
          %select_n3A_267 = arith.select %lt3A_263, %add3A_266, %xor3A_53 : vector<16xi1>, vector<16xi32>
          %broadcast_in_dim3A_268 = vector.shape_cast %select_n3A_267 : vector<16xi32> to vector<16x1xi32>
          %gather3A_269 = vector.shape_cast %broadcast_in_dim3A_268 : vector<16x1xi32> to vector<16xi32>
          %gather3A_270 = tpu.dynamic_gather %add3A_260[%gather3A_269] in [0] : vector<16xf32>, vector<16xi32> -> vector<16xf32>
          %add3A_271 = arith.addf %add3A_260, %gather3A_270 : vector<16xf32>
          %lt3A_272 = arith.constant 0 : i32
          %lt3A_273 = vector.broadcast %lt3A_272 : i32 to vector<16xi32>
          %lt3A_274 = arith.cmpi slt, %xor3A_56, %lt3A_273 : vector<16xi32>
          %add3A_275 = arith.constant 16 : i32
          %add3A_276 = vector.broadcast %add3A_275 : i32 to vector<16xi32>
          %add3A_277 = arith.addi %xor3A_56, %add3A_276 : vector<16xi32>
          %select_n3A_278 = arith.select %lt3A_274, %add3A_277, %xor3A_56 : vector<16xi1>, vector<16xi32>
          %broadcast_in_dim3A_279 = vector.shape_cast %select_n3A_278 : vector<16xi32> to vector<16x1xi32>
          %gather3A_280 = vector.shape_cast %broadcast_in_dim3A_279 : vector<16x1xi32> to vector<16xi32>
          %gather3A_281 = tpu.dynamic_gather %add3A_271[%gather3A_280] in [0] : vector<16xf32>, vector<16xi32> -> vector<16xf32>
          %add3A_282 = arith.addf %add3A_271, %gather3A_281 : vector<16xf32>
          %select_n3A_283 = arith.select %eq3A_240, %add3A_282, %scan3A_116 : vector<16xi1>, vector<16xf32>
          scf.yield %select_n3A_283 : vector<16xf32>
        }
        %scan3A_101 = arith.constant 16 : i32
        %exp3A = math.exp %scan3A_100 : vector<16xf32>
        %mul3A_102 = arith.constant 16 : i32
        %mul3A_103 = arith.muli %scan3A_94, %mul3A_102 : i32
        %swap3A = arith.index_cast %mul3A_103 : i32 to index
        %swap3A_104 = tpu.vector_load %arg12[%swap3A] {strides = array<i32>} : memref<80xf32, #tpu.memory_space<vmem>>, vector<16xf32>,
        %swap3A_105 = vector.shape_cast %swap3A_104 : vector<16xf32> to vector<16xf32>
        %swap3A_106 = vector.shape_cast %exp3A : vector<16xf32> to vector<16xf32>
        tpu.vector_store %arg12[%swap3A], %swap3A_106 {strides = array<i32>} : memref<80xf32, #tpu.memory_space<vmem>>, vector<16xf32>,
        %scan3A_107 = arith.constant 0 : i32
        %scan3A_108 = arith.constant 0 : i32
        %scan3A_109 = arith.constant 16 : i32
        %scan3A_110 = arith.addi %scan3A_108, %scan3A_109 : i32
        %scan3A_111 = arith.constant 1 : i32
        %scan3A_112 = scf.for %scan3A_115 = %scan3A_108 to %scan3A_110 step %scan3A_111 iter_args(%scan3A_116 = %scan3A_107) -> (i32)  : i32 {
          %mul3A_117 = arith.constant 16 : i32
          %mul3A_118 = arith.muli %scan3A_94, %mul3A_117 : i32
          %add3A_119 = arith.addi %mul3A_118, %scan3A_115 : i32
          %broadcast_in_dim3A_120 = vector.broadcast %scan3A_115 : i32 to vector<16xi32>
          %lt3A = arith.constant 0 : i32
          %lt3A_121 = vector.broadcast %lt3A : i32 to vector<16xi32>
          %lt3A_122 = arith.cmpi slt, %broadcast_in_dim3A_120, %lt3A_121 : vector<16xi32>
          %add3A_123 = arith.constant 16 : i32
          %add3A_124 = vector.broadcast %add3A_123 : i32 to vector<16xi32>
          %add3A_125 = arith.addi %broadcast_in_dim3A_120, %add3A_124 : vector<16xi32>
          %select_n3A_126 = arith.select %lt3A_122, %add3A_125, %broadcast_in_dim3A_120 : vector<16xi1>, vector<16xi32>
          %broadcast_in_dim3A_127 = vector.shape_cast %select_n3A_126 : vector<16xi32> to vector<16x1xi32>
          %gather3A = vector.shape_cast %broadcast_in_dim3A_127 : vector<16x1xi32> to vector<16xi32>
          %gather3A_128 = tpu.dynamic_gather %exp3A[%gather3A] in [0] : vector<16xf32>, vector<16xi32> -> vector<16xf32>
          %get3A_129 = arith.index_cast %add3A_119 : i32 to index
          %get3A_130 = arith.constant 0 : index
          %get3A_131 = tpu.vector_load %arg10[%get3A_129, %get3A_130] {strides = array<i32>} : memref<80x128xf32, #tpu.memory_space<vmem>>, vector<1x16xf32>,
          %get3A_132 = vector.shape_cast %get3A_131 : vector<1x16xf32> to vector<16xf32>
          %mul3A_133 = arith.mulf %gather3A_128, %get3A_132 : vector<16xf32>
          %swap3A_134 = arith.index_cast %add3A_119 : i32 to index
          %swap3A_135 = arith.constant 0 : index
          %swap3A_136 = tpu.vector_load %arg10[%swap3A_134, %swap3A_135] {strides = array<i32>} : memref<80x128xf32, #tpu.memory_space<vmem>>, vector<1x16xf32>,
          %swap3A_137 = vector.shape_cast %swap3A_136 : vector<1x16xf32> to vector<16xf32>
          %swap3A_138 = vector.shape_cast %mul3A_133 : vector<16xf32> to vector<1x16xf32>
          tpu.vector_store %arg10[%swap3A_134, %swap3A_135], %swap3A_138 {strides = array<i32>} : memref<80x128xf32, #tpu.memory_space<vmem>>, vector<1x16xf32>,
          %get3A_139 = arith.index_cast %add3A_119 : i32 to index
          %get3A_140 = arith.constant 16 : index
          %get3A_141 = tpu.vector_load %arg10[%get3A_139, %get3A_140] {strides = array<i32>} : memref<80x128xf32, #tpu.memory_space<vmem>>, vector<1x16xf32>,
          %get3A_142 = vector.shape_cast %get3A_141 : vector<1x16xf32> to vector<16xf32>
          %mul3A_143 = arith.mulf %gather3A_128, %get3A_142 : vector<16xf32>
          %swap3A_144 = arith.index_cast %add3A_119 : i32 to index
          %swap3A_145 = arith.constant 16 : index
          %swap3A_146 = tpu.vector_load %arg10[%swap3A_144, %swap3A_145] {strides = array<i32>} : memref<80x128xf32, #tpu.memory_space<vmem>>, vector<1x16xf32>,
          %swap3A_147 = vector.shape_cast %swap3A_146 : vector<1x16xf32> to vector<16xf32>
          %swap3A_148 = vector.shape_cast %mul3A_143 : vector<16xf32> to vector<1x16xf32>
          tpu.vector_store %arg10[%swap3A_144, %swap3A_145], %swap3A_148 {strides = array<i32>} : memref<80x128xf32, #tpu.memory_space<vmem>>, vector<1x16xf32>,
          %get3A_149 = arith.index_cast %add3A_119 : i32 to index
          %get3A_150 = arith.constant 32 : index
          %get3A_151 = tpu.vector_load %arg10[%get3A_149, %get3A_150] {strides = array<i32>} : memref<80x128xf32, #tpu.memory_space<vmem>>, vector<1x16xf32>,
          %get3A_152 = vector.shape_cast %get3A_151 : vector<1x16xf32> to vector<16xf32>
          %mul3A_153 = arith.mulf %gather3A_128, %get3A_152 : vector<16xf32>
          %swap3A_154 = arith.index_cast %add3A_119 : i32 to index
          %swap3A_155 = arith.constant 32 : index
          %swap3A_156 = tpu.vector_load %arg10[%swap3A_154, %swap3A_155] {strides = array<i32>} : memref<80x128xf32, #tpu.memory_space<vmem>>, vector<1x16xf32>,
          %swap3A_157 = vector.shape_cast %swap3A_156 : vector<1x16xf32> to vector<16xf32>
          %swap3A_158 = vector.shape_cast %mul3A_153 : vector<16xf32> to vector<1x16xf32>
          tpu.vector_store %arg10[%swap3A_154, %swap3A_155], %swap3A_158 {strides = array<i32>} : memref<80x128xf32, #tpu.memory_space<vmem>>, vector<1x16xf32>,
          %get3A_159 = arith.index_cast %add3A_119 : i32 to index
          %get3A_160 = arith.constant 48 : index
          %get3A_161 = tpu.vector_load %arg10[%get3A_159, %get3A_160] {strides = array<i32>} : memref<80x128xf32, #tpu.memory_space<vmem>>, vector<1x16xf32>,
          %get3A_162 = vector.shape_cast %get3A_161 : vector<1x16xf32> to vector<16xf32>
          %mul3A_163 = arith.mulf %gather3A_128, %get3A_162 : vector<16xf32>
          %swap3A_164 = arith.index_cast %add3A_119 : i32 to index
          %swap3A_165 = arith.constant 48 : index
          %swap3A_166 = tpu.vector_load %arg10[%swap3A_164, %swap3A_165] {strides = array<i32>} : memref<80x128xf32, #tpu.memory_space<vmem>>, vector<1x16xf32>,
          %swap3A_167 = vector.shape_cast %swap3A_166 : vector<1x16xf32> to vector<16xf32>
          %swap3A_168 = vector.shape_cast %mul3A_163 : vector<16xf32> to vector<1x16xf32>
          tpu.vector_store %arg10[%swap3A_164, %swap3A_165], %swap3A_168 {strides = array<i32>} : memref<80x128xf32, #tpu.memory_space<vmem>>, vector<1x16xf32>,
          %get3A_169 = arith.index_cast %add3A_119 : i32 to index
          %get3A_170 = arith.constant 64 : index
          %get3A_171 = tpu.vector_load %arg10[%get3A_169, %get3A_170] {strides = array<i32>} : memref<80x128xf32, #tpu.memory_space<vmem>>, vector<1x16xf32>,
          %get3A_172 = vector.shape_cast %get3A_171 : vector<1x16xf32> to vector<16xf32>
          %mul3A_173 = arith.mulf %gather3A_128, %get3A_172 : vector<16xf32>
          %swap3A_174 = arith.index_cast %add3A_119 : i32 to index
          %swap3A_175 = arith.constant 64 : index
          %swap3A_176 = tpu.vector_load %arg10[%swap3A_174, %swap3A_175] {strides = array<i32>} : memref<80x128xf32, #tpu.memory_space<vmem>>, vector<1x16xf32>,
          %swap3A_177 = vector.shape_cast %swap3A_176 : vector<1x16xf32> to vector<16xf32>
          %swap3A_178 = vector.shape_cast %mul3A_173 : vector<16xf32> to vector<1x16xf32>
          tpu.vector_store %arg10[%swap3A_174, %swap3A_175], %swap3A_178 {strides = array<i32>} : memref<80x128xf32, #tpu.memory_space<vmem>>, vector<1x16xf32>,
          %get3A_179 = arith.index_cast %add3A_119 : i32 to index
          %get3A_180 = arith.constant 80 : index
          %get3A_181 = tpu.vector_load %arg10[%get3A_179, %get3A_180] {strides = array<i32>} : memref<80x128xf32, #tpu.memory_space<vmem>>, vector<1x16xf32>,
          %get3A_182 = vector.shape_cast %get3A_181 : vector<1x16xf32> to vector<16xf32>
          %mul3A_183 = arith.mulf %gather3A_128, %get3A_182 : vector<16xf32>
          %swap3A_184 = arith.index_cast %add3A_119 : i32 to index
          %swap3A_185 = arith.constant 80 : index
          %swap3A_186 = tpu.vector_load %arg10[%swap3A_184, %swap3A_185] {strides = array<i32>} : memref<80x128xf32, #tpu.memory_space<vmem>>, vector<1x16xf32>,
          %swap3A_187 = vector.shape_cast %swap3A_186 : vector<1x16xf32> to vector<16xf32>
          %swap3A_188 = vector.shape_cast %mul3A_183 : vector<16xf32> to vector<1x16xf32>
          tpu.vector_store %arg10[%swap3A_184, %swap3A_185], %swap3A_188 {strides = array<i32>} : memref<80x128xf32, #tpu.memory_space<vmem>>, vector<1x16xf32>,
          %get3A_189 = arith.index_cast %add3A_119 : i32 to index
          %get3A_190 = arith.constant 96 : index
          %get3A_191 = tpu.vector_load %arg10[%get3A_189, %get3A_190] {strides = array<i32>} : memref<80x128xf32, #tpu.memory_space<vmem>>, vector<1x16xf32>,
          %get3A_192 = vector.shape_cast %get3A_191 : vector<1x16xf32> to vector<16xf32>
          %mul3A_193 = arith.mulf %gather3A_128, %get3A_192 : vector<16xf32>
          %swap3A_194 = arith.index_cast %add3A_119 : i32 to index
          %swap3A_195 = arith.constant 96 : index
          %swap3A_196 = tpu.vector_load %arg10[%swap3A_194, %swap3A_195] {strides = array<i32>} : memref<80x128xf32, #tpu.memory_space<vmem>>, vector<1x16xf32>,
          %swap3A_197 = vector.shape_cast %swap3A_196 : vector<1x16xf32> to vector<16xf32>
          %swap3A_198 = vector.shape_cast %mul3A_193 : vector<16xf32> to vector<1x16xf32>
          tpu.vector_store %arg10[%swap3A_194, %swap3A_195], %swap3A_198 {strides = array<i32>} : memref<80x128xf32, #tpu.memory_space<vmem>>, vector<1x16xf32>,
          %get3A_199 = arith.index_cast %add3A_119 : i32 to index
          %get3A_200 = arith.constant 112 : index
          %get3A_201 = tpu.vector_load %arg10[%get3A_199, %get3A_200] {strides = array<i32>} : memref<80x128xf32, #tpu.memory_space<vmem>>, vector<1x16xf32>,
          %get3A_202 = vector.shape_cast %get3A_201 : vector<1x16xf32> to vector<16xf32>
          %mul3A_203 = arith.mulf %gather3A_128, %get3A_202 : vector<16xf32>
          %swap3A_204 = arith.index_cast %add3A_119 : i32 to index
          %swap3A_205 = arith.constant 112 : index
          %swap3A_206 = tpu.vector_load %arg10[%swap3A_204, %swap3A_205] {strides = array<i32>} : memref<80x128xf32, #tpu.memory_space<vmem>>, vector<1x16xf32>,
          %swap3A_207 = vector.shape_cast %swap3A_206 : vector<1x16xf32> to vector<16xf32>
          %swap3A_208 = vector.shape_cast %mul3A_203 : vector<16xf32> to vector<1x16xf32>
          tpu.vector_store %arg10[%swap3A_204, %swap3A_205], %swap3A_208 {strides = array<i32>} : memref<80x128xf32, #tpu.memory_space<vmem>>, vector<1x16xf32>,
          %scan3A_209 = arith.constant 0 : i32
          scf.yield %scan3A_209 : i32
        }
        %scan3A_113 = arith.constant 16 : i32
        %scan3A_114 = arith.constant 0 : i32
        scf.yield %scan3A_114 : i32
      }
      %scan3A_91 = arith.constant 5 : i32
      "tpu.region"() ({
        %run_scoped3A_94 = tpu.sem_alloc : memref<!tpu.dma_semaphore, #tpu.memory_space<semaphore_mem>>
        %dma_start3A = tpu.memref_slice %arg7[%add3A_83] : memref<320000xf32, #tpu.memory_space<hbm>> -> memref<80xf32, #tpu.memory_space<hbm>>
        %dma_start3A_95 = tpu.memref_slice %arg7[%add3A_83] : memref<320000xf32, #tpu.memory_space<hbm>> -> memref<80xf32, #tpu.memory_space<hbm>>
        tpu.enqueue_dma source(%arg12 : memref<80xf32, #tpu.memory_space<vmem>>) target(%dma_start3A_95 : memref<80xf32, #tpu.memory_space<hbm>>) target_semaphore(%run_scoped3A_94 : memref<!tpu.dma_semaphore, #tpu.memory_space<semaphore_mem>>)
        %dma_wait3A = tpu.memref_slice %arg7[%add3A_83] : memref<320000xf32, #tpu.memory_space<hbm>> -> memref<80xf32, #tpu.memory_space<hbm>>
        %dma_wait3A_96 = tpu.memref_slice %arg7[%add3A_83] : memref<320000xf32, #tpu.memory_space<hbm>> -> memref<80xf32, #tpu.memory_space<hbm>>
        tpu.wait_dma2 semaphore(%run_scoped3A_94 : memref<!tpu.dma_semaphore, #tpu.memory_space<semaphore_mem>>) src(%arg12 : memref<80xf32, #tpu.memory_space<vmem>>) dst(%dma_wait3A_96 : memref<80xf32, #tpu.memory_space<hbm>>)
        tpu.yield
      }) : () -> ()
      %run_scoped3A_92 = arith.constant 1 : i32
      "tpu.region"() ({
        %run_scoped3A_94 = tpu.sem_alloc : memref<!tpu.dma_semaphore, #tpu.memory_space<semaphore_mem>>
        %dma_start3A = arith.constant 0 : i32
        %dma_start3A_95 = tpu.memref_slice %arg9[%run_scoped3A_92, %dma_start3A] : memref<2x80xi32, #tpu.memory_space<vmem>> -> memref<1x80xi32, #tpu.memory_space<vmem>>
        %dma_start3A_96 = tpu.memref_squeeze %dma_start3A_95 : memref<1x80xi32, #tpu.memory_space<vmem>> -> memref<80xi32, #tpu.memory_space<vmem>>
        %dma_start3A_97 = arith.constant 0 : i32
        %dma_start3A_98 = arith.constant 0 : i32
        %dma_start3A_99 = tpu.memref_slice %arg8[%dma_start3A_97, %dma_start3A_98] : memref<10000x128xf32, #tpu.memory_space<vmem_shared>> -> memref<10000x128xf32, #tpu.memory_space<vmem_shared>>
        tpu.enqueue_indirect_dma source(%arg10 : memref<80x128xf32, #tpu.memory_space<vmem>>) target(%dma_start3A_99 : memref<10000x128xf32, #tpu.memory_space<vmem_shared>>) offsets(%dma_start3A_96 : memref<80xi32, #tpu.memory_space<vmem>>) semaphore(%run_scoped3A_94 : memref<!tpu.dma_semaphore, #tpu.memory_space<semaphore_mem>>) {add = true}
        %dma_wait3A = arith.constant 0 : i32
        %dma_wait3A_100 = tpu.memref_slice %arg9[%run_scoped3A_92, %dma_wait3A] : memref<2x80xi32, #tpu.memory_space<vmem>> -> memref<1x80xi32, #tpu.memory_space<vmem>>
        %dma_wait3A_101 = tpu.memref_squeeze %dma_wait3A_100 : memref<1x80xi32, #tpu.memory_space<vmem>> -> memref<80xi32, #tpu.memory_space<vmem>>
        %dma_wait3A_102 = arith.constant 0 : i32
        %dma_wait3A_103 = arith.constant 0 : i32
        %dma_wait3A_104 = tpu.memref_slice %arg8[%dma_wait3A_102, %dma_wait3A_103] : memref<10000x128xf32, #tpu.memory_space<vmem_shared>> -> memref<10000x128xf32, #tpu.memory_space<vmem_shared>>
        tpu.wait_indirect_dma semaphore(%run_scoped3A_94 : memref<!tpu.dma_semaphore, #tpu.memory_space<semaphore_mem>>) src(%arg10 : memref<80x128xf32, #tpu.memory_space<vmem>>) dst(%dma_wait3A_104 : memref<10000x128xf32, #tpu.memory_space<vmem_shared>>)
        tpu.yield
      }) : () -> ()
      %scan3A_93 = arith.constant 0 : i32
      scf.yield %scan3A_93 : i32
    }
    %scan3A_63 = arith.constant 125 : i32
    %barrier3A_64 = arith.constant 0 : index
    tpu.barrier barrier_id(%barrier3A_64)
    %while3A_65 = arith.constant 0 : i32
    %while3A_66 = arith.constant 0 : i32
    %while3A_67 = arith.subi %select_n3A, %while3A_65 : i32
    %while3A_68 = arith.addi %while3A_65, %while3A_67 : i32
    %while3A_69 = arith.constant 1 : i32
    %while3A_70 = arith.divsi %while3A_67, %while3A_69 : i32
    %while3A_71 = arith.muli %while3A_70, %while3A_69 : i32
    %while3A_72 = arith.addi %while3A_65, %while3A_71 : i32
    %while3A_73 = arith.constant 1 : i32
    %while3A_74 = scf.for %while3A_77 = %while3A_65 to %while3A_72 step %while3A_73 iter_args(%while3A_78 = %while3A_66) -> (i32)  : i32 {
      %mul3A_79 = arith.constant 8 : i32
      %mul3A_80 = arith.muli %while3A_77, %mul3A_79 : i32
      %add3A_81 = arith.addi %mul3A_9, %mul3A_80 : i32
      "tpu.region"() ({
        %run_scoped3A = tpu.sem_alloc : memref<!tpu.dma_semaphore, #tpu.memory_space<semaphore_mem>>
        %dma_start3A = arith.constant 0 : i32
        %dma_start3A_83 = tpu.memref_slice %arg6[%arg0, %add3A_81, %dma_start3A] : memref<2x10000x128xf32, #tpu.memory_space<hbm>> -> memref<1x8x128xf32, #tpu.memory_space<hbm>>
        %dma_start3A_84 = tpu.memref_squeeze %dma_start3A_83 : memref<1x8x128xf32, #tpu.memory_space<hbm>> -> memref<8x128xf32, #tpu.memory_space<hbm>>
        %dma_start3A_85 = arith.constant 0 : i32
        %dma_start3A_86 = tpu.memref_slice %arg8[%add3A_81, %dma_start3A_85] : memref<10000x128xf32, #tpu.memory_space<vmem_shared>> -> memref<8x128xf32, #tpu.memory_space<vmem_shared>>
        tpu.enqueue_dma source(%dma_start3A_86 : memref<8x128xf32, #tpu.memory_space<vmem_shared>>) target(%dma_start3A_84 : memref<8x128xf32, #tpu.memory_space<hbm>>) target_semaphore(%run_scoped3A : memref<!tpu.dma_semaphore, #tpu.memory_space<semaphore_mem>>)
        %dma_wait3A = arith.constant 0 : i32
        %dma_wait3A_87 = tpu.memref_slice %arg6[%arg0, %add3A_81, %dma_wait3A] : memref<2x10000x128xf32, #tpu.memory_space<hbm>> -> memref<1x8x128xf32, #tpu.memory_space<hbm>>
        %dma_wait3A_88 = tpu.memref_squeeze %dma_wait3A_87 : memref<1x8x128xf32, #tpu.memory_space<hbm>> -> memref<8x128xf32, #tpu.memory_space<hbm>>
        %dma_wait3A_89 = arith.constant 0 : i32
        %dma_wait3A_90 = tpu.memref_slice %arg8[%add3A_81, %dma_wait3A_89] : memref<10000x128xf32, #tpu.memory_space<vmem_shared>> -> memref<8x128xf32, #tpu.memory_space<vmem_shared>>
        tpu.wait_dma2 semaphore(%run_scoped3A : memref<!tpu.dma_semaphore, #tpu.memory_space<semaphore_mem>>) src(%dma_wait3A_90 : memref<8x128xf32, #tpu.memory_space<vmem_shared>>) dst(%dma_wait3A_88 : memref<8x128xf32, #tpu.memory_space<hbm>>)
        tpu.yield
      }) : () -> ()
      %while3A_82 = arith.constant 0 : i32
      scf.yield %while3A_82 : i32
    }
    %while3A_75 = arith.constant 1 : i32
    %while3A_76 = scf.for %while3A_77 = %while3A_72 to %while3A_68 step %while3A_75 iter_args(%while3A_78 = %while3A_74) -> (i32)  : i32 {
      %mul3A_79 = arith.constant 8 : i32
      %mul3A_80 = arith.muli %while3A_77, %mul3A_79 : i32
      %add3A_81 = arith.addi %mul3A_9, %mul3A_80 : i32
      "tpu.region"() ({
        %run_scoped3A = tpu.sem_alloc : memref<!tpu.dma_semaphore, #tpu.memory_space<semaphore_mem>>
        %dma_start3A = arith.constant 0 : i32
        %dma_start3A_83 = tpu.memref_slice %arg6[%arg0, %add3A_81, %dma_start3A] : memref<2x10000x128xf32, #tpu.memory_space<hbm>> -> memref<1x8x128xf32, #tpu.memory_space<hbm>>
        %dma_start3A_84 = tpu.memref_squeeze %dma_start3A_83 : memref<1x8x128xf32, #tpu.memory_space<hbm>> -> memref<8x128xf32, #tpu.memory_space<hbm>>
        %dma_start3A_85 = arith.constant 0 : i32
        %dma_start3A_86 = tpu.memref_slice %arg8[%add3A_81, %dma_start3A_85] : memref<10000x128xf32, #tpu.memory_space<vmem_shared>> -> memref<8x128xf32, #tpu.memory_space<vmem_shared>>
        tpu.enqueue_dma source(%dma_start3A_86 : memref<8x128xf32, #tpu.memory_space<vmem_shared>>) target(%dma_start3A_84 : memref<8x128xf32, #tpu.memory_space<hbm>>) target_semaphore(%run_scoped3A : memref<!tpu.dma_semaphore, #tpu.memory_space<semaphore_mem>>)
        %dma_wait3A = arith.constant 0 : i32
        %dma_wait3A_87 = tpu.memref_slice %arg6[%arg0, %add3A_81, %dma_wait3A] : memref<2x10000x128xf32, #tpu.memory_space<hbm>> -> memref<1x8x128xf32, #tpu.memory_space<hbm>>
        %dma_wait3A_88 = tpu.memref_squeeze %dma_wait3A_87 : memref<1x8x128xf32, #tpu.memory_space<hbm>> -> memref<8x128xf32, #tpu.memory_space<hbm>>
        %dma_wait3A_89 = arith.constant 0 : i32
        %dma_wait3A_90 = tpu.memref_slice %arg8[%add3A_81, %dma_wait3A_89] : memref<10000x128xf32, #tpu.memory_space<vmem_shared>> -> memref<8x128xf32, #tpu.memory_space<vmem_shared>>
        tpu.wait_dma2 semaphore(%run_scoped3A : memref<!tpu.dma_semaphore, #tpu.memory_space<semaphore_mem>>) src(%dma_wait3A_90 : memref<8x128xf32, #tpu.memory_space<vmem_shared>>) dst(%dma_wait3A_88 : memref<8x128xf32, #tpu.memory_space<hbm>>)
        tpu.yield
      }) : () -> ()
      %while3A_82 = arith.constant 0 : i32
      scf.yield %while3A_82 : i32
    }
    return
  }
}

#map = affine_map<(d0, d1) -> (0)>
#map1 = affine_map<(d0, d1) -> (0, 0, 0)>
module attributes {stable_mosaic.version = 14 : i64} {
  func.func @body(%arg0: i32, %arg1: i32, %arg2: memref<320000xf32, #tpu.memory_space<hbm>>, %arg3: memref<32x125x80xi32, #tpu.memory_space<hbm>>, %arg4: memref<2x10000x16xf32, #tpu.memory_space<hbm>>, %arg5: memref<10000x16xf32, #tpu.memory_space<vmem_shared>>, %arg6: memref<125x80xi32, #tpu.memory_space<vmem>>, %arg7: memref<10000xf32, #tpu.memory_space<vmem>>, %arg8: memref<80x16xf32, #tpu.memory_space<vmem>>, %arg9: memref<8x16xf32, #tpu.memory_space<vmem>>) attributes {dimension_semantics = [#tpu.dimension_semantics<core_parallel>, #tpu.dimension_semantics<subcore_parallel>], iteration_bounds = array<i64: 2, 16>, scalar_prefetch = 0 : i64, scratch_operands = 5 : i64, tpu.core_type = #tpu.core_type<sc_vector_subcore>, window_params = [{transform_indices = #map}, {transform_indices = #map1}, {transform_indices = #map1}]} {
    %mul3A = arith.constant 16 : i32
    %mul3A_0 = arith.muli %arg0, %mul3A : i32
    %add3A = arith.addi %mul3A_0, %arg1 : i32
    %broadcast_in_dim3A = arith.constant 0.000000e+00 : f32
    %broadcast_in_dim3A_1 = vector.broadcast %broadcast_in_dim3A : f32 to vector<16xf32>
    %iota3A = tpu.iota {dimensions = array<i32: 0>} : vector<16xi32>
    %scan3A = arith.constant 0 : i32
    %scan3A_2 = arith.constant 0 : i32
    %scan3A_3 = arith.constant 8 : i32
    %scan3A_4 = arith.addi %scan3A_2, %scan3A_3 : i32
    %scan3A_5 = arith.constant 1 : i32
    %scan3A_6 = scf.for %scan3A_45 = %scan3A_2 to %scan3A_4 step %scan3A_5 iter_args(%scan3A_46 = %scan3A) -> (i32)  : i32 {
      %swap3A = arith.index_cast %scan3A_45 : i32 to index
      %swap3A_47 = arith.constant 0 : index
      %swap3A_48 = tpu.vector_load %arg9[%swap3A, %swap3A_47] {strides = array<i32>} : memref<8x16xf32, #tpu.memory_space<vmem>>, vector<1x16xf32>,
      %swap3A_49 = vector.shape_cast %swap3A_48 : vector<1x16xf32> to vector<16xf32>
      %swap3A_50 = vector.shape_cast %broadcast_in_dim3A_1 : vector<16xf32> to vector<1x16xf32>
      tpu.vector_store %arg9[%swap3A, %swap3A_47], %swap3A_50 {strides = array<i32>} : memref<8x16xf32, #tpu.memory_space<vmem>>, vector<1x16xf32>,
      %scan3A_51 = arith.constant 0 : i32
      scf.yield %scan3A_51 : i32
    }
    %scan3A_7 = arith.constant 8 : i32
    %mul3A_8 = arith.constant 624 : i32
    %mul3A_9 = arith.muli %arg1, %mul3A_8 : i32
    %eq3A = arith.constant 15 : i32
    %eq3A_10 = arith.cmpi eq, %arg1, %eq3A : i32
    %jit3A = arith.constant 80 : i32
    %jit3A_11 = arith.constant 78 : i32
    %select_n3A = arith.select %eq3A_10, %jit3A, %jit3A_11 : i32
    %while3A = arith.constant 0 : i32
    %while3A_12 = arith.constant 0 : i32
    %while3A_13 = arith.subi %select_n3A, %while3A : i32
    %while3A_14 = arith.addi %while3A, %while3A_13 : i32
    %while3A_15 = arith.constant 1 : i32
    %while3A_16 = arith.divsi %while3A_13, %while3A_15 : i32
    %while3A_17 = arith.muli %while3A_16, %while3A_15 : i32
    %while3A_18 = arith.addi %while3A, %while3A_17 : i32
    %while3A_19 = arith.constant 1 : i32
    %while3A_20 = scf.for %while3A_45 = %while3A to %while3A_18 step %while3A_19 iter_args(%while3A_46 = %while3A_12) -> (i32)  : i32 {
      %mul3A_47 = arith.constant 8 : i32
      %mul3A_48 = arith.muli %while3A_45, %mul3A_47 : i32
      %add3A_49 = arith.addi %mul3A_9, %mul3A_48 : i32
      "tpu.region"() ({
        %run_scoped3A = tpu.sem_alloc : memref<!tpu.dma_semaphore, #tpu.memory_space<semaphore_mem>>
        %dma_start3A = arith.constant 0 : i32
        %dma_start3A_51 = tpu.memref_slice %arg5[%add3A_49, %dma_start3A] : memref<10000x16xf32, #tpu.memory_space<vmem_shared>> -> memref<8x16xf32, #tpu.memory_space<vmem_shared>>
        %dma_start3A_52 = arith.constant 0 : i32
        %dma_start3A_53 = tpu.memref_slice %arg5[%add3A_49, %dma_start3A_52] : memref<10000x16xf32, #tpu.memory_space<vmem_shared>> -> memref<8x16xf32, #tpu.memory_space<vmem_shared>>
        tpu.enqueue_dma source(%arg9 : memref<8x16xf32, #tpu.memory_space<vmem>>) target(%dma_start3A_53 : memref<8x16xf32, #tpu.memory_space<vmem_shared>>) target_semaphore(%run_scoped3A : memref<!tpu.dma_semaphore, #tpu.memory_space<semaphore_mem>>)
        %dma_wait3A = arith.constant 0 : i32
        %dma_wait3A_54 = tpu.memref_slice %arg5[%add3A_49, %dma_wait3A] : memref<10000x16xf32, #tpu.memory_space<vmem_shared>> -> memref<8x16xf32, #tpu.memory_space<vmem_shared>>
        %dma_wait3A_55 = arith.constant 0 : i32
        %dma_wait3A_56 = tpu.memref_slice %arg5[%add3A_49, %dma_wait3A_55] : memref<10000x16xf32, #tpu.memory_space<vmem_shared>> -> memref<8x16xf32, #tpu.memory_space<vmem_shared>>
        tpu.wait_dma2 semaphore(%run_scoped3A : memref<!tpu.dma_semaphore, #tpu.memory_space<semaphore_mem>>) src(%arg9 : memref<8x16xf32, #tpu.memory_space<vmem>>) dst(%dma_wait3A_56 : memref<8x16xf32, #tpu.memory_space<vmem_shared>>)
        tpu.yield
      }) : () -> ()
      %while3A_50 = arith.constant 0 : i32
      scf.yield %while3A_50 : i32
    }
    %while3A_21 = arith.constant 1 : i32
    %while3A_22 = scf.for %while3A_45 = %while3A_18 to %while3A_14 step %while3A_21 iter_args(%while3A_46 = %while3A_20) -> (i32)  : i32 {
      %mul3A_47 = arith.constant 8 : i32
      %mul3A_48 = arith.muli %while3A_45, %mul3A_47 : i32
      %add3A_49 = arith.addi %mul3A_9, %mul3A_48 : i32
      "tpu.region"() ({
        %run_scoped3A = tpu.sem_alloc : memref<!tpu.dma_semaphore, #tpu.memory_space<semaphore_mem>>
        %dma_start3A = arith.constant 0 : i32
        %dma_start3A_51 = tpu.memref_slice %arg5[%add3A_49, %dma_start3A] : memref<10000x16xf32, #tpu.memory_space<vmem_shared>> -> memref<8x16xf32, #tpu.memory_space<vmem_shared>>
        %dma_start3A_52 = arith.constant 0 : i32
        %dma_start3A_53 = tpu.memref_slice %arg5[%add3A_49, %dma_start3A_52] : memref<10000x16xf32, #tpu.memory_space<vmem_shared>> -> memref<8x16xf32, #tpu.memory_space<vmem_shared>>
        tpu.enqueue_dma source(%arg9 : memref<8x16xf32, #tpu.memory_space<vmem>>) target(%dma_start3A_53 : memref<8x16xf32, #tpu.memory_space<vmem_shared>>) target_semaphore(%run_scoped3A : memref<!tpu.dma_semaphore, #tpu.memory_space<semaphore_mem>>)
        %dma_wait3A = arith.constant 0 : i32
        %dma_wait3A_54 = tpu.memref_slice %arg5[%add3A_49, %dma_wait3A] : memref<10000x16xf32, #tpu.memory_space<vmem_shared>> -> memref<8x16xf32, #tpu.memory_space<vmem_shared>>
        %dma_wait3A_55 = arith.constant 0 : i32
        %dma_wait3A_56 = tpu.memref_slice %arg5[%add3A_49, %dma_wait3A_55] : memref<10000x16xf32, #tpu.memory_space<vmem_shared>> -> memref<8x16xf32, #tpu.memory_space<vmem_shared>>
        tpu.wait_dma2 semaphore(%run_scoped3A : memref<!tpu.dma_semaphore, #tpu.memory_space<semaphore_mem>>) src(%arg9 : memref<8x16xf32, #tpu.memory_space<vmem>>) dst(%dma_wait3A_56 : memref<8x16xf32, #tpu.memory_space<vmem_shared>>)
        tpu.yield
      }) : () -> ()
      %while3A_50 = arith.constant 0 : i32
      scf.yield %while3A_50 : i32
    }
    %barrier3A = arith.constant 0 : index
    tpu.barrier barrier_id(%barrier3A)
    "tpu.region"() ({
      %run_scoped3A = tpu.sem_alloc : memref<!tpu.dma_semaphore, #tpu.memory_space<semaphore_mem>>
      %dma_start3A = arith.constant 0 : i32
      %dma_start3A_45 = arith.constant 0 : i32
      %dma_start3A_46 = tpu.memref_slice %arg3[%add3A, %dma_start3A, %dma_start3A_45] : memref<32x125x80xi32, #tpu.memory_space<hbm>> -> memref<1x125x80xi32, #tpu.memory_space<hbm>>
      %dma_start3A_47 = tpu.memref_squeeze %dma_start3A_46 : memref<1x125x80xi32, #tpu.memory_space<hbm>> -> memref<125x80xi32, #tpu.memory_space<hbm>>
      %dma_start3A_48 = arith.constant 0 : i32
      %dma_start3A_49 = arith.constant 0 : i32
      %dma_start3A_50 = tpu.memref_slice %arg3[%add3A, %dma_start3A_48, %dma_start3A_49] : memref<32x125x80xi32, #tpu.memory_space<hbm>> -> memref<1x125x80xi32, #tpu.memory_space<hbm>>
      %dma_start3A_51 = tpu.memref_squeeze %dma_start3A_50 : memref<1x125x80xi32, #tpu.memory_space<hbm>> -> memref<125x80xi32, #tpu.memory_space<hbm>>
      tpu.enqueue_dma source(%dma_start3A_51 : memref<125x80xi32, #tpu.memory_space<hbm>>) target(%arg6 : memref<125x80xi32, #tpu.memory_space<vmem>>) target_semaphore(%run_scoped3A : memref<!tpu.dma_semaphore, #tpu.memory_space<semaphore_mem>>)
      %dma_wait3A = arith.constant 0 : i32
      %dma_wait3A_52 = arith.constant 0 : i32
      %dma_wait3A_53 = tpu.memref_slice %arg3[%add3A, %dma_wait3A, %dma_wait3A_52] : memref<32x125x80xi32, #tpu.memory_space<hbm>> -> memref<1x125x80xi32, #tpu.memory_space<hbm>>
      %dma_wait3A_54 = tpu.memref_squeeze %dma_wait3A_53 : memref<1x125x80xi32, #tpu.memory_space<hbm>> -> memref<125x80xi32, #tpu.memory_space<hbm>>
      %dma_wait3A_55 = arith.constant 0 : i32
      %dma_wait3A_56 = arith.constant 0 : i32
      %dma_wait3A_57 = tpu.memref_slice %arg3[%add3A, %dma_wait3A_55, %dma_wait3A_56] : memref<32x125x80xi32, #tpu.memory_space<hbm>> -> memref<1x125x80xi32, #tpu.memory_space<hbm>>
      %dma_wait3A_58 = tpu.memref_squeeze %dma_wait3A_57 : memref<1x125x80xi32, #tpu.memory_space<hbm>> -> memref<125x80xi32, #tpu.memory_space<hbm>>
      tpu.wait_dma2 semaphore(%run_scoped3A : memref<!tpu.dma_semaphore, #tpu.memory_space<semaphore_mem>>) src(%dma_wait3A_58 : memref<125x80xi32, #tpu.memory_space<hbm>>) dst(%arg6 : memref<125x80xi32, #tpu.memory_space<vmem>>)
      tpu.yield
    }) : () -> ()
    %mul3A_23 = arith.constant 10000 : i32
    %mul3A_24 = arith.muli %add3A, %mul3A_23 : i32
    "tpu.region"() ({
      %run_scoped3A = tpu.sem_alloc : memref<!tpu.dma_semaphore, #tpu.memory_space<semaphore_mem>>
      %dma_start3A = tpu.memref_slice %arg2[%mul3A_24] : memref<320000xf32, #tpu.memory_space<hbm>> -> memref<10000xf32, #tpu.memory_space<hbm>>
      %dma_start3A_45 = tpu.memref_slice %arg2[%mul3A_24] : memref<320000xf32, #tpu.memory_space<hbm>> -> memref<10000xf32, #tpu.memory_space<hbm>>
      tpu.enqueue_dma source(%dma_start3A_45 : memref<10000xf32, #tpu.memory_space<hbm>>) target(%arg7 : memref<10000xf32, #tpu.memory_space<vmem>>) target_semaphore(%run_scoped3A : memref<!tpu.dma_semaphore, #tpu.memory_space<semaphore_mem>>)
      %dma_wait3A = tpu.memref_slice %arg2[%mul3A_24] : memref<320000xf32, #tpu.memory_space<hbm>> -> memref<10000xf32, #tpu.memory_space<hbm>>
      %dma_wait3A_46 = tpu.memref_slice %arg2[%mul3A_24] : memref<320000xf32, #tpu.memory_space<hbm>> -> memref<10000xf32, #tpu.memory_space<hbm>>
      tpu.wait_dma2 semaphore(%run_scoped3A : memref<!tpu.dma_semaphore, #tpu.memory_space<semaphore_mem>>) src(%dma_wait3A_46 : memref<10000xf32, #tpu.memory_space<hbm>>) dst(%arg7 : memref<10000xf32, #tpu.memory_space<vmem>>)
      tpu.yield
    }) : () -> ()
    %scan3A_25 = arith.constant 0 : i32
    %scan3A_26 = arith.constant 0 : i32
    %scan3A_27 = arith.constant 125 : i32
    %scan3A_28 = arith.addi %scan3A_26, %scan3A_27 : i32
    %scan3A_29 = arith.constant 1 : i32
    %scan3A_30 = scf.for %scan3A_45 = %scan3A_26 to %scan3A_28 step %scan3A_29 iter_args(%scan3A_46 = %scan3A_25) -> (i32)  : i32 {
      %scan3A_47 = arith.constant 0 : i32
      %scan3A_48 = arith.constant 0 : i32
      %scan3A_49 = arith.constant 5 : i32
      %scan3A_50 = arith.addi %scan3A_48, %scan3A_49 : i32
      %scan3A_51 = arith.constant 1 : i32
      %scan3A_52 = scf.for %scan3A_55 = %scan3A_48 to %scan3A_50 step %scan3A_51 iter_args(%scan3A_56 = %scan3A_47) -> (i32)  : i32 {
        %mul3A_57 = arith.constant 80 : i32
        %mul3A_58 = arith.muli %scan3A_45, %mul3A_57 : i32
        %mul3A_59 = arith.constant 16 : i32
        %mul3A_60 = arith.muli %scan3A_55, %mul3A_59 : i32
        %add3A_61 = arith.addi %mul3A_58, %mul3A_60 : i32
        %get3A = arith.index_cast %add3A_61 : i32 to index
        %get3A_62 = tpu.vector_load %arg7[%get3A] {strides = array<i32>} : memref<10000xf32, #tpu.memory_space<vmem>>, vector<16xf32>,
        %get3A_63 = vector.shape_cast %get3A_62 : vector<16xf32> to vector<16xf32>
        %scan3A_64 = arith.constant 0 : i32
        %scan3A_65 = arith.constant 0 : i32
        %scan3A_66 = arith.constant 16 : i32
        %scan3A_67 = arith.addi %scan3A_65, %scan3A_66 : i32
        %scan3A_68 = arith.constant 1 : i32
        %scan3A_69 = scf.for %scan3A_72 = %scan3A_65 to %scan3A_67 step %scan3A_68 iter_args(%scan3A_73 = %scan3A_64) -> (i32)  : i32 {
          %mul3A_74 = arith.constant 16 : i32
          %mul3A_75 = arith.muli %scan3A_55, %mul3A_74 : i32
          %add3A_76 = arith.addi %mul3A_75, %scan3A_72 : i32
          %broadcast_in_dim3A_77 = vector.broadcast %scan3A_72 : i32 to vector<16xi32>
          %lt3A = arith.constant 0 : i32
          %lt3A_78 = vector.broadcast %lt3A : i32 to vector<16xi32>
          %lt3A_79 = arith.cmpi slt, %broadcast_in_dim3A_77, %lt3A_78 : vector<16xi32>
          %add3A_80 = arith.constant 16 : i32
          %add3A_81 = vector.broadcast %add3A_80 : i32 to vector<16xi32>
          %add3A_82 = arith.addi %broadcast_in_dim3A_77, %add3A_81 : vector<16xi32>
          %select_n3A_83 = arith.select %lt3A_79, %add3A_82, %broadcast_in_dim3A_77 : vector<16xi1>, vector<16xi32>
          %broadcast_in_dim3A_84 = vector.shape_cast %select_n3A_83 : vector<16xi32> to vector<16x1xi32>
          %gather3A = vector.shape_cast %broadcast_in_dim3A_84 : vector<16x1xi32> to vector<16xi32>
          %gather3A_85 = tpu.dynamic_gather %get3A_63[%gather3A] in [0] : vector<16xf32>, vector<16xi32> -> vector<16xf32>
          %eq3A_86 = vector.broadcast %scan3A_72 : i32 to vector<16xi32>
          %eq3A_87 = arith.cmpi eq, %iota3A, %eq3A_86 : vector<16xi32>
          %jit3A_88 = arith.constant 0.000000e+00 : f32
          %broadcast_in_dim3A_89 = vector.broadcast %jit3A_88 : f32 to vector<16xf32>
          %select_n3A_90 = arith.select %eq3A_87, %gather3A_85, %broadcast_in_dim3A_89 : vector<16xi1>, vector<16xf32>
          %swap3A = arith.index_cast %add3A_76 : i32 to index
          %swap3A_91 = arith.constant 0 : index
          %swap3A_92 = tpu.vector_load %arg8[%swap3A, %swap3A_91] {strides = array<i32>} : memref<80x16xf32, #tpu.memory_space<vmem>>, vector<1x16xf32>,
          %swap3A_93 = vector.shape_cast %swap3A_92 : vector<1x16xf32> to vector<16xf32>
          %swap3A_94 = vector.shape_cast %select_n3A_90 : vector<16xf32> to vector<1x16xf32>
          tpu.vector_store %arg8[%swap3A, %swap3A_91], %swap3A_94 {strides = array<i32>} : memref<80x16xf32, #tpu.memory_space<vmem>>, vector<1x16xf32>,
          %scan3A_95 = arith.constant 0 : i32
          scf.yield %scan3A_95 : i32
        }
        %scan3A_70 = arith.constant 16 : i32
        %scan3A_71 = arith.constant 0 : i32
        scf.yield %scan3A_71 : i32
      }
      %scan3A_53 = arith.constant 5 : i32
      "tpu.region"() ({
        %run_scoped3A = tpu.sem_alloc : memref<!tpu.dma_semaphore, #tpu.memory_space<semaphore_mem>>
        %dma_start3A = arith.constant 0 : i32
        %dma_start3A_55 = tpu.memref_slice %arg6[%scan3A_45, %dma_start3A] : memref<125x80xi32, #tpu.memory_space<vmem>> -> memref<1x80xi32, #tpu.memory_space<vmem>>
        %dma_start3A_56 = tpu.memref_squeeze %dma_start3A_55 : memref<1x80xi32, #tpu.memory_space<vmem>> -> memref<80xi32, #tpu.memory_space<vmem>>
        %dma_start3A_57 = arith.constant 0 : i32
        %dma_start3A_58 = arith.constant 0 : i32
        %dma_start3A_59 = tpu.memref_slice %arg5[%dma_start3A_57, %dma_start3A_58] : memref<10000x16xf32, #tpu.memory_space<vmem_shared>> -> memref<10000x16xf32, #tpu.memory_space<vmem_shared>>
        tpu.enqueue_indirect_dma source(%arg8 : memref<80x16xf32, #tpu.memory_space<vmem>>) target(%dma_start3A_59 : memref<10000x16xf32, #tpu.memory_space<vmem_shared>>) offsets(%dma_start3A_56 : memref<80xi32, #tpu.memory_space<vmem>>) semaphore(%run_scoped3A : memref<!tpu.dma_semaphore, #tpu.memory_space<semaphore_mem>>) {add = true}
        %dma_wait3A = arith.constant 0 : i32
        %dma_wait3A_60 = tpu.memref_slice %arg6[%scan3A_45, %dma_wait3A] : memref<125x80xi32, #tpu.memory_space<vmem>> -> memref<1x80xi32, #tpu.memory_space<vmem>>
        %dma_wait3A_61 = tpu.memref_squeeze %dma_wait3A_60 : memref<1x80xi32, #tpu.memory_space<vmem>> -> memref<80xi32, #tpu.memory_space<vmem>>
        %dma_wait3A_62 = arith.constant 0 : i32
        %dma_wait3A_63 = arith.constant 0 : i32
        %dma_wait3A_64 = tpu.memref_slice %arg5[%dma_wait3A_62, %dma_wait3A_63] : memref<10000x16xf32, #tpu.memory_space<vmem_shared>> -> memref<10000x16xf32, #tpu.memory_space<vmem_shared>>
        tpu.wait_indirect_dma semaphore(%run_scoped3A : memref<!tpu.dma_semaphore, #tpu.memory_space<semaphore_mem>>) src(%arg8 : memref<80x16xf32, #tpu.memory_space<vmem>>) dst(%dma_wait3A_64 : memref<10000x16xf32, #tpu.memory_space<vmem_shared>>)
        tpu.yield
      }) : () -> ()
      %scan3A_54 = arith.constant 0 : i32
      scf.yield %scan3A_54 : i32
    }
    %scan3A_31 = arith.constant 125 : i32
    %barrier3A_32 = arith.constant 0 : index
    tpu.barrier barrier_id(%barrier3A_32)
    %while3A_33 = arith.constant 0 : i32
    %while3A_34 = arith.constant 0 : i32
    %while3A_35 = arith.subi %select_n3A, %while3A_33 : i32
    %while3A_36 = arith.addi %while3A_33, %while3A_35 : i32
    %while3A_37 = arith.constant 1 : i32
    %while3A_38 = arith.divsi %while3A_35, %while3A_37 : i32
    %while3A_39 = arith.muli %while3A_38, %while3A_37 : i32
    %while3A_40 = arith.addi %while3A_33, %while3A_39 : i32
    %while3A_41 = arith.constant 1 : i32
    %while3A_42 = scf.for %while3A_45 = %while3A_33 to %while3A_40 step %while3A_41 iter_args(%while3A_46 = %while3A_34) -> (i32)  : i32 {
      %mul3A_47 = arith.constant 8 : i32
      %mul3A_48 = arith.muli %while3A_45, %mul3A_47 : i32
      %add3A_49 = arith.addi %mul3A_9, %mul3A_48 : i32
      "tpu.region"() ({
        %run_scoped3A = tpu.sem_alloc : memref<!tpu.dma_semaphore, #tpu.memory_space<semaphore_mem>>
        %dma_start3A = arith.constant 0 : i32
        %dma_start3A_51 = tpu.memref_slice %arg4[%arg0, %add3A_49, %dma_start3A] : memref<2x10000x16xf32, #tpu.memory_space<hbm>> -> memref<1x8x16xf32, #tpu.memory_space<hbm>>
        %dma_start3A_52 = tpu.memref_squeeze %dma_start3A_51 : memref<1x8x16xf32, #tpu.memory_space<hbm>> -> memref<8x16xf32, #tpu.memory_space<hbm>>
        %dma_start3A_53 = arith.constant 0 : i32
        %dma_start3A_54 = tpu.memref_slice %arg5[%add3A_49, %dma_start3A_53] : memref<10000x16xf32, #tpu.memory_space<vmem_shared>> -> memref<8x16xf32, #tpu.memory_space<vmem_shared>>
        tpu.enqueue_dma source(%dma_start3A_54 : memref<8x16xf32, #tpu.memory_space<vmem_shared>>) target(%dma_start3A_52 : memref<8x16xf32, #tpu.memory_space<hbm>>) target_semaphore(%run_scoped3A : memref<!tpu.dma_semaphore, #tpu.memory_space<semaphore_mem>>)
        %dma_wait3A = arith.constant 0 : i32
        %dma_wait3A_55 = tpu.memref_slice %arg4[%arg0, %add3A_49, %dma_wait3A] : memref<2x10000x16xf32, #tpu.memory_space<hbm>> -> memref<1x8x16xf32, #tpu.memory_space<hbm>>
        %dma_wait3A_56 = tpu.memref_squeeze %dma_wait3A_55 : memref<1x8x16xf32, #tpu.memory_space<hbm>> -> memref<8x16xf32, #tpu.memory_space<hbm>>
        %dma_wait3A_57 = arith.constant 0 : i32
        %dma_wait3A_58 = tpu.memref_slice %arg5[%add3A_49, %dma_wait3A_57] : memref<10000x16xf32, #tpu.memory_space<vmem_shared>> -> memref<8x16xf32, #tpu.memory_space<vmem_shared>>
        tpu.wait_dma2 semaphore(%run_scoped3A : memref<!tpu.dma_semaphore, #tpu.memory_space<semaphore_mem>>) src(%dma_wait3A_58 : memref<8x16xf32, #tpu.memory_space<vmem_shared>>) dst(%dma_wait3A_56 : memref<8x16xf32, #tpu.memory_space<hbm>>)
        tpu.yield
      }) : () -> ()
      %while3A_50 = arith.constant 0 : i32
      scf.yield %while3A_50 : i32
    }
    %while3A_43 = arith.constant 1 : i32
    %while3A_44 = scf.for %while3A_45 = %while3A_40 to %while3A_36 step %while3A_43 iter_args(%while3A_46 = %while3A_42) -> (i32)  : i32 {
      %mul3A_47 = arith.constant 8 : i32
      %mul3A_48 = arith.muli %while3A_45, %mul3A_47 : i32
      %add3A_49 = arith.addi %mul3A_9, %mul3A_48 : i32
      "tpu.region"() ({
        %run_scoped3A = tpu.sem_alloc : memref<!tpu.dma_semaphore, #tpu.memory_space<semaphore_mem>>
        %dma_start3A = arith.constant 0 : i32
        %dma_start3A_51 = tpu.memref_slice %arg4[%arg0, %add3A_49, %dma_start3A] : memref<2x10000x16xf32, #tpu.memory_space<hbm>> -> memref<1x8x16xf32, #tpu.memory_space<hbm>>
        %dma_start3A_52 = tpu.memref_squeeze %dma_start3A_51 : memref<1x8x16xf32, #tpu.memory_space<hbm>> -> memref<8x16xf32, #tpu.memory_space<hbm>>
        %dma_start3A_53 = arith.constant 0 : i32
        %dma_start3A_54 = tpu.memref_slice %arg5[%add3A_49, %dma_start3A_53] : memref<10000x16xf32, #tpu.memory_space<vmem_shared>> -> memref<8x16xf32, #tpu.memory_space<vmem_shared>>
        tpu.enqueue_dma source(%dma_start3A_54 : memref<8x16xf32, #tpu.memory_space<vmem_shared>>) target(%dma_start3A_52 : memref<8x16xf32, #tpu.memory_space<hbm>>) target_semaphore(%run_scoped3A : memref<!tpu.dma_semaphore, #tpu.memory_space<semaphore_mem>>)
        %dma_wait3A = arith.constant 0 : i32
        %dma_wait3A_55 = tpu.memref_slice %arg4[%arg0, %add3A_49, %dma_wait3A] : memref<2x10000x16xf32, #tpu.memory_space<hbm>> -> memref<1x8x16xf32, #tpu.memory_space<hbm>>
        %dma_wait3A_56 = tpu.memref_squeeze %dma_wait3A_55 : memref<1x8x16xf32, #tpu.memory_space<hbm>> -> memref<8x16xf32, #tpu.memory_space<hbm>>
        %dma_wait3A_57 = arith.constant 0 : i32
        %dma_wait3A_58 = tpu.memref_slice %arg5[%add3A_49, %dma_wait3A_57] : memref<10000x16xf32, #tpu.memory_space<vmem_shared>> -> memref<8x16xf32, #tpu.memory_space<vmem_shared>>
        tpu.wait_dma2 semaphore(%run_scoped3A : memref<!tpu.dma_semaphore, #tpu.memory_space<semaphore_mem>>) src(%dma_wait3A_58 : memref<8x16xf32, #tpu.memory_space<vmem_shared>>) dst(%dma_wait3A_56 : memref<8x16xf32, #tpu.memory_space<hbm>>)
        tpu.yield
      }) : () -> ()
      %while3A_50 = arith.constant 0 : i32
      scf.yield %while3A_50 : i32
    }
    return
  }
}

module attributes {stable_mosaic.version = 14 : i64} {
  func.func @_tc_first_kernel(%arg0: i32, %arg1: memref<1000x128xf32, #tpu.memory_space<vmem>>, %arg2: memref<128x128xf32, #tpu.memory_space<vmem>>, %arg3: memref<128x128xf32, #tpu.memory_space<vmem>>, %arg4: memref<1000x128xf32, #tpu.memory_space<vmem>>, %arg5: memref<1000x128xf32, #tpu.memory_space<vmem>>) attributes {dimension_semantics = [#tpu.dimension_semantics<arbitrary>], iteration_bounds = array<i64: 10>, scalar_prefetch = 0 : i64, scratch_operands = 0 : i64, tpu.core_type = #tpu.core_type<tc>, window_params = [{transform_indices = @transform_0, window_bounds = array<i64: 1000, 128>}, {pipeline_mode = #tpu.pipeline_mode<synchronous>, transform_indices = @transform_1, window_bounds = array<i64: 128, 128>}, {pipeline_mode = #tpu.pipeline_mode<synchronous>, transform_indices = @transform_2, window_bounds = array<i64: 128, 128>}, {transform_indices = @transform_3, window_bounds = array<i64: 1000, 128>}, {transform_indices = @transform_4, window_bounds = array<i64: 1000, 128>}]} {
    %get3A = arith.constant 0 : index
    %get3A_0 = arith.constant 0 : index
    %get3A_1 = vector.load %arg1[%get3A, %get3A_0] : memref<1000x128xf32, #tpu.memory_space<vmem>>, vector<1000x128xf32>
    %get3A_2 = arith.constant 0 : index
    %get3A_3 = arith.constant 0 : index
    %get3A_4 = vector.load %arg2[%get3A_2, %get3A_3] : memref<128x128xf32, #tpu.memory_space<vmem>>, vector<128x128xf32>
    %dot_general3A = arith.constant dense<0.000000e+00> : vector<1000x128xf32>
    %dot_general3A_5 = tpu.matmul %get3A_1, %get3A_4, %dot_general3A {dimension_numbers = #tpu.dot_dimension_numbers<[1], [0], [0], [1], [0, 0, 1, 1], [], []>, transpose_lhs_hint = false} : vector<1000x128xf32>, vector<128x128xf32>, vector<1000x128xf32> -> vector<1000x128xf32>
    %swap3A = arith.constant 0 : index
    %swap3A_6 = arith.constant 0 : index
    %swap3A_7 = vector.load %arg4[%swap3A, %swap3A_6] : memref<1000x128xf32, #tpu.memory_space<vmem>>, vector<1000x128xf32>
    tpu.vector_store %arg4[%swap3A, %swap3A_6], %dot_general3A_5 {strides = array<i32>} : memref<1000x128xf32, #tpu.memory_space<vmem>>, vector<1000x128xf32>,
    %get3A_8 = arith.constant 0 : index
    %get3A_9 = arith.constant 0 : index
    %get3A_10 = vector.load %arg3[%get3A_8, %get3A_9] : memref<128x128xf32, #tpu.memory_space<vmem>>, vector<128x128xf32>
    %dot_general3A_11 = arith.constant dense<0.000000e+00> : vector<1000x128xf32>
    %dot_general3A_12 = tpu.matmul %get3A_1, %get3A_10, %dot_general3A_11 {dimension_numbers = #tpu.dot_dimension_numbers<[1], [0], [0], [1], [0, 0, 1, 1], [], []>, transpose_lhs_hint = false} : vector<1000x128xf32>, vector<128x128xf32>, vector<1000x128xf32> -> vector<1000x128xf32>
    %swap3A_13 = arith.constant 0 : index
    %swap3A_14 = arith.constant 0 : index
    %swap3A_15 = vector.load %arg5[%swap3A_13, %swap3A_14] : memref<1000x128xf32, #tpu.memory_space<vmem>>, vector<1000x128xf32>
    tpu.vector_store %arg5[%swap3A_13, %swap3A_14], %dot_general3A_12 {strides = array<i32>} : memref<1000x128xf32, #tpu.memory_space<vmem>>, vector<1000x128xf32>,
    return
  }
  func.func @transform_0(%arg0: i32) -> (i32, i32) {
    %c0_i32 = arith.constant 0 : i32
    %c0_i32_0 = arith.constant 0 : i32
    return %arg0, %c0_i32 : i32, i32
  }
  func.func @transform_1(%arg0: i32) -> (i32, i32) {
    %c0_i32 = arith.constant 0 : i32
    %c0_i32_0 = arith.constant 0 : i32
    %c0_i32_1 = arith.constant 0 : i32
    return %c0_i32, %c0_i32_0 : i32, i32
  }
  func.func @transform_2(%arg0: i32) -> (i32, i32) {
    %c0_i32 = arith.constant 0 : i32
    %c0_i32_0 = arith.constant 0 : i32
    %c0_i32_1 = arith.constant 0 : i32
    return %c0_i32, %c0_i32_0 : i32, i32
  }
  func.func @transform_3(%arg0: i32) -> (i32, i32) {
    %c0_i32 = arith.constant 0 : i32
    %c0_i32_0 = arith.constant 0 : i32
    return %arg0, %c0_i32 : i32, i32
  }
  func.func @transform_4(%arg0: i32) -> (i32, i32) {
    %c0_i32 = arith.constant 0 : i32
    %c0_i32_0 = arith.constant 0 : i32
    return %arg0, %c0_i32 : i32, i32
  }
}

module attributes {stable_mosaic.version = 14 : i64} {
  func.func @_tc_mid_kernel(%arg0: i32, %arg1: memref<2x1000x128xf32, #tpu.memory_space<vmem>>, %arg2: memref<2x1000x16xf32, #tpu.memory_space<vmem>>, %arg3: memref<1x128xf32, #tpu.memory_space<vmem>>, %arg4: memref<128x128xf32, #tpu.memory_space<vmem>>, %arg5: memref<128x128xf32, #tpu.memory_space<vmem>>, %arg6: memref<1000x128xf32, #tpu.memory_space<vmem>>, %arg7: memref<1000x128xf32, #tpu.memory_space<vmem>>) attributes {dimension_semantics = [#tpu.dimension_semantics<arbitrary>], iteration_bounds = array<i64: 10>, scalar_prefetch = 0 : i64, scratch_operands = 0 : i64, tpu.core_type = #tpu.core_type<tc>, window_params = [{transform_indices = @transform_0, window_bounds = array<i64: 2, 1000, 128>}, {transform_indices = @transform_1, window_bounds = array<i64: 2, 1000, 16>}, {pipeline_mode = #tpu.pipeline_mode<synchronous>, transform_indices = @transform_2, window_bounds = array<i64: 1, 128>}, {pipeline_mode = #tpu.pipeline_mode<synchronous>, transform_indices = @transform_3, window_bounds = array<i64: 128, 128>}, {pipeline_mode = #tpu.pipeline_mode<synchronous>, transform_indices = @transform_4, window_bounds = array<i64: 128, 128>}, {transform_indices = @transform_5, window_bounds = array<i64: 1000, 128>}, {transform_indices = @transform_6, window_bounds = array<i64: 1000, 128>}]} {
    %get3A = arith.constant 0 : index
    %get3A_0 = arith.constant 0 : index
    %get3A_1 = arith.constant 0 : index
    %get3A_2 = vector.load %arg1[%get3A, %get3A_0, %get3A_1] : memref<2x1000x128xf32, #tpu.memory_space<vmem>>, vector<1x1000x128xf32>
    %get3A_3 = vector.shape_cast %get3A_2 : vector<1x1000x128xf32> to vector<1000x128xf32>
    %get3A_4 = arith.constant 1 : index
    %get3A_5 = arith.constant 0 : index
    %get3A_6 = arith.constant 0 : index
    %get3A_7 = vector.load %arg1[%get3A_4, %get3A_5, %get3A_6] : memref<2x1000x128xf32, #tpu.memory_space<vmem>>, vector<1x1000x128xf32>
    %get3A_8 = vector.shape_cast %get3A_7 : vector<1x1000x128xf32> to vector<1000x128xf32>
    %add3A = arith.addf %get3A_3, %get3A_8 : vector<1000x128xf32>
    %get3A_9 = arith.constant 0 : index
    %get3A_10 = arith.constant 0 : index
    %get3A_11 = arith.constant 0 : index
    %get3A_12 = vector.load %arg2[%get3A_9, %get3A_10, %get3A_11] : memref<2x1000x16xf32, #tpu.memory_space<vmem>>, vector<1x1000x16xf32>
    %get3A_13 = vector.shape_cast %get3A_12 : vector<1x1000x16xf32> to vector<1000x16xf32>
    %get3A_14 = arith.constant 1 : index
    %get3A_15 = arith.constant 0 : index
    %get3A_16 = arith.constant 0 : index
    %get3A_17 = vector.load %arg2[%get3A_14, %get3A_15, %get3A_16] : memref<2x1000x16xf32, #tpu.memory_space<vmem>>, vector<1x1000x16xf32>
    %get3A_18 = vector.shape_cast %get3A_17 : vector<1x1000x16xf32> to vector<1000x16xf32>
    %add3A_19 = arith.addf %get3A_13, %get3A_18 : vector<1000x16xf32>
    %reduce_sum3A = arith.constant dense<0.000000e+00> : vector<1000xf32>
    %reduce_sum3A_20 = vector.multi_reduction <add>, %add3A_19, %reduce_sum3A [1] : vector<1000x16xf32> to vector<1000xf32>
    %broadcast_in_dim3A = vector.shape_cast %reduce_sum3A_20 : vector<1000xf32> to vector<1000x1xf32>
    %add3A_21 = arith.constant 1.000000e-16 : f32
    %add3A_22 = vector.broadcast %add3A_21 : f32 to vector<1000x1xf32>
    %add3A_23 = arith.addf %broadcast_in_dim3A, %add3A_22 : vector<1000x1xf32>
    %div3A = vector.broadcast %add3A_23 : vector<1000x1xf32> to vector<1000x128xf32>
    %div3A_24 = arith.divf %add3A, %div3A : vector<1000x128xf32>
    %get3A_25 = arith.constant 0 : index
    %get3A_26 = arith.constant 0 : index
    %get3A_27 = vector.load %arg3[%get3A_25, %get3A_26] : memref<1x128xf32, #tpu.memory_space<vmem>>, vector<1x128xf32>
    %get3A_28 = vector.shape_cast %get3A_27 : vector<1x128xf32> to vector<128xf32>
    %broadcast_in_dim3A_29 = vector.shape_cast %get3A_28 : vector<128xf32> to vector<1x128xf32>
    %add3A_30 = vector.broadcast %broadcast_in_dim3A_29 : vector<1x128xf32> to vector<1000x128xf32>
    %add3A_31 = arith.addf %div3A_24, %add3A_30 : vector<1000x128xf32>
    %max3A = arith.constant 0.000000e+00 : f32
    %max3A_32 = vector.broadcast %max3A : f32 to vector<1000x128xf32>
    %max3A_33 = arith.maximumf %add3A_31, %max3A_32 : vector<1000x128xf32>
    %get3A_34 = arith.constant 0 : index
    %get3A_35 = arith.constant 0 : index
    %get3A_36 = vector.load %arg4[%get3A_34, %get3A_35] : memref<128x128xf32, #tpu.memory_space<vmem>>, vector<128x128xf32>
    %dot_general3A = arith.constant dense<0.000000e+00> : vector<1000x128xf32>
    %dot_general3A_37 = tpu.matmul %max3A_33, %get3A_36, %dot_general3A {dimension_numbers = #tpu.dot_dimension_numbers<[1], [0], [0], [1], [0, 0, 1, 1], [], []>, transpose_lhs_hint = false} : vector<1000x128xf32>, vector<128x128xf32>, vector<1000x128xf32> -> vector<1000x128xf32>
    %swap3A = arith.constant 0 : index
    %swap3A_38 = arith.constant 0 : index
    %swap3A_39 = vector.load %arg6[%swap3A, %swap3A_38] : memref<1000x128xf32, #tpu.memory_space<vmem>>, vector<1000x128xf32>
    tpu.vector_store %arg6[%swap3A, %swap3A_38], %dot_general3A_37 {strides = array<i32>} : memref<1000x128xf32, #tpu.memory_space<vmem>>, vector<1000x128xf32>,
    %get3A_40 = arith.constant 0 : index
    %get3A_41 = arith.constant 0 : index
    %get3A_42 = vector.load %arg5[%get3A_40, %get3A_41] : memref<128x128xf32, #tpu.memory_space<vmem>>, vector<128x128xf32>
    %dot_general3A_43 = arith.constant dense<0.000000e+00> : vector<1000x128xf32>
    %dot_general3A_44 = tpu.matmul %max3A_33, %get3A_42, %dot_general3A_43 {dimension_numbers = #tpu.dot_dimension_numbers<[1], [0], [0], [1], [0, 0, 1, 1], [], []>, transpose_lhs_hint = false} : vector<1000x128xf32>, vector<128x128xf32>, vector<1000x128xf32> -> vector<1000x128xf32>
    %swap3A_45 = arith.constant 0 : index
    %swap3A_46 = arith.constant 0 : index
    %swap3A_47 = vector.load %arg7[%swap3A_45, %swap3A_46] : memref<1000x128xf32, #tpu.memory_space<vmem>>, vector<1000x128xf32>
    tpu.vector_store %arg7[%swap3A_45, %swap3A_46], %dot_general3A_44 {strides = array<i32>} : memref<1000x128xf32, #tpu.memory_space<vmem>>, vector<1000x128xf32>,
    return
  }
  func.func @transform_0(%arg0: i32) -> (i32, i32, i32) {
    %c0_i32 = arith.constant 0 : i32
    %c0_i32_0 = arith.constant 0 : i32
    %c0_i32_1 = arith.constant 0 : i32
    return %c0_i32, %arg0, %c0_i32_0 : i32, i32, i32
  }
  func.func @transform_1(%arg0: i32) -> (i32, i32, i32) {
    %c0_i32 = arith.constant 0 : i32
    %c0_i32_0 = arith.constant 0 : i32
    %c0_i32_1 = arith.constant 0 : i32
    return %c0_i32, %arg0, %c0_i32_0 : i32, i32, i32
  }
  func.func @transform_2(%arg0: i32) -> (i32, i32) {
    %c0_i32 = arith.constant 0 : i32
    %c0_i32_0 = arith.constant 0 : i32
    %c0_i32_1 = arith.constant 0 : i32
    return %c0_i32, %c0_i32_0 : i32, i32
  }
  func.func @transform_3(%arg0: i32) -> (i32, i32) {
    %c0_i32 = arith.constant 0 : i32
    %c0_i32_0 = arith.constant 0 : i32
    %c0_i32_1 = arith.constant 0 : i32
    return %c0_i32, %c0_i32_0 : i32, i32
  }
  func.func @transform_4(%arg0: i32) -> (i32, i32) {
    %c0_i32 = arith.constant 0 : i32
    %c0_i32_0 = arith.constant 0 : i32
    %c0_i32_1 = arith.constant 0 : i32
    return %c0_i32, %c0_i32_0 : i32, i32
  }
  func.func @transform_5(%arg0: i32) -> (i32, i32) {
    %c0_i32 = arith.constant 0 : i32
    %c0_i32_0 = arith.constant 0 : i32
    return %arg0, %c0_i32 : i32, i32
  }
  func.func @transform_6(%arg0: i32) -> (i32, i32) {
    %c0_i32 = arith.constant 0 : i32
    %c0_i32_0 = arith.constant 0 : i32
    return %arg0, %c0_i32 : i32, i32
  }
}

module attributes {stable_mosaic.version = 14 : i64} {
  func.func @_tc_final_kernel(%arg0: i32, %arg1: memref<2x1000x128xf32, #tpu.memory_space<vmem>>, %arg2: memref<2x1000x16xf32, #tpu.memory_space<vmem>>, %arg3: memref<1x128xf32, #tpu.memory_space<vmem>>, %arg4: memref<1x1x1000xi32, #tpu.memory_space<vmem>>, %arg5: memref<128x1xf32, #tpu.memory_space<vmem>>, %arg6: memref<1x1xf32, #tpu.memory_space<vmem>>, %arg7: memref<256x1xf32, #tpu.memory_space<vmem>>) attributes {dimension_semantics = [#tpu.dimension_semantics<arbitrary>], iteration_bounds = array<i64: 10>, scalar_prefetch = 0 : i64, scratch_operands = 0 : i64, tpu.core_type = #tpu.core_type<tc>, window_params = [{transform_indices = @transform_0, window_bounds = array<i64: 2, 1000, 128>}, {transform_indices = @transform_1, window_bounds = array<i64: 2, 1000, 16>}, {pipeline_mode = #tpu.pipeline_mode<synchronous>, transform_indices = @transform_2, window_bounds = array<i64: 1, 128>}, {transform_indices = @transform_3, window_bounds = array<i64: 1, 1, 1000>}, {pipeline_mode = #tpu.pipeline_mode<synchronous>, transform_indices = @transform_4, window_bounds = array<i64: 128, 1>}, {pipeline_mode = #tpu.pipeline_mode<synchronous>, transform_indices = @transform_5, window_bounds = array<i64: 1, 1>}, {pipeline_mode = #tpu.pipeline_mode<synchronous>, transform_indices = @transform_6, window_bounds = array<i64: 256, 1>}]} {
    %get3A = arith.constant 0 : index
    %get3A_0 = arith.constant 0 : index
    %get3A_1 = arith.constant 0 : index
    %get3A_2 = vector.load %arg1[%get3A, %get3A_0, %get3A_1] : memref<2x1000x128xf32, #tpu.memory_space<vmem>>, vector<1x1000x128xf32>
    %get3A_3 = vector.shape_cast %get3A_2 : vector<1x1000x128xf32> to vector<1000x128xf32>
    %get3A_4 = arith.constant 1 : index
    %get3A_5 = arith.constant 0 : index
    %get3A_6 = arith.constant 0 : index
    %get3A_7 = vector.load %arg1[%get3A_4, %get3A_5, %get3A_6] : memref<2x1000x128xf32, #tpu.memory_space<vmem>>, vector<1x1000x128xf32>
    %get3A_8 = vector.shape_cast %get3A_7 : vector<1x1000x128xf32> to vector<1000x128xf32>
    %add3A = arith.addf %get3A_3, %get3A_8 : vector<1000x128xf32>
    %get3A_9 = arith.constant 0 : index
    %get3A_10 = arith.constant 0 : index
    %get3A_11 = arith.constant 0 : index
    %get3A_12 = vector.load %arg2[%get3A_9, %get3A_10, %get3A_11] : memref<2x1000x16xf32, #tpu.memory_space<vmem>>, vector<1x1000x16xf32>
    %get3A_13 = vector.shape_cast %get3A_12 : vector<1x1000x16xf32> to vector<1000x16xf32>
    %get3A_14 = arith.constant 1 : index
    %get3A_15 = arith.constant 0 : index
    %get3A_16 = arith.constant 0 : index
    %get3A_17 = vector.load %arg2[%get3A_14, %get3A_15, %get3A_16] : memref<2x1000x16xf32, #tpu.memory_space<vmem>>, vector<1x1000x16xf32>
    %get3A_18 = vector.shape_cast %get3A_17 : vector<1x1000x16xf32> to vector<1000x16xf32>
    %add3A_19 = arith.addf %get3A_13, %get3A_18 : vector<1000x16xf32>
    %reduce_sum3A = arith.constant dense<0.000000e+00> : vector<1000xf32>
    %reduce_sum3A_20 = vector.multi_reduction <add>, %add3A_19, %reduce_sum3A [1] : vector<1000x16xf32> to vector<1000xf32>
    %broadcast_in_dim3A = vector.shape_cast %reduce_sum3A_20 : vector<1000xf32> to vector<1000x1xf32>
    %add3A_21 = arith.constant 1.000000e-16 : f32
    %add3A_22 = vector.broadcast %add3A_21 : f32 to vector<1000x1xf32>
    %add3A_23 = arith.addf %broadcast_in_dim3A, %add3A_22 : vector<1000x1xf32>
    %div3A = vector.broadcast %add3A_23 : vector<1000x1xf32> to vector<1000x128xf32>
    %div3A_24 = arith.divf %add3A, %div3A : vector<1000x128xf32>
    %get3A_25 = arith.constant 0 : index
    %get3A_26 = arith.constant 0 : index
    %get3A_27 = vector.load %arg3[%get3A_25, %get3A_26] : memref<1x128xf32, #tpu.memory_space<vmem>>, vector<1x128xf32>
    %get3A_28 = vector.shape_cast %get3A_27 : vector<1x128xf32> to vector<128xf32>
    %broadcast_in_dim3A_29 = vector.shape_cast %get3A_28 : vector<128xf32> to vector<1x128xf32>
    %add3A_30 = vector.broadcast %broadcast_in_dim3A_29 : vector<1x128xf32> to vector<1000x128xf32>
    %add3A_31 = arith.addf %div3A_24, %add3A_30 : vector<1000x128xf32>
    %max3A = arith.constant 0.000000e+00 : f32
    %max3A_32 = vector.broadcast %max3A : f32 to vector<1000x128xf32>
    %max3A_33 = arith.maximumf %add3A_31, %max3A_32 : vector<1000x128xf32>
    %get3A_34 = arith.constant 0 : index
    %get3A_35 = arith.constant 0 : index
    %get3A_36 = vector.load %arg5[%get3A_34, %get3A_35] : memref<128x1xf32, #tpu.memory_space<vmem>>, vector<128x1xf32>
    %dot_general3A = arith.constant dense<0.000000e+00> : vector<1000x1xf32>
    %dot_general3A_37 = tpu.matmul %max3A_33, %get3A_36, %dot_general3A {dimension_numbers = #tpu.dot_dimension_numbers<[1], [0], [0], [1], [0, 0, 1, 1], [], []>, transpose_lhs_hint = false} : vector<1000x128xf32>, vector<128x1xf32>, vector<1000x1xf32> -> vector<1000x1xf32>
    %get3A_38 = arith.constant 0 : index
    %get3A_39 = arith.constant 0 : index
    %get3A_40 = arith.constant 0 : index
    %get3A_41 = vector.load %arg4[%get3A_38, %get3A_39, %get3A_40] : memref<1x1x1000xi32, #tpu.memory_space<vmem>>, vector<1x1x1000xi32>
    %get3A_42 = vector.shape_cast %get3A_41 : vector<1x1x1000xi32> to vector<1000xi32>
    %iota3A = tpu.iota {dimensions = array<i32: 0>} : vector<256x1000xi32>
    %broadcast_in_dim3A_43 = vector.shape_cast %get3A_42 : vector<1000xi32> to vector<1x1000xi32>
    %eq3A = vector.broadcast %broadcast_in_dim3A_43 : vector<1x1000xi32> to vector<256x1000xi32>
    %eq3A_44 = arith.cmpi eq, %eq3A, %iota3A : vector<256x1000xi32>
    %convert_element_type3A = arith.extui %eq3A_44 : vector<256x1000xi1> to vector<256x1000xi32>
    %convert_element_type3A_45 = arith.sitofp %convert_element_type3A : vector<256x1000xi32> to vector<256x1000xf32>
    %dot_general3A_46 = arith.constant dense<0.000000e+00> : vector<256x1xf32>
    %dot_general3A_47 = tpu.matmul %convert_element_type3A_45, %dot_general3A_37, %dot_general3A_46 {dimension_numbers = #tpu.dot_dimension_numbers<[1], [0], [0], [1], [0, 0, 1, 1], [], []>, transpose_lhs_hint = false} : vector<256x1000xf32>, vector<1000x1xf32>, vector<256x1xf32> -> vector<256x1xf32>
    %eq3A_48 = arith.constant 0 : i32
    %eq3A_49 = arith.cmpi eq, %arg0, %eq3A_48 : i32
    %convert_element_type3A_50 = arith.extui %eq3A_49 : i1 to i32
    %cond3A = arith.constant 0 : i32
    %cond3A_51 = arith.cmpi ne, %convert_element_type3A_50, %cond3A : i32
    scf.if %cond3A_51 {
      %get3A_56 = arith.constant 0 : index
      %get3A_57 = arith.constant 0 : index
      %get3A_58 = vector.load %arg6[%get3A_56, %get3A_57] : memref<1x1xf32, #tpu.memory_space<vmem>>, vector<1x1xf32>
      %get3A_59 = vector.extract %get3A_58[0, 0] : f32 from vector<1x1xf32>
      %add3A_60 = vector.broadcast %get3A_59 : f32 to vector<256x1xf32>
      %add3A_61 = arith.addf %dot_general3A_47, %add3A_60 : vector<256x1xf32>
      %swap3A = arith.constant 0 : index
      %swap3A_62 = arith.constant 0 : index
      %swap3A_63 = vector.load %arg7[%swap3A, %swap3A_62] : memref<256x1xf32, #tpu.memory_space<vmem>>, vector<256x1xf32>
      tpu.vector_store %arg7[%swap3A, %swap3A_62], %add3A_61 {strides = array<i32>} : memref<256x1xf32, #tpu.memory_space<vmem>>, vector<256x1xf32>,
    } else {
    }
    %gt3A = arith.constant 0 : i32
    %gt3A_52 = arith.cmpi sgt, %arg0, %gt3A : i32
    %convert_element_type3A_53 = arith.extui %gt3A_52 : i1 to i32
    %cond3A_54 = arith.constant 0 : i32
    %cond3A_55 = arith.cmpi ne, %convert_element_type3A_53, %cond3A_54 : i32
    scf.if %cond3A_55 {
      %get3A_56 = arith.constant 0 : index
      %get3A_57 = arith.constant 0 : index
      %get3A_58 = vector.load %arg7[%get3A_56, %get3A_57] : memref<256x1xf32, #tpu.memory_space<vmem>>, vector<256x1xf32>
      %add3A_59 = arith.addf %get3A_58, %dot_general3A_47 : vector<256x1xf32>
      %swap3A = arith.constant 0 : index
      %swap3A_60 = arith.constant 0 : index
      %swap3A_61 = vector.load %arg7[%swap3A, %swap3A_60] : memref<256x1xf32, #tpu.memory_space<vmem>>, vector<256x1xf32>
      tpu.vector_store %arg7[%swap3A, %swap3A_60], %add3A_59 {strides = array<i32>} : memref<256x1xf32, #tpu.memory_space<vmem>>, vector<256x1xf32>,
    } else {
    }
    return
  }
  func.func @transform_0(%arg0: i32) -> (i32, i32, i32) {
    %c0_i32 = arith.constant 0 : i32
    %c0_i32_0 = arith.constant 0 : i32
    %c0_i32_1 = arith.constant 0 : i32
    return %c0_i32, %arg0, %c0_i32_0 : i32, i32, i32
  }
  func.func @transform_1(%arg0: i32) -> (i32, i32, i32) {
    %c0_i32 = arith.constant 0 : i32
    %c0_i32_0 = arith.constant 0 : i32
    %c0_i32_1 = arith.constant 0 : i32
    return %c0_i32, %arg0, %c0_i32_0 : i32, i32, i32
  }
  func.func @transform_2(%arg0: i32) -> (i32, i32) {
    %c0_i32 = arith.constant 0 : i32
    %c0_i32_0 = arith.constant 0 : i32
    %c0_i32_1 = arith.constant 0 : i32
    return %c0_i32, %c0_i32_0 : i32, i32
  }
  func.func @transform_3(%arg0: i32) -> (i32, i32, i32) {
    %c0_i32 = arith.constant 0 : i32
    %c0_i32_0 = arith.constant 0 : i32
    %c0_i32_1 = arith.constant 0 : i32
    return %arg0, %c0_i32, %c0_i32_0 : i32, i32, i32
  }
  func.func @transform_4(%arg0: i32) -> (i32, i32) {
    %c0_i32 = arith.constant 0 : i32
    %c0_i32_0 = arith.constant 0 : i32
    %c0_i32_1 = arith.constant 0 : i32
    return %c0_i32, %c0_i32_0 : i32, i32
  }
  func.func @transform_5(%arg0: i32) -> (i32, i32) {
    %c0_i32 = arith.constant 0 : i32
    %c0_i32_0 = arith.constant 0 : i32
    %c0_i32_1 = arith.constant 0 : i32
    return %c0_i32, %c0_i32_0 : i32, i32
  }
  func.func @transform_6(%arg0: i32) -> (i32, i32) {
    %c0_i32 = arith.constant 0 : i32
    %c0_i32_0 = arith.constant 0 : i32
    %c0_i32_1 = arith.constant 0 : i32
    return %c0_i32, %c0_i32_0 : i32, i32
  }
}

</mosaic_0001>

<sc_bundles>
// kernel: kernel.12.cloned.1.call-start
scs
__scs_entry_jumppad:
0x0: {  	(pc) =	sbr.rel $0x88, $3  }
0x1: {  	(tag) =	ssettag $0x0;
	lr =	simm.s32 $0x1  }
0x2: {  	[smem:$0x3F94] =	sst lr;
	_ =	strace $0xD0000000  }
0x3: {  	_ = 	snop  }
0x4: {  	_ = 	snop  }
0x5: {  	_ = 	snop  }
0x6: {  	_ = 	snop  }
0x7: {  	_ = 	snop  }
__scs_overlays_trampoline_lowered:
0x8: {  	[smem:$0x3FA3] =	sst s0  }
0x9: {  	[smem:$0x3FA4] =	sst s1  }
0xa: {  	[smem:$0x3FA5] =	sst s2  }
0xb: {  	[smem:$0x3FA6] =	sst s3  }
0xc: {  	[smem:$0x3FA7] =	sst s4  }
0xd: {  	[smem:$0x3FA8] =	sst s5  }
0xe: {  	[smem:$0x3FA9] =	sst s6  }
0xf: {  	[smem:$0x3FAA] =	sst s7  }
0x10: {  	[smem:$0x3FAB] =	sst s8  }
0x11: {  	[smem:$0x3FAC] =	sst s9;
	s0 =	simm.s32 @!p0 $0x0  }
0x12: {  	s1 =	sld [smem:$0x3F92];
	s0 =	simm.s32 @p0 $0x1  }
0x13: {  	[smem:$0x3FAD] =	sst s0;
	s0 =	simm.s32 @!p1 $0x0  }
0x14: {  	s2 =	sld [smem:$0x3F91];
	s0 =	simm.s32 @p1 $0x1  }
0x15: {  	[smem:$0x3FAE] =	sst s0;
	s0 =	simm.s32 @!p2 $0x0  }
0x16: {  	s3 =	sld [smem:$0x3FDB];
	s0 =	simm.s32 @p2 $0x1  }
0x17: {  	s4 =	simm.s32 $0x1BF5;
	[smem:$0x3FB0] =	sst s0  }
0x18: {  	s0 =	sld [smem:$0x3F93];
	_ =	swait.ge [sflag:s4], $0x0  }
0x19: {  	s7 =	sld [smem:$0x3F94]  }
0x1a: {  	s8 =	sadd.s32 $0xFFFFE003, lr  }
0x1b: {  	s9 =	sadd.s32 $0xFFFFFEF7, lr;
	s5 =	simm.s32 $0xFFFFFFFF;
	p2 =	slt.u32 s8, $0xFFFFF086  }
0x1c: {  	p1 =	slt.u32 s9, $0xF7A;
	s5 =	simm.s32 @!p2 $0x0  }
0x1d: {  	s5 =	simm.s32 @p1 $0x1;
	p0 =	seq.s32 s7, s2  }
0x1e: {  	s7 =	smul.u32 @!p0 $0xF7A, s2;
	p2 =	seq.s32 @!p0 s5, $0x0  }
0x1f: {  	s9 =	smul.u32 $0xF7A, s1;
	s8 =	simm.s32 @!p0 $0x1BF5;
	p2 =	por !p2, p0  }
0x20: {  	[sflag:s8] =	ssyncset.s32 @!p0 $0xFFFFF086;
	s6 =	sadd.s32 @!p0 s3, s7;
	s7 =	simm.s32 @!p0 $0x108  }
0x21: {  	s3 =	sadd.s32 s3, s9;
	s6 =	sadd.s32 @!p0 $0x88, s6;
	s7 =	simm.s32 @p2 $0x1082  }
0x22: {  	[simem:s7], [sflag:s8] =	dma.local @!p0 [hbm:s6], $0xF7A  }
0x23: {  	s9 =	sor.u32 $0xD0000000, s2;
	s6 =	simm.s32 $0x108;
	_ =	swait.ge @!p0 [sflag:s8], $0x0  }
0x24: {  	s3 =	sadd.s32 $0x88, s3;
	s6 =	simm.s32 @!p1 $0x1082;
	[sflag:s4] =	ssyncset.s32 $0xFFFFF086  }
0x25: {  	[simem:s6], [sflag:s4] =	dma.local [hbm:s3], $0xF7A  }
0x26: {  	[smem:$0x3F94] =	sst s1;
	(tag) =	ssettag s2;
	_ =	strace s9  }
0x27: {  	s1 =	sld [smem:$0x3FA4]  }
0x28: {  	s2 =	sld [smem:$0x3FA5]  }
0x29: {  	s4 =	sld [smem:$0x3FA7]  }
0x2a: {  	p0 =	seq.s32 s5, $0x0;
	s5 =	sld [smem:$0x3FA8]  }
0x2b: {  	s6 =	sld [smem:$0x3FA9]  }
0x2c: {  	s7 =	sld [smem:$0x3FAA]  }
0x2d: {  	s3 =	simm.s32 $0x108;
	s8 =	sld [smem:$0x3FAB]  }
0x2e: {  	s3 =	simm.s32 @!p0 $0x1082;
	s9 =	sld [smem:$0x3FAC]  }
0x2f: {  	lr =	sadd.s32 s0, s3;
	s0 =	sld [smem:$0x3FA3]  }
0x30: {  	s3 =	sld [smem:$0x3FA6]  }
0x31: {  	[smem:$0x3FAF] =	sst s10  }
0x32: {  	s10 =	sld [smem:$0x3FAD];
	_ =	sdelay $0x3  }
0x33: {  	p0 =	seq.s32 s10, $0x1;
	s10 =	sld [smem:$0x3FAF];
	_ =	sdelay $0x3  }
0x34: {  	[smem:$0x3FAF] =	sst s10  }
0x35: {  	s10 =	sld [smem:$0x3FAE];
	_ =	sdelay $0x3  }
0x36: {  	p1 =	seq.s32 s10, $0x1;
	s10 =	sld [smem:$0x3FAF];
	_ =	sdelay $0x3  }
0x37: {  	[smem:$0x3FAF] =	sst s10  }
0x38: {  	s10 =	sld [smem:$0x3FB0]  }
0x39: {  	_ = 	snop;
	(pc) =	sbr.ind lr, $3  }
0x3a: {  	_ = 	snop  }
0x3b: {  	_ = 	snop  }
0x3c: {  	p2 =	seq.s32 s10, $0x1;
	s10 =	sld [smem:$0x3FAF]  }
0x3d: {  	_ =	shalt  }
0x3e: {  	_ =	shalt  }
0x3f: {  	_ =	shalt  }
0x40: {  	_ =	shalt  }
0x41: {  	_ =	shalt  }
0x42: {  	_ =	shalt  }
0x43: {  	_ =	shalt  }
0x44: {  	_ =	shalt  }
0x45: {  	_ =	shalt  }
0x46: {  	_ =	shalt  }
0x47: {  	_ =	shalt  }
0x48: {  	_ =	shalt  }
0x49: {  	_ =	shalt  }
0x4a: {  	_ =	shalt  }
0x4b: {  	_ =	shalt  }
0x4c: {  	_ =	shalt  }
0x4d: {  	_ =	shalt  }
0x4e: {  	_ =	shalt  }
0x4f: {  	_ =	shalt  }
0x50: {  	_ =	shalt  }
0x51: {  	_ =	shalt  }
0x52: {  	_ =	shalt  }
0x53: {  	_ =	shalt  }
0x54: {  	_ =	shalt  }
0x55: {  	_ =	shalt  }
0x56: {  	_ =	shalt  }
0x57: {  	_ =	shalt  }
0x58: {  	_ =	shalt  }
0x59: {  	_ =	shalt  }
0x5a: {  	_ =	shalt  }
0x5b: {  	_ =	shalt  }
0x5c: {  	_ =	shalt  }
0x5d: {  	_ =	shalt  }
0x5e: {  	_ =	shalt  }
0x5f: {  	_ =	shalt  }
0x60: {  	_ =	shalt  }
0x61: {  	_ =	shalt  }
0x62: {  	_ =	shalt  }
0x63: {  	_ =	shalt  }
0x64: {  	_ =	shalt  }
0x65: {  	_ =	shalt  }
0x66: {  	_ =	shalt  }
0x67: {  	_ =	shalt  }
0x68: {  	_ =	shalt  }
0x69: {  	_ =	shalt  }
0x6a: {  	_ =	shalt  }
0x6b: {  	_ =	shalt  }
0x6c: {  	_ =	shalt  }
0x6d: {  	_ =	shalt  }
0x6e: {  	_ =	shalt  }
0x6f: {  	_ =	shalt  }
0x70: {  	_ =	shalt  }
0x71: {  	_ =	shalt  }
0x72: {  	_ =	shalt  }
0x73: {  	_ =	shalt  }
0x74: {  	_ =	shalt  }
0x75: {  	_ =	shalt  }
0x76: {  	_ =	shalt  }
0x77: {  	_ =	shalt  }
0x78: {  	_ =	shalt  }
0x79: {  	_ =	shalt  }
0x7a: {  	_ =	shalt  }
0x7b: {  	_ =	shalt  }
0x7c: {  	_ =	shalt  }
0x7d: {  	_ =	shalt  }
0x7e: {  	_ =	shalt  }
0x7f: {  	_ =	shalt  }
0x80: {  	_ =	shalt  }
0x81: {  	_ =	shalt  }
0x82: {  	_ =	shalt  }
0x83: {  	_ =	shalt  }
0x84: {  	_ =	shalt  }
0x85: {  	_ =	shalt  }
0x86: {  	_ =	shalt  }
0x87: {  	_ =	shalt  }
.Lfunc_end0:
.L_simem_size_0:
called_computation_lowered:
.L_overlay_start_0:
0x88: {  	s2 =	sld [smem:$0x3FD9]  }
0x89: {  	s3 =	sld [smem:$0x3FFE];
	_ =	sdelay $0x1  }
0x8a: {  	s1 =	srdreg.scid  }
0x8b: {  	s0 =	sand.u32 $0x1, s1  }
0x8c: {  	s17 =	sshll.u32 s0, $0xA;
	s2 =	sadd.s32 s3, s2  }
0x8d: {  	s2 =	sadd.s32 s2, s17  }
0x8e: {  	[smem:$0x3FBB] =	sst s2  }
0x8f: {  	_ = 	snop  }
0x90: {  	s2 =	sld [smem:$0x3FC4];
	(tm) =	ssettm $0x1  }
0x91: {  	s18 =	sld [smem:$0x3FFB];
	_ =	sdelay $0x3  }
0x92: {  	_ =	strace s18  }
0x93: {  	s3 =	sld [smem:$0x3FFC];
	_ =	sdelay $0x3  }
0x94: {  	_ =	strace s3  }
0x95: {  	s3 =	sld [smem:$0x3FFD];
	_ =	sdelay $0x3  }
0x96: {  	_ =	strace s3  }
0x97: {  	_ =	strace $0x8FFFFFFF  }
0x98: {  	s19 =	sld [smem:$0x3FDB];
	_ =	sdelay $0x1  }
0x99: {  	s4 =	simm.s32 $_scs_section_size  }
0x9a: {  	s5 =	simm.s32 $_size__tile_overlayer_lowered;
	s6 =	simm.s32 $_tile_overlayer_lowered  }
0x9b: {  	s22 =	simm.s32 $0x1BFF;
	s21 =	sshll.u32 s6, $0x1;
	s3 =	sadd.s32 s4, s19  }
0x9c: {  	s7 =	simm.s32 $0x0;
	s20 =	sshll.u32 s5, $0x1;
	s5 =	sadd.s32 s21, s3  }
0x9d: {  	[timem:s7], [sflag:s22] =	dma.local [hbm:s5], s20  }
0x9e: {  	_ =	swait.ge [sflag:s22], s20  }
0x9f: {  	s4 =	ssub.s32 $0x0, s20;
	[sflag:s22] =	ssyncset.done $0x0  }
0xa0: {  	[sflag:s22] =	ssyncadd.s32 s4;
	_ =	sdelay $0x1  }
0xa1: {  	s23 =	simm.s32 $0x1B8B  }
0xa2: {  	_ =	swait.ge [sflag:s23], $0x1  }
0xa3: {  	[sflag:s23] =	ssyncset.done $0x0  }
0xa4: {  	s25 =	simm.s32 $0x1B8E;
	s24 =	sld [smem:$0x3FFE];
	[sflag:s23] =	ssyncadd.s32 $0xFFFFFFFF  }
0xa5: {  	s26 =	simm.s32 $execute0_lowered;
	[smem:$0x3FD2] =	sst s25  }
0xa6: {  	s5 =	sshll.u32 s26, $0x1;
	_ =	strace $0x80000046;
	[dreg:$0x1] =	wrdreg $0xFFFFFFFF  }
0xa7: {  	s28 =	simm.s32 $_size_execute0_lowered;
	s3 =	sadd.s32 s3, s5;
	[dreg:$0x0] =	wrdreg $0x0  }
0xa8: {  	s5 =	sshll.u32 s28, $0x1;
	[dreg:$0x2] =	wrdreg s3  }
0xa9: {  	[dreg:$0x3] =	wrdreg s5  }
0xaa: {  	[dreg:$0x4] =	wrdreg $0xC0  }
0xab: {  	_ =	task [dreg:s7], $0x5FFFF  }
0xac: {  	[dreg:$0x1] =	wrdreg $0xFFFFFFFF  }
0xad: {  	[dreg:$0x0] =	wrdreg $0x60  }
0xae: {  	[dreg:$0x2] =	wrdreg s24  }
0xaf: {  	[dreg:$0x3] =	wrdreg s2  }
0xb0: {  	[dreg:$0x4] =	wrdreg $0x0  }
0xb1: {  	[dreg:$0x5] =	wrdreg $0x9  }
0xb2: {  	_ =	task.clear_ibuf [dreg:s7], $0x6FFFF;
	_ =	strace $0x90000046  }
0xb3: {  	s29 =	simm.s32 $0x9;
	_ =	strace $0x80000048  }
0xb4: {  	_ =	swait.ge [sflag:s29], $0x1  }
0xb5: {  	[sflag:s29] =	ssyncadd.s32 $0xFFFFFFFF  }
0xb6: {  	_ =	strace $0x90000048  }
0xb7: {  	_ =	sfence  }
0xb8: {  	s30 =	sld [smem:$0x0];
	_ =	sdelay $0x2  }
0xb9: {  	s31 =	sshll.u32 s1, $0xD;
	s1 =	sshrl.u32 s1, $0x2  }
0xba: {  	s3 =	sand.u32 $0x4000, s31;
	s1 =	sadd.s32 s1, s30  }
0xbb: {  	s0 =	sor.u32 s3, s0;
	s1 =	sshll.u32 s1, $0x11  }
0xbc: {  	s0 =	sor.u32 s1, s0  }
0xbd: {  	s0 =	sadd.s32 $0x8F2B, s0  }
0xbe: {  	[sflag:s0] =	ssyncadd.remote.s32 $0x1  }
0xbf: {  	_ =	sfence.sel $0xFFFF  }
0xc0: {  	[dreg:$0x0] =	wrdreg $0xFFFFFFFF;
	(pc) =	sbr.abs _section_cstart, $3  }
0xc1: {  	[dreg:$0x1] =	wrdreg $0xFFFFFFFF  }
0xc2: {  	_ =	task.clear_ibuf [dreg:s7], $0x2FFFF;
	_ =	strace $0x9FFFFFFF  }
0xc3: {  	(tm) =	ssettm $0x7FFFFFFF  }
tec
execute0_lowered:
.L_overlay_start_1:
0x0: {  	(tag) =	ssettag $0x1  }
0x1: {  	s0 =	rddreg [dreg:$0x0];
	s1 =	srdreg.scid  }
0x2: {  	s3 =	rddreg [dreg:$0x2];
	s10 =	stileid.u32  }
0x3: {  	s4 =	simm.s32 $0x0;
	v0 =	vimm.s32 $0xEFCDAB89;
	s16 =	simm.s32 $0x18A80;
	s17 =	simm.s32 $0x1  }
0x4: {  	v1 =	vimm.s32 $0x67452301;
	s19 =	simm.s32 $0x13880;
	s20 =	simm.s32 $0x13980;
	s21 =	simm.s32 $0x13900  }
0x5: {  	v2 =	vimm.s32 $0xDCFE98BA;
	v3 =	vimm.s32 $0xBA98FEDC;
	s22 =	simm.s32 $0x16180;
	s23 =	simm.s32 $0x18980;
	s24 =	simm.s32 $0x0  }
0x6: {  	v4 =	vimm.s32 $0xFEDCBA98;
	s25 =	simm.s32 $0x0;
	s1 =	sand.u32 $0x1, s1;
	s6 =	smul.u32 $0x13800, s10;
	v0 =	vunpack.c.l.s4.s8 v0;
	v1 =	vunpack.c.l.s4.s8 v1  }
0x7: {  	v5 =	vimm.s32 $0x32107654;
	[smem:$0x7FF] =	sst s4;
	s5 =	sadd.s32 $0x26000, s0;
	s7 =	sadd.s32 $0x6C00, s0  }
0x8: {  	v6 =	vimm.s32 $0x76543210;
	s8 =	sadd.s32 $0x74400, s0;
	s11 =	smul.u32 $0x4E000, s10;
	p0 =	seq.s32 s10, $0xF;
	v0 =	vunpack.c.0.s8.s32 v0;
	v1 =	vunpack.c.0.s8.s32 v1  }
0x9: {  	v4 =	vunpack.c.l.s4.s8 v4;
	v3 =	vunpack.c.l.s4.s8 v3;
	v5 =	vunpack.c.l.s4.s8 v5;
	s2 =	smul.u32 $0x138800, s1;
	s31 =	ssub.s32 $0x2, s1;
	s1 =	sshll.u32 s1, $0x4  }
0xa: {  	_ =	strace $0x80000047;
	s9 =	sshrl.u32 s31, $0x1;
	s1 =	sor.u32 s10, s1;
	v0 =	vcombine.low v1, v0;
	v1 =	vunpack.c.l.s4.s8 v2;
	v2 =	vimm.s32 $0x54761032  }
0xb: {  	v6 =	vunpack.c.l.s4.s8 v6;
	s10 =	simm.s32 $0x50;
	s11 =	sshrl.u32 s11, $0x2;
	s2 =	sadd.s32 s6, s2;
	v2 =	vunpack.c.l.s4.s8 v2  }
0xc: {  	v4 =	vunpack.c.0.s8.s32 v4;
	v3 =	vunpack.c.0.s8.s32 v3;
	v5 =	vunpack.c.0.s8.s32 v5;
	s6 =	sadd.s32 $0x4D200, s0;
	s10 =	simm.s32 @!p0 $0x4E;
	s2 =	sshrl.u32 s2, $0x3  }
0xd: {  	v6 =	vunpack.c.0.s8.s32 v6;
	s12 =	smul.u32 $0x2710, s1;
	s2 =	sadd.s32 s2, s0;
	s0 =	ssub.s32 s31, s9;
	v1 =	vunpack.c.0.s8.s32 v1;
	v2 =	vunpack.c.0.s8.s32 v2  }
0xe: {  	s11 =	sadd.s32 s11, s3;
	s13 =	smul.u32 $0x7D00, s1;
	v7 =	vand.u32 $0xF, v4;
	v3 =	vcombine.low v5, v3;
	v4 =	vlaneseq.u32;
	s0 =	smax.u32 s0, $0x1  }
0xf: {  	s9 =	simm.s32 $0x50;
	v5 =	vcombine.low v7, v6;
	s15 =	sadd.s32 $0x7E200, s2;
	[dreg:$0x4] =	wrdreg s0;
	v1 =	vcombine.low v2, v1;
	v2 =	vimm.f32 $0.0e+00  }
.LBB2_1:
0x10: {  	[tilespmem:$0x18A80] =	vst v2  }
0x11: {  	[tilespmem:$0x18A90] =	vst v2  }
0x12: {  	[tilespmem:$0x18AA0] =	vst v2  }
0x13: {  	[tilespmem:$0x18AB0] =	vst v2  }
0x14: {  	[tilespmem:$0x18AC0] =	vst v2  }
0x15: {  	[tilespmem:$0x18AD0] =	vst v2  }
0x16: {  	[tilespmem:$0x18AE0] =	vst v2  }
0x17: {  	[tilespmem:$0x18AF0] =	vst v2  }
0x18: {  	[tilespmem:$0x18B00] =	vst v2  }
0x19: {  	[tilespmem:$0x18B10] =	vst v2  }
0x1a: {  	[tilespmem:$0x18B20] =	vst v2  }
0x1b: {  	[tilespmem:$0x18B30] =	vst v2  }
0x1c: {  	[tilespmem:$0x18B40] =	vst v2  }
0x1d: {  	[tilespmem:$0x18B50] =	vst v2  }
0x1e: {  	[tilespmem:$0x18B60] =	vst v2  }
0x1f: {  	[tilespmem:$0x18B70] =	vst v2  }
0x20: {  	[tilespmem:$0x18B80] =	vst v2  }
0x21: {  	[tilespmem:$0x18B90] =	vst v2  }
0x22: {  	[tilespmem:$0x18BA0] =	vst v2  }
0x23: {  	[tilespmem:$0x18BB0] =	vst v2  }
0x24: {  	[tilespmem:$0x18BC0] =	vst v2  }
0x25: {  	[tilespmem:$0x18BD0] =	vst v2  }
0x26: {  	[tilespmem:$0x18BE0] =	vst v2  }
0x27: {  	[tilespmem:$0x18BF0] =	vst v2  }
0x28: {  	[tilespmem:$0x18C00] =	vst v2  }
0x29: {  	[tilespmem:$0x18C10] =	vst v2  }
0x2a: {  	[tilespmem:$0x18C20] =	vst v2  }
0x2b: {  	[tilespmem:$0x18C30] =	vst v2  }
0x2c: {  	[tilespmem:$0x18C40] =	vst v2  }
0x2d: {  	[tilespmem:$0x18C50] =	vst v2  }
0x2e: {  	[tilespmem:$0x18C60] =	vst v2  }
0x2f: {  	[tilespmem:$0x18C70] =	vst v2  }
0x30: {  	[tilespmem:$0x18C80] =	vst v2  }
0x31: {  	[tilespmem:$0x18C90] =	vst v2  }
0x32: {  	[tilespmem:$0x18CA0] =	vst v2  }
0x33: {  	[tilespmem:$0x18CB0] =	vst v2  }
0x34: {  	[tilespmem:$0x18CC0] =	vst v2  }
0x35: {  	[tilespmem:$0x18CD0] =	vst v2  }
0x36: {  	[tilespmem:$0x18CE0] =	vst v2  }
0x37: {  	[tilespmem:$0x18CF0] =	vst v2  }
0x38: {  	[tilespmem:$0x18D00] =	vst v2  }
0x39: {  	[tilespmem:$0x18D10] =	vst v2  }
0x3a: {  	[tilespmem:$0x18D20] =	vst v2  }
0x3b: {  	[tilespmem:$0x18D30] =	vst v2  }
0x3c: {  	[tilespmem:$0x18D40] =	vst v2  }
0x3d: {  	[tilespmem:$0x18D50] =	vst v2  }
0x3e: {  	[tilespmem:$0x18D60] =	vst v2  }
0x3f: {  	[tilespmem:$0x18D70] =	vst v2  }
0x40: {  	[tilespmem:$0x18D80] =	vst v2  }
0x41: {  	[tilespmem:$0x18D90] =	vst v2  }
0x42: {  	[tilespmem:$0x18DA0] =	vst v2  }
0x43: {  	[tilespmem:$0x18DB0] =	vst v2  }
0x44: {  	[tilespmem:$0x18DC0] =	vst v2  }
0x45: {  	[tilespmem:$0x18DD0] =	vst v2  }
0x46: {  	[tilespmem:$0x18DE0] =	vst v2  }
0x47: {  	[tilespmem:$0x18DF0] =	vst v2  }
0x48: {  	[tilespmem:$0x18E00] =	vst v2  }
0x49: {  	[tilespmem:$0x18E10] =	vst v2  }
0x4a: {  	[tilespmem:$0x18E20] =	vst v2  }
0x4b: {  	[tilespmem:$0x18E30] =	vst v2  }
0x4c: {  	[tilespmem:$0x18E40] =	vst v2  }
0x4d: {  	[tilespmem:$0x18E50] =	vst v2;
	p0 =	sne.s32 s10, $0x1  }
.Ltmp0:
0x4e: {  	[tilespmem:$0x18E60] =	vst v2;
	(pc) =	sbr.rel @!p0 .LBB2_3-.Ltmp0, $4  }
0x4f: {  	[tilespmem:$0x18E70] =	vst v2  }
0x50: {  	[spmem:s11] =	stream.linear.scatter [tilespmem:s16], [sflag:$0x1], $0x400, $0x38;
	[tilespmem:$0x18E80] =	vst v63  }
0x51: {  	_ =	swait.ge [sflag:s17], $0x400  }
0x52: {  	s0 =	sadd.s32 $0xFFFFFFFF, s10;
	s1 =	smov.u32 s11;
	[sflag:s17] =	ssyncset.done $0x0  }
.LBB2_2:
0x53: {  	p1 =	sne.s32 s0, $0x1;
	[sflag:s17] =	ssyncadd.s32 $0xFFFFFC00;
	s1 =	sadd.s32 $0x400, s1  }
.Ltmp1:
0x54: {  	s0 =	sadd.s32 $0xFFFFFFFF, s0;
	(pc) =	sbr.rel @p1 .LBB2_2-.Ltmp1, $4  }
0x55: {  	_ = 	snop  }
0x56: {  	[spmem:s1] =	stream.linear.scatter [tilespmem:s16], [sflag:$0x1], $0x400, $0x38;
	[tilespmem:$0x18E80] =	vst v63  }
0x57: {  	_ =	swait.ge [sflag:s17], $0x400  }
0x58: {  	[sflag:s17] =	ssyncset.done $0x0  }
.LBB2_3:
0x59: {  	[sflag:s17] =	ssyncadd.s32 $0xFFFFFC00  }
0x5a: {  	[bflag:$0x0] =	sbarrier.arrive $0xFFFF  }
0x5b: {  	s1 =	simm.s32 $0x18A00;
	s0 =	rddreg [dreg:$0x1]  }
0x5c: {  	[tilespmem:s1], [sflag:$0x1] =	stream.linear.gather [hbm4b:s0+s25], $0x80, $0x38;
	[tilespmem:$0x18E80] =	vst v63  }
0x5d: {  	_ =	swait.ge [sflag:s17], $0x80  }
0x5e: {  	[sflag:s17] =	ssyncset.done $0x0  }
0x5f: {  	[sflag:s17] =	ssyncadd.s32 $0xFFFFFF80  }
0x60: {  	v6 =	vld [tilespmem:$0x18A00]  }
0x61: {  	v7 =	vld [tilespmem:$0x18A10]  }
0x62: {  	v8 =	vld [tilespmem:$0x18A20]  }
0x63: {  	v10 =	vld [tilespmem:$0x18A40]  }
0x64: {  	v9 =	vld [tilespmem:$0x18A30]  }
0x65: {  	v11 =	vld [tilespmem:$0x18A50]  }
0x66: {  	v12 =	vld [tilespmem:$0x18A60]  }
0x67: {  	s26 =	simm.s32 $0x0;
	v13 =	vld [tilespmem:$0x18A70]  }
.LBB2_4:
0x68: {  	s0 =	sshll.u32 s26, $0x8  }
0x69: {  	s0 =	sadd.s32 s13, s0  }
0x6a: {  	s0 =	sshrl.u32 s0, $0x3  }
0x6b: {  	s0 =	sadd.s32 s7, s0  }
0x6c: {  	[tilespmem:s19], [sflag:$0x1] =	stream.linear.gather [hbm4b:s0+s25], $0x100, $0x38;
	[tilespmem:$0x18E80] =	vst v63  }
0x6d: {  	_ =	swait.ge [sflag:s17], $0x100  }
0x6e: {  	[sflag:s17] =	ssyncset.done $0x0  }
0x6f: {  	[sflag:s17] =	ssyncadd.s32 $0xFFFFFF00  }
0x70: {  	[tilespmem:s20], [sflag:$0x1] =	stream.indirect.gather [hbm4b:s5+s9], $0x80, s19, s9, $0xb8;
	[tilespmem:$0x18E80] =	vst v63  }
0x71: {  	_ =	swait.ge [sflag:s17], $0x2800  }
0x72: {  	[sflag:s17] =	ssyncset.done $0x0  }
0x73: {  	[sflag:s17] =	ssyncadd.s32 $0xFFFFD800  }
0x74: {  	[tilespmem:s22], [sflag:$0x1] =	stream.indirect.gather [hbm4b:s6+s9], $0x80, s21, s9, $0xb8;
	[tilespmem:$0x18E80] =	vst v63  }
0x75: {  	_ =	swait.ge [sflag:s17], $0x2800  }
0x76: {  	s28 =	simm.s32 $0x139C0;
	[sflag:s17] =	ssyncset.done $0x0  }
0x77: {  	s29 =	simm.s32 $0x161C0;
	s30 =	simm.s32 $0x0;
	[sflag:s17] =	ssyncadd.s32 $0xFFFFD800  }
.LBB2_5:
0x78: {  	v14 =	vld [tilespmem:s28+$0xFFFFFFC0]  }
0x79: {  	v15 =	vld [tilespmem:s29+$0xFFFFFFC0]  }
0x7a: {  	v16 =	vld [tilespmem:s28+$0xFFFFFFD0]  }
0x7b: {  	v17 =	vld [tilespmem:s29+$0xFFFFFFD0]  }
0x7c: {  	v18 =	vld [tilespmem:s28+$0xFFFFFFE0]  }
0x7d: {  	v19 =	vld [tilespmem:s29+$0xFFFFFFE0]  }
0x7e: {  	v20 =	vld [tilespmem:s28+$0xFFFFFFF0];
	v14 =	vadd.f32 v15, v14  }
0x7f: {  	v15 =	vld [tilespmem:s29+$0xFFFFFFF0]  }
0x80: {  	v22 =	vld [tilespmem:s29+$0x0];
	v16 =	vadd.f32 v17, v16;
	v21 =	vmul.f32 $2.000000030e-01, v14  }
0x81: {  	v17 =	vld [tilespmem:s28+$0x0]  }
0x82: {  	v23 =	vld [tilespmem:s29+$0x10];
	v18 =	vadd.f32 v19, v18;
	v14 =	vmax.f32 v14, v21;
	v21 =	vmul.f32 $2.000000030e-01, v16  }
0x83: {  	v19 =	vld [tilespmem:s28+$0x10];
	v14 =	vmul.f32 v14, v6  }
0x84: {  	v24 =	vld [tilespmem:s29+$0x20];
	v15 =	vadd.f32 v15, v20;
	v16 =	vmax.f32 v16, v21;
	v21 =	vmul.f32 $2.000000030e-01, v18  }
0x85: {  	v20 =	vld [tilespmem:s28+$0x20];
	v14 =	vadd.f32 $0.0e+00, v14;
	v16 =	vmul.f32 v16, v7  }
0x86: {  	v25 =	vld [tilespmem:s29+$0x30];
	v17 =	vadd.f32 v22, v17;
	v18 =	vmax.f32 v18, v21;
	v21 =	vmul.f32 $2.000000030e-01, v15  }
0x87: {  	s0 =	sadd.s32 $0x80, s28;
	v22 =	vld [tilespmem:s28+$0x30];
	v14 =	vadd.f32 v16, v14;
	v16 =	vmul.f32 v18, v8  }
0x88: {  	v18 =	vadd.f32 v23, v19;
	v19 =	vld [tilespmem:s0+$0xFFFFFFD0];
	v15 =	vmax.f32 v15, v21;
	v21 =	vmul.f32 $2.000000030e-01, v17  }
0x89: {  	s1 =	sadd.s32 $0x80, s29;
	v23 =	vld [tilespmem:s0+$0xFFFFFFC0];
	v14 =	vadd.f32 v16, v14;
	v15 =	vmul.f32 v15, v9  }
0x8a: {  	v16 =	vadd.f32 v24, v20;
	v20 =	vld [tilespmem:s1+$0xFFFFFFC0];
	v17 =	vmax.f32 v17, v21;
	v21 =	vmul.f32 $2.000000030e-01, v18  }
0x8b: {  	v24 =	vld [tilespmem:s1+$0xFFFFFFD0];
	v14 =	vadd.f32 v15, v14;
	v15 =	vmul.f32 v17, v10  }
0x8c: {  	v17 =	vadd.f32 v25, v22;
	v22 =	vld [tilespmem:s0+$0xFFFFFFE0];
	v18 =	vmax.f32 v18, v21;
	v21 =	vmul.f32 $2.000000030e-01, v16  }
0x8d: {  	v25 =	vld [tilespmem:s1+$0xFFFFFFE0];
	v14 =	vadd.f32 v15, v14;
	v15 =	vmul.f32 v18, v11  }
0x8e: {  	v18 =	vld [tilespmem:s0+$0xFFFFFFF0];
	v16 =	vmax.f32 v16, v21;
	v21 =	vmul.f32 $2.000000030e-01, v17  }
0x8f: {  	v20 =	vadd.f32 v20, v23;
	v23 =	vld [tilespmem:s1+$0xFFFFFFF0];
	v14 =	vadd.f32 v15, v14;
	v15 =	vmul.f32 v16, v12  }
0x90: {  	v16 =	vadd.f32 v24, v19;
	v19 =	vld [tilespmem:s0+$0x0];
	v17 =	vmax.f32 v17, v21  }
0x91: {  	v24 =	vld [tilespmem:s1+$0x0];
	v21 =	vmul.f32 $2.000000030e-01, v20;
	v14 =	vadd.f32 v15, v14;
	v15 =	vmul.f32 v17, v13  }
0x92: {  	v22 =	vadd.f32 v25, v22;
	v25 =	vld [tilespmem:s0+$0x10]  }
0x93: {  	v17 =	vmax.f32 v20, v21;
	v20 =	vmul.f32 $2.000000030e-01, v16;
	v21 =	vld [tilespmem:s1+$0x10];
	v15 =	vadd.f32 v15, v14  }
0x94: {  	v26 =	vld [tilespmem:s0+$0x20];
	v14 =	vimm.f32 $0.0e+00;
	v17 =	vmul.f32 v17, v6;
	v23 =	vadd.f32 v23, v18  }
0x95: {  	v27 =	vld [tilespmem:s1+$0x20];
	v18 =	vmul.f32 $2.000000030e-01, v22;
	v16 =	vmax.f32 v16, v20;
	v20 =	vperm.xlane v15, v0  }
0x96: {  	v29 =	vadd.f32 v24, v19;
	v28 =	vadd.f32 $0.0e+00, v17;
	v16 =	vmul.f32 v16, v7;
	v17 =	vld [tilespmem:s0+$0x30]  }
0x97: {  	v18 =	vmax.f32 v22, v18;
	v22 =	vmul.f32 $2.000000030e-01, v23;
	v15 =	vadd.f32 v15, v20;
	v20 =	vld [tilespmem:s1+$0x30]  }
0x98: {  	s18 =	sadd.s32 $0x80, s0;
	v24 =	vmul.f32 v18, v8;
	v16 =	vadd.f32 v16, v28;
	v19 =	vadd.f32 v21, v25  }
0x99: {  	v18 =	vld [tilespmem:s18+$0xFFFFFFD0];
	v22 =	vmax.f32 v23, v22;
	v25 =	vmul.f32 $2.000000030e-01, v29;
	v63 =	vperm.xlane v15, v1  }
0x9a: {  	s2 =	simm.s32 $0x1;
	v21 =	vld [tilespmem:s18+$0xFFFFFFC0];
	s1 =	sadd.s32 $0x80, s1;
	v23 =	vadd.f32 v24, v16;
	v24 =	vmul.f32 v22, v9;
	v16 =	vadd.f32 v27, v26  }
0x9b: {  	s31 =	simm.s32 $0x2;
	s14 =	simm.s32 $0x3;
	s0 =	simm.s32 $0x0;
	v22 =	vld [tilespmem:s1+$0xFFFFFFC0];
	v26 =	vmax.f32 v29, v25;
	v25 =	vmul.f32 $2.000000030e-01, v19;
	v15 =	vadd.f32 v15, v63  }
.LBB2_6:
0x9c: {  	p1 =	sne.s32 s14, $0xF;
	v27 =	vld [tilespmem:s1+$0xFFFFFFD0];
	v23 =	vadd.f32 v24, v23;
	v24 =	vmul.f32 v26, v10;
	v17 =	vadd.f32 v20, v17  }
0x9d: {  	v20 =	vld [tilespmem:s18+$0xFFFFFFE0];
	v19 =	vmax.f32 v19, v25;
	v25 =	vmul.f32 $2.000000030e-01, v16;
	v26 =	vperm.xlane v15, v3  }
0x9e: {  	v28 =	vld [tilespmem:s1+$0xFFFFFFE0];
	v23 =	vadd.f32 v24, v23;
	v19 =	vmul.f32 v19, v11;
	v24 =	vmov s0;
	s0 =	smov.u32 s2;
	s2 =	smov.u32 s31;
	s31 =	smov.u32 s14  }
0x9f: {  	v29 =	vld [tilespmem:s18+$0xFFFFFFF0];
	v16 =	vmax.f32 v16, v25;
	v25 =	vmul.f32 $2.000000030e-01, v17;
	v15 =	vadd.f32 v15, v26  }
0xa0: {  	v21 =	vadd.f32 v22, v21;
	v22 =	vld [tilespmem:s1+$0xFFFFFFF0];
	v19 =	vadd.f32 v19, v23;
	v16 =	vmul.f32 v16, v12  }
0xa1: {  	v18 =	vadd.f32 v27, v18;
	v23 =	vld [tilespmem:s18+$0x0];
	v17 =	vmax.f32 v17, v25;
	v25 =	vperm.xlane v15, v5  }
0xa2: {  	v26 =	vmul.f32 $2.000000030e-01, v21;
	v27 =	vld [tilespmem:s1+$0x0];
	v16 =	vadd.f32 v16, v19;
	v17 =	vmul.f32 v17, v13  }
0xa3: {  	vm0 =	veq.s32 v24, v4;
	v19 =	vadd.f32 v28, v20;
	v28 =	vld [tilespmem:s18+$0x10];
	v15 =	vadd.f32 v15, v25  }
0xa4: {  	v20 =	vmax.f32 v21, v26;
	v21 =	vmul.f32 $2.000000030e-01, v18;
	v24 =	vld [tilespmem:s1+$0x10];
	v16 =	vadd.f32 v17, v16  }
0xa5: {  	v17 =	vmul.f32 v20, v6;
	v22 =	vadd.f32 v22, v29;
	v25 =	vld [tilespmem:s18+$0x20];
	v14 =	vsel vm0, v15, v14  }
0xa6: {  	v15 =	vmax.f32 v18, v21;
	v18 =	vmul.f32 $2.000000030e-01, v19;
	v26 =	vld [tilespmem:s1+$0x20];
	v21 =	vperm.xlane v16, v0  }
0xa7: {  	v29 =	vadd.f32 $0.0e+00, v17;
	v15 =	vmul.f32 v15, v7;
	v27 =	vadd.f32 v27, v23;
	v17 =	vld [tilespmem:s18+$0x30]  }
.Ltmp2:
0xa8: {  	v23 =	vmul.f32 $2.000000030e-01, v22;
	v18 =	vmax.f32 v19, v18;
	v20 =	vld [tilespmem:s1+$0x30];
	v30 =	vadd.f32 v16, v21;
	(pc) =	sbr.rel @p1 .LBB2_6-.Ltmp2, $4  }
0xa9: {  	s18 =	sadd.s32 $0x80, s18;
	v15 =	vadd.f32 v15, v29;
	v16 =	vmul.f32 v18, v8;
	v19 =	vadd.f32 v24, v28  }
0xaa: {  	v22 =	vmax.f32 v22, v23;
	v28 =	vmul.f32 $2.000000030e-01, v27;
	v18 =	vld [tilespmem:s18+$0xFFFFFFD0];
	v29 =	vperm.xlane v30, v1  }
0xab: {  	s1 =	sadd.s32 $0x80, s1;
	v24 =	vmul.f32 v22, v9;
	v21 =	vld [tilespmem:s18+$0xFFFFFFC0];
	v23 =	vadd.f32 v16, v15;
	v16 =	vadd.f32 v26, v25  }
0xac: {  	s14 =	sadd.s32 $0x1, s14;
	v26 =	vmax.f32 v27, v28;
	v25 =	vmul.f32 $2.000000030e-01, v19;
	v22 =	vld [tilespmem:s1+$0xFFFFFFC0];
	v15 =	vadd.f32 v30, v29  }
0xad: {  	_ = 	snop  }
0xae: {  	v27 =	vld [tilespmem:s1+$0xFFFFFFD0]  }
0xaf: {  	v28 =	vld [tilespmem:s18+$0xFFFFFFE0]  }
0xb0: {  	v29 =	vld [tilespmem:s1+$0xFFFFFFE0]  }
0xb1: {  	v30 =	vld [tilespmem:s18+$0xFFFFFFF0];
	v21 =	vadd.f32 v22, v21  }
0xb2: {  	v22 =	vld [tilespmem:s1+$0xFFFFFFF0]  }
0xb3: {  	v46 =	vld [tilespmem:s18+$0x0];
	v18 =	vadd.f32 v27, v18;
	v31 =	vmul.f32 $2.000000030e-01, v21  }
0xb4: {  	v23 =	vadd.f32 v24, v23;
	v47 =	vmul.f32 v26, v10;
	v17 =	vadd.f32 v20, v17;
	v20 =	vld [tilespmem:s1+$0x0]  }
0xb5: {  	v49 =	vld [tilespmem:s18+$0x10];
	v48 =	vadd.f32 v29, v28;
	v50 =	vmul.f32 $2.000000030e-01, v18;
	v21 =	vmax.f32 v21, v31  }
0xb6: {  	v51 =	vmul.f32 $2.000000030e-01, v16;
	v52 =	vld [tilespmem:s1+$0x10];
	v19 =	vmax.f32 v19, v25;
	v21 =	vmul.f32 v21, v6  }
0xb7: {  	v53 =	vld [tilespmem:s18+$0x20];
	v54 =	vmul.f32 $2.000000030e-01, v48;
	v22 =	vadd.f32 v22, v30;
	v18 =	vmax.f32 v18, v50  }
0xb8: {  	v55 =	vld [tilespmem:s1+$0x20];
	v23 =	vadd.f32 v47, v23;
	v18 =	vmul.f32 v18, v7;
	v21 =	vadd.f32 $0.0e+00, v21  }
0xb9: {  	v56 =	vld [tilespmem:s18+$0x30];
	v20 =	vadd.f32 v20, v46;
	v26 =	vmax.f32 v48, v54;
	v57 =	vmul.f32 $2.000000030e-01, v22  }
0xba: {  	v16 =	vmax.f32 v16, v51;
	v58 =	vmul.f32 v26, v8;
	v18 =	vadd.f32 v18, v21;
	v21 =	vld [tilespmem:s1+$0x30]  }
0xbb: {  	v59 =	vadd.f32 v52, v49;
	v60 =	vmul.f32 $2.000000030e-01, v20;
	v22 =	vmax.f32 v22, v57  }
0xbc: {  	v19 =	vmul.f32 v19, v11;
	v22 =	vmul.f32 v22, v9;
	v18 =	vadd.f32 v58, v18  }
0xbd: {  	v24 =	vadd.f32 v55, v53;
	v61 =	vmul.f32 $2.000000030e-01, v59;
	v20 =	vmax.f32 v20, v60  }
0xbe: {  	v62 =	vmul.f32 $2.000000030e-01, v17;
	v20 =	vmul.f32 v20, v10;
	v18 =	vadd.f32 v22, v18  }
0xbf: {  	v63 =	vmul.f32 $2.000000030e-01, v24;
	v22 =	vmax.f32 v59, v61;
	v21 =	vadd.f32 v21, v56  }
0xc0: {  	v16 =	vmul.f32 v16, v12;
	v18 =	vadd.f32 v20, v18;
	v20 =	vmul.f32 v22, v11  }
0xc1: {  	v19 =	vadd.f32 v19, v23;
	v22 =	vmax.f32 v24, v63;
	v23 =	vmul.f32 $2.000000030e-01, v21  }
0xc2: {  	v17 =	vmax.f32 v17, v62;
	v18 =	vadd.f32 v20, v18;
	v20 =	vmul.f32 v22, v12  }
0xc3: {  	v17 =	vmul.f32 v17, v13;
	v16 =	vadd.f32 v16, v19;
	v19 =	vmax.f32 v21, v23  }
0xc4: {  	v18 =	vadd.f32 v20, v18;
	v19 =	vmul.f32 v19, v13  }
0xc5: {  	v16 =	vadd.f32 v17, v16  }
0xc6: {  	v17 =	vadd.f32 v19, v18  }
0xc7: {  	v18 =	vperm.xlane v16, v0  }
0xc8: {  	v19 =	vperm.xlane v17, v0  }
0xc9: {  	v16 =	vadd.f32 v16, v18  }
0xca: {  	v17 =	vadd.f32 v17, v19  }
0xcb: {  	v18 =	vperm.xlane v16, v1  }
0xcc: {  	v19 =	vperm.xlane v17, v1  }
0xcd: {  	v20 =	vperm.xlane v15, v3;
	v16 =	vadd.f32 v16, v18  }
0xce: {  	v17 =	vadd.f32 v17, v19  }
0xcf: {  	v15 =	vadd.f32 v15, v20;
	v18 =	vperm.xlane v16, v3  }
0xd0: {  	v19 =	vperm.xlane v17, v3  }
0xd1: {  	v20 =	vperm.xlane v15, v5;
	v16 =	vadd.f32 v16, v18  }
0xd2: {  	v17 =	vadd.f32 v17, v19  }
0xd3: {  	v15 =	vadd.f32 v15, v20;
	v18 =	vmov s0;
	v19 =	vperm.xlane v16, v5  }
0xd4: {  	vm0 =	veq.s32 v18, v4;
	v18 =	vperm.xlane v17, v5  }
0xd5: {  	v14 =	vsel vm0, v15, v14;
	v15 =	vmov s2;
	v16 =	vadd.f32 v16, v19  }
0xd6: {  	vm14 =	veq.s32 v15, v4;
	v15 =	vmov s31;
	v17 =	vadd.f32 v17, v18  }
0xd7: {  	vm15 =	veq.s32 v15, v4;
	v14 =	vsel vm14, v16, v14  }
0xd8: {  	v14 =	vsel vm15, v17, v14  }
0xd9: {  	v14 =	vmul.f32 $1.442695020e+00, v14;
	_ =	sdelay $0x1  }
0xda: {  	(erf) = vpow2.f32 v14;
	_ =	sdelay $0x8  }
0xdb: {  	s18 =	sshll.u32 s30, $0x4;
	v14 =	vpop (erf)  }
0xdc: {  	[tilespmem:s18+$0x18980] =	vst v14  }
0xdd: {  	v19 =	vld [tilespmem:s28+$0xFFFFFFC0]  }
0xde: {  	s31 =	simm.s32 $0x0;
	v21 =	vld [tilespmem:s28+$0xFFFFFFD0]  }
0xdf: {  	v15 =	vmov s31;
	v20 =	vld [tilespmem:s28+$0xFFFFFFE0]  }
0xe0: {  	v15 =	vperm.xlane v14, v15;
	v17 =	vld [tilespmem:s28+$0x0]  }
0xe1: {  	v18 =	vld [tilespmem:s28+$0x10]  }
0xe2: {  	v16 =	vld [tilespmem:s28+$0x20];
	v22 =	vmul.f32 v19, v15  }
0xe3: {  	s1 =	simm.s32 $0x1;
	s0 =	smov.u32 s28;
	s2 =	smov.u32 s28;
	v21 =	vmul.f32 v21, v15;
	v19 =	vld [tilespmem:s28+$0x30]  }
.LBB2_8:
0xe4: {  	p1 =	sne.s32 s1, $0xF;
	[tilespmem:s0+$0xFFFFFFC0] =	vst v22;
	v20 =	vmul.f32 v20, v15;
	v22 =	vld [tilespmem:s0+$0xFFFFFFF0];
	s2 =	sadd.s32 $0x80, s2  }
0xe5: {  	v23 =	vld [tilespmem:s2+$0xFFFFFFC0];
	[tilespmem:s0+$0xFFFFFFD0] =	vst v21;
	v17 =	vmul.f32 v17, v15  }
0xe6: {  	v21 =	vld [tilespmem:s2+$0xFFFFFFD0];
	[tilespmem:s0+$0xFFFFFFE0] =	vst v20;
	v18 =	vmul.f32 v18, v15  }
.Ltmp3:
0xe7: {  	v24 =	vmov s1;
	v20 =	vld [tilespmem:s2+$0xFFFFFFE0];
	[tilespmem:s0+$0x0] =	vst v17;
	v16 =	vmul.f32 v16, v15;
	(pc) =	sbr.rel @p1 .LBB2_8-.Ltmp3, $4  }
0xe8: {  	v24 =	vperm.xlane v14, v24;
	v17 =	vld [tilespmem:s2+$0x0];
	[tilespmem:s0+$0x10] =	vst v18;
	v19 =	vmul.f32 v19, v15  }
0xe9: {  	v18 =	vld [tilespmem:s2+$0x10];
	v25 =	vmul.f32 v22, v15;
	[tilespmem:s0+$0x20] =	vst v16  }
0xea: {  	v15 =	vmov v24;
	v22 =	vmul.f32 v23, v24;
	v16 =	vld [tilespmem:s2+$0x20];
	[tilespmem:s0+$0x30] =	vst v19  }
0xeb: {  	s1 =	sadd.s32 $0x1, s1;
	v21 =	vmul.f32 v21, v15;
	v19 =	vld [tilespmem:s2+$0x30];
	[tilespmem:s0+$0xFFFFFFF0] =	vst v25;
	s0 =	smov.u32 s2  }
0xec: {  	[tilespmem:s0+$0xFFFFFFC0] =	vst v22;
	v14 =	vmul.f32 v20, v15;
	v63 =	vld [tilespmem:s0+$0xFFFFFFF0]  }
0xed: {  	s30 =	sadd.s32 $0x1, s30;
	[tilespmem:s0+$0xFFFFFFD0] =	vst v21;
	v17 =	vmul.f32 v17, v15  }
0xee: {  	p1 =	sne.s32 s30, $0x5;
	[tilespmem:s0+$0xFFFFFFE0] =	vst v14;
	v14 =	vmul.f32 v18, v15  }
.Ltmp4:
0xef: {  	[tilespmem:s0+$0x0] =	vst v17;
	v16 =	vmul.f32 v16, v15;
	(pc) =	sbr.rel @p1 .LBB2_5-.Ltmp4, $4  }
0xf0: {  	[tilespmem:s0+$0x10] =	vst v14;
	v14 =	vmul.f32 v19, v15  }
0xf1: {  	v15 =	vmul.f32 v63, v15;
	[tilespmem:s0+$0x20] =	vst v16  }
0xf2: {  	[tilespmem:s0+$0x30] =	vst v14  }
0xf3: {  	s28 =	sadd.s32 $0x800, s28;
	s29 =	sadd.s32 $0x800, s29;
	[tilespmem:s0+$0xFFFFFFF0] =	vst v15  }
0xf4: {  	s0 =	smul.u32 $0x50, s26;
	_ =	sdelay $0x1  }
0xf5: {  	s0 =	sadd.s32 s12, s0  }
0xf6: {  	s0 =	sshrl.u32 s0, $0x3  }
0xf7: {  	s0 =	sadd.s32 s8, s0  }
0xf8: {  	[hbm4b:s0+s4] =	stream.linear.scatter [tilespmem:s23], [sflag:$0x1], $0x50, $0x38;
	[tilespmem:$0x18E80] =	vst v63  }
0xf9: {  	s26 =	sadd.s32 $0x1, s26;
	_ =	swait.ge [sflag:s17], $0x50  }
0xfa: {  	p1 =	sne.s32 s26, $0x7D;
	[sflag:s17] =	ssyncset.done $0x0  }
.Ltmp5:
0xfb: {  	[sflag:s17] =	ssyncadd.s32 $0xFFFFFFB0;
	(pc) =	sbr.rel @p1 .LBB2_4-.Ltmp5, $4  }
0xfc: {  	[spmem:s3] =	stream.indirect.scatter.add.f32 [tilespmem:s20], [sflag:$0x1], $0x80, s21, s9, $0xb8;
	[tilespmem:$0x18E80] =	vst v63  }
0xfd: {  	_ =	swait.ge [sflag:s17], $0x2800  }
0xfe: {  	[sflag:s17] =	ssyncset.done $0x0  }
0xff: {  	[sflag:s17] =	ssyncadd.s32 $0xFFFFD800  }
.Ltmp6:
0x100: {  	s0 =	stileid.u32;
	(pc) =	sbr.rel @!p0 .LBB2_13-.Ltmp6, $4  }
0x101: {  	[bflag:$0x0] =	sbarrier.arrive $0xFFFF;
	s0 =	sshll.u32 s0, $0x6  }
0x102: {  	s1 =	sshrl.u32 s11, $0x3;
	s2 =	sadd.s32 $0x80, s15;
	s0 =	sor.u32 $0x1C01, s0  }
0x103: {  	[hbm:s15], [sflag:s0] =	dma.local [spmem:s1], $0x80  }
0x104: {  	s14 =	smov.u32 s11;
	s1 =	sadd.s32 $0xFFFFFFFF, s10;
	_ =	swait.ge [sflag:s17], $0x80  }
.LBB2_12:
0x105: {  	[sflag:s17] =	ssyncset.done $0x0;
	s14 =	sadd.s32 $0x400, s14;
	p0 =	sne.s32 s1, $0x1  }
.Ltmp7:
0x106: {  	s18 =	sshrl.u32 s14, $0x3;
	[sflag:s17] =	ssyncadd.s32 $0xFFFFFF80;
	(pc) =	sbr.rel @p0 .LBB2_12-.Ltmp7, $3  }
0x107: {  	[hbm:s2], [sflag:s0] =	dma.local [spmem:s18], $0x80  }
0x108: {  	s1 =	sadd.s32 $0xFFFFFFFF, s1;
	_ =	sdelay $0x1  }
0x109: {  	s2 =	sadd.s32 $0x80, s2;
	_ =	swait.ge [sflag:s17], $0x80  }
.LBB2_13:
0x10a: {  	s24 =	sadd.s32 $0x1, s24;
	s0 =	rddreg [dreg:$0x4]  }
0x10b: {  	p0 =	sne.s32 s24, s0  }
.Ltmp8:
0x10c: {  	_ = 	snop;
	(pc) =	sbr.rel @p0 .LBB2_1-.Ltmp8, $3  }
0x10d: {  	_ =	sdelay $0x1  }
0x10e: {  	[sflag:s17] =	ssyncset.done $0x0  }
0x10f: {  	[sflag:s17] =	ssyncadd.s32 $0xFFFFFF80  }
0x110: {  	_ =	sfence.sel $0x180000  }
0x111: {  	[bflag:$0x0] =	sbarrier.arrive $0xFFFF  }
0x112: {  	_ =	strace $0x90000047  }
0x113: {  	s0 =	stileid.u32;
	[bflag:$0x2] =	sbarrier.arrive $0xFFFF  }
0x114: {  	p0 =	sne.s32 s0, $0x0;
	s0 =	rddreg [dreg:$0x3]  }
0x115: {  	s0 =	sadd.s32 @!p0 $0x100000, s0  }
0x116: {  	[sflag:s0] =	ssyncadd.tile.s32 @!p0 $0x1;
	_ =	shalt  }
.Lfunc_end2:
_tile_overlayer_lowered:
.L_overlay_start_2:
0x117: {  	(tag) =	ssettag $0x2  }
0x118: {  	s0 =	rddreg [dreg:$0x0];
	s2 =	stileid.u32  }
0x119: {  	s1 =	rddreg [dreg:$0x1];
	p0 =	sne.s32 s2, $0x0  }
0x11a: {  	s3 =	rddreg [dreg:$0x2];
	[bflag:$0x3] =	sbarrier.arrive $0xFFFF;
	s2 =	simm.s32 @!p0 $0x1C01  }
0x11b: {  	[timem:s3], [sflag:s2] =	dma.local @!p0 [hbm:s0], s1  }
0x11c: {  	s0 =	simm.s32 @!p0 $0x1  }
0x11d: {  	_ =	swait.ge @!p0 [sflag:s0], s1  }
0x11e: {  	s1 =	ssub.s32 @!p0 $0x0, s1;
	[sflag:s0] =	ssyncset.done @!p0 $0x0  }
0x11f: {  	[sflag:s0] =	ssyncadd.s32 @!p0 s1  }
0x120: {  	[bflag:$0x3] =	sbarrier.arrive $0xFFFF  }
0x121: {  	_ =	shalt  }

// kernel: kernel.15.cloned.1.call-start
scs
__scs_entry_jumppad:
0x0: {  	(pc) =	sbr.rel $0x88, $3  }
0x1: {  	(tag) =	ssettag $0x0;
	lr =	simm.s32 $0x1  }
0x2: {  	[smem:$0x3F94] =	sst lr;
	_ =	strace $0xD0000000  }
0x3: {  	_ = 	snop  }
0x4: {  	_ = 	snop  }
0x5: {  	_ = 	snop  }
0x6: {  	_ = 	snop  }
0x7: {  	_ = 	snop  }
__scs_overlays_trampoline_lowered:
0x8: {  	[smem:$0x3FA3] =	sst s0  }
0x9: {  	[smem:$0x3FA4] =	sst s1  }
0xa: {  	[smem:$0x3FA5] =	sst s2  }
0xb: {  	[smem:$0x3FA6] =	sst s3  }
0xc: {  	[smem:$0x3FA7] =	sst s4  }
0xd: {  	[smem:$0x3FA8] =	sst s5  }
0xe: {  	[smem:$0x3FA9] =	sst s6  }
0xf: {  	[smem:$0x3FAA] =	sst s7  }
0x10: {  	[smem:$0x3FAB] =	sst s8  }
0x11: {  	[smem:$0x3FAC] =	sst s9;
	s0 =	simm.s32 @!p0 $0x0  }
0x12: {  	s1 =	sld [smem:$0x3F92];
	s0 =	simm.s32 @p0 $0x1  }
0x13: {  	[smem:$0x3FAD] =	sst s0;
	s0 =	simm.s32 @!p1 $0x0  }
0x14: {  	s2 =	sld [smem:$0x3F91];
	s0 =	simm.s32 @p1 $0x1  }
0x15: {  	[smem:$0x3FAE] =	sst s0;
	s0 =	simm.s32 @!p2 $0x0  }
0x16: {  	s3 =	sld [smem:$0x3FDB];
	s0 =	simm.s32 @p2 $0x1  }
0x17: {  	s4 =	simm.s32 $0x1BF5;
	[smem:$0x3FB0] =	sst s0  }
0x18: {  	s0 =	sld [smem:$0x3F93];
	_ =	swait.ge [sflag:s4], $0x0  }
0x19: {  	s7 =	sld [smem:$0x3F94]  }
0x1a: {  	s8 =	sadd.s32 $0xFFFFE003, lr  }
0x1b: {  	s9 =	sadd.s32 $0xFFFFFEF7, lr;
	s5 =	simm.s32 $0xFFFFFFFF;
	p2 =	slt.u32 s8, $0xFFFFF086  }
0x1c: {  	p1 =	slt.u32 s9, $0xF7A;
	s5 =	simm.s32 @!p2 $0x0  }
0x1d: {  	s5 =	simm.s32 @p1 $0x1;
	p0 =	seq.s32 s7, s2  }
0x1e: {  	s7 =	smul.u32 @!p0 $0xF7A, s2;
	p2 =	seq.s32 @!p0 s5, $0x0  }
0x1f: {  	s9 =	smul.u32 $0xF7A, s1;
	s8 =	simm.s32 @!p0 $0x1BF5;
	p2 =	por !p2, p0  }
0x20: {  	[sflag:s8] =	ssyncset.s32 @!p0 $0xFFFFF086;
	s6 =	sadd.s32 @!p0 s3, s7;
	s7 =	simm.s32 @!p0 $0x108  }
0x21: {  	s3 =	sadd.s32 s3, s9;
	s6 =	sadd.s32 @!p0 $0x88, s6;
	s7 =	simm.s32 @p2 $0x1082  }
0x22: {  	[simem:s7], [sflag:s8] =	dma.local @!p0 [hbm:s6], $0xF7A  }
0x23: {  	s9 =	sor.u32 $0xD0000000, s2;
	s6 =	simm.s32 $0x108;
	_ =	swait.ge @!p0 [sflag:s8], $0x0  }
0x24: {  	s3 =	sadd.s32 $0x88, s3;
	s6 =	simm.s32 @!p1 $0x1082;
	[sflag:s4] =	ssyncset.s32 $0xFFFFF086  }
0x25: {  	[simem:s6], [sflag:s4] =	dma.local [hbm:s3], $0xF7A  }
0x26: {  	[smem:$0x3F94] =	sst s1;
	(tag) =	ssettag s2;
	_ =	strace s9  }
0x27: {  	s1 =	sld [smem:$0x3FA4]  }
0x28: {  	s2 =	sld [smem:$0x3FA5]  }
0x29: {  	s4 =	sld [smem:$0x3FA7]  }
0x2a: {  	p0 =	seq.s32 s5, $0x0;
	s5 =	sld [smem:$0x3FA8]  }
0x2b: {  	s6 =	sld [smem:$0x3FA9]  }
0x2c: {  	s7 =	sld [smem:$0x3FAA]  }
0x2d: {  	s3 =	simm.s32 $0x108;
	s8 =	sld [smem:$0x3FAB]  }
0x2e: {  	s3 =	simm.s32 @!p0 $0x1082;
	s9 =	sld [smem:$0x3FAC]  }
0x2f: {  	lr =	sadd.s32 s0, s3;
	s0 =	sld [smem:$0x3FA3]  }
0x30: {  	s3 =	sld [smem:$0x3FA6]  }
0x31: {  	[smem:$0x3FAF] =	sst s10  }
0x32: {  	s10 =	sld [smem:$0x3FAD];
	_ =	sdelay $0x3  }
0x33: {  	p0 =	seq.s32 s10, $0x1;
	s10 =	sld [smem:$0x3FAF];
	_ =	sdelay $0x3  }
0x34: {  	[smem:$0x3FAF] =	sst s10  }
0x35: {  	s10 =	sld [smem:$0x3FAE];
	_ =	sdelay $0x3  }
0x36: {  	p1 =	seq.s32 s10, $0x1;
	s10 =	sld [smem:$0x3FAF];
	_ =	sdelay $0x3  }
0x37: {  	[smem:$0x3FAF] =	sst s10  }
0x38: {  	s10 =	sld [smem:$0x3FB0]  }
0x39: {  	_ = 	snop;
	(pc) =	sbr.ind lr, $3  }
0x3a: {  	_ = 	snop  }
0x3b: {  	_ = 	snop  }
0x3c: {  	p2 =	seq.s32 s10, $0x1;
	s10 =	sld [smem:$0x3FAF]  }
0x3d: {  	_ =	shalt  }
0x3e: {  	_ =	shalt  }
0x3f: {  	_ =	shalt  }
0x40: {  	_ =	shalt  }
0x41: {  	_ =	shalt  }
0x42: {  	_ =	shalt  }
0x43: {  	_ =	shalt  }
0x44: {  	_ =	shalt  }
0x45: {  	_ =	shalt  }
0x46: {  	_ =	shalt  }
0x47: {  	_ =	shalt  }
0x48: {  	_ =	shalt  }
0x49: {  	_ =	shalt  }
0x4a: {  	_ =	shalt  }
0x4b: {  	_ =	shalt  }
0x4c: {  	_ =	shalt  }
0x4d: {  	_ =	shalt  }
0x4e: {  	_ =	shalt  }
0x4f: {  	_ =	shalt  }
0x50: {  	_ =	shalt  }
0x51: {  	_ =	shalt  }
0x52: {  	_ =	shalt  }
0x53: {  	_ =	shalt  }
0x54: {  	_ =	shalt  }
0x55: {  	_ =	shalt  }
0x56: {  	_ =	shalt  }
0x57: {  	_ =	shalt  }
0x58: {  	_ =	shalt  }
0x59: {  	_ =	shalt  }
0x5a: {  	_ =	shalt  }
0x5b: {  	_ =	shalt  }
0x5c: {  	_ =	shalt  }
0x5d: {  	_ =	shalt  }
0x5e: {  	_ =	shalt  }
0x5f: {  	_ =	shalt  }
0x60: {  	_ =	shalt  }
0x61: {  	_ =	shalt  }
0x62: {  	_ =	shalt  }
0x63: {  	_ =	shalt  }
0x64: {  	_ =	shalt  }
0x65: {  	_ =	shalt  }
0x66: {  	_ =	shalt  }
0x67: {  	_ =	shalt  }
0x68: {  	_ =	shalt  }
0x69: {  	_ =	shalt  }
0x6a: {  	_ =	shalt  }
0x6b: {  	_ =	shalt  }
0x6c: {  	_ =	shalt  }
0x6d: {  	_ =	shalt  }
0x6e: {  	_ =	shalt  }
0x6f: {  	_ =	shalt  }
0x70: {  	_ =	shalt  }
0x71: {  	_ =	shalt  }
0x72: {  	_ =	shalt  }
0x73: {  	_ =	shalt  }
0x74: {  	_ =	shalt  }
0x75: {  	_ =	shalt  }
0x76: {  	_ =	shalt  }
0x77: {  	_ =	shalt  }
0x78: {  	_ =	shalt  }
0x79: {  	_ =	shalt  }
0x7a: {  	_ =	shalt  }
0x7b: {  	_ =	shalt  }
0x7c: {  	_ =	shalt  }
0x7d: {  	_ =	shalt  }
0x7e: {  	_ =	shalt  }
0x7f: {  	_ =	shalt  }
0x80: {  	_ =	shalt  }
0x81: {  	_ =	shalt  }
0x82: {  	_ =	shalt  }
0x83: {  	_ =	shalt  }
0x84: {  	_ =	shalt  }
0x85: {  	_ =	shalt  }
0x86: {  	_ =	shalt  }
0x87: {  	_ =	shalt  }
.Lfunc_end0:
.L_simem_size_0:
called_computation.1_lowered:
.L_overlay_start_0:
0x88: {  	s2 =	sld [smem:$0x3FD9]  }
0x89: {  	s3 =	sld [smem:$0x3FFE];
	_ =	sdelay $0x1  }
0x8a: {  	s1 =	srdreg.scid  }
0x8b: {  	s0 =	sand.u32 $0x1, s1  }
0x8c: {  	s16 =	sshll.u32 s0, $0xA;
	s2 =	sadd.s32 s3, s2  }
0x8d: {  	s2 =	sadd.s32 s2, s16  }
0x8e: {  	[smem:$0x3FBB] =	sst s2  }
0x8f: {  	_ = 	snop  }
0x90: {  	(tm) =	ssettm $0x1  }
0x91: {  	s17 =	sld [smem:$0x3FFB];
	_ =	sdelay $0x3  }
0x92: {  	_ =	strace s17  }
0x93: {  	s2 =	sld [smem:$0x3FFC];
	_ =	sdelay $0x3  }
0x94: {  	_ =	strace s2  }
0x95: {  	s2 =	sld [smem:$0x3FFD];
	_ =	sdelay $0x3  }
0x96: {  	_ =	strace s2  }
0x97: {  	_ =	strace $0x8FFFFFFF  }
0x98: {  	s18 =	sld [smem:$0x3FDB];
	_ =	sdelay $0x1  }
0x99: {  	s19 =	simm.s32 $_scs_section_size  }
0x9a: {  	s4 =	simm.s32 $_size__tile_overlayer_lowered;
	s5 =	simm.s32 $_tile_overlayer_lowered  }
0x9b: {  	s22 =	simm.s32 $0x1BFF;
	s21 =	sshll.u32 s5, $0x1;
	s2 =	sadd.s32 s19, s18  }
0x9c: {  	s6 =	simm.s32 $0x0;
	s20 =	sshll.u32 s4, $0x1;
	s4 =	sadd.s32 s21, s2  }
0x9d: {  	[timem:s6], [sflag:s22] =	dma.local [hbm:s4], s20  }
0x9e: {  	_ =	swait.ge [sflag:s22], s20  }
0x9f: {  	s3 =	ssub.s32 $0x0, s20;
	[sflag:s22] =	ssyncset.done $0x0  }
0xa0: {  	[sflag:s22] =	ssyncadd.s32 s3;
	_ =	sdelay $0x1  }
0xa1: {  	s23 =	simm.s32 $0x1B8B  }
0xa2: {  	_ =	swait.ge [sflag:s23], $0x1  }
0xa3: {  	[sflag:s23] =	ssyncset.done $0x0  }
0xa4: {  	s25 =	simm.s32 $0x1B8E;
	s24 =	sld [smem:$0x3FFE];
	[sflag:s23] =	ssyncadd.s32 $0xFFFFFFFF  }
0xa5: {  	s26 =	simm.s32 $execute0_lowered;
	[smem:$0x3FD2] =	sst s25  }
0xa6: {  	s4 =	sshll.u32 s26, $0x1;
	_ =	strace $0x80000049;
	[dreg:$0x1] =	wrdreg $0xFFFFFFFF  }
0xa7: {  	s28 =	simm.s32 $_size_execute0_lowered;
	s2 =	sadd.s32 s2, s4;
	[dreg:$0x0] =	wrdreg $0x0  }
0xa8: {  	s4 =	sshll.u32 s28, $0x1;
	[dreg:$0x2] =	wrdreg s2  }
0xa9: {  	[dreg:$0x3] =	wrdreg s4  }
0xaa: {  	[dreg:$0x4] =	wrdreg $0xC0  }
0xab: {  	_ =	task [dreg:s6], $0x5FFFF  }
0xac: {  	[dreg:$0x1] =	wrdreg $0xFFFFFFFF  }
0xad: {  	[dreg:$0x0] =	wrdreg $0x60  }
0xae: {  	[dreg:$0x2] =	wrdreg s24  }
0xaf: {  	[dreg:$0x3] =	wrdreg $0x0  }
0xb0: {  	[dreg:$0x4] =	wrdreg $0x9  }
0xb1: {  	_ =	task.clear_ibuf [dreg:s6], $0x5FFFF;
	_ =	strace $0x90000049  }
0xb2: {  	s29 =	simm.s32 $0x9;
	_ =	strace $0x8000004B  }
0xb3: {  	_ =	swait.ge [sflag:s29], $0x1  }
0xb4: {  	[sflag:s29] =	ssyncadd.s32 $0xFFFFFFFF  }
0xb5: {  	_ =	strace $0x9000004B  }
0xb6: {  	_ =	sfence  }
0xb7: {  	s30 =	sld [smem:$0x0];
	_ =	sdelay $0x2  }
0xb8: {  	s31 =	sshll.u32 s1, $0xD;
	s1 =	sshrl.u32 s1, $0x2  }
0xb9: {  	s3 =	sand.u32 $0x4000, s31;
	s1 =	sadd.s32 s1, s30  }
0xba: {  	s0 =	sor.u32 s3, s0;
	s1 =	sshll.u32 s1, $0x11  }
0xbb: {  	s0 =	sor.u32 s1, s0  }
0xbc: {  	s0 =	sadd.s32 $0x8F2B, s0  }
0xbd: {  	[sflag:s0] =	ssyncadd.remote.s32 $0x1  }
0xbe: {  	_ =	sfence.sel $0xFFFF  }
0xbf: {  	[dreg:$0x0] =	wrdreg $0xFFFFFFFF;
	(pc) =	sbr.abs _section_cstart, $3  }
0xc0: {  	[dreg:$0x1] =	wrdreg $0xFFFFFFFF  }
0xc1: {  	_ =	task.clear_ibuf [dreg:s6], $0x2FFFF;
	_ =	strace $0x9FFFFFFF  }
0xc2: {  	(tm) =	ssettm $0x7FFFFFFF  }
0xc3: {  	_ =	shalt  }
tec
execute0_lowered:
.L_overlay_start_1:
0x0: {  	(tag) =	ssettag $0x1  }
0x1: {  	s5 =	rddreg [dreg:$0x0]  }
0x2: {  	s0 =	srdreg.scid;
	s2 =	rddreg [dreg:$0x1]  }
0x3: {  	s3 =	simm.s32 $0x0;
	s14 =	simm.s32 $0x6710;
	s4 =	sand.u32 $0x1, s0  }
0x4: {  	s15 =	simm.s32 $0x8E90;
	s0 =	stileid.u32;
	s8 =	smul.u32 $0x138800, s4  }
0x5: {  	[smem:$0x7FF] =	sst s3;
	s1 =	sshll.u32 s4, $0x4;
	s9 =	smul.u32 $0x13800, s0  }
0x6: {  	s4 =	ssub.s32 $0x2, s4;
	s30 =	smul.u32 $0x4E000, s0;
	p0 =	seq.s32 s0, $0xF  }
0x7: {  	s6 =	sor.u32 s0, s1;
	s1 =	rddreg [dreg:$0x2];
	_ =	strace $0x8000004A  }
0x8: {  	s29 =	sshrl.u32 s4, $0x1;
	s7 =	smul.u32 $0x4E2, s6;
	s6 =	sshll.u32 s6, $0xB  }
0x9: {  	s28 =	sadd.s32 s9, s8;
	s13 =	ssub.s32 s4, s29;
	s4 =	simm.s32 $0x50  }
0xa: {  	s31 =	sshrl.u32 s30, $0x2;
	s11 =	sadd.s32 s6, s5;
	s4 =	simm.s32 @!p0 $0x4E  }
0xb: {  	s6 =	sadd.s32 s31, s2;
	s10 =	sadd.s32 s7, s5;
	s7 =	sshrl.u32 s28, $0x3  }
0xc: {  	s9 =	smax.u32 s13, $0x1;
	s13 =	simm.s32 $0x2710;
	s12 =	sadd.s32 s7, s5  }
0xd: {  	s5 =	simm.s32 $0x50;
	s7 =	sadd.s32 $0xCC400, s11;
	s8 =	sadd.s32 $0x74400, s10  }
0xe: {  	v0 =	vimm.f32 $0.0e+00;
	v1 =	vlaneseq.u32;
	s11 =	simm.s32 $0xB690;
	s10 =	sadd.s32 $0x26000, s12;
	s12 =	simm.s32 $0x1  }
.LBB2_1:
0xf: {  	[tilespmem:$0xB690] =	vst v0  }
0x10: {  	[tilespmem:$0xB710] =	vst v0  }
0x11: {  	[tilespmem:$0xB790] =	vst v0  }
0x12: {  	[tilespmem:$0xB810] =	vst v0  }
0x13: {  	[tilespmem:$0xB890] =	vst v0  }
0x14: {  	[tilespmem:$0xB910] =	vst v0;
	p0 =	sne.s32 s4, $0x1  }
.Ltmp0:
0x15: {  	[tilespmem:$0xB990] =	vst v0;
	(pc) =	sbr.rel @!p0 .LBB2_3-.Ltmp0, $4  }
0x16: {  	[tilespmem:$0xBA10] =	vst v0  }
0x17: {  	[spmem:s6] =	stream.linear.scatter [tilespmem:s11], [sflag:$0x1], $0x400, $0x38;
	[tilespmem:$0xBA90] =	vst v63  }
0x18: {  	_ =	swait.ge [sflag:s12], $0x400  }
0x19: {  	s16 =	sadd.s32 $0xFFFFFFFF, s4;
	s17 =	smov.u32 s6;
	[sflag:s12] =	ssyncset.done $0x0  }
.LBB2_2:
0x1a: {  	p1 =	sne.s32 s16, $0x1;
	[sflag:s12] =	ssyncadd.s32 $0xFFFFFC00;
	s17 =	sadd.s32 $0x400, s17  }
.Ltmp1:
0x1b: {  	s16 =	sadd.s32 $0xFFFFFFFF, s16;
	(pc) =	sbr.rel @p1 .LBB2_2-.Ltmp1, $4  }
0x1c: {  	_ = 	snop  }
0x1d: {  	[spmem:s17] =	stream.linear.scatter [tilespmem:s11], [sflag:$0x1], $0x400, $0x38;
	[tilespmem:$0xBA90] =	vst v63  }
0x1e: {  	_ =	swait.ge [sflag:s12], $0x400  }
0x1f: {  	[sflag:s12] =	ssyncset.done $0x0  }
.LBB2_3:
0x20: {  	[sflag:s12] =	ssyncadd.s32 $0xFFFFFC00  }
0x21: {  	s16 =	simm.s32 $0x0;
	[bflag:$0x0] =	sbarrier.arrive $0xFFFF  }
0x22: {  	[tilespmem:s13], [sflag:$0x1] =	stream.linear.gather [hbm4b:s7+s16], $0x3E80, $0x38;
	[tilespmem:$0xBA90] =	vst v63  }
0x23: {  	_ =	swait.ge [sflag:s12], $0x3E80  }
0x24: {  	[sflag:s12] =	ssyncset.done $0x0  }
0x25: {  	[sflag:s12] =	ssyncadd.s32 $0xFFFFC180  }
0x26: {  	[tilespmem:s14], [sflag:$0x1] =	stream.linear.gather [hbm4b:s8+s16], $0x2710, $0x38;
	[tilespmem:$0xBA90] =	vst v63  }
0x27: {  	_ =	swait.ge [sflag:s12], $0x2710  }
0x28: {  	[sflag:s12] =	ssyncset.done $0x0  }
0x29: {  	[sflag:s12] =	ssyncadd.s32 $0xFFFFD8F0  }
.LBB2_4:
0x2a: {  	s17 =	smul.u32 $0x140, s16;
	_ =	sdelay $0x1  }
0x2b: {  	s17 =	sshra.s32 s17, $0x2  }
0x2c: {  	s18 =	sadd.s32 $0x6710, s17  }
0x2d: {  	s17 =	simm.s32 $0x8E90;
	v2 =	vmov s18;
	s18 =	simm.s32 $0x0  }
.LBB2_5:
0x2e: {  	_ =	sdelay $0x2  }
0x2f: {  	s19 =	sshll.u32 s18, $0x4  }
0x30: {  	v3 =	vld.idx.msk [tilespmem:v2+s19+$0x0 ss:$0x1], $0xffff;
	_ =	sdelay $0x2  }
0x31: {  	s31 =	simm.s32 $0x0  }
0x32: {  	v4 =	vmov s31  }
0x33: {  	v5 =	vperm.xlane v3, v4  }
0x34: {  	vm0 =	veq.s32 v4, v1  }
0x35: {  	v4 =	vnsel vm0, $0x0, v5  }
0x36: {  	s20 =	smov.u32 s17;
	s19 =	simm.s32 $0x1;
	[tilespmem:s17+$0x0] =	vst v4  }
.LBB2_6:
0x37: {  	p1 =	sne.s32 s19, $0xF  }
.Ltmp2:
0x38: {  	v4 =	vmov s19;
	s19 =	sadd.s32 $0x1, s19;
	(pc) =	sbr.rel @p1 .LBB2_6-.Ltmp2, $4  }
0x39: {  	v5 =	vperm.xlane v3, v4  }
0x3a: {  	vm0 =	veq.s32 v4, v1  }
0x3b: {  	s20 =	sadd.s32 $0x80, s20;
	v4 =	vnsel vm0, $0x0, v5  }
0x3c: {  	[tilespmem:s20+$0x0] =	vst v4  }
0x3d: {  	s18 =	sadd.s32 $0x1, s18  }
0x3e: {  	p1 =	sne.s32 s18, $0x5  }
.Ltmp3:
0x3f: {  	_ = 	snop;
	(pc) =	sbr.rel @p1 .LBB2_5-.Ltmp3, $2  }
0x40: {  	_ =	sdelay $0x2  }
0x41: {  	s17 =	sadd.s32 $0x800, s17  }
0x42: {  	s17 =	sshll.u32 s16, $0x7;
	s16 =	sadd.s32 $0x1, s16  }
0x43: {  	s17 =	sand.u32 $0x3FFFFF80, s17;
	p1 =	sne.s32 s16, $0x7D  }
.Ltmp4:
0x44: {  	s17 =	sadd.s32 $0x2710, s17;
	(pc) =	sbr.rel @p1 .LBB2_4-.Ltmp4, $4  }
0x45: {  	[spmem:s2] =	stream.indirect.scatter.add.f32 [tilespmem:s15], [sflag:$0x1], $0x10, s17, s5, $0xb8;
	[tilespmem:$0xBA90] =	vst v63  }
0x46: {  	_ =	swait.ge [sflag:s12], $0x500  }
0x47: {  	[sflag:s12] =	ssyncset.done $0x0  }
0x48: {  	[sflag:s12] =	ssyncadd.s32 $0xFFFFFB00  }
.Ltmp5:
0x49: {  	(pc) =	sbr.rel @!p0 .LBB2_11-.Ltmp5, $4  }
0x4a: {  	s16 =	sshll.u32 s0, $0x6;
	[bflag:$0x0] =	sbarrier.arrive $0xFFFF  }
0x4b: {  	s17 =	sshrl.u32 s6, $0x3;
	s18 =	sadd.s32 $0x80, s10;
	s16 =	sor.u32 $0x1C01, s16  }
0x4c: {  	[hbm:s10], [sflag:s16] =	dma.local [spmem:s17], $0x80  }
0x4d: {  	s19 =	smov.u32 s6;
	s17 =	sadd.s32 $0xFFFFFFFF, s4;
	_ =	swait.ge [sflag:s12], $0x80  }
.LBB2_10:
0x4e: {  	[sflag:s12] =	ssyncset.done $0x0;
	s19 =	sadd.s32 $0x400, s19;
	p0 =	sne.s32 s17, $0x1  }
.Ltmp6:
0x4f: {  	s20 =	sshrl.u32 s19, $0x3;
	[sflag:s12] =	ssyncadd.s32 $0xFFFFFF80;
	(pc) =	sbr.rel @p0 .LBB2_10-.Ltmp6, $3  }
0x50: {  	[hbm:s18], [sflag:s16] =	dma.local [spmem:s20], $0x80  }
0x51: {  	s17 =	sadd.s32 $0xFFFFFFFF, s17;
	_ =	sdelay $0x1  }
0x52: {  	s18 =	sadd.s32 $0x80, s18;
	_ =	swait.ge [sflag:s12], $0x80  }
.LBB2_11:
0x53: {  	s3 =	sadd.s32 $0x1, s3  }
0x54: {  	p0 =	sne.s32 s3, s9  }
.Ltmp7:
0x55: {  	_ = 	snop;
	(pc) =	sbr.rel @p0 .LBB2_1-.Ltmp7, $3  }
0x56: {  	_ =	sdelay $0x1  }
0x57: {  	[sflag:s12] =	ssyncset.done $0x0  }
0x58: {  	[sflag:s12] =	ssyncadd.s32 $0xFFFFFF80  }
0x59: {  	_ =	sfence.sel $0x180000  }
0x5a: {  	[bflag:$0x0] =	sbarrier.arrive $0xFFFF  }
0x5b: {  	p0 =	sne.s32 s0, $0x0;
	_ =	strace $0x9000004A  }
0x5c: {  	s0 =	sadd.s32 @!p0 $0x100000, s1;
	[bflag:$0x2] =	sbarrier.arrive $0xFFFF  }
0x5d: {  	[sflag:s0] =	ssyncadd.tile.s32 @!p0 $0x1;
	_ =	shalt  }
.Lfunc_end2:
_tile_overlayer_lowered:
.L_overlay_start_2:
0x5e: {  	(tag) =	ssettag $0x2  }
0x5f: {  	s0 =	rddreg [dreg:$0x0];
	s2 =	stileid.u32  }
0x60: {  	s1 =	rddreg [dreg:$0x1];
	p0 =	sne.s32 s2, $0x0  }
0x61: {  	s3 =	rddreg [dreg:$0x2];
	[bflag:$0x3] =	sbarrier.arrive $0xFFFF;
	s2 =	simm.s32 @!p0 $0x1C01  }
0x62: {  	[timem:s3], [sflag:s2] =	dma.local @!p0 [hbm:s0], s1  }
0x63: {  	s0 =	simm.s32 @!p0 $0x1  }
0x64: {  	_ =	swait.ge @!p0 [sflag:s0], s1  }
0x65: {  	s1 =	ssub.s32 @!p0 $0x0, s1;
	[sflag:s0] =	ssyncset.done @!p0 $0x0  }
0x66: {  	[sflag:s0] =	ssyncadd.s32 @!p0 s1  }
0x67: {  	[bflag:$0x3] =	sbarrier.arrive $0xFFFF  }
0x68: {  	_ =	shalt  }

// kernel: kernel.18.cloned.1.call-start
scs
__scs_entry_jumppad:
0x0: {  	(pc) =	sbr.rel $0x88, $3  }
0x1: {  	(tag) =	ssettag $0x0;
	lr =	simm.s32 $0x1  }
0x2: {  	[smem:$0x3F94] =	sst lr;
	_ =	strace $0xD0000000  }
0x3: {  	_ = 	snop  }
0x4: {  	_ = 	snop  }
0x5: {  	_ = 	snop  }
0x6: {  	_ = 	snop  }
0x7: {  	_ = 	snop  }
__scs_overlays_trampoline_lowered:
0x8: {  	[smem:$0x3FA3] =	sst s0  }
0x9: {  	[smem:$0x3FA4] =	sst s1  }
0xa: {  	[smem:$0x3FA5] =	sst s2  }
0xb: {  	[smem:$0x3FA6] =	sst s3  }
0xc: {  	[smem:$0x3FA7] =	sst s4  }
0xd: {  	[smem:$0x3FA8] =	sst s5  }
0xe: {  	[smem:$0x3FA9] =	sst s6  }
0xf: {  	[smem:$0x3FAA] =	sst s7  }
0x10: {  	[smem:$0x3FAB] =	sst s8  }
0x11: {  	[smem:$0x3FAC] =	sst s9;
	s0 =	simm.s32 @!p0 $0x0  }
0x12: {  	s1 =	sld [smem:$0x3F92];
	s0 =	simm.s32 @p0 $0x1  }
0x13: {  	[smem:$0x3FAD] =	sst s0;
	s0 =	simm.s32 @!p1 $0x0  }
0x14: {  	s2 =	sld [smem:$0x3F91];
	s0 =	simm.s32 @p1 $0x1  }
0x15: {  	[smem:$0x3FAE] =	sst s0;
	s0 =	simm.s32 @!p2 $0x0  }
0x16: {  	s3 =	sld [smem:$0x3FDB];
	s0 =	simm.s32 @p2 $0x1  }
0x17: {  	s4 =	simm.s32 $0x1BF5;
	[smem:$0x3FB0] =	sst s0  }
0x18: {  	s0 =	sld [smem:$0x3F93];
	_ =	swait.ge [sflag:s4], $0x0  }
0x19: {  	s7 =	sld [smem:$0x3F94]  }
0x1a: {  	s8 =	sadd.s32 $0xFFFFE003, lr  }
0x1b: {  	s9 =	sadd.s32 $0xFFFFFEF7, lr;
	s5 =	simm.s32 $0xFFFFFFFF;
	p2 =	slt.u32 s8, $0xFFFFF086  }
0x1c: {  	p1 =	slt.u32 s9, $0xF7A;
	s5 =	simm.s32 @!p2 $0x0  }
0x1d: {  	s5 =	simm.s32 @p1 $0x1;
	p0 =	seq.s32 s7, s2  }
0x1e: {  	s7 =	smul.u32 @!p0 $0xF7A, s2;
	p2 =	seq.s32 @!p0 s5, $0x0  }
0x1f: {  	s9 =	smul.u32 $0xF7A, s1;
	s8 =	simm.s32 @!p0 $0x1BF5;
	p2 =	por !p2, p0  }
0x20: {  	[sflag:s8] =	ssyncset.s32 @!p0 $0xFFFFF086;
	s6 =	sadd.s32 @!p0 s3, s7;
	s7 =	simm.s32 @!p0 $0x108  }
0x21: {  	s3 =	sadd.s32 s3, s9;
	s6 =	sadd.s32 @!p0 $0x88, s6;
	s7 =	simm.s32 @p2 $0x1082  }
0x22: {  	[simem:s7], [sflag:s8] =	dma.local @!p0 [hbm:s6], $0xF7A  }
0x23: {  	s9 =	sor.u32 $0xD0000000, s2;
	s6 =	simm.s32 $0x108;
	_ =	swait.ge @!p0 [sflag:s8], $0x0  }
0x24: {  	s3 =	sadd.s32 $0x88, s3;
	s6 =	simm.s32 @!p1 $0x1082;
	[sflag:s4] =	ssyncset.s32 $0xFFFFF086  }
0x25: {  	[simem:s6], [sflag:s4] =	dma.local [hbm:s3], $0xF7A  }
0x26: {  	[smem:$0x3F94] =	sst s1;
	(tag) =	ssettag s2;
	_ =	strace s9  }
0x27: {  	s1 =	sld [smem:$0x3FA4]  }
0x28: {  	s2 =	sld [smem:$0x3FA5]  }
0x29: {  	s4 =	sld [smem:$0x3FA7]  }
0x2a: {  	p0 =	seq.s32 s5, $0x0;
	s5 =	sld [smem:$0x3FA8]  }
0x2b: {  	s6 =	sld [smem:$0x3FA9]  }
0x2c: {  	s7 =	sld [smem:$0x3FAA]  }
0x2d: {  	s3 =	simm.s32 $0x108;
	s8 =	sld [smem:$0x3FAB]  }
0x2e: {  	s3 =	simm.s32 @!p0 $0x1082;
	s9 =	sld [smem:$0x3FAC]  }
0x2f: {  	lr =	sadd.s32 s0, s3;
	s0 =	sld [smem:$0x3FA3]  }
0x30: {  	s3 =	sld [smem:$0x3FA6]  }
0x31: {  	[smem:$0x3FAF] =	sst s10  }
0x32: {  	s10 =	sld [smem:$0x3FAD];
	_ =	sdelay $0x3  }
0x33: {  	p0 =	seq.s32 s10, $0x1;
	s10 =	sld [smem:$0x3FAF];
	_ =	sdelay $0x3  }
0x34: {  	[smem:$0x3FAF] =	sst s10  }
0x35: {  	s10 =	sld [smem:$0x3FAE];
	_ =	sdelay $0x3  }
0x36: {  	p1 =	seq.s32 s10, $0x1;
	s10 =	sld [smem:$0x3FAF];
	_ =	sdelay $0x3  }
0x37: {  	[smem:$0x3FAF] =	sst s10  }
0x38: {  	s10 =	sld [smem:$0x3FB0]  }
0x39: {  	_ = 	snop;
	(pc) =	sbr.ind lr, $3  }
0x3a: {  	_ = 	snop  }
0x3b: {  	_ = 	snop  }
0x3c: {  	p2 =	seq.s32 s10, $0x1;
	s10 =	sld [smem:$0x3FAF]  }
0x3d: {  	_ =	shalt  }
0x3e: {  	_ =	shalt  }
0x3f: {  	_ =	shalt  }
0x40: {  	_ =	shalt  }
0x41: {  	_ =	shalt  }
0x42: {  	_ =	shalt  }
0x43: {  	_ =	shalt  }
0x44: {  	_ =	shalt  }
0x45: {  	_ =	shalt  }
0x46: {  	_ =	shalt  }
0x47: {  	_ =	shalt  }
0x48: {  	_ =	shalt  }
0x49: {  	_ =	shalt  }
0x4a: {  	_ =	shalt  }
0x4b: {  	_ =	shalt  }
0x4c: {  	_ =	shalt  }
0x4d: {  	_ =	shalt  }
0x4e: {  	_ =	shalt  }
0x4f: {  	_ =	shalt  }
0x50: {  	_ =	shalt  }
0x51: {  	_ =	shalt  }
0x52: {  	_ =	shalt  }
0x53: {  	_ =	shalt  }
0x54: {  	_ =	shalt  }
0x55: {  	_ =	shalt  }
0x56: {  	_ =	shalt  }
0x57: {  	_ =	shalt  }
0x58: {  	_ =	shalt  }
0x59: {  	_ =	shalt  }
0x5a: {  	_ =	shalt  }
0x5b: {  	_ =	shalt  }
0x5c: {  	_ =	shalt  }
0x5d: {  	_ =	shalt  }
0x5e: {  	_ =	shalt  }
0x5f: {  	_ =	shalt  }
0x60: {  	_ =	shalt  }
0x61: {  	_ =	shalt  }
0x62: {  	_ =	shalt  }
0x63: {  	_ =	shalt  }
0x64: {  	_ =	shalt  }
0x65: {  	_ =	shalt  }
0x66: {  	_ =	shalt  }
0x67: {  	_ =	shalt  }
0x68: {  	_ =	shalt  }
0x69: {  	_ =	shalt  }
0x6a: {  	_ =	shalt  }
0x6b: {  	_ =	shalt  }
0x6c: {  	_ =	shalt  }
0x6d: {  	_ =	shalt  }
0x6e: {  	_ =	shalt  }
0x6f: {  	_ =	shalt  }
0x70: {  	_ =	shalt  }
0x71: {  	_ =	shalt  }
0x72: {  	_ =	shalt  }
0x73: {  	_ =	shalt  }
0x74: {  	_ =	shalt  }
0x75: {  	_ =	shalt  }
0x76: {  	_ =	shalt  }
0x77: {  	_ =	shalt  }
0x78: {  	_ =	shalt  }
0x79: {  	_ =	shalt  }
0x7a: {  	_ =	shalt  }
0x7b: {  	_ =	shalt  }
0x7c: {  	_ =	shalt  }
0x7d: {  	_ =	shalt  }
0x7e: {  	_ =	shalt  }
0x7f: {  	_ =	shalt  }
0x80: {  	_ =	shalt  }
0x81: {  	_ =	shalt  }
0x82: {  	_ =	shalt  }
0x83: {  	_ =	shalt  }
0x84: {  	_ =	shalt  }
0x85: {  	_ =	shalt  }
0x86: {  	_ =	shalt  }
0x87: {  	_ =	shalt  }
.Lfunc_end0:
.L_simem_size_0:
called_computation.2_lowered:
.L_overlay_start_0:
0x88: {  	s2 =	sld [smem:$0x3FD9]  }
0x89: {  	s3 =	sld [smem:$0x3FFE];
	_ =	sdelay $0x1  }
0x8a: {  	s1 =	srdreg.scid  }
0x8b: {  	s0 =	sand.u32 $0x1, s1  }
0x8c: {  	s17 =	sshll.u32 s0, $0xA;
	s2 =	sadd.s32 s3, s2  }
0x8d: {  	s2 =	sadd.s32 s2, s17  }
0x8e: {  	[smem:$0x3FBB] =	sst s2  }
0x8f: {  	_ = 	snop  }
0x90: {  	s2 =	sld [smem:$0x3FC0];
	(tm) =	ssettm $0x1  }
0x91: {  	s18 =	sld [smem:$0x3FFB];
	_ =	sdelay $0x3  }
0x92: {  	_ =	strace s18  }
0x93: {  	s3 =	sld [smem:$0x3FFC];
	_ =	sdelay $0x3  }
0x94: {  	_ =	strace s3  }
0x95: {  	s3 =	sld [smem:$0x3FFD];
	_ =	sdelay $0x3  }
0x96: {  	_ =	strace s3  }
0x97: {  	_ =	strace $0x8FFFFFFF  }
0x98: {  	s19 =	sld [smem:$0x3FDB];
	_ =	sdelay $0x1  }
0x99: {  	s4 =	simm.s32 $_scs_section_size  }
0x9a: {  	s5 =	simm.s32 $_size__tile_overlayer_lowered;
	s6 =	simm.s32 $_tile_overlayer_lowered  }
0x9b: {  	s22 =	simm.s32 $0x1BFF;
	s21 =	sshll.u32 s6, $0x1;
	s3 =	sadd.s32 s4, s19  }
0x9c: {  	s7 =	simm.s32 $0x0;
	s20 =	sshll.u32 s5, $0x1;
	s5 =	sadd.s32 s21, s3  }
0x9d: {  	[timem:s7], [sflag:s22] =	dma.local [hbm:s5], s20  }
0x9e: {  	_ =	swait.ge [sflag:s22], s20  }
0x9f: {  	s4 =	ssub.s32 $0x0, s20;
	[sflag:s22] =	ssyncset.done $0x0  }
0xa0: {  	[sflag:s22] =	ssyncadd.s32 s4;
	_ =	sdelay $0x1  }
0xa1: {  	s23 =	simm.s32 $0x1B8B  }
0xa2: {  	_ =	swait.ge [sflag:s23], $0x1  }
0xa3: {  	[sflag:s23] =	ssyncset.done $0x0  }
0xa4: {  	s25 =	simm.s32 $0x1B8E;
	s24 =	sld [smem:$0x3FFE];
	[sflag:s23] =	ssyncadd.s32 $0xFFFFFFFF  }
0xa5: {  	s26 =	simm.s32 $execute0_lowered;
	[smem:$0x3FD2] =	sst s25  }
0xa6: {  	s5 =	sshll.u32 s26, $0x1;
	_ =	strace $0x8000004C;
	[dreg:$0x1] =	wrdreg $0xFFFFFFFF  }
0xa7: {  	s28 =	simm.s32 $_size_execute0_lowered;
	s3 =	sadd.s32 s3, s5;
	[dreg:$0x0] =	wrdreg $0x0  }
0xa8: {  	s5 =	sshll.u32 s28, $0x1;
	[dreg:$0x2] =	wrdreg s3  }
0xa9: {  	[dreg:$0x3] =	wrdreg s5  }
0xaa: {  	[dreg:$0x4] =	wrdreg $0xC0  }
0xab: {  	_ =	task [dreg:s7], $0x5FFFF  }
0xac: {  	[dreg:$0x1] =	wrdreg $0xFFFFFFFF  }
0xad: {  	[dreg:$0x0] =	wrdreg $0x60  }
0xae: {  	[dreg:$0x2] =	wrdreg s24  }
0xaf: {  	[dreg:$0x3] =	wrdreg s2  }
0xb0: {  	[dreg:$0x4] =	wrdreg $0x0  }
0xb1: {  	[dreg:$0x5] =	wrdreg $0x9  }
0xb2: {  	_ =	task.clear_ibuf [dreg:s7], $0x6FFFF;
	_ =	strace $0x9000004C  }
0xb3: {  	s29 =	simm.s32 $0x9;
	_ =	strace $0x8000004E  }
0xb4: {  	_ =	swait.ge [sflag:s29], $0x1  }
0xb5: {  	[sflag:s29] =	ssyncadd.s32 $0xFFFFFFFF  }
0xb6: {  	_ =	strace $0x9000004E  }
0xb7: {  	_ =	sfence  }
0xb8: {  	s30 =	sld [smem:$0x0];
	_ =	sdelay $0x2  }
0xb9: {  	s31 =	sshll.u32 s1, $0xD;
	s1 =	sshrl.u32 s1, $0x2  }
0xba: {  	s3 =	sand.u32 $0x4000, s31;
	s1 =	sadd.s32 s1, s30  }
0xbb: {  	s0 =	sor.u32 s3, s0;
	s1 =	sshll.u32 s1, $0x11  }
0xbc: {  	s0 =	sor.u32 s1, s0  }
0xbd: {  	s0 =	sadd.s32 $0x8F2B, s0  }
0xbe: {  	[sflag:s0] =	ssyncadd.remote.s32 $0x1  }
0xbf: {  	_ =	sfence.sel $0xFFFF  }
0xc0: {  	[dreg:$0x0] =	wrdreg $0xFFFFFFFF;
	(pc) =	sbr.abs _section_cstart, $3  }
0xc1: {  	[dreg:$0x1] =	wrdreg $0xFFFFFFFF  }
0xc2: {  	_ =	task.clear_ibuf [dreg:s7], $0x2FFFF;
	_ =	strace $0x9FFFFFFF  }
0xc3: {  	(tm) =	ssettm $0x7FFFFFFF  }
tec
execute0_lowered:
.L_overlay_start_1:
0x0: {  	(tag) =	ssettag $0x1  }
0x1: {  	s0 =	rddreg [dreg:$0x0];
	s1 =	srdreg.scid  }
0x2: {  	s3 =	rddreg [dreg:$0x2];
	s10 =	stileid.u32  }
0x3: {  	s4 =	simm.s32 $0x0;
	v0 =	vimm.s32 $0xEFCDAB89;
	s16 =	simm.s32 $0x18A80;
	s17 =	simm.s32 $0x1  }
0x4: {  	v1 =	vimm.s32 $0x67452301;
	s19 =	simm.s32 $0x13880;
	s20 =	simm.s32 $0x13980;
	s21 =	simm.s32 $0x13900  }
0x5: {  	v2 =	vimm.s32 $0xDCFE98BA;
	v3 =	vimm.s32 $0xBA98FEDC;
	s22 =	simm.s32 $0x16180;
	s23 =	simm.s32 $0x18980;
	s24 =	simm.s32 $0x0  }
0x6: {  	v4 =	vimm.s32 $0xFEDCBA98;
	s25 =	simm.s32 $0x0;
	s1 =	sand.u32 $0x1, s1;
	s6 =	smul.u32 $0x13800, s10;
	v0 =	vunpack.c.l.s4.s8 v0;
	v1 =	vunpack.c.l.s4.s8 v1  }
0x7: {  	v5 =	vimm.s32 $0x32107654;
	[smem:$0x7FF] =	sst s4;
	s5 =	sadd.s32 $0x26000, s0;
	s7 =	sadd.s32 $0x6C00, s0  }
0x8: {  	v6 =	vimm.s32 $0x76543210;
	s8 =	sadd.s32 $0x74400, s0;
	s11 =	smul.u32 $0x4E000, s10;
	p0 =	seq.s32 s10, $0xF;
	v0 =	vunpack.c.0.s8.s32 v0;
	v1 =	vunpack.c.0.s8.s32 v1  }
0x9: {  	v4 =	vunpack.c.l.s4.s8 v4;
	v3 =	vunpack.c.l.s4.s8 v3;
	v5 =	vunpack.c.l.s4.s8 v5;
	s2 =	smul.u32 $0x138800, s1;
	s31 =	ssub.s32 $0x2, s1;
	s1 =	sshll.u32 s1, $0x4  }
0xa: {  	_ =	strace $0x8000004D;
	s9 =	sshrl.u32 s31, $0x1;
	s1 =	sor.u32 s10, s1;
	v0 =	vcombine.low v1, v0;
	v1 =	vunpack.c.l.s4.s8 v2;
	v2 =	vimm.s32 $0x54761032  }
0xb: {  	v6 =	vunpack.c.l.s4.s8 v6;
	s10 =	simm.s32 $0x50;
	s11 =	sshrl.u32 s11, $0x2;
	s2 =	sadd.s32 s6, s2;
	v2 =	vunpack.c.l.s4.s8 v2  }
0xc: {  	v4 =	vunpack.c.0.s8.s32 v4;
	v3 =	vunpack.c.0.s8.s32 v3;
	v5 =	vunpack.c.0.s8.s32 v5;
	s6 =	sadd.s32 $0x4D200, s0;
	s10 =	simm.s32 @!p0 $0x4E;
	s2 =	sshrl.u32 s2, $0x3  }
0xd: {  	v6 =	vunpack.c.0.s8.s32 v6;
	s12 =	smul.u32 $0x2710, s1;
	s2 =	sadd.s32 s2, s0;
	s0 =	ssub.s32 s31, s9;
	v1 =	vunpack.c.0.s8.s32 v1;
	v2 =	vunpack.c.0.s8.s32 v2  }
0xe: {  	s11 =	sadd.s32 s11, s3;
	s13 =	smul.u32 $0x7D00, s1;
	v7 =	vand.u32 $0xF, v4;
	v3 =	vcombine.low v5, v3;
	v4 =	vlaneseq.u32;
	s0 =	smax.u32 s0, $0x1  }
0xf: {  	s9 =	simm.s32 $0x50;
	v5 =	vcombine.low v7, v6;
	s15 =	sadd.s32 $0x7E200, s2;
	[dreg:$0x4] =	wrdreg s0;
	v1 =	vcombine.low v2, v1;
	v2 =	vimm.f32 $0.0e+00  }
.LBB2_1:
0x10: {  	[tilespmem:$0x18A80] =	vst v2  }
0x11: {  	[tilespmem:$0x18A90] =	vst v2  }
0x12: {  	[tilespmem:$0x18AA0] =	vst v2  }
0x13: {  	[tilespmem:$0x18AB0] =	vst v2  }
0x14: {  	[tilespmem:$0x18AC0] =	vst v2  }
0x15: {  	[tilespmem:$0x18AD0] =	vst v2  }
0x16: {  	[tilespmem:$0x18AE0] =	vst v2  }
0x17: {  	[tilespmem:$0x18AF0] =	vst v2  }
0x18: {  	[tilespmem:$0x18B00] =	vst v2  }
0x19: {  	[tilespmem:$0x18B10] =	vst v2  }
0x1a: {  	[tilespmem:$0x18B20] =	vst v2  }
0x1b: {  	[tilespmem:$0x18B30] =	vst v2  }
0x1c: {  	[tilespmem:$0x18B40] =	vst v2  }
0x1d: {  	[tilespmem:$0x18B50] =	vst v2  }
0x1e: {  	[tilespmem:$0x18B60] =	vst v2  }
0x1f: {  	[tilespmem:$0x18B70] =	vst v2  }
0x20: {  	[tilespmem:$0x18B80] =	vst v2  }
0x21: {  	[tilespmem:$0x18B90] =	vst v2  }
0x22: {  	[tilespmem:$0x18BA0] =	vst v2  }
0x23: {  	[tilespmem:$0x18BB0] =	vst v2  }
0x24: {  	[tilespmem:$0x18BC0] =	vst v2  }
0x25: {  	[tilespmem:$0x18BD0] =	vst v2  }
0x26: {  	[tilespmem:$0x18BE0] =	vst v2  }
0x27: {  	[tilespmem:$0x18BF0] =	vst v2  }
0x28: {  	[tilespmem:$0x18C00] =	vst v2  }
0x29: {  	[tilespmem:$0x18C10] =	vst v2  }
0x2a: {  	[tilespmem:$0x18C20] =	vst v2  }
0x2b: {  	[tilespmem:$0x18C30] =	vst v2  }
0x2c: {  	[tilespmem:$0x18C40] =	vst v2  }
0x2d: {  	[tilespmem:$0x18C50] =	vst v2  }
0x2e: {  	[tilespmem:$0x18C60] =	vst v2  }
0x2f: {  	[tilespmem:$0x18C70] =	vst v2  }
0x30: {  	[tilespmem:$0x18C80] =	vst v2  }
0x31: {  	[tilespmem:$0x18C90] =	vst v2  }
0x32: {  	[tilespmem:$0x18CA0] =	vst v2  }
0x33: {  	[tilespmem:$0x18CB0] =	vst v2  }
0x34: {  	[tilespmem:$0x18CC0] =	vst v2  }
0x35: {  	[tilespmem:$0x18CD0] =	vst v2  }
0x36: {  	[tilespmem:$0x18CE0] =	vst v2  }
0x37: {  	[tilespmem:$0x18CF0] =	vst v2  }
0x38: {  	[tilespmem:$0x18D00] =	vst v2  }
0x39: {  	[tilespmem:$0x18D10] =	vst v2  }
0x3a: {  	[tilespmem:$0x18D20] =	vst v2  }
0x3b: {  	[tilespmem:$0x18D30] =	vst v2  }
0x3c: {  	[tilespmem:$0x18D40] =	vst v2  }
0x3d: {  	[tilespmem:$0x18D50] =	vst v2  }
0x3e: {  	[tilespmem:$0x18D60] =	vst v2  }
0x3f: {  	[tilespmem:$0x18D70] =	vst v2  }
0x40: {  	[tilespmem:$0x18D80] =	vst v2  }
0x41: {  	[tilespmem:$0x18D90] =	vst v2  }
0x42: {  	[tilespmem:$0x18DA0] =	vst v2  }
0x43: {  	[tilespmem:$0x18DB0] =	vst v2  }
0x44: {  	[tilespmem:$0x18DC0] =	vst v2  }
0x45: {  	[tilespmem:$0x18DD0] =	vst v2  }
0x46: {  	[tilespmem:$0x18DE0] =	vst v2  }
0x47: {  	[tilespmem:$0x18DF0] =	vst v2  }
0x48: {  	[tilespmem:$0x18E00] =	vst v2  }
0x49: {  	[tilespmem:$0x18E10] =	vst v2  }
0x4a: {  	[tilespmem:$0x18E20] =	vst v2  }
0x4b: {  	[tilespmem:$0x18E30] =	vst v2  }
0x4c: {  	[tilespmem:$0x18E40] =	vst v2  }
0x4d: {  	[tilespmem:$0x18E50] =	vst v2;
	p0 =	sne.s32 s10, $0x1  }
.Ltmp0:
0x4e: {  	[tilespmem:$0x18E60] =	vst v2;
	(pc) =	sbr.rel @!p0 .LBB2_3-.Ltmp0, $4  }
0x4f: {  	[tilespmem:$0x18E70] =	vst v2  }
0x50: {  	[spmem:s11] =	stream.linear.scatter [tilespmem:s16], [sflag:$0x1], $0x400, $0x38;
	[tilespmem:$0x18E80] =	vst v63  }
0x51: {  	_ =	swait.ge [sflag:s17], $0x400  }
0x52: {  	s0 =	sadd.s32 $0xFFFFFFFF, s10;
	s1 =	smov.u32 s11;
	[sflag:s17] =	ssyncset.done $0x0  }
.LBB2_2:
0x53: {  	p1 =	sne.s32 s0, $0x1;
	[sflag:s17] =	ssyncadd.s32 $0xFFFFFC00;
	s1 =	sadd.s32 $0x400, s1  }
.Ltmp1:
0x54: {  	s0 =	sadd.s32 $0xFFFFFFFF, s0;
	(pc) =	sbr.rel @p1 .LBB2_2-.Ltmp1, $4  }
0x55: {  	_ = 	snop  }
0x56: {  	[spmem:s1] =	stream.linear.scatter [tilespmem:s16], [sflag:$0x1], $0x400, $0x38;
	[tilespmem:$0x18E80] =	vst v63  }
0x57: {  	_ =	swait.ge [sflag:s17], $0x400  }
0x58: {  	[sflag:s17] =	ssyncset.done $0x0  }
.LBB2_3:
0x59: {  	[sflag:s17] =	ssyncadd.s32 $0xFFFFFC00  }
0x5a: {  	[bflag:$0x0] =	sbarrier.arrive $0xFFFF  }
0x5b: {  	s1 =	simm.s32 $0x18A00;
	s0 =	rddreg [dreg:$0x1]  }
0x5c: {  	[tilespmem:s1], [sflag:$0x1] =	stream.linear.gather [hbm4b:s0+s25], $0x80, $0x38;
	[tilespmem:$0x18E80] =	vst v63  }
0x5d: {  	_ =	swait.ge [sflag:s17], $0x80  }
0x5e: {  	[sflag:s17] =	ssyncset.done $0x0  }
0x5f: {  	[sflag:s17] =	ssyncadd.s32 $0xFFFFFF80  }
0x60: {  	v6 =	vld [tilespmem:$0x18A00]  }
0x61: {  	v7 =	vld [tilespmem:$0x18A10]  }
0x62: {  	v8 =	vld [tilespmem:$0x18A20]  }
0x63: {  	v10 =	vld [tilespmem:$0x18A40]  }
0x64: {  	v9 =	vld [tilespmem:$0x18A30]  }
0x65: {  	v11 =	vld [tilespmem:$0x18A50]  }
0x66: {  	v12 =	vld [tilespmem:$0x18A60]  }
0x67: {  	s26 =	simm.s32 $0x0;
	v13 =	vld [tilespmem:$0x18A70]  }
.LBB2_4:
0x68: {  	s0 =	sshll.u32 s26, $0x8  }
0x69: {  	s0 =	sadd.s32 s13, s0  }
0x6a: {  	s0 =	sshrl.u32 s0, $0x3  }
0x6b: {  	s0 =	sadd.s32 s7, s0  }
0x6c: {  	[tilespmem:s19], [sflag:$0x1] =	stream.linear.gather [hbm4b:s0+s25], $0x100, $0x38;
	[tilespmem:$0x18E80] =	vst v63  }
0x6d: {  	_ =	swait.ge [sflag:s17], $0x100  }
0x6e: {  	[sflag:s17] =	ssyncset.done $0x0  }
0x6f: {  	[sflag:s17] =	ssyncadd.s32 $0xFFFFFF00  }
0x70: {  	[tilespmem:s20], [sflag:$0x1] =	stream.indirect.gather [hbm4b:s5+s9], $0x80, s19, s9, $0xb8;
	[tilespmem:$0x18E80] =	vst v63  }
0x71: {  	_ =	swait.ge [sflag:s17], $0x2800  }
0x72: {  	[sflag:s17] =	ssyncset.done $0x0  }
0x73: {  	[sflag:s17] =	ssyncadd.s32 $0xFFFFD800  }
0x74: {  	[tilespmem:s22], [sflag:$0x1] =	stream.indirect.gather [hbm4b:s6+s9], $0x80, s21, s9, $0xb8;
	[tilespmem:$0x18E80] =	vst v63  }
0x75: {  	_ =	swait.ge [sflag:s17], $0x2800  }
0x76: {  	s28 =	simm.s32 $0x139C0;
	[sflag:s17] =	ssyncset.done $0x0  }
0x77: {  	s29 =	simm.s32 $0x161C0;
	s30 =	simm.s32 $0x0;
	[sflag:s17] =	ssyncadd.s32 $0xFFFFD800  }
.LBB2_5:
0x78: {  	v14 =	vld [tilespmem:s28+$0xFFFFFFC0]  }
0x79: {  	v15 =	vld [tilespmem:s29+$0xFFFFFFC0]  }
0x7a: {  	v16 =	vld [tilespmem:s28+$0xFFFFFFD0]  }
0x7b: {  	v17 =	vld [tilespmem:s29+$0xFFFFFFD0]  }
0x7c: {  	v18 =	vld [tilespmem:s28+$0xFFFFFFE0]  }
0x7d: {  	v19 =	vld [tilespmem:s29+$0xFFFFFFE0]  }
0x7e: {  	v20 =	vld [tilespmem:s28+$0xFFFFFFF0];
	v14 =	vadd.f32 v15, v14  }
0x7f: {  	v15 =	vld [tilespmem:s29+$0xFFFFFFF0]  }
0x80: {  	v22 =	vld [tilespmem:s29+$0x0];
	v16 =	vadd.f32 v17, v16;
	v21 =	vmul.f32 $2.000000030e-01, v14  }
0x81: {  	v17 =	vld [tilespmem:s28+$0x0]  }
0x82: {  	v23 =	vld [tilespmem:s29+$0x10];
	v18 =	vadd.f32 v19, v18;
	v14 =	vmax.f32 v14, v21;
	v21 =	vmul.f32 $2.000000030e-01, v16  }
0x83: {  	v19 =	vld [tilespmem:s28+$0x10];
	v14 =	vmul.f32 v14, v6  }
0x84: {  	v24 =	vld [tilespmem:s29+$0x20];
	v15 =	vadd.f32 v15, v20;
	v16 =	vmax.f32 v16, v21;
	v21 =	vmul.f32 $2.000000030e-01, v18  }
0x85: {  	v20 =	vld [tilespmem:s28+$0x20];
	v14 =	vadd.f32 $0.0e+00, v14;
	v16 =	vmul.f32 v16, v7  }
0x86: {  	v25 =	vld [tilespmem:s29+$0x30];
	v17 =	vadd.f32 v22, v17;
	v18 =	vmax.f32 v18, v21;
	v21 =	vmul.f32 $2.000000030e-01, v15  }
0x87: {  	s0 =	sadd.s32 $0x80, s28;
	v22 =	vld [tilespmem:s28+$0x30];
	v14 =	vadd.f32 v16, v14;
	v16 =	vmul.f32 v18, v8  }
0x88: {  	v18 =	vadd.f32 v23, v19;
	v19 =	vld [tilespmem:s0+$0xFFFFFFD0];
	v15 =	vmax.f32 v15, v21;
	v21 =	vmul.f32 $2.000000030e-01, v17  }
0x89: {  	s1 =	sadd.s32 $0x80, s29;
	v23 =	vld [tilespmem:s0+$0xFFFFFFC0];
	v14 =	vadd.f32 v16, v14;
	v15 =	vmul.f32 v15, v9  }
0x8a: {  	v16 =	vadd.f32 v24, v20;
	v20 =	vld [tilespmem:s1+$0xFFFFFFC0];
	v17 =	vmax.f32 v17, v21;
	v21 =	vmul.f32 $2.000000030e-01, v18  }
0x8b: {  	v24 =	vld [tilespmem:s1+$0xFFFFFFD0];
	v14 =	vadd.f32 v15, v14;
	v15 =	vmul.f32 v17, v10  }
0x8c: {  	v17 =	vadd.f32 v25, v22;
	v22 =	vld [tilespmem:s0+$0xFFFFFFE0];
	v18 =	vmax.f32 v18, v21;
	v21 =	vmul.f32 $2.000000030e-01, v16  }
0x8d: {  	v25 =	vld [tilespmem:s1+$0xFFFFFFE0];
	v14 =	vadd.f32 v15, v14;
	v15 =	vmul.f32 v18, v11  }
0x8e: {  	v18 =	vld [tilespmem:s0+$0xFFFFFFF0];
	v16 =	vmax.f32 v16, v21;
	v21 =	vmul.f32 $2.000000030e-01, v17  }
0x8f: {  	v20 =	vadd.f32 v20, v23;
	v23 =	vld [tilespmem:s1+$0xFFFFFFF0];
	v14 =	vadd.f32 v15, v14;
	v15 =	vmul.f32 v16, v12  }
0x90: {  	v16 =	vadd.f32 v24, v19;
	v19 =	vld [tilespmem:s0+$0x0];
	v17 =	vmax.f32 v17, v21  }
0x91: {  	v24 =	vld [tilespmem:s1+$0x0];
	v21 =	vmul.f32 $2.000000030e-01, v20;
	v14 =	vadd.f32 v15, v14;
	v15 =	vmul.f32 v17, v13  }
0x92: {  	v22 =	vadd.f32 v25, v22;
	v25 =	vld [tilespmem:s0+$0x10]  }
0x93: {  	v17 =	vmax.f32 v20, v21;
	v20 =	vmul.f32 $2.000000030e-01, v16;
	v21 =	vld [tilespmem:s1+$0x10];
	v15 =	vadd.f32 v15, v14  }
0x94: {  	v26 =	vld [tilespmem:s0+$0x20];
	v14 =	vimm.f32 $0.0e+00;
	v17 =	vmul.f32 v17, v6;
	v23 =	vadd.f32 v23, v18  }
0x95: {  	v27 =	vld [tilespmem:s1+$0x20];
	v18 =	vmul.f32 $2.000000030e-01, v22;
	v16 =	vmax.f32 v16, v20;
	v20 =	vperm.xlane v15, v0  }
0x96: {  	v29 =	vadd.f32 v24, v19;
	v28 =	vadd.f32 $0.0e+00, v17;
	v16 =	vmul.f32 v16, v7;
	v17 =	vld [tilespmem:s0+$0x30]  }
0x97: {  	v18 =	vmax.f32 v22, v18;
	v22 =	vmul.f32 $2.000000030e-01, v23;
	v15 =	vadd.f32 v15, v20;
	v20 =	vld [tilespmem:s1+$0x30]  }
0x98: {  	s18 =	sadd.s32 $0x80, s0;
	v24 =	vmul.f32 v18, v8;
	v16 =	vadd.f32 v16, v28;
	v19 =	vadd.f32 v21, v25  }
0x99: {  	v18 =	vld [tilespmem:s18+$0xFFFFFFD0];
	v22 =	vmax.f32 v23, v22;
	v25 =	vmul.f32 $2.000000030e-01, v29;
	v63 =	vperm.xlane v15, v1  }
0x9a: {  	s2 =	simm.s32 $0x1;
	v21 =	vld [tilespmem:s18+$0xFFFFFFC0];
	s1 =	sadd.s32 $0x80, s1;
	v23 =	vadd.f32 v24, v16;
	v24 =	vmul.f32 v22, v9;
	v16 =	vadd.f32 v27, v26  }
0x9b: {  	s31 =	simm.s32 $0x2;
	s14 =	simm.s32 $0x3;
	s0 =	simm.s32 $0x0;
	v22 =	vld [tilespmem:s1+$0xFFFFFFC0];
	v26 =	vmax.f32 v29, v25;
	v25 =	vmul.f32 $2.000000030e-01, v19;
	v15 =	vadd.f32 v15, v63  }
.LBB2_6:
0x9c: {  	p1 =	sne.s32 s14, $0xF;
	v27 =	vld [tilespmem:s1+$0xFFFFFFD0];
	v23 =	vadd.f32 v24, v23;
	v24 =	vmul.f32 v26, v10;
	v17 =	vadd.f32 v20, v17  }
0x9d: {  	v20 =	vld [tilespmem:s18+$0xFFFFFFE0];
	v19 =	vmax.f32 v19, v25;
	v25 =	vmul.f32 $2.000000030e-01, v16;
	v26 =	vperm.xlane v15, v3  }
0x9e: {  	v28 =	vld [tilespmem:s1+$0xFFFFFFE0];
	v23 =	vadd.f32 v24, v23;
	v19 =	vmul.f32 v19, v11;
	v24 =	vmov s0;
	s0 =	smov.u32 s2;
	s2 =	smov.u32 s31;
	s31 =	smov.u32 s14  }
0x9f: {  	v29 =	vld [tilespmem:s18+$0xFFFFFFF0];
	v16 =	vmax.f32 v16, v25;
	v25 =	vmul.f32 $2.000000030e-01, v17;
	v15 =	vadd.f32 v15, v26  }
0xa0: {  	v21 =	vadd.f32 v22, v21;
	v22 =	vld [tilespmem:s1+$0xFFFFFFF0];
	v19 =	vadd.f32 v19, v23;
	v16 =	vmul.f32 v16, v12  }
0xa1: {  	v18 =	vadd.f32 v27, v18;
	v23 =	vld [tilespmem:s18+$0x0];
	v17 =	vmax.f32 v17, v25;
	v25 =	vperm.xlane v15, v5  }
0xa2: {  	v26 =	vmul.f32 $2.000000030e-01, v21;
	v27 =	vld [tilespmem:s1+$0x0];
	v16 =	vadd.f32 v16, v19;
	v17 =	vmul.f32 v17, v13  }
0xa3: {  	vm0 =	veq.s32 v24, v4;
	v19 =	vadd.f32 v28, v20;
	v28 =	vld [tilespmem:s18+$0x10];
	v15 =	vadd.f32 v15, v25  }
0xa4: {  	v20 =	vmax.f32 v21, v26;
	v21 =	vmul.f32 $2.000000030e-01, v18;
	v24 =	vld [tilespmem:s1+$0x10];
	v16 =	vadd.f32 v17, v16  }
0xa5: {  	v17 =	vmul.f32 v20, v6;
	v22 =	vadd.f32 v22, v29;
	v25 =	vld [tilespmem:s18+$0x20];
	v14 =	vsel vm0, v15, v14  }
0xa6: {  	v15 =	vmax.f32 v18, v21;
	v18 =	vmul.f32 $2.000000030e-01, v19;
	v26 =	vld [tilespmem:s1+$0x20];
	v21 =	vperm.xlane v16, v0  }
0xa7: {  	v29 =	vadd.f32 $0.0e+00, v17;
	v15 =	vmul.f32 v15, v7;
	v27 =	vadd.f32 v27, v23;
	v17 =	vld [tilespmem:s18+$0x30]  }
.Ltmp2:
0xa8: {  	v23 =	vmul.f32 $2.000000030e-01, v22;
	v18 =	vmax.f32 v19, v18;
	v20 =	vld [tilespmem:s1+$0x30];
	v30 =	vadd.f32 v16, v21;
	(pc) =	sbr.rel @p1 .LBB2_6-.Ltmp2, $4  }
0xa9: {  	s18 =	sadd.s32 $0x80, s18;
	v15 =	vadd.f32 v15, v29;
	v16 =	vmul.f32 v18, v8;
	v19 =	vadd.f32 v24, v28  }
0xaa: {  	v22 =	vmax.f32 v22, v23;
	v28 =	vmul.f32 $2.000000030e-01, v27;
	v18 =	vld [tilespmem:s18+$0xFFFFFFD0];
	v29 =	vperm.xlane v30, v1  }
0xab: {  	s1 =	sadd.s32 $0x80, s1;
	v24 =	vmul.f32 v22, v9;
	v21 =	vld [tilespmem:s18+$0xFFFFFFC0];
	v23 =	vadd.f32 v16, v15;
	v16 =	vadd.f32 v26, v25  }
0xac: {  	s14 =	sadd.s32 $0x1, s14;
	v26 =	vmax.f32 v27, v28;
	v25 =	vmul.f32 $2.000000030e-01, v19;
	v22 =	vld [tilespmem:s1+$0xFFFFFFC0];
	v15 =	vadd.f32 v30, v29  }
0xad: {  	_ = 	snop  }
0xae: {  	v27 =	vld [tilespmem:s1+$0xFFFFFFD0]  }
0xaf: {  	v28 =	vld [tilespmem:s18+$0xFFFFFFE0]  }
0xb0: {  	v29 =	vld [tilespmem:s1+$0xFFFFFFE0]  }
0xb1: {  	v30 =	vld [tilespmem:s18+$0xFFFFFFF0];
	v21 =	vadd.f32 v22, v21  }
0xb2: {  	v22 =	vld [tilespmem:s1+$0xFFFFFFF0]  }
0xb3: {  	v46 =	vld [tilespmem:s18+$0x0];
	v18 =	vadd.f32 v27, v18;
	v31 =	vmul.f32 $2.000000030e-01, v21  }
0xb4: {  	v23 =	vadd.f32 v24, v23;
	v47 =	vmul.f32 v26, v10;
	v17 =	vadd.f32 v20, v17;
	v20 =	vld [tilespmem:s1+$0x0]  }
0xb5: {  	v49 =	vld [tilespmem:s18+$0x10];
	v48 =	vadd.f32 v29, v28;
	v50 =	vmul.f32 $2.000000030e-01, v18;
	v21 =	vmax.f32 v21, v31  }
0xb6: {  	v51 =	vmul.f32 $2.000000030e-01, v16;
	v52 =	vld [tilespmem:s1+$0x10];
	v19 =	vmax.f32 v19, v25;
	v21 =	vmul.f32 v21, v6  }
0xb7: {  	v53 =	vld [tilespmem:s18+$0x20];
	v54 =	vmul.f32 $2.000000030e-01, v48;
	v22 =	vadd.f32 v22, v30;
	v18 =	vmax.f32 v18, v50  }
0xb8: {  	v55 =	vld [tilespmem:s1+$0x20];
	v23 =	vadd.f32 v47, v23;
	v18 =	vmul.f32 v18, v7;
	v21 =	vadd.f32 $0.0e+00, v21  }
0xb9: {  	v56 =	vld [tilespmem:s18+$0x30];
	v20 =	vadd.f32 v20, v46;
	v26 =	vmax.f32 v48, v54;
	v57 =	vmul.f32 $2.000000030e-01, v22  }
0xba: {  	v16 =	vmax.f32 v16, v51;
	v58 =	vmul.f32 v26, v8;
	v18 =	vadd.f32 v18, v21;
	v21 =	vld [tilespmem:s1+$0x30]  }
0xbb: {  	v59 =	vadd.f32 v52, v49;
	v60 =	vmul.f32 $2.000000030e-01, v20;
	v22 =	vmax.f32 v22, v57  }
0xbc: {  	v19 =	vmul.f32 v19, v11;
	v22 =	vmul.f32 v22, v9;
	v18 =	vadd.f32 v58, v18  }
0xbd: {  	v24 =	vadd.f32 v55, v53;
	v61 =	vmul.f32 $2.000000030e-01, v59;
	v20 =	vmax.f32 v20, v60  }
0xbe: {  	v62 =	vmul.f32 $2.000000030e-01, v17;
	v20 =	vmul.f32 v20, v10;
	v18 =	vadd.f32 v22, v18  }
0xbf: {  	v63 =	vmul.f32 $2.000000030e-01, v24;
	v22 =	vmax.f32 v59, v61;
	v21 =	vadd.f32 v21, v56  }
0xc0: {  	v16 =	vmul.f32 v16, v12;
	v18 =	vadd.f32 v20, v18;
	v20 =	vmul.f32 v22, v11  }
0xc1: {  	v19 =	vadd.f32 v19, v23;
	v22 =	vmax.f32 v24, v63;
	v23 =	vmul.f32 $2.000000030e-01, v21  }
0xc2: {  	v17 =	vmax.f32 v17, v62;
	v18 =	vadd.f32 v20, v18;
	v20 =	vmul.f32 v22, v12  }
0xc3: {  	v17 =	vmul.f32 v17, v13;
	v16 =	vadd.f32 v16, v19;
	v19 =	vmax.f32 v21, v23  }
0xc4: {  	v18 =	vadd.f32 v20, v18;
	v19 =	vmul.f32 v19, v13  }
0xc5: {  	v16 =	vadd.f32 v17, v16  }
0xc6: {  	v17 =	vadd.f32 v19, v18  }
0xc7: {  	v18 =	vperm.xlane v16, v0  }
0xc8: {  	v19 =	vperm.xlane v17, v0  }
0xc9: {  	v16 =	vadd.f32 v16, v18  }
0xca: {  	v17 =	vadd.f32 v17, v19  }
0xcb: {  	v18 =	vperm.xlane v16, v1  }
0xcc: {  	v19 =	vperm.xlane v17, v1  }
0xcd: {  	v20 =	vperm.xlane v15, v3;
	v16 =	vadd.f32 v16, v18  }
0xce: {  	v17 =	vadd.f32 v17, v19  }
0xcf: {  	v15 =	vadd.f32 v15, v20;
	v18 =	vperm.xlane v16, v3  }
0xd0: {  	v19 =	vperm.xlane v17, v3  }
0xd1: {  	v20 =	vperm.xlane v15, v5;
	v16 =	vadd.f32 v16, v18  }
0xd2: {  	v17 =	vadd.f32 v17, v19  }
0xd3: {  	v15 =	vadd.f32 v15, v20;
	v18 =	vmov s0;
	v19 =	vperm.xlane v16, v5  }
0xd4: {  	vm0 =	veq.s32 v18, v4;
	v18 =	vperm.xlane v17, v5  }
0xd5: {  	v14 =	vsel vm0, v15, v14;
	v15 =	vmov s2;
	v16 =	vadd.f32 v16, v19  }
0xd6: {  	vm14 =	veq.s32 v15, v4;
	v15 =	vmov s31;
	v17 =	vadd.f32 v17, v18  }
0xd7: {  	vm15 =	veq.s32 v15, v4;
	v14 =	vsel vm14, v16, v14  }
0xd8: {  	v14 =	vsel vm15, v17, v14  }
0xd9: {  	v14 =	vmul.f32 $1.442695020e+00, v14;
	_ =	sdelay $0x1  }
0xda: {  	(erf) = vpow2.f32 v14;
	_ =	sdelay $0x8  }
0xdb: {  	s18 =	sshll.u32 s30, $0x4;
	v14 =	vpop (erf)  }
0xdc: {  	[tilespmem:s18+$0x18980] =	vst v14  }
0xdd: {  	v19 =	vld [tilespmem:s28+$0xFFFFFFC0]  }
0xde: {  	s31 =	simm.s32 $0x0;
	v21 =	vld [tilespmem:s28+$0xFFFFFFD0]  }
0xdf: {  	v15 =	vmov s31;
	v20 =	vld [tilespmem:s28+$0xFFFFFFE0]  }
0xe0: {  	v15 =	vperm.xlane v14, v15;
	v17 =	vld [tilespmem:s28+$0x0]  }
0xe1: {  	v18 =	vld [tilespmem:s28+$0x10]  }
0xe2: {  	v16 =	vld [tilespmem:s28+$0x20];
	v22 =	vmul.f32 v19, v15  }
0xe3: {  	s1 =	simm.s32 $0x1;
	s0 =	smov.u32 s28;
	s2 =	smov.u32 s28;
	v21 =	vmul.f32 v21, v15;
	v19 =	vld [tilespmem:s28+$0x30]  }
.LBB2_8:
0xe4: {  	p1 =	sne.s32 s1, $0xF;
	[tilespmem:s0+$0xFFFFFFC0] =	vst v22;
	v20 =	vmul.f32 v20, v15;
	v22 =	vld [tilespmem:s0+$0xFFFFFFF0];
	s2 =	sadd.s32 $0x80, s2  }
0xe5: {  	v23 =	vld [tilespmem:s2+$0xFFFFFFC0];
	[tilespmem:s0+$0xFFFFFFD0] =	vst v21;
	v17 =	vmul.f32 v17, v15  }
0xe6: {  	v21 =	vld [tilespmem:s2+$0xFFFFFFD0];
	[tilespmem:s0+$0xFFFFFFE0] =	vst v20;
	v18 =	vmul.f32 v18, v15  }
.Ltmp3:
0xe7: {  	v24 =	vmov s1;
	v20 =	vld [tilespmem:s2+$0xFFFFFFE0];
	[tilespmem:s0+$0x0] =	vst v17;
	v16 =	vmul.f32 v16, v15;
	(pc) =	sbr.rel @p1 .LBB2_8-.Ltmp3, $4  }
0xe8: {  	v24 =	vperm.xlane v14, v24;
	v17 =	vld [tilespmem:s2+$0x0];
	[tilespmem:s0+$0x10] =	vst v18;
	v19 =	vmul.f32 v19, v15  }
0xe9: {  	v18 =	vld [tilespmem:s2+$0x10];
	v25 =	vmul.f32 v22, v15;
	[tilespmem:s0+$0x20] =	vst v16  }
0xea: {  	v15 =	vmov v24;
	v22 =	vmul.f32 v23, v24;
	v16 =	vld [tilespmem:s2+$0x20];
	[tilespmem:s0+$0x30] =	vst v19  }
0xeb: {  	s1 =	sadd.s32 $0x1, s1;
	v21 =	vmul.f32 v21, v15;
	v19 =	vld [tilespmem:s2+$0x30];
	[tilespmem:s0+$0xFFFFFFF0] =	vst v25;
	s0 =	smov.u32 s2  }
0xec: {  	[tilespmem:s0+$0xFFFFFFC0] =	vst v22;
	v14 =	vmul.f32 v20, v15;
	v63 =	vld [tilespmem:s0+$0xFFFFFFF0]  }
0xed: {  	s30 =	sadd.s32 $0x1, s30;
	[tilespmem:s0+$0xFFFFFFD0] =	vst v21;
	v17 =	vmul.f32 v17, v15  }
0xee: {  	p1 =	sne.s32 s30, $0x5;
	[tilespmem:s0+$0xFFFFFFE0] =	vst v14;
	v14 =	vmul.f32 v18, v15  }
.Ltmp4:
0xef: {  	[tilespmem:s0+$0x0] =	vst v17;
	v16 =	vmul.f32 v16, v15;
	(pc) =	sbr.rel @p1 .LBB2_5-.Ltmp4, $4  }
0xf0: {  	[tilespmem:s0+$0x10] =	vst v14;
	v14 =	vmul.f32 v19, v15  }
0xf1: {  	v15 =	vmul.f32 v63, v15;
	[tilespmem:s0+$0x20] =	vst v16  }
0xf2: {  	[tilespmem:s0+$0x30] =	vst v14  }
0xf3: {  	s28 =	sadd.s32 $0x800, s28;
	s29 =	sadd.s32 $0x800, s29;
	[tilespmem:s0+$0xFFFFFFF0] =	vst v15  }
0xf4: {  	s0 =	smul.u32 $0x50, s26;
	_ =	sdelay $0x1  }
0xf5: {  	s0 =	sadd.s32 s12, s0  }
0xf6: {  	s0 =	sshrl.u32 s0, $0x3  }
0xf7: {  	s0 =	sadd.s32 s8, s0  }
0xf8: {  	[hbm4b:s0+s4] =	stream.linear.scatter [tilespmem:s23], [sflag:$0x1], $0x50, $0x38;
	[tilespmem:$0x18E80] =	vst v63  }
0xf9: {  	s26 =	sadd.s32 $0x1, s26;
	_ =	swait.ge [sflag:s17], $0x50  }
0xfa: {  	p1 =	sne.s32 s26, $0x7D;
	[sflag:s17] =	ssyncset.done $0x0  }
.Ltmp5:
0xfb: {  	[sflag:s17] =	ssyncadd.s32 $0xFFFFFFB0;
	(pc) =	sbr.rel @p1 .LBB2_4-.Ltmp5, $4  }
0xfc: {  	[spmem:s3] =	stream.indirect.scatter.add.f32 [tilespmem:s20], [sflag:$0x1], $0x80, s21, s9, $0xb8;
	[tilespmem:$0x18E80] =	vst v63  }
0xfd: {  	_ =	swait.ge [sflag:s17], $0x2800  }
0xfe: {  	[sflag:s17] =	ssyncset.done $0x0  }
0xff: {  	[sflag:s17] =	ssyncadd.s32 $0xFFFFD800  }
.Ltmp6:
0x100: {  	s0 =	stileid.u32;
	(pc) =	sbr.rel @!p0 .LBB2_13-.Ltmp6, $4  }
0x101: {  	[bflag:$0x0] =	sbarrier.arrive $0xFFFF;
	s0 =	sshll.u32 s0, $0x6  }
0x102: {  	s1 =	sshrl.u32 s11, $0x3;
	s2 =	sadd.s32 $0x80, s15;
	s0 =	sor.u32 $0x1C01, s0  }
0x103: {  	[hbm:s15], [sflag:s0] =	dma.local [spmem:s1], $0x80  }
0x104: {  	s14 =	smov.u32 s11;
	s1 =	sadd.s32 $0xFFFFFFFF, s10;
	_ =	swait.ge [sflag:s17], $0x80  }
.LBB2_12:
0x105: {  	[sflag:s17] =	ssyncset.done $0x0;
	s14 =	sadd.s32 $0x400, s14;
	p0 =	sne.s32 s1, $0x1  }
.Ltmp7:
0x106: {  	s18 =	sshrl.u32 s14, $0x3;
	[sflag:s17] =	ssyncadd.s32 $0xFFFFFF80;
	(pc) =	sbr.rel @p0 .LBB2_12-.Ltmp7, $3  }
0x107: {  	[hbm:s2], [sflag:s0] =	dma.local [spmem:s18], $0x80  }
0x108: {  	s1 =	sadd.s32 $0xFFFFFFFF, s1;
	_ =	sdelay $0x1  }
0x109: {  	s2 =	sadd.s32 $0x80, s2;
	_ =	swait.ge [sflag:s17], $0x80  }
.LBB2_13:
0x10a: {  	s24 =	sadd.s32 $0x1, s24;
	s0 =	rddreg [dreg:$0x4]  }
0x10b: {  	p0 =	sne.s32 s24, s0  }
.Ltmp8:
0x10c: {  	_ = 	snop;
	(pc) =	sbr.rel @p0 .LBB2_1-.Ltmp8, $3  }
0x10d: {  	_ =	sdelay $0x1  }
0x10e: {  	[sflag:s17] =	ssyncset.done $0x0  }
0x10f: {  	[sflag:s17] =	ssyncadd.s32 $0xFFFFFF80  }
0x110: {  	_ =	sfence.sel $0x180000  }
0x111: {  	[bflag:$0x0] =	sbarrier.arrive $0xFFFF  }
0x112: {  	_ =	strace $0x9000004D  }
0x113: {  	s0 =	stileid.u32;
	[bflag:$0x2] =	sbarrier.arrive $0xFFFF  }
0x114: {  	p0 =	sne.s32 s0, $0x0;
	s0 =	rddreg [dreg:$0x3]  }
0x115: {  	s0 =	sadd.s32 @!p0 $0x100000, s0  }
0x116: {  	[sflag:s0] =	ssyncadd.tile.s32 @!p0 $0x1;
	_ =	shalt  }
.Lfunc_end2:
_tile_overlayer_lowered:
.L_overlay_start_2:
0x117: {  	(tag) =	ssettag $0x2  }
0x118: {  	s0 =	rddreg [dreg:$0x0];
	s2 =	stileid.u32  }
0x119: {  	s1 =	rddreg [dreg:$0x1];
	p0 =	sne.s32 s2, $0x0  }
0x11a: {  	s3 =	rddreg [dreg:$0x2];
	[bflag:$0x3] =	sbarrier.arrive $0xFFFF;
	s2 =	simm.s32 @!p0 $0x1C01  }
0x11b: {  	[timem:s3], [sflag:s2] =	dma.local @!p0 [hbm:s0], s1  }
0x11c: {  	s0 =	simm.s32 @!p0 $0x1  }
0x11d: {  	_ =	swait.ge @!p0 [sflag:s0], s1  }
0x11e: {  	s1 =	ssub.s32 @!p0 $0x0, s1;
	[sflag:s0] =	ssyncset.done @!p0 $0x0  }
0x11f: {  	[sflag:s0] =	ssyncadd.s32 @!p0 s1  }
0x120: {  	[bflag:$0x3] =	sbarrier.arrive $0xFFFF  }
0x121: {  	_ =	shalt  }

// kernel: kernel.21.cloned.1.call-start
scs
__scs_entry_jumppad:
0x0: {  	(pc) =	sbr.rel $0x88, $3  }
0x1: {  	(tag) =	ssettag $0x0;
	lr =	simm.s32 $0x1  }
0x2: {  	[smem:$0x3F94] =	sst lr;
	_ =	strace $0xD0000000  }
0x3: {  	_ = 	snop  }
0x4: {  	_ = 	snop  }
0x5: {  	_ = 	snop  }
0x6: {  	_ = 	snop  }
0x7: {  	_ = 	snop  }
__scs_overlays_trampoline_lowered:
0x8: {  	[smem:$0x3FA3] =	sst s0  }
0x9: {  	[smem:$0x3FA4] =	sst s1  }
0xa: {  	[smem:$0x3FA5] =	sst s2  }
0xb: {  	[smem:$0x3FA6] =	sst s3  }
0xc: {  	[smem:$0x3FA7] =	sst s4  }
0xd: {  	[smem:$0x3FA8] =	sst s5  }
0xe: {  	[smem:$0x3FA9] =	sst s6  }
0xf: {  	[smem:$0x3FAA] =	sst s7  }
0x10: {  	[smem:$0x3FAB] =	sst s8  }
0x11: {  	[smem:$0x3FAC] =	sst s9;
	s0 =	simm.s32 @!p0 $0x0  }
0x12: {  	s1 =	sld [smem:$0x3F92];
	s0 =	simm.s32 @p0 $0x1  }
0x13: {  	[smem:$0x3FAD] =	sst s0;
	s0 =	simm.s32 @!p1 $0x0  }
0x14: {  	s2 =	sld [smem:$0x3F91];
	s0 =	simm.s32 @p1 $0x1  }
0x15: {  	[smem:$0x3FAE] =	sst s0;
	s0 =	simm.s32 @!p2 $0x0  }
0x16: {  	s3 =	sld [smem:$0x3FDB];
	s0 =	simm.s32 @p2 $0x1  }
0x17: {  	s4 =	simm.s32 $0x1BF5;
	[smem:$0x3FB0] =	sst s0  }
0x18: {  	s0 =	sld [smem:$0x3F93];
	_ =	swait.ge [sflag:s4], $0x0  }
0x19: {  	s7 =	sld [smem:$0x3F94]  }
0x1a: {  	s8 =	sadd.s32 $0xFFFFE003, lr  }
0x1b: {  	s9 =	sadd.s32 $0xFFFFFEF7, lr;
	s5 =	simm.s32 $0xFFFFFFFF;
	p2 =	slt.u32 s8, $0xFFFFF086  }
0x1c: {  	p1 =	slt.u32 s9, $0xF7A;
	s5 =	simm.s32 @!p2 $0x0  }
0x1d: {  	s5 =	simm.s32 @p1 $0x1;
	p0 =	seq.s32 s7, s2  }
0x1e: {  	s7 =	smul.u32 @!p0 $0xF7A, s2;
	p2 =	seq.s32 @!p0 s5, $0x0  }
0x1f: {  	s9 =	smul.u32 $0xF7A, s1;
	s8 =	simm.s32 @!p0 $0x1BF5;
	p2 =	por !p2, p0  }
0x20: {  	[sflag:s8] =	ssyncset.s32 @!p0 $0xFFFFF086;
	s6 =	sadd.s32 @!p0 s3, s7;
	s7 =	simm.s32 @!p0 $0x108  }
0x21: {  	s3 =	sadd.s32 s3, s9;
	s6 =	sadd.s32 @!p0 $0x88, s6;
	s7 =	simm.s32 @p2 $0x1082  }
0x22: {  	[simem:s7], [sflag:s8] =	dma.local @!p0 [hbm:s6], $0xF7A  }
0x23: {  	s9 =	sor.u32 $0xD0000000, s2;
	s6 =	simm.s32 $0x108;
	_ =	swait.ge @!p0 [sflag:s8], $0x0  }
0x24: {  	s3 =	sadd.s32 $0x88, s3;
	s6 =	simm.s32 @!p1 $0x1082;
	[sflag:s4] =	ssyncset.s32 $0xFFFFF086  }
0x25: {  	[simem:s6], [sflag:s4] =	dma.local [hbm:s3], $0xF7A  }
0x26: {  	[smem:$0x3F94] =	sst s1;
	(tag) =	ssettag s2;
	_ =	strace s9  }
0x27: {  	s1 =	sld [smem:$0x3FA4]  }
0x28: {  	s2 =	sld [smem:$0x3FA5]  }
0x29: {  	s4 =	sld [smem:$0x3FA7]  }
0x2a: {  	p0 =	seq.s32 s5, $0x0;
	s5 =	sld [smem:$0x3FA8]  }
0x2b: {  	s6 =	sld [smem:$0x3FA9]  }
0x2c: {  	s7 =	sld [smem:$0x3FAA]  }
0x2d: {  	s3 =	simm.s32 $0x108;
	s8 =	sld [smem:$0x3FAB]  }
0x2e: {  	s3 =	simm.s32 @!p0 $0x1082;
	s9 =	sld [smem:$0x3FAC]  }
0x2f: {  	lr =	sadd.s32 s0, s3;
	s0 =	sld [smem:$0x3FA3]  }
0x30: {  	s3 =	sld [smem:$0x3FA6]  }
0x31: {  	[smem:$0x3FAF] =	sst s10  }
0x32: {  	s10 =	sld [smem:$0x3FAD];
	_ =	sdelay $0x3  }
0x33: {  	p0 =	seq.s32 s10, $0x1;
	s10 =	sld [smem:$0x3FAF];
	_ =	sdelay $0x3  }
0x34: {  	[smem:$0x3FAF] =	sst s10  }
0x35: {  	s10 =	sld [smem:$0x3FAE];
	_ =	sdelay $0x3  }
0x36: {  	p1 =	seq.s32 s10, $0x1;
	s10 =	sld [smem:$0x3FAF];
	_ =	sdelay $0x3  }
0x37: {  	[smem:$0x3FAF] =	sst s10  }
0x38: {  	s10 =	sld [smem:$0x3FB0]  }
0x39: {  	_ = 	snop;
	(pc) =	sbr.ind lr, $3  }
0x3a: {  	_ = 	snop  }
0x3b: {  	_ = 	snop  }
0x3c: {  	p2 =	seq.s32 s10, $0x1;
	s10 =	sld [smem:$0x3FAF]  }
0x3d: {  	_ =	shalt  }
0x3e: {  	_ =	shalt  }
0x3f: {  	_ =	shalt  }
0x40: {  	_ =	shalt  }
0x41: {  	_ =	shalt  }
0x42: {  	_ =	shalt  }
0x43: {  	_ =	shalt  }
0x44: {  	_ =	shalt  }
0x45: {  	_ =	shalt  }
0x46: {  	_ =	shalt  }
0x47: {  	_ =	shalt  }
0x48: {  	_ =	shalt  }
0x49: {  	_ =	shalt  }
0x4a: {  	_ =	shalt  }
0x4b: {  	_ =	shalt  }
0x4c: {  	_ =	shalt  }
0x4d: {  	_ =	shalt  }
0x4e: {  	_ =	shalt  }
0x4f: {  	_ =	shalt  }
0x50: {  	_ =	shalt  }
0x51: {  	_ =	shalt  }
0x52: {  	_ =	shalt  }
0x53: {  	_ =	shalt  }
0x54: {  	_ =	shalt  }
0x55: {  	_ =	shalt  }
0x56: {  	_ =	shalt  }
0x57: {  	_ =	shalt  }
0x58: {  	_ =	shalt  }
0x59: {  	_ =	shalt  }
0x5a: {  	_ =	shalt  }
0x5b: {  	_ =	shalt  }
0x5c: {  	_ =	shalt  }
0x5d: {  	_ =	shalt  }
0x5e: {  	_ =	shalt  }
0x5f: {  	_ =	shalt  }
0x60: {  	_ =	shalt  }
0x61: {  	_ =	shalt  }
0x62: {  	_ =	shalt  }
0x63: {  	_ =	shalt  }
0x64: {  	_ =	shalt  }
0x65: {  	_ =	shalt  }
0x66: {  	_ =	shalt  }
0x67: {  	_ =	shalt  }
0x68: {  	_ =	shalt  }
0x69: {  	_ =	shalt  }
0x6a: {  	_ =	shalt  }
0x6b: {  	_ =	shalt  }
0x6c: {  	_ =	shalt  }
0x6d: {  	_ =	shalt  }
0x6e: {  	_ =	shalt  }
0x6f: {  	_ =	shalt  }
0x70: {  	_ =	shalt  }
0x71: {  	_ =	shalt  }
0x72: {  	_ =	shalt  }
0x73: {  	_ =	shalt  }
0x74: {  	_ =	shalt  }
0x75: {  	_ =	shalt  }
0x76: {  	_ =	shalt  }
0x77: {  	_ =	shalt  }
0x78: {  	_ =	shalt  }
0x79: {  	_ =	shalt  }
0x7a: {  	_ =	shalt  }
0x7b: {  	_ =	shalt  }
0x7c: {  	_ =	shalt  }
0x7d: {  	_ =	shalt  }
0x7e: {  	_ =	shalt  }
0x7f: {  	_ =	shalt  }
0x80: {  	_ =	shalt  }
0x81: {  	_ =	shalt  }
0x82: {  	_ =	shalt  }
0x83: {  	_ =	shalt  }
0x84: {  	_ =	shalt  }
0x85: {  	_ =	shalt  }
0x86: {  	_ =	shalt  }
0x87: {  	_ =	shalt  }
.Lfunc_end0:
.L_simem_size_0:
called_computation.3_lowered:
.L_overlay_start_0:
0x88: {  	s2 =	sld [smem:$0x3FD9]  }
0x89: {  	s3 =	sld [smem:$0x3FFE];
	_ =	sdelay $0x1  }
0x8a: {  	s1 =	srdreg.scid  }
0x8b: {  	s0 =	sand.u32 $0x1, s1  }
0x8c: {  	s16 =	sshll.u32 s0, $0xA;
	s2 =	sadd.s32 s3, s2  }
0x8d: {  	s2 =	sadd.s32 s2, s16  }
0x8e: {  	[smem:$0x3FBB] =	sst s2  }
0x8f: {  	_ = 	snop  }
0x90: {  	(tm) =	ssettm $0x1  }
0x91: {  	s17 =	sld [smem:$0x3FFB];
	_ =	sdelay $0x3  }
0x92: {  	_ =	strace s17  }
0x93: {  	s2 =	sld [smem:$0x3FFC];
	_ =	sdelay $0x3  }
0x94: {  	_ =	strace s2  }
0x95: {  	s2 =	sld [smem:$0x3FFD];
	_ =	sdelay $0x3  }
0x96: {  	_ =	strace s2  }
0x97: {  	_ =	strace $0x8FFFFFFF  }
0x98: {  	s18 =	sld [smem:$0x3FDB];
	_ =	sdelay $0x1  }
0x99: {  	s19 =	simm.s32 $_scs_section_size  }
0x9a: {  	s4 =	simm.s32 $_size__tile_overlayer_lowered;
	s5 =	simm.s32 $_tile_overlayer_lowered  }
0x9b: {  	s22 =	simm.s32 $0x1BFF;
	s21 =	sshll.u32 s5, $0x1;
	s2 =	sadd.s32 s19, s18  }
0x9c: {  	s6 =	simm.s32 $0x0;
	s20 =	sshll.u32 s4, $0x1;
	s4 =	sadd.s32 s21, s2  }
0x9d: {  	[timem:s6], [sflag:s22] =	dma.local [hbm:s4], s20  }
0x9e: {  	_ =	swait.ge [sflag:s22], s20  }
0x9f: {  	s3 =	ssub.s32 $0x0, s20;
	[sflag:s22] =	ssyncset.done $0x0  }
0xa0: {  	[sflag:s22] =	ssyncadd.s32 s3;
	_ =	sdelay $0x1  }
0xa1: {  	s23 =	simm.s32 $0x1B8B  }
0xa2: {  	_ =	swait.ge [sflag:s23], $0x1  }
0xa3: {  	[sflag:s23] =	ssyncset.done $0x0  }
0xa4: {  	s25 =	simm.s32 $0x1B8E;
	s24 =	sld [smem:$0x3FFE];
	[sflag:s23] =	ssyncadd.s32 $0xFFFFFFFF  }
0xa5: {  	s26 =	simm.s32 $execute0_lowered;
	[smem:$0x3FD2] =	sst s25  }
0xa6: {  	s4 =	sshll.u32 s26, $0x1;
	_ =	strace $0x8000004F;
	[dreg:$0x1] =	wrdreg $0xFFFFFFFF  }
0xa7: {  	s28 =	simm.s32 $_size_execute0_lowered;
	s2 =	sadd.s32 s2, s4;
	[dreg:$0x0] =	wrdreg $0x0  }
0xa8: {  	s4 =	sshll.u32 s28, $0x1;
	[dreg:$0x2] =	wrdreg s2  }
0xa9: {  	[dreg:$0x3] =	wrdreg s4  }
0xaa: {  	[dreg:$0x4] =	wrdreg $0xC0  }
0xab: {  	_ =	task [dreg:s6], $0x5FFFF  }
0xac: {  	[dreg:$0x1] =	wrdreg $0xFFFFFFFF  }
0xad: {  	[dreg:$0x0] =	wrdreg $0x60  }
0xae: {  	[dreg:$0x2] =	wrdreg s24  }
0xaf: {  	[dreg:$0x3] =	wrdreg $0x0  }
0xb0: {  	[dreg:$0x4] =	wrdreg $0x9  }
0xb1: {  	_ =	task.clear_ibuf [dreg:s6], $0x5FFFF;
	_ =	strace $0x9000004F  }
0xb2: {  	s29 =	simm.s32 $0x9;
	_ =	strace $0x80000051  }
0xb3: {  	_ =	swait.ge [sflag:s29], $0x1  }
0xb4: {  	[sflag:s29] =	ssyncadd.s32 $0xFFFFFFFF  }
0xb5: {  	_ =	strace $0x90000051  }
0xb6: {  	_ =	sfence  }
0xb7: {  	s30 =	sld [smem:$0x0];
	_ =	sdelay $0x2  }
0xb8: {  	s31 =	sshll.u32 s1, $0xD;
	s1 =	sshrl.u32 s1, $0x2  }
0xb9: {  	s3 =	sand.u32 $0x4000, s31;
	s1 =	sadd.s32 s1, s30  }
0xba: {  	s0 =	sor.u32 s3, s0;
	s1 =	sshll.u32 s1, $0x11  }
0xbb: {  	s0 =	sor.u32 s1, s0  }
0xbc: {  	s0 =	sadd.s32 $0x8F2B, s0  }
0xbd: {  	[sflag:s0] =	ssyncadd.remote.s32 $0x1  }
0xbe: {  	_ =	sfence.sel $0xFFFF  }
0xbf: {  	[dreg:$0x0] =	wrdreg $0xFFFFFFFF;
	(pc) =	sbr.abs _section_cstart, $3  }
0xc0: {  	[dreg:$0x1] =	wrdreg $0xFFFFFFFF  }
0xc1: {  	_ =	task.clear_ibuf [dreg:s6], $0x2FFFF;
	_ =	strace $0x9FFFFFFF  }
0xc2: {  	(tm) =	ssettm $0x7FFFFFFF  }
0xc3: {  	_ =	shalt  }
tec
execute0_lowered:
.L_overlay_start_1:
0x0: {  	(tag) =	ssettag $0x1  }
0x1: {  	s5 =	rddreg [dreg:$0x0]  }
0x2: {  	s0 =	srdreg.scid;
	s2 =	rddreg [dreg:$0x1]  }
0x3: {  	s3 =	simm.s32 $0x0;
	s14 =	simm.s32 $0x6710;
	s4 =	sand.u32 $0x1, s0  }
0x4: {  	s15 =	simm.s32 $0x8E90;
	s0 =	stileid.u32;
	s8 =	smul.u32 $0x138800, s4  }
0x5: {  	[smem:$0x7FF] =	sst s3;
	s1 =	sshll.u32 s4, $0x4;
	s9 =	smul.u32 $0x13800, s0  }
0x6: {  	s4 =	ssub.s32 $0x2, s4;
	s30 =	smul.u32 $0x4E000, s0;
	p0 =	seq.s32 s0, $0xF  }
0x7: {  	s6 =	sor.u32 s0, s1;
	s1 =	rddreg [dreg:$0x2];
	_ =	strace $0x80000050  }
0x8: {  	s29 =	sshrl.u32 s4, $0x1;
	s7 =	smul.u32 $0x4E2, s6;
	s6 =	sshll.u32 s6, $0xB  }
0x9: {  	s28 =	sadd.s32 s9, s8;
	s13 =	ssub.s32 s4, s29;
	s4 =	simm.s32 $0x50  }
0xa: {  	s31 =	sshrl.u32 s30, $0x2;
	s11 =	sadd.s32 s6, s5;
	s4 =	simm.s32 @!p0 $0x4E  }
0xb: {  	s6 =	sadd.s32 s31, s2;
	s10 =	sadd.s32 s7, s5;
	s7 =	sshrl.u32 s28, $0x3  }
0xc: {  	s9 =	smax.u32 s13, $0x1;
	s13 =	simm.s32 $0x2710;
	s12 =	sadd.s32 s7, s5  }
0xd: {  	s5 =	simm.s32 $0x50;
	s7 =	sadd.s32 $0xCC400, s11;
	s8 =	sadd.s32 $0x74400, s10  }
0xe: {  	v0 =	vimm.f32 $0.0e+00;
	v1 =	vlaneseq.u32;
	s11 =	simm.s32 $0xB690;
	s10 =	sadd.s32 $0x26000, s12;
	s12 =	simm.s32 $0x1  }
.LBB2_1:
0xf: {  	[tilespmem:$0xB690] =	vst v0  }
0x10: {  	[tilespmem:$0xB710] =	vst v0  }
0x11: {  	[tilespmem:$0xB790] =	vst v0  }
0x12: {  	[tilespmem:$0xB810] =	vst v0  }
0x13: {  	[tilespmem:$0xB890] =	vst v0  }
0x14: {  	[tilespmem:$0xB910] =	vst v0;
	p0 =	sne.s32 s4, $0x1  }
.Ltmp0:
0x15: {  	[tilespmem:$0xB990] =	vst v0;
	(pc) =	sbr.rel @!p0 .LBB2_3-.Ltmp0, $4  }
0x16: {  	[tilespmem:$0xBA10] =	vst v0  }
0x17: {  	[spmem:s6] =	stream.linear.scatter [tilespmem:s11], [sflag:$0x1], $0x400, $0x38;
	[tilespmem:$0xBA90] =	vst v63  }
0x18: {  	_ =	swait.ge [sflag:s12], $0x400  }
0x19: {  	s16 =	sadd.s32 $0xFFFFFFFF, s4;
	s17 =	smov.u32 s6;
	[sflag:s12] =	ssyncset.done $0x0  }
.LBB2_2:
0x1a: {  	p1 =	sne.s32 s16, $0x1;
	[sflag:s12] =	ssyncadd.s32 $0xFFFFFC00;
	s17 =	sadd.s32 $0x400, s17  }
.Ltmp1:
0x1b: {  	s16 =	sadd.s32 $0xFFFFFFFF, s16;
	(pc) =	sbr.rel @p1 .LBB2_2-.Ltmp1, $4  }
0x1c: {  	_ = 	snop  }
0x1d: {  	[spmem:s17] =	stream.linear.scatter [tilespmem:s11], [sflag:$0x1], $0x400, $0x38;
	[tilespmem:$0xBA90] =	vst v63  }
0x1e: {  	_ =	swait.ge [sflag:s12], $0x400  }
0x1f: {  	[sflag:s12] =	ssyncset.done $0x0  }
.LBB2_3:
0x20: {  	[sflag:s12] =	ssyncadd.s32 $0xFFFFFC00  }
0x21: {  	s16 =	simm.s32 $0x0;
	[bflag:$0x0] =	sbarrier.arrive $0xFFFF  }
0x22: {  	[tilespmem:s13], [sflag:$0x1] =	stream.linear.gather [hbm4b:s7+s16], $0x3E80, $0x38;
	[tilespmem:$0xBA90] =	vst v63  }
0x23: {  	_ =	swait.ge [sflag:s12], $0x3E80  }
0x24: {  	[sflag:s12] =	ssyncset.done $0x0  }
0x25: {  	[sflag:s12] =	ssyncadd.s32 $0xFFFFC180  }
0x26: {  	[tilespmem:s14], [sflag:$0x1] =	stream.linear.gather [hbm4b:s8+s16], $0x2710, $0x38;
	[tilespmem:$0xBA90] =	vst v63  }
0x27: {  	_ =	swait.ge [sflag:s12], $0x2710  }
0x28: {  	[sflag:s12] =	ssyncset.done $0x0  }
0x29: {  	[sflag:s12] =	ssyncadd.s32 $0xFFFFD8F0  }
.LBB2_4:
0x2a: {  	s17 =	smul.u32 $0x140, s16;
	_ =	sdelay $0x1  }
0x2b: {  	s17 =	sshra.s32 s17, $0x2  }
0x2c: {  	s18 =	sadd.s32 $0x6710, s17  }
0x2d: {  	s17 =	simm.s32 $0x8E90;
	v2 =	vmov s18;
	s18 =	simm.s32 $0x0  }
.LBB2_5:
0x2e: {  	_ =	sdelay $0x2  }
0x2f: {  	s19 =	sshll.u32 s18, $0x4  }
0x30: {  	v3 =	vld.idx.msk [tilespmem:v2+s19+$0x0 ss:$0x1], $0xffff;
	_ =	sdelay $0x2  }
0x31: {  	s31 =	simm.s32 $0x0  }
0x32: {  	v4 =	vmov s31  }
0x33: {  	v5 =	vperm.xlane v3, v4  }
0x34: {  	vm0 =	veq.s32 v4, v1  }
0x35: {  	v4 =	vnsel vm0, $0x0, v5  }
0x36: {  	s20 =	smov.u32 s17;
	s19 =	simm.s32 $0x1;
	[tilespmem:s17+$0x0] =	vst v4  }
.LBB2_6:
0x37: {  	p1 =	sne.s32 s19, $0xF  }
.Ltmp2:
0x38: {  	v4 =	vmov s19;
	s19 =	sadd.s32 $0x1, s19;
	(pc) =	sbr.rel @p1 .LBB2_6-.Ltmp2, $4  }
0x39: {  	v5 =	vperm.xlane v3, v4  }
0x3a: {  	vm0 =	veq.s32 v4, v1  }
0x3b: {  	s20 =	sadd.s32 $0x80, s20;
	v4 =	vnsel vm0, $0x0, v5  }
0x3c: {  	[tilespmem:s20+$0x0] =	vst v4  }
0x3d: {  	s18 =	sadd.s32 $0x1, s18  }
0x3e: {  	p1 =	sne.s32 s18, $0x5  }
.Ltmp3:
0x3f: {  	_ = 	snop;
	(pc) =	sbr.rel @p1 .LBB2_5-.Ltmp3, $2  }
0x40: {  	_ =	sdelay $0x2  }
0x41: {  	s17 =	sadd.s32 $0x800, s17  }
0x42: {  	s17 =	sshll.u32 s16, $0x7;
	s16 =	sadd.s32 $0x1, s16  }
0x43: {  	s17 =	sand.u32 $0x3FFFFF80, s17;
	p1 =	sne.s32 s16, $0x7D  }
.Ltmp4:
0x44: {  	s17 =	sadd.s32 $0x2710, s17;
	(pc) =	sbr.rel @p1 .LBB2_4-.Ltmp4, $4  }
0x45: {  	[spmem:s2] =	stream.indirect.scatter.add.f32 [tilespmem:s15], [sflag:$0x1], $0x10, s17, s5, $0xb8;
	[tilespmem:$0xBA90] =	vst v63  }
0x46: {  	_ =	swait.ge [sflag:s12], $0x500  }
0x47: {  	[sflag:s12] =	ssyncset.done $0x0  }
0x48: {  	[sflag:s12] =	ssyncadd.s32 $0xFFFFFB00  }
.Ltmp5:
0x49: {  	(pc) =	sbr.rel @!p0 .LBB2_11-.Ltmp5, $4  }
0x4a: {  	s16 =	sshll.u32 s0, $0x6;
	[bflag:$0x0] =	sbarrier.arrive $0xFFFF  }
0x4b: {  	s17 =	sshrl.u32 s6, $0x3;
	s18 =	sadd.s32 $0x80, s10;
	s16 =	sor.u32 $0x1C01, s16  }
0x4c: {  	[hbm:s10], [sflag:s16] =	dma.local [spmem:s17], $0x80  }
0x4d: {  	s19 =	smov.u32 s6;
	s17 =	sadd.s32 $0xFFFFFFFF, s4;
	_ =	swait.ge [sflag:s12], $0x80  }
.LBB2_10:
0x4e: {  	[sflag:s12] =	ssyncset.done $0x0;
	s19 =	sadd.s32 $0x400, s19;
	p0 =	sne.s32 s17, $0x1  }
.Ltmp6:
0x4f: {  	s20 =	sshrl.u32 s19, $0x3;
	[sflag:s12] =	ssyncadd.s32 $0xFFFFFF80;
	(pc) =	sbr.rel @p0 .LBB2_10-.Ltmp6, $3  }
0x50: {  	[hbm:s18], [sflag:s16] =	dma.local [spmem:s20], $0x80  }
0x51: {  	s17 =	sadd.s32 $0xFFFFFFFF, s17;
	_ =	sdelay $0x1  }
0x52: {  	s18 =	sadd.s32 $0x80, s18;
	_ =	swait.ge [sflag:s12], $0x80  }
.LBB2_11:
0x53: {  	s3 =	sadd.s32 $0x1, s3  }
0x54: {  	p0 =	sne.s32 s3, s9  }
.Ltmp7:
0x55: {  	_ = 	snop;
	(pc) =	sbr.rel @p0 .LBB2_1-.Ltmp7, $3  }
0x56: {  	_ =	sdelay $0x1  }
0x57: {  	[sflag:s12] =	ssyncset.done $0x0  }
0x58: {  	[sflag:s12] =	ssyncadd.s32 $0xFFFFFF80  }
0x59: {  	_ =	sfence.sel $0x180000  }
0x5a: {  	[bflag:$0x0] =	sbarrier.arrive $0xFFFF  }
0x5b: {  	p0 =	sne.s32 s0, $0x0;
	_ =	strace $0x90000050  }
0x5c: {  	s0 =	sadd.s32 @!p0 $0x100000, s1;
	[bflag:$0x2] =	sbarrier.arrive $0xFFFF  }
0x5d: {  	[sflag:s0] =	ssyncadd.tile.s32 @!p0 $0x1;
	_ =	shalt  }
.Lfunc_end2:
_tile_overlayer_lowered:
.L_overlay_start_2:
0x5e: {  	(tag) =	ssettag $0x2  }
0x5f: {  	s0 =	rddreg [dreg:$0x0];
	s2 =	stileid.u32  }
0x60: {  	s1 =	rddreg [dreg:$0x1];
	p0 =	sne.s32 s2, $0x0  }
0x61: {  	s3 =	rddreg [dreg:$0x2];
	[bflag:$0x3] =	sbarrier.arrive $0xFFFF;
	s2 =	simm.s32 @!p0 $0x1C01  }
0x62: {  	[timem:s3], [sflag:s2] =	dma.local @!p0 [hbm:s0], s1  }
0x63: {  	s0 =	simm.s32 @!p0 $0x1  }
0x64: {  	_ =	swait.ge @!p0 [sflag:s0], s1  }
0x65: {  	s1 =	ssub.s32 @!p0 $0x0, s1;
	[sflag:s0] =	ssyncset.done @!p0 $0x0  }
0x66: {  	[sflag:s0] =	ssyncadd.s32 @!p0 s1  }
0x67: {  	[bflag:$0x3] =	sbarrier.arrive $0xFFFF  }
0x68: {  	_ =	shalt  }

// kernel: kernel.24.cloned.1.call-start
scs
__scs_entry_jumppad:
0x0: {  	(pc) =	sbr.rel $0x88, $3  }
0x1: {  	(tag) =	ssettag $0x0;
	lr =	simm.s32 $0x1  }
0x2: {  	[smem:$0x3F94] =	sst lr;
	_ =	strace $0xD0000000  }
0x3: {  	_ = 	snop  }
0x4: {  	_ = 	snop  }
0x5: {  	_ = 	snop  }
0x6: {  	_ = 	snop  }
0x7: {  	_ = 	snop  }
__scs_overlays_trampoline_lowered:
0x8: {  	[smem:$0x3FA3] =	sst s0  }
0x9: {  	[smem:$0x3FA4] =	sst s1  }
0xa: {  	[smem:$0x3FA5] =	sst s2  }
0xb: {  	[smem:$0x3FA6] =	sst s3  }
0xc: {  	[smem:$0x3FA7] =	sst s4  }
0xd: {  	[smem:$0x3FA8] =	sst s5  }
0xe: {  	[smem:$0x3FA9] =	sst s6  }
0xf: {  	[smem:$0x3FAA] =	sst s7  }
0x10: {  	[smem:$0x3FAB] =	sst s8  }
0x11: {  	[smem:$0x3FAC] =	sst s9;
	s0 =	simm.s32 @!p0 $0x0  }
0x12: {  	s1 =	sld [smem:$0x3F92];
	s0 =	simm.s32 @p0 $0x1  }
0x13: {  	[smem:$0x3FAD] =	sst s0;
	s0 =	simm.s32 @!p1 $0x0  }
0x14: {  	s2 =	sld [smem:$0x3F91];
	s0 =	simm.s32 @p1 $0x1  }
0x15: {  	[smem:$0x3FAE] =	sst s0;
	s0 =	simm.s32 @!p2 $0x0  }
0x16: {  	s3 =	sld [smem:$0x3FDB];
	s0 =	simm.s32 @p2 $0x1  }
0x17: {  	s4 =	simm.s32 $0x1BF5;
	[smem:$0x3FB0] =	sst s0  }
0x18: {  	s0 =	sld [smem:$0x3F93];
	_ =	swait.ge [sflag:s4], $0x0  }
0x19: {  	s7 =	sld [smem:$0x3F94]  }
0x1a: {  	s8 =	sadd.s32 $0xFFFFE003, lr  }
0x1b: {  	s9 =	sadd.s32 $0xFFFFFEF7, lr;
	s5 =	simm.s32 $0xFFFFFFFF;
	p2 =	slt.u32 s8, $0xFFFFF086  }
0x1c: {  	p1 =	slt.u32 s9, $0xF7A;
	s5 =	simm.s32 @!p2 $0x0  }
0x1d: {  	s5 =	simm.s32 @p1 $0x1;
	p0 =	seq.s32 s7, s2  }
0x1e: {  	s7 =	smul.u32 @!p0 $0xF7A, s2;
	p2 =	seq.s32 @!p0 s5, $0x0  }
0x1f: {  	s9 =	smul.u32 $0xF7A, s1;
	s8 =	simm.s32 @!p0 $0x1BF5;
	p2 =	por !p2, p0  }
0x20: {  	[sflag:s8] =	ssyncset.s32 @!p0 $0xFFFFF086;
	s6 =	sadd.s32 @!p0 s3, s7;
	s7 =	simm.s32 @!p0 $0x108  }
0x21: {  	s3 =	sadd.s32 s3, s9;
	s6 =	sadd.s32 @!p0 $0x88, s6;
	s7 =	simm.s32 @p2 $0x1082  }
0x22: {  	[simem:s7], [sflag:s8] =	dma.local @!p0 [hbm:s6], $0xF7A  }
0x23: {  	s9 =	sor.u32 $0xD0000000, s2;
	s6 =	simm.s32 $0x108;
	_ =	swait.ge @!p0 [sflag:s8], $0x0  }
0x24: {  	s3 =	sadd.s32 $0x88, s3;
	s6 =	simm.s32 @!p1 $0x1082;
	[sflag:s4] =	ssyncset.s32 $0xFFFFF086  }
0x25: {  	[simem:s6], [sflag:s4] =	dma.local [hbm:s3], $0xF7A  }
0x26: {  	[smem:$0x3F94] =	sst s1;
	(tag) =	ssettag s2;
	_ =	strace s9  }
0x27: {  	s1 =	sld [smem:$0x3FA4]  }
0x28: {  	s2 =	sld [smem:$0x3FA5]  }
0x29: {  	s4 =	sld [smem:$0x3FA7]  }
0x2a: {  	p0 =	seq.s32 s5, $0x0;
	s5 =	sld [smem:$0x3FA8]  }
0x2b: {  	s6 =	sld [smem:$0x3FA9]  }
0x2c: {  	s7 =	sld [smem:$0x3FAA]  }
0x2d: {  	s3 =	simm.s32 $0x108;
	s8 =	sld [smem:$0x3FAB]  }
0x2e: {  	s3 =	simm.s32 @!p0 $0x1082;
	s9 =	sld [smem:$0x3FAC]  }
0x2f: {  	lr =	sadd.s32 s0, s3;
	s0 =	sld [smem:$0x3FA3]  }
0x30: {  	s3 =	sld [smem:$0x3FA6]  }
0x31: {  	[smem:$0x3FAF] =	sst s10  }
0x32: {  	s10 =	sld [smem:$0x3FAD];
	_ =	sdelay $0x3  }
0x33: {  	p0 =	seq.s32 s10, $0x1;
	s10 =	sld [smem:$0x3FAF];
	_ =	sdelay $0x3  }
0x34: {  	[smem:$0x3FAF] =	sst s10  }
0x35: {  	s10 =	sld [smem:$0x3FAE];
	_ =	sdelay $0x3  }
0x36: {  	p1 =	seq.s32 s10, $0x1;
	s10 =	sld [smem:$0x3FAF];
	_ =	sdelay $0x3  }
0x37: {  	[smem:$0x3FAF] =	sst s10  }
0x38: {  	s10 =	sld [smem:$0x3FB0]  }
0x39: {  	_ = 	snop;
	(pc) =	sbr.ind lr, $3  }
0x3a: {  	_ = 	snop  }
0x3b: {  	_ = 	snop  }
0x3c: {  	p2 =	seq.s32 s10, $0x1;
	s10 =	sld [smem:$0x3FAF]  }
0x3d: {  	_ =	shalt  }
0x3e: {  	_ =	shalt  }
0x3f: {  	_ =	shalt  }
0x40: {  	_ =	shalt  }
0x41: {  	_ =	shalt  }
0x42: {  	_ =	shalt  }
0x43: {  	_ =	shalt  }
0x44: {  	_ =	shalt  }
0x45: {  	_ =	shalt  }
0x46: {  	_ =	shalt  }
0x47: {  	_ =	shalt  }
0x48: {  	_ =	shalt  }
0x49: {  	_ =	shalt  }
0x4a: {  	_ =	shalt  }
0x4b: {  	_ =	shalt  }
0x4c: {  	_ =	shalt  }
0x4d: {  	_ =	shalt  }
0x4e: {  	_ =	shalt  }
0x4f: {  	_ =	shalt  }
0x50: {  	_ =	shalt  }
0x51: {  	_ =	shalt  }
0x52: {  	_ =	shalt  }
0x53: {  	_ =	shalt  }
0x54: {  	_ =	shalt  }
0x55: {  	_ =	shalt  }
0x56: {  	_ =	shalt  }
0x57: {  	_ =	shalt  }
0x58: {  	_ =	shalt  }
0x59: {  	_ =	shalt  }
0x5a: {  	_ =	shalt  }
0x5b: {  	_ =	shalt  }
0x5c: {  	_ =	shalt  }
0x5d: {  	_ =	shalt  }
0x5e: {  	_ =	shalt  }
0x5f: {  	_ =	shalt  }
0x60: {  	_ =	shalt  }
0x61: {  	_ =	shalt  }
0x62: {  	_ =	shalt  }
0x63: {  	_ =	shalt  }
0x64: {  	_ =	shalt  }
0x65: {  	_ =	shalt  }
0x66: {  	_ =	shalt  }
0x67: {  	_ =	shalt  }
0x68: {  	_ =	shalt  }
0x69: {  	_ =	shalt  }
0x6a: {  	_ =	shalt  }
0x6b: {  	_ =	shalt  }
0x6c: {  	_ =	shalt  }
0x6d: {  	_ =	shalt  }
0x6e: {  	_ =	shalt  }
0x6f: {  	_ =	shalt  }
0x70: {  	_ =	shalt  }
0x71: {  	_ =	shalt  }
0x72: {  	_ =	shalt  }
0x73: {  	_ =	shalt  }
0x74: {  	_ =	shalt  }
0x75: {  	_ =	shalt  }
0x76: {  	_ =	shalt  }
0x77: {  	_ =	shalt  }
0x78: {  	_ =	shalt  }
0x79: {  	_ =	shalt  }
0x7a: {  	_ =	shalt  }
0x7b: {  	_ =	shalt  }
0x7c: {  	_ =	shalt  }
0x7d: {  	_ =	shalt  }
0x7e: {  	_ =	shalt  }
0x7f: {  	_ =	shalt  }
0x80: {  	_ =	shalt  }
0x81: {  	_ =	shalt  }
0x82: {  	_ =	shalt  }
0x83: {  	_ =	shalt  }
0x84: {  	_ =	shalt  }
0x85: {  	_ =	shalt  }
0x86: {  	_ =	shalt  }
0x87: {  	_ =	shalt  }
.Lfunc_end0:
.L_simem_size_0:
called_computation.4_lowered:
.L_overlay_start_0:
0x88: {  	s2 =	sld [smem:$0x3FD9]  }
0x89: {  	s3 =	sld [smem:$0x3FFE];
	_ =	sdelay $0x1  }
0x8a: {  	s1 =	srdreg.scid  }
0x8b: {  	s0 =	sand.u32 $0x1, s1  }
0x8c: {  	s17 =	sshll.u32 s0, $0xA;
	s2 =	sadd.s32 s3, s2  }
0x8d: {  	s2 =	sadd.s32 s2, s17  }
0x8e: {  	[smem:$0x3FBB] =	sst s2  }
0x8f: {  	_ = 	snop  }
0x90: {  	s2 =	sld [smem:$0x3FC0];
	(tm) =	ssettm $0x1  }
0x91: {  	s18 =	sld [smem:$0x3FFB];
	_ =	sdelay $0x3  }
0x92: {  	_ =	strace s18  }
0x93: {  	s3 =	sld [smem:$0x3FFC];
	_ =	sdelay $0x3  }
0x94: {  	_ =	strace s3  }
0x95: {  	s3 =	sld [smem:$0x3FFD];
	_ =	sdelay $0x3  }
0x96: {  	_ =	strace s3  }
0x97: {  	_ =	strace $0x8FFFFFFF  }
0x98: {  	s19 =	sld [smem:$0x3FDB];
	_ =	sdelay $0x1  }
0x99: {  	s4 =	simm.s32 $_scs_section_size  }
0x9a: {  	s5 =	simm.s32 $_size__tile_overlayer_lowered;
	s6 =	simm.s32 $_tile_overlayer_lowered  }
0x9b: {  	s22 =	simm.s32 $0x1BFF;
	s21 =	sshll.u32 s6, $0x1;
	s3 =	sadd.s32 s4, s19  }
0x9c: {  	s7 =	simm.s32 $0x0;
	s20 =	sshll.u32 s5, $0x1;
	s5 =	sadd.s32 s21, s3  }
0x9d: {  	[timem:s7], [sflag:s22] =	dma.local [hbm:s5], s20  }
0x9e: {  	_ =	swait.ge [sflag:s22], s20  }
0x9f: {  	s4 =	ssub.s32 $0x0, s20;
	[sflag:s22] =	ssyncset.done $0x0  }
0xa0: {  	[sflag:s22] =	ssyncadd.s32 s4;
	_ =	sdelay $0x1  }
0xa1: {  	s23 =	simm.s32 $0x1B8B  }
0xa2: {  	_ =	swait.ge [sflag:s23], $0x1  }
0xa3: {  	[sflag:s23] =	ssyncset.done $0x0  }
0xa4: {  	s25 =	simm.s32 $0x1B8E;
	s24 =	sld [smem:$0x3FFE];
	[sflag:s23] =	ssyncadd.s32 $0xFFFFFFFF  }
0xa5: {  	s26 =	simm.s32 $execute0_lowered;
	[smem:$0x3FD2] =	sst s25  }
0xa6: {  	s5 =	sshll.u32 s26, $0x1;
	_ =	strace $0x80000052;
	[dreg:$0x1] =	wrdreg $0xFFFFFFFF  }
0xa7: {  	s28 =	simm.s32 $_size_execute0_lowered;
	s3 =	sadd.s32 s3, s5;
	[dreg:$0x0] =	wrdreg $0x0  }
0xa8: {  	s5 =	sshll.u32 s28, $0x1;
	[dreg:$0x2] =	wrdreg s3  }
0xa9: {  	[dreg:$0x3] =	wrdreg s5  }
0xaa: {  	[dreg:$0x4] =	wrdreg $0xC0  }
0xab: {  	_ =	task [dreg:s7], $0x5FFFF  }
0xac: {  	[dreg:$0x1] =	wrdreg $0xFFFFFFFF  }
0xad: {  	[dreg:$0x0] =	wrdreg $0x60  }
0xae: {  	[dreg:$0x2] =	wrdreg s24  }
0xaf: {  	[dreg:$0x3] =	wrdreg s2  }
0xb0: {  	[dreg:$0x4] =	wrdreg $0x0  }
0xb1: {  	[dreg:$0x5] =	wrdreg $0x9  }
0xb2: {  	_ =	task.clear_ibuf [dreg:s7], $0x6FFFF;
	_ =	strace $0x90000052  }
0xb3: {  	s29 =	simm.s32 $0x9;
	_ =	strace $0x80000054  }
0xb4: {  	_ =	swait.ge [sflag:s29], $0x1  }
0xb5: {  	[sflag:s29] =	ssyncadd.s32 $0xFFFFFFFF  }
0xb6: {  	_ =	strace $0x90000054  }
0xb7: {  	_ =	sfence  }
0xb8: {  	s30 =	sld [smem:$0x0];
	_ =	sdelay $0x2  }
0xb9: {  	s31 =	sshll.u32 s1, $0xD;
	s1 =	sshrl.u32 s1, $0x2  }
0xba: {  	s3 =	sand.u32 $0x4000, s31;
	s1 =	sadd.s32 s1, s30  }
0xbb: {  	s0 =	sor.u32 s3, s0;
	s1 =	sshll.u32 s1, $0x11  }
0xbc: {  	s0 =	sor.u32 s1, s0  }
0xbd: {  	s0 =	sadd.s32 $0x8F2B, s0  }
0xbe: {  	[sflag:s0] =	ssyncadd.remote.s32 $0x1  }
0xbf: {  	_ =	sfence.sel $0xFFFF  }
0xc0: {  	[dreg:$0x0] =	wrdreg $0xFFFFFFFF;
	(pc) =	sbr.abs _section_cstart, $3  }
0xc1: {  	[dreg:$0x1] =	wrdreg $0xFFFFFFFF  }
0xc2: {  	_ =	task.clear_ibuf [dreg:s7], $0x2FFFF;
	_ =	strace $0x9FFFFFFF  }
0xc3: {  	(tm) =	ssettm $0x7FFFFFFF  }
tec
execute0_lowered:
.L_overlay_start_1:
0x0: {  	(tag) =	ssettag $0x1  }
0x1: {  	s0 =	rddreg [dreg:$0x0];
	s1 =	srdreg.scid  }
0x2: {  	s3 =	rddreg [dreg:$0x2];
	s10 =	stileid.u32  }
0x3: {  	s4 =	simm.s32 $0x0;
	v0 =	vimm.s32 $0xEFCDAB89;
	s16 =	simm.s32 $0x18A80;
	s17 =	simm.s32 $0x1  }
0x4: {  	v1 =	vimm.s32 $0x67452301;
	s19 =	simm.s32 $0x13880;
	s20 =	simm.s32 $0x13980;
	s21 =	simm.s32 $0x13900  }
0x5: {  	v2 =	vimm.s32 $0xDCFE98BA;
	v3 =	vimm.s32 $0xBA98FEDC;
	s22 =	simm.s32 $0x16180;
	s23 =	simm.s32 $0x18980;
	s24 =	simm.s32 $0x0  }
0x6: {  	v4 =	vimm.s32 $0xFEDCBA98;
	s25 =	simm.s32 $0x0;
	s1 =	sand.u32 $0x1, s1;
	s6 =	smul.u32 $0x13800, s10;
	v0 =	vunpack.c.l.s4.s8 v0;
	v1 =	vunpack.c.l.s4.s8 v1  }
0x7: {  	v5 =	vimm.s32 $0x32107654;
	[smem:$0x7FF] =	sst s4;
	s5 =	sadd.s32 $0x26000, s0;
	s7 =	sadd.s32 $0x6C00, s0  }
0x8: {  	v6 =	vimm.s32 $0x76543210;
	s8 =	sadd.s32 $0x74400, s0;
	s11 =	smul.u32 $0x4E000, s10;
	p0 =	seq.s32 s10, $0xF;
	v0 =	vunpack.c.0.s8.s32 v0;
	v1 =	vunpack.c.0.s8.s32 v1  }
0x9: {  	v4 =	vunpack.c.l.s4.s8 v4;
	v3 =	vunpack.c.l.s4.s8 v3;
	v5 =	vunpack.c.l.s4.s8 v5;
	s2 =	smul.u32 $0x138800, s1;
	s31 =	ssub.s32 $0x2, s1;
	s1 =	sshll.u32 s1, $0x4  }
0xa: {  	_ =	strace $0x80000053;
	s9 =	sshrl.u32 s31, $0x1;
	s1 =	sor.u32 s10, s1;
	v0 =	vcombine.low v1, v0;
	v1 =	vunpack.c.l.s4.s8 v2;
	v2 =	vimm.s32 $0x54761032  }
0xb: {  	v6 =	vunpack.c.l.s4.s8 v6;
	s10 =	simm.s32 $0x50;
	s11 =	sshrl.u32 s11, $0x2;
	s2 =	sadd.s32 s6, s2;
	v2 =	vunpack.c.l.s4.s8 v2  }
0xc: {  	v4 =	vunpack.c.0.s8.s32 v4;
	v3 =	vunpack.c.0.s8.s32 v3;
	v5 =	vunpack.c.0.s8.s32 v5;
	s6 =	sadd.s32 $0x4D200, s0;
	s10 =	simm.s32 @!p0 $0x4E;
	s2 =	sshrl.u32 s2, $0x3  }
0xd: {  	v6 =	vunpack.c.0.s8.s32 v6;
	s12 =	smul.u32 $0x2710, s1;
	s2 =	sadd.s32 s2, s0;
	s0 =	ssub.s32 s31, s9;
	v1 =	vunpack.c.0.s8.s32 v1;
	v2 =	vunpack.c.0.s8.s32 v2  }
0xe: {  	s11 =	sadd.s32 s11, s3;
	s13 =	smul.u32 $0x7D00, s1;
	v7 =	vand.u32 $0xF, v4;
	v3 =	vcombine.low v5, v3;
	v4 =	vlaneseq.u32;
	s0 =	smax.u32 s0, $0x1  }
0xf: {  	s9 =	simm.s32 $0x50;
	v5 =	vcombine.low v7, v6;
	s15 =	sadd.s32 $0x7E200, s2;
	[dreg:$0x4] =	wrdreg s0;
	v1 =	vcombine.low v2, v1;
	v2 =	vimm.f32 $0.0e+00  }
.LBB2_1:
0x10: {  	[tilespmem:$0x18A80] =	vst v2  }
0x11: {  	[tilespmem:$0x18A90] =	vst v2  }
0x12: {  	[tilespmem:$0x18AA0] =	vst v2  }
0x13: {  	[tilespmem:$0x18AB0] =	vst v2  }
0x14: {  	[tilespmem:$0x18AC0] =	vst v2  }
0x15: {  	[tilespmem:$0x18AD0] =	vst v2  }
0x16: {  	[tilespmem:$0x18AE0] =	vst v2  }
0x17: {  	[tilespmem:$0x18AF0] =	vst v2  }
0x18: {  	[tilespmem:$0x18B00] =	vst v2  }
0x19: {  	[tilespmem:$0x18B10] =	vst v2  }
0x1a: {  	[tilespmem:$0x18B20] =	vst v2  }
0x1b: {  	[tilespmem:$0x18B30] =	vst v2  }
0x1c: {  	[tilespmem:$0x18B40] =	vst v2  }
0x1d: {  	[tilespmem:$0x18B50] =	vst v2  }
0x1e: {  	[tilespmem:$0x18B60] =	vst v2  }
0x1f: {  	[tilespmem:$0x18B70] =	vst v2  }
0x20: {  	[tilespmem:$0x18B80] =	vst v2  }
0x21: {  	[tilespmem:$0x18B90] =	vst v2  }
0x22: {  	[tilespmem:$0x18BA0] =	vst v2  }
0x23: {  	[tilespmem:$0x18BB0] =	vst v2  }
0x24: {  	[tilespmem:$0x18BC0] =	vst v2  }
0x25: {  	[tilespmem:$0x18BD0] =	vst v2  }
0x26: {  	[tilespmem:$0x18BE0] =	vst v2  }
0x27: {  	[tilespmem:$0x18BF0] =	vst v2  }
0x28: {  	[tilespmem:$0x18C00] =	vst v2  }
0x29: {  	[tilespmem:$0x18C10] =	vst v2  }
0x2a: {  	[tilespmem:$0x18C20] =	vst v2  }
0x2b: {  	[tilespmem:$0x18C30] =	vst v2  }
0x2c: {  	[tilespmem:$0x18C40] =	vst v2  }
0x2d: {  	[tilespmem:$0x18C50] =	vst v2  }
0x2e: {  	[tilespmem:$0x18C60] =	vst v2  }
0x2f: {  	[tilespmem:$0x18C70] =	vst v2  }
0x30: {  	[tilespmem:$0x18C80] =	vst v2  }
0x31: {  	[tilespmem:$0x18C90] =	vst v2  }
0x32: {  	[tilespmem:$0x18CA0] =	vst v2  }
0x33: {  	[tilespmem:$0x18CB0] =	vst v2  }
0x34: {  	[tilespmem:$0x18CC0] =	vst v2  }
0x35: {  	[tilespmem:$0x18CD0] =	vst v2  }
0x36: {  	[tilespmem:$0x18CE0] =	vst v2  }
0x37: {  	[tilespmem:$0x18CF0] =	vst v2  }
0x38: {  	[tilespmem:$0x18D00] =	vst v2  }
0x39: {  	[tilespmem:$0x18D10] =	vst v2  }
0x3a: {  	[tilespmem:$0x18D20] =	vst v2  }
0x3b: {  	[tilespmem:$0x18D30] =	vst v2  }
0x3c: {  	[tilespmem:$0x18D40] =	vst v2  }
0x3d: {  	[tilespmem:$0x18D50] =	vst v2  }
0x3e: {  	[tilespmem:$0x18D60] =	vst v2  }
0x3f: {  	[tilespmem:$0x18D70] =	vst v2  }
0x40: {  	[tilespmem:$0x18D80] =	vst v2  }
0x41: {  	[tilespmem:$0x18D90] =	vst v2  }
0x42: {  	[tilespmem:$0x18DA0] =	vst v2  }
0x43: {  	[tilespmem:$0x18DB0] =	vst v2  }
0x44: {  	[tilespmem:$0x18DC0] =	vst v2  }
0x45: {  	[tilespmem:$0x18DD0] =	vst v2  }
0x46: {  	[tilespmem:$0x18DE0] =	vst v2  }
0x47: {  	[tilespmem:$0x18DF0] =	vst v2  }
0x48: {  	[tilespmem:$0x18E00] =	vst v2  }
0x49: {  	[tilespmem:$0x18E10] =	vst v2  }
0x4a: {  	[tilespmem:$0x18E20] =	vst v2  }
0x4b: {  	[tilespmem:$0x18E30] =	vst v2  }
0x4c: {  	[tilespmem:$0x18E40] =	vst v2  }
0x4d: {  	[tilespmem:$0x18E50] =	vst v2;
	p0 =	sne.s32 s10, $0x1  }
.Ltmp0:
0x4e: {  	[tilespmem:$0x18E60] =	vst v2;
	(pc) =	sbr.rel @!p0 .LBB2_3-.Ltmp0, $4  }
0x4f: {  	[tilespmem:$0x18E70] =	vst v2  }
0x50: {  	[spmem:s11] =	stream.linear.scatter [tilespmem:s16], [sflag:$0x1], $0x400, $0x38;
	[tilespmem:$0x18E80] =	vst v63  }
0x51: {  	_ =	swait.ge [sflag:s17], $0x400  }
0x52: {  	s0 =	sadd.s32 $0xFFFFFFFF, s10;
	s1 =	smov.u32 s11;
	[sflag:s17] =	ssyncset.done $0x0  }
.LBB2_2:
0x53: {  	p1 =	sne.s32 s0, $0x1;
	[sflag:s17] =	ssyncadd.s32 $0xFFFFFC00;
	s1 =	sadd.s32 $0x400, s1  }
.Ltmp1:
0x54: {  	s0 =	sadd.s32 $0xFFFFFFFF, s0;
	(pc) =	sbr.rel @p1 .LBB2_2-.Ltmp1, $4  }
0x55: {  	_ = 	snop  }
0x56: {  	[spmem:s1] =	stream.linear.scatter [tilespmem:s16], [sflag:$0x1], $0x400, $0x38;
	[tilespmem:$0x18E80] =	vst v63  }
0x57: {  	_ =	swait.ge [sflag:s17], $0x400  }
0x58: {  	[sflag:s17] =	ssyncset.done $0x0  }
.LBB2_3:
0x59: {  	[sflag:s17] =	ssyncadd.s32 $0xFFFFFC00  }
0x5a: {  	[bflag:$0x0] =	sbarrier.arrive $0xFFFF  }
0x5b: {  	s1 =	simm.s32 $0x18A00;
	s0 =	rddreg [dreg:$0x1]  }
0x5c: {  	[tilespmem:s1], [sflag:$0x1] =	stream.linear.gather [hbm4b:s0+s25], $0x80, $0x38;
	[tilespmem:$0x18E80] =	vst v63  }
0x5d: {  	_ =	swait.ge [sflag:s17], $0x80  }
0x5e: {  	[sflag:s17] =	ssyncset.done $0x0  }
0x5f: {  	[sflag:s17] =	ssyncadd.s32 $0xFFFFFF80  }
0x60: {  	v6 =	vld [tilespmem:$0x18A00]  }
0x61: {  	v7 =	vld [tilespmem:$0x18A10]  }
0x62: {  	v8 =	vld [tilespmem:$0x18A20]  }
0x63: {  	v10 =	vld [tilespmem:$0x18A40]  }
0x64: {  	v9 =	vld [tilespmem:$0x18A30]  }
0x65: {  	v11 =	vld [tilespmem:$0x18A50]  }
0x66: {  	v12 =	vld [tilespmem:$0x18A60]  }
0x67: {  	s26 =	simm.s32 $0x0;
	v13 =	vld [tilespmem:$0x18A70]  }
.LBB2_4:
0x68: {  	s0 =	sshll.u32 s26, $0x8  }
0x69: {  	s0 =	sadd.s32 s13, s0  }
0x6a: {  	s0 =	sshrl.u32 s0, $0x3  }
0x6b: {  	s0 =	sadd.s32 s7, s0  }
0x6c: {  	[tilespmem:s19], [sflag:$0x1] =	stream.linear.gather [hbm4b:s0+s25], $0x100, $0x38;
	[tilespmem:$0x18E80] =	vst v63  }
0x6d: {  	_ =	swait.ge [sflag:s17], $0x100  }
0x6e: {  	[sflag:s17] =	ssyncset.done $0x0  }
0x6f: {  	[sflag:s17] =	ssyncadd.s32 $0xFFFFFF00  }
0x70: {  	[tilespmem:s20], [sflag:$0x1] =	stream.indirect.gather [hbm4b:s5+s9], $0x80, s19, s9, $0xb8;
	[tilespmem:$0x18E80] =	vst v63  }
0x71: {  	_ =	swait.ge [sflag:s17], $0x2800  }
0x72: {  	[sflag:s17] =	ssyncset.done $0x0  }
0x73: {  	[sflag:s17] =	ssyncadd.s32 $0xFFFFD800  }
0x74: {  	[tilespmem:s22], [sflag:$0x1] =	stream.indirect.gather [hbm4b:s6+s9], $0x80, s21, s9, $0xb8;
	[tilespmem:$0x18E80] =	vst v63  }
0x75: {  	_ =	swait.ge [sflag:s17], $0x2800  }
0x76: {  	s28 =	simm.s32 $0x139C0;
	[sflag:s17] =	ssyncset.done $0x0  }
0x77: {  	s29 =	simm.s32 $0x161C0;
	s30 =	simm.s32 $0x0;
	[sflag:s17] =	ssyncadd.s32 $0xFFFFD800  }
.LBB2_5:
0x78: {  	v14 =	vld [tilespmem:s28+$0xFFFFFFC0]  }
0x79: {  	v15 =	vld [tilespmem:s29+$0xFFFFFFC0]  }
0x7a: {  	v16 =	vld [tilespmem:s28+$0xFFFFFFD0]  }
0x7b: {  	v17 =	vld [tilespmem:s29+$0xFFFFFFD0]  }
0x7c: {  	v18 =	vld [tilespmem:s28+$0xFFFFFFE0]  }
0x7d: {  	v19 =	vld [tilespmem:s29+$0xFFFFFFE0]  }
0x7e: {  	v20 =	vld [tilespmem:s28+$0xFFFFFFF0];
	v14 =	vadd.f32 v15, v14  }
0x7f: {  	v15 =	vld [tilespmem:s29+$0xFFFFFFF0]  }
0x80: {  	v22 =	vld [tilespmem:s29+$0x0];
	v16 =	vadd.f32 v17, v16;
	v21 =	vmul.f32 $2.000000030e-01, v14  }
0x81: {  	v17 =	vld [tilespmem:s28+$0x0]  }
0x82: {  	v23 =	vld [tilespmem:s29+$0x10];
	v18 =	vadd.f32 v19, v18;
	v14 =	vmax.f32 v14, v21;
	v21 =	vmul.f32 $2.000000030e-01, v16  }
0x83: {  	v19 =	vld [tilespmem:s28+$0x10];
	v14 =	vmul.f32 v14, v6  }
0x84: {  	v24 =	vld [tilespmem:s29+$0x20];
	v15 =	vadd.f32 v15, v20;
	v16 =	vmax.f32 v16, v21;
	v21 =	vmul.f32 $2.000000030e-01, v18  }
0x85: {  	v20 =	vld [tilespmem:s28+$0x20];
	v14 =	vadd.f32 $0.0e+00, v14;
	v16 =	vmul.f32 v16, v7  }
0x86: {  	v25 =	vld [tilespmem:s29+$0x30];
	v17 =	vadd.f32 v22, v17;
	v18 =	vmax.f32 v18, v21;
	v21 =	vmul.f32 $2.000000030e-01, v15  }
0x87: {  	s0 =	sadd.s32 $0x80, s28;
	v22 =	vld [tilespmem:s28+$0x30];
	v14 =	vadd.f32 v16, v14;
	v16 =	vmul.f32 v18, v8  }
0x88: {  	v18 =	vadd.f32 v23, v19;
	v19 =	vld [tilespmem:s0+$0xFFFFFFD0];
	v15 =	vmax.f32 v15, v21;
	v21 =	vmul.f32 $2.000000030e-01, v17  }
0x89: {  	s1 =	sadd.s32 $0x80, s29;
	v23 =	vld [tilespmem:s0+$0xFFFFFFC0];
	v14 =	vadd.f32 v16, v14;
	v15 =	vmul.f32 v15, v9  }
0x8a: {  	v16 =	vadd.f32 v24, v20;
	v20 =	vld [tilespmem:s1+$0xFFFFFFC0];
	v17 =	vmax.f32 v17, v21;
	v21 =	vmul.f32 $2.000000030e-01, v18  }
0x8b: {  	v24 =	vld [tilespmem:s1+$0xFFFFFFD0];
	v14 =	vadd.f32 v15, v14;
	v15 =	vmul.f32 v17, v10  }
0x8c: {  	v17 =	vadd.f32 v25, v22;
	v22 =	vld [tilespmem:s0+$0xFFFFFFE0];
	v18 =	vmax.f32 v18, v21;
	v21 =	vmul.f32 $2.000000030e-01, v16  }
0x8d: {  	v25 =	vld [tilespmem:s1+$0xFFFFFFE0];
	v14 =	vadd.f32 v15, v14;
	v15 =	vmul.f32 v18, v11  }
0x8e: {  	v18 =	vld [tilespmem:s0+$0xFFFFFFF0];
	v16 =	vmax.f32 v16, v21;
	v21 =	vmul.f32 $2.000000030e-01, v17  }
0x8f: {  	v20 =	vadd.f32 v20, v23;
	v23 =	vld [tilespmem:s1+$0xFFFFFFF0];
	v14 =	vadd.f32 v15, v14;
	v15 =	vmul.f32 v16, v12  }
0x90: {  	v16 =	vadd.f32 v24, v19;
	v19 =	vld [tilespmem:s0+$0x0];
	v17 =	vmax.f32 v17, v21  }
0x91: {  	v24 =	vld [tilespmem:s1+$0x0];
	v21 =	vmul.f32 $2.000000030e-01, v20;
	v14 =	vadd.f32 v15, v14;
	v15 =	vmul.f32 v17, v13  }
0x92: {  	v22 =	vadd.f32 v25, v22;
	v25 =	vld [tilespmem:s0+$0x10]  }
0x93: {  	v17 =	vmax.f32 v20, v21;
	v20 =	vmul.f32 $2.000000030e-01, v16;
	v21 =	vld [tilespmem:s1+$0x10];
	v15 =	vadd.f32 v15, v14  }
0x94: {  	v26 =	vld [tilespmem:s0+$0x20];
	v14 =	vimm.f32 $0.0e+00;
	v17 =	vmul.f32 v17, v6;
	v23 =	vadd.f32 v23, v18  }
0x95: {  	v27 =	vld [tilespmem:s1+$0x20];
	v18 =	vmul.f32 $2.000000030e-01, v22;
	v16 =	vmax.f32 v16, v20;
	v20 =	vperm.xlane v15, v0  }
0x96: {  	v29 =	vadd.f32 v24, v19;
	v28 =	vadd.f32 $0.0e+00, v17;
	v16 =	vmul.f32 v16, v7;
	v17 =	vld [tilespmem:s0+$0x30]  }
0x97: {  	v18 =	vmax.f32 v22, v18;
	v22 =	vmul.f32 $2.000000030e-01, v23;
	v15 =	vadd.f32 v15, v20;
	v20 =	vld [tilespmem:s1+$0x30]  }
0x98: {  	s18 =	sadd.s32 $0x80, s0;
	v24 =	vmul.f32 v18, v8;
	v16 =	vadd.f32 v16, v28;
	v19 =	vadd.f32 v21, v25  }
0x99: {  	v18 =	vld [tilespmem:s18+$0xFFFFFFD0];
	v22 =	vmax.f32 v23, v22;
	v25 =	vmul.f32 $2.000000030e-01, v29;
	v63 =	vperm.xlane v15, v1  }
0x9a: {  	s2 =	simm.s32 $0x1;
	v21 =	vld [tilespmem:s18+$0xFFFFFFC0];
	s1 =	sadd.s32 $0x80, s1;
	v23 =	vadd.f32 v24, v16;
	v24 =	vmul.f32 v22, v9;
	v16 =	vadd.f32 v27, v26  }
0x9b: {  	s31 =	simm.s32 $0x2;
	s14 =	simm.s32 $0x3;
	s0 =	simm.s32 $0x0;
	v22 =	vld [tilespmem:s1+$0xFFFFFFC0];
	v26 =	vmax.f32 v29, v25;
	v25 =	vmul.f32 $2.000000030e-01, v19;
	v15 =	vadd.f32 v15, v63  }
.LBB2_6:
0x9c: {  	p1 =	sne.s32 s14, $0xF;
	v27 =	vld [tilespmem:s1+$0xFFFFFFD0];
	v23 =	vadd.f32 v24, v23;
	v24 =	vmul.f32 v26, v10;
	v17 =	vadd.f32 v20, v17  }
0x9d: {  	v20 =	vld [tilespmem:s18+$0xFFFFFFE0];
	v19 =	vmax.f32 v19, v25;
	v25 =	vmul.f32 $2.000000030e-01, v16;
	v26 =	vperm.xlane v15, v3  }
0x9e: {  	v28 =	vld [tilespmem:s1+$0xFFFFFFE0];
	v23 =	vadd.f32 v24, v23;
	v19 =	vmul.f32 v19, v11;
	v24 =	vmov s0;
	s0 =	smov.u32 s2;
	s2 =	smov.u32 s31;
	s31 =	smov.u32 s14  }
0x9f: {  	v29 =	vld [tilespmem:s18+$0xFFFFFFF0];
	v16 =	vmax.f32 v16, v25;
	v25 =	vmul.f32 $2.000000030e-01, v17;
	v15 =	vadd.f32 v15, v26  }
0xa0: {  	v21 =	vadd.f32 v22, v21;
	v22 =	vld [tilespmem:s1+$0xFFFFFFF0];
	v19 =	vadd.f32 v19, v23;
	v16 =	vmul.f32 v16, v12  }
0xa1: {  	v18 =	vadd.f32 v27, v18;
	v23 =	vld [tilespmem:s18+$0x0];
	v17 =	vmax.f32 v17, v25;
	v25 =	vperm.xlane v15, v5  }
0xa2: {  	v26 =	vmul.f32 $2.000000030e-01, v21;
	v27 =	vld [tilespmem:s1+$0x0];
	v16 =	vadd.f32 v16, v19;
	v17 =	vmul.f32 v17, v13  }
0xa3: {  	vm0 =	veq.s32 v24, v4;
	v19 =	vadd.f32 v28, v20;
	v28 =	vld [tilespmem:s18+$0x10];
	v15 =	vadd.f32 v15, v25  }
0xa4: {  	v20 =	vmax.f32 v21, v26;
	v21 =	vmul.f32 $2.000000030e-01, v18;
	v24 =	vld [tilespmem:s1+$0x10];
	v16 =	vadd.f32 v17, v16  }
0xa5: {  	v17 =	vmul.f32 v20, v6;
	v22 =	vadd.f32 v22, v29;
	v25 =	vld [tilespmem:s18+$0x20];
	v14 =	vsel vm0, v15, v14  }
0xa6: {  	v15 =	vmax.f32 v18, v21;
	v18 =	vmul.f32 $2.000000030e-01, v19;
	v26 =	vld [tilespmem:s1+$0x20];
	v21 =	vperm.xlane v16, v0  }
0xa7: {  	v29 =	vadd.f32 $0.0e+00, v17;
	v15 =	vmul.f32 v15, v7;
	v27 =	vadd.f32 v27, v23;
	v17 =	vld [tilespmem:s18+$0x30]  }
.Ltmp2:
0xa8: {  	v23 =	vmul.f32 $2.000000030e-01, v22;
	v18 =	vmax.f32 v19, v18;
	v20 =	vld [tilespmem:s1+$0x30];
	v30 =	vadd.f32 v16, v21;
	(pc) =	sbr.rel @p1 .LBB2_6-.Ltmp2, $4  }
0xa9: {  	s18 =	sadd.s32 $0x80, s18;
	v15 =	vadd.f32 v15, v29;
	v16 =	vmul.f32 v18, v8;
	v19 =	vadd.f32 v24, v28  }
0xaa: {  	v22 =	vmax.f32 v22, v23;
	v28 =	vmul.f32 $2.000000030e-01, v27;
	v18 =	vld [tilespmem:s18+$0xFFFFFFD0];
	v29 =	vperm.xlane v30, v1  }
0xab: {  	s1 =	sadd.s32 $0x80, s1;
	v24 =	vmul.f32 v22, v9;
	v21 =	vld [tilespmem:s18+$0xFFFFFFC0];
	v23 =	vadd.f32 v16, v15;
	v16 =	vadd.f32 v26, v25  }
0xac: {  	s14 =	sadd.s32 $0x1, s14;
	v26 =	vmax.f32 v27, v28;
	v25 =	vmul.f32 $2.000000030e-01, v19;
	v22 =	vld [tilespmem:s1+$0xFFFFFFC0];
	v15 =	vadd.f32 v30, v29  }
0xad: {  	_ = 	snop  }
0xae: {  	v27 =	vld [tilespmem:s1+$0xFFFFFFD0]  }
0xaf: {  	v28 =	vld [tilespmem:s18+$0xFFFFFFE0]  }
0xb0: {  	v29 =	vld [tilespmem:s1+$0xFFFFFFE0]  }
0xb1: {  	v30 =	vld [tilespmem:s18+$0xFFFFFFF0];
	v21 =	vadd.f32 v22, v21  }
0xb2: {  	v22 =	vld [tilespmem:s1+$0xFFFFFFF0]  }
0xb3: {  	v46 =	vld [tilespmem:s18+$0x0];
	v18 =	vadd.f32 v27, v18;
	v31 =	vmul.f32 $2.000000030e-01, v21  }
0xb4: {  	v23 =	vadd.f32 v24, v23;
	v47 =	vmul.f32 v26, v10;
	v17 =	vadd.f32 v20, v17;
	v20 =	vld [tilespmem:s1+$0x0]  }
0xb5: {  	v49 =	vld [tilespmem:s18+$0x10];
	v48 =	vadd.f32 v29, v28;
	v50 =	vmul.f32 $2.000000030e-01, v18;
	v21 =	vmax.f32 v21, v31  }
0xb6: {  	v51 =	vmul.f32 $2.000000030e-01, v16;
	v52 =	vld [tilespmem:s1+$0x10];
	v19 =	vmax.f32 v19, v25;
	v21 =	vmul.f32 v21, v6  }
0xb7: {  	v53 =	vld [tilespmem:s18+$0x20];
	v54 =	vmul.f32 $2.000000030e-01, v48;
	v22 =	vadd.f32 v22, v30;
	v18 =	vmax.f32 v18, v50  }
0xb8: {  	v55 =	vld [tilespmem:s1+$0x20];
	v23 =	vadd.f32 v47, v23;
	v18 =	vmul.f32 v18, v7;
	v21 =	vadd.f32 $0.0e+00, v21  }
0xb9: {  	v56 =	vld [tilespmem:s18+$0x30];
	v20 =	vadd.f32 v20, v46;
	v26 =	vmax.f32 v48, v54;
	v57 =	vmul.f32 $2.000000030e-01, v22  }
0xba: {  	v16 =	vmax.f32 v16, v51;
	v58 =	vmul.f32 v26, v8;
	v18 =	vadd.f32 v18, v21;
	v21 =	vld [tilespmem:s1+$0x30]  }
0xbb: {  	v59 =	vadd.f32 v52, v49;
	v60 =	vmul.f32 $2.000000030e-01, v20;
	v22 =	vmax.f32 v22, v57  }
0xbc: {  	v19 =	vmul.f32 v19, v11;
	v22 =	vmul.f32 v22, v9;
	v18 =	vadd.f32 v58, v18  }
0xbd: {  	v24 =	vadd.f32 v55, v53;
	v61 =	vmul.f32 $2.000000030e-01, v59;
	v20 =	vmax.f32 v20, v60  }
0xbe: {  	v62 =	vmul.f32 $2.000000030e-01, v17;
	v20 =	vmul.f32 v20, v10;
	v18 =	vadd.f32 v22, v18  }
0xbf: {  	v63 =	vmul.f32 $2.000000030e-01, v24;
	v22 =	vmax.f32 v59, v61;
	v21 =	vadd.f32 v21, v56  }
0xc0: {  	v16 =	vmul.f32 v16, v12;
	v18 =	vadd.f32 v20, v18;
	v20 =	vmul.f32 v22, v11  }
0xc1: {  	v19 =	vadd.f32 v19, v23;
	v22 =	vmax.f32 v24, v63;
	v23 =	vmul.f32 $2.000000030e-01, v21  }
0xc2: {  	v17 =	vmax.f32 v17, v62;
	v18 =	vadd.f32 v20, v18;
	v20 =	vmul.f32 v22, v12  }
0xc3: {  	v17 =	vmul.f32 v17, v13;
	v16 =	vadd.f32 v16, v19;
	v19 =	vmax.f32 v21, v23  }
0xc4: {  	v18 =	vadd.f32 v20, v18;
	v19 =	vmul.f32 v19, v13  }
0xc5: {  	v16 =	vadd.f32 v17, v16  }
0xc6: {  	v17 =	vadd.f32 v19, v18  }
0xc7: {  	v18 =	vperm.xlane v16, v0  }
0xc8: {  	v19 =	vperm.xlane v17, v0  }
0xc9: {  	v16 =	vadd.f32 v16, v18  }
0xca: {  	v17 =	vadd.f32 v17, v19  }
0xcb: {  	v18 =	vperm.xlane v16, v1  }
0xcc: {  	v19 =	vperm.xlane v17, v1  }
0xcd: {  	v20 =	vperm.xlane v15, v3;
	v16 =	vadd.f32 v16, v18  }
0xce: {  	v17 =	vadd.f32 v17, v19  }
0xcf: {  	v15 =	vadd.f32 v15, v20;
	v18 =	vperm.xlane v16, v3  }
0xd0: {  	v19 =	vperm.xlane v17, v3  }
0xd1: {  	v20 =	vperm.xlane v15, v5;
	v16 =	vadd.f32 v16, v18  }
0xd2: {  	v17 =	vadd.f32 v17, v19  }
0xd3: {  	v15 =	vadd.f32 v15, v20;
	v18 =	vmov s0;
	v19 =	vperm.xlane v16, v5  }
0xd4: {  	vm0 =	veq.s32 v18, v4;
	v18 =	vperm.xlane v17, v5  }
0xd5: {  	v14 =	vsel vm0, v15, v14;
	v15 =	vmov s2;
	v16 =	vadd.f32 v16, v19  }
0xd6: {  	vm14 =	veq.s32 v15, v4;
	v15 =	vmov s31;
	v17 =	vadd.f32 v17, v18  }
0xd7: {  	vm15 =	veq.s32 v15, v4;
	v14 =	vsel vm14, v16, v14  }
0xd8: {  	v14 =	vsel vm15, v17, v14  }
0xd9: {  	v14 =	vmul.f32 $1.442695020e+00, v14;
	_ =	sdelay $0x1  }
0xda: {  	(erf) = vpow2.f32 v14;
	_ =	sdelay $0x8  }
0xdb: {  	s18 =	sshll.u32 s30, $0x4;
	v14 =	vpop (erf)  }
0xdc: {  	[tilespmem:s18+$0x18980] =	vst v14  }
0xdd: {  	v19 =	vld [tilespmem:s28+$0xFFFFFFC0]  }
0xde: {  	s31 =	simm.s32 $0x0;
	v21 =	vld [tilespmem:s28+$0xFFFFFFD0]  }
0xdf: {  	v15 =	vmov s31;
	v20 =	vld [tilespmem:s28+$0xFFFFFFE0]  }
0xe0: {  	v15 =	vperm.xlane v14, v15;
	v17 =	vld [tilespmem:s28+$0x0]  }
0xe1: {  	v18 =	vld [tilespmem:s28+$0x10]  }
0xe2: {  	v16 =	vld [tilespmem:s28+$0x20];
	v22 =	vmul.f32 v19, v15  }
0xe3: {  	s1 =	simm.s32 $0x1;
	s0 =	smov.u32 s28;
	s2 =	smov.u32 s28;
	v21 =	vmul.f32 v21, v15;
	v19 =	vld [tilespmem:s28+$0x30]  }
.LBB2_8:
0xe4: {  	p1 =	sne.s32 s1, $0xF;
	[tilespmem:s0+$0xFFFFFFC0] =	vst v22;
	v20 =	vmul.f32 v20, v15;
	v22 =	vld [tilespmem:s0+$0xFFFFFFF0];
	s2 =	sadd.s32 $0x80, s2  }
0xe5: {  	v23 =	vld [tilespmem:s2+$0xFFFFFFC0];
	[tilespmem:s0+$0xFFFFFFD0] =	vst v21;
	v17 =	vmul.f32 v17, v15  }
0xe6: {  	v21 =	vld [tilespmem:s2+$0xFFFFFFD0];
	[tilespmem:s0+$0xFFFFFFE0] =	vst v20;
	v18 =	vmul.f32 v18, v15  }
.Ltmp3:
0xe7: {  	v24 =	vmov s1;
	v20 =	vld [tilespmem:s2+$0xFFFFFFE0];
	[tilespmem:s0+$0x0] =	vst v17;
	v16 =	vmul.f32 v16, v15;
	(pc) =	sbr.rel @p1 .LBB2_8-.Ltmp3, $4  }
0xe8: {  	v24 =	vperm.xlane v14, v24;
	v17 =	vld [tilespmem:s2+$0x0];
	[tilespmem:s0+$0x10] =	vst v18;
	v19 =	vmul.f32 v19, v15  }
0xe9: {  	v18 =	vld [tilespmem:s2+$0x10];
	v25 =	vmul.f32 v22, v15;
	[tilespmem:s0+$0x20] =	vst v16  }
0xea: {  	v15 =	vmov v24;
	v22 =	vmul.f32 v23, v24;
	v16 =	vld [tilespmem:s2+$0x20];
	[tilespmem:s0+$0x30] =	vst v19  }
0xeb: {  	s1 =	sadd.s32 $0x1, s1;
	v21 =	vmul.f32 v21, v15;
	v19 =	vld [tilespmem:s2+$0x30];
	[tilespmem:s0+$0xFFFFFFF0] =	vst v25;
	s0 =	smov.u32 s2  }
0xec: {  	[tilespmem:s0+$0xFFFFFFC0] =	vst v22;
	v14 =	vmul.f32 v20, v15;
	v63 =	vld [tilespmem:s0+$0xFFFFFFF0]  }
0xed: {  	s30 =	sadd.s32 $0x1, s30;
	[tilespmem:s0+$0xFFFFFFD0] =	vst v21;
	v17 =	vmul.f32 v17, v15  }
0xee: {  	p1 =	sne.s32 s30, $0x5;
	[tilespmem:s0+$0xFFFFFFE0] =	vst v14;
	v14 =	vmul.f32 v18, v15  }
.Ltmp4:
0xef: {  	[tilespmem:s0+$0x0] =	vst v17;
	v16 =	vmul.f32 v16, v15;
	(pc) =	sbr.rel @p1 .LBB2_5-.Ltmp4, $4  }
0xf0: {  	[tilespmem:s0+$0x10] =	vst v14;
	v14 =	vmul.f32 v19, v15  }
0xf1: {  	v15 =	vmul.f32 v63, v15;
	[tilespmem:s0+$0x20] =	vst v16  }
0xf2: {  	[tilespmem:s0+$0x30] =	vst v14  }
0xf3: {  	s28 =	sadd.s32 $0x800, s28;
	s29 =	sadd.s32 $0x800, s29;
	[tilespmem:s0+$0xFFFFFFF0] =	vst v15  }
0xf4: {  	s0 =	smul.u32 $0x50, s26;
	_ =	sdelay $0x1  }
0xf5: {  	s0 =	sadd.s32 s12, s0  }
0xf6: {  	s0 =	sshrl.u32 s0, $0x3  }
0xf7: {  	s0 =	sadd.s32 s8, s0  }
0xf8: {  	[hbm4b:s0+s4] =	stream.linear.scatter [tilespmem:s23], [sflag:$0x1], $0x50, $0x38;
	[tilespmem:$0x18E80] =	vst v63  }
0xf9: {  	s26 =	sadd.s32 $0x1, s26;
	_ =	swait.ge [sflag:s17], $0x50  }
0xfa: {  	p1 =	sne.s32 s26, $0x7D;
	[sflag:s17] =	ssyncset.done $0x0  }
.Ltmp5:
0xfb: {  	[sflag:s17] =	ssyncadd.s32 $0xFFFFFFB0;
	(pc) =	sbr.rel @p1 .LBB2_4-.Ltmp5, $4  }
0xfc: {  	[spmem:s3] =	stream.indirect.scatter.add.f32 [tilespmem:s20], [sflag:$0x1], $0x80, s21, s9, $0xb8;
	[tilespmem:$0x18E80] =	vst v63  }
0xfd: {  	_ =	swait.ge [sflag:s17], $0x2800  }
0xfe: {  	[sflag:s17] =	ssyncset.done $0x0  }
0xff: {  	[sflag:s17] =	ssyncadd.s32 $0xFFFFD800  }
.Ltmp6:
0x100: {  	s0 =	stileid.u32;
	(pc) =	sbr.rel @!p0 .LBB2_13-.Ltmp6, $4  }
0x101: {  	[bflag:$0x0] =	sbarrier.arrive $0xFFFF;
	s0 =	sshll.u32 s0, $0x6  }
0x102: {  	s1 =	sshrl.u32 s11, $0x3;
	s2 =	sadd.s32 $0x80, s15;
	s0 =	sor.u32 $0x1C01, s0  }
0x103: {  	[hbm:s15], [sflag:s0] =	dma.local [spmem:s1], $0x80  }
0x104: {  	s14 =	smov.u32 s11;
	s1 =	sadd.s32 $0xFFFFFFFF, s10;
	_ =	swait.ge [sflag:s17], $0x80  }
.LBB2_12:
0x105: {  	[sflag:s17] =	ssyncset.done $0x0;
	s14 =	sadd.s32 $0x400, s14;
	p0 =	sne.s32 s1, $0x1  }
.Ltmp7:
0x106: {  	s18 =	sshrl.u32 s14, $0x3;
	[sflag:s17] =	ssyncadd.s32 $0xFFFFFF80;
	(pc) =	sbr.rel @p0 .LBB2_12-.Ltmp7, $3  }
0x107: {  	[hbm:s2], [sflag:s0] =	dma.local [spmem:s18], $0x80  }
0x108: {  	s1 =	sadd.s32 $0xFFFFFFFF, s1;
	_ =	sdelay $0x1  }
0x109: {  	s2 =	sadd.s32 $0x80, s2;
	_ =	swait.ge [sflag:s17], $0x80  }
.LBB2_13:
0x10a: {  	s24 =	sadd.s32 $0x1, s24;
	s0 =	rddreg [dreg:$0x4]  }
0x10b: {  	p0 =	sne.s32 s24, s0  }
.Ltmp8:
0x10c: {  	_ = 	snop;
	(pc) =	sbr.rel @p0 .LBB2_1-.Ltmp8, $3  }
0x10d: {  	_ =	sdelay $0x1  }
0x10e: {  	[sflag:s17] =	ssyncset.done $0x0  }
0x10f: {  	[sflag:s17] =	ssyncadd.s32 $0xFFFFFF80  }
0x110: {  	_ =	sfence.sel $0x180000  }
0x111: {  	[bflag:$0x0] =	sbarrier.arrive $0xFFFF  }
0x112: {  	_ =	strace $0x90000053  }
0x113: {  	s0 =	stileid.u32;
	[bflag:$0x2] =	sbarrier.arrive $0xFFFF  }
0x114: {  	p0 =	sne.s32 s0, $0x0;
	s0 =	rddreg [dreg:$0x3]  }
0x115: {  	s0 =	sadd.s32 @!p0 $0x100000, s0  }
0x116: {  	[sflag:s0] =	ssyncadd.tile.s32 @!p0 $0x1;
	_ =	shalt  }
.Lfunc_end2:
_tile_overlayer_lowered:
.L_overlay_start_2:
0x117: {  	(tag) =	ssettag $0x2  }
0x118: {  	s0 =	rddreg [dreg:$0x0];
	s2 =	stileid.u32  }
0x119: {  	s1 =	rddreg [dreg:$0x1];
	p0 =	sne.s32 s2, $0x0  }
0x11a: {  	s3 =	rddreg [dreg:$0x2];
	[bflag:$0x3] =	sbarrier.arrive $0xFFFF;
	s2 =	simm.s32 @!p0 $0x1C01  }
0x11b: {  	[timem:s3], [sflag:s2] =	dma.local @!p0 [hbm:s0], s1  }
0x11c: {  	s0 =	simm.s32 @!p0 $0x1  }
0x11d: {  	_ =	swait.ge @!p0 [sflag:s0], s1  }
0x11e: {  	s1 =	ssub.s32 @!p0 $0x0, s1;
	[sflag:s0] =	ssyncset.done @!p0 $0x0  }
0x11f: {  	[sflag:s0] =	ssyncadd.s32 @!p0 s1  }
0x120: {  	[bflag:$0x3] =	sbarrier.arrive $0xFFFF  }
0x121: {  	_ =	shalt  }

// kernel: kernel.27.cloned.1.call-start
scs
__scs_entry_jumppad:
0x0: {  	(pc) =	sbr.rel $0x88, $3  }
0x1: {  	(tag) =	ssettag $0x0;
	lr =	simm.s32 $0x1  }
0x2: {  	[smem:$0x3F94] =	sst lr;
	_ =	strace $0xD0000000  }
0x3: {  	_ = 	snop  }
0x4: {  	_ = 	snop  }
0x5: {  	_ = 	snop  }
0x6: {  	_ = 	snop  }
0x7: {  	_ = 	snop  }
__scs_overlays_trampoline_lowered:
0x8: {  	[smem:$0x3FA3] =	sst s0  }
0x9: {  	[smem:$0x3FA4] =	sst s1  }
0xa: {  	[smem:$0x3FA5] =	sst s2  }
0xb: {  	[smem:$0x3FA6] =	sst s3  }
0xc: {  	[smem:$0x3FA7] =	sst s4  }
0xd: {  	[smem:$0x3FA8] =	sst s5  }
0xe: {  	[smem:$0x3FA9] =	sst s6  }
0xf: {  	[smem:$0x3FAA] =	sst s7  }
0x10: {  	[smem:$0x3FAB] =	sst s8  }
0x11: {  	[smem:$0x3FAC] =	sst s9;
	s0 =	simm.s32 @!p0 $0x0  }
0x12: {  	s1 =	sld [smem:$0x3F92];
	s0 =	simm.s32 @p0 $0x1  }
0x13: {  	[smem:$0x3FAD] =	sst s0;
	s0 =	simm.s32 @!p1 $0x0  }
0x14: {  	s2 =	sld [smem:$0x3F91];
	s0 =	simm.s32 @p1 $0x1  }
0x15: {  	[smem:$0x3FAE] =	sst s0;
	s0 =	simm.s32 @!p2 $0x0  }
0x16: {  	s3 =	sld [smem:$0x3FDB];
	s0 =	simm.s32 @p2 $0x1  }
0x17: {  	s4 =	simm.s32 $0x1BF5;
	[smem:$0x3FB0] =	sst s0  }
0x18: {  	s0 =	sld [smem:$0x3F93];
	_ =	swait.ge [sflag:s4], $0x0  }
0x19: {  	s7 =	sld [smem:$0x3F94]  }
0x1a: {  	s8 =	sadd.s32 $0xFFFFE003, lr  }
0x1b: {  	s9 =	sadd.s32 $0xFFFFFEF7, lr;
	s5 =	simm.s32 $0xFFFFFFFF;
	p2 =	slt.u32 s8, $0xFFFFF086  }
0x1c: {  	p1 =	slt.u32 s9, $0xF7A;
	s5 =	simm.s32 @!p2 $0x0  }
0x1d: {  	s5 =	simm.s32 @p1 $0x1;
	p0 =	seq.s32 s7, s2  }
0x1e: {  	s7 =	smul.u32 @!p0 $0xF7A, s2;
	p2 =	seq.s32 @!p0 s5, $0x0  }
0x1f: {  	s9 =	smul.u32 $0xF7A, s1;
	s8 =	simm.s32 @!p0 $0x1BF5;
	p2 =	por !p2, p0  }
0x20: {  	[sflag:s8] =	ssyncset.s32 @!p0 $0xFFFFF086;
	s6 =	sadd.s32 @!p0 s3, s7;
	s7 =	simm.s32 @!p0 $0x108  }
0x21: {  	s3 =	sadd.s32 s3, s9;
	s6 =	sadd.s32 @!p0 $0x88, s6;
	s7 =	simm.s32 @p2 $0x1082  }
0x22: {  	[simem:s7], [sflag:s8] =	dma.local @!p0 [hbm:s6], $0xF7A  }
0x23: {  	s9 =	sor.u32 $0xD0000000, s2;
	s6 =	simm.s32 $0x108;
	_ =	swait.ge @!p0 [sflag:s8], $0x0  }
0x24: {  	s3 =	sadd.s32 $0x88, s3;
	s6 =	simm.s32 @!p1 $0x1082;
	[sflag:s4] =	ssyncset.s32 $0xFFFFF086  }
0x25: {  	[simem:s6], [sflag:s4] =	dma.local [hbm:s3], $0xF7A  }
0x26: {  	[smem:$0x3F94] =	sst s1;
	(tag) =	ssettag s2;
	_ =	strace s9  }
0x27: {  	s1 =	sld [smem:$0x3FA4]  }
0x28: {  	s2 =	sld [smem:$0x3FA5]  }
0x29: {  	s4 =	sld [smem:$0x3FA7]  }
0x2a: {  	p0 =	seq.s32 s5, $0x0;
	s5 =	sld [smem:$0x3FA8]  }
0x2b: {  	s6 =	sld [smem:$0x3FA9]  }
0x2c: {  	s7 =	sld [smem:$0x3FAA]  }
0x2d: {  	s3 =	simm.s32 $0x108;
	s8 =	sld [smem:$0x3FAB]  }
0x2e: {  	s3 =	simm.s32 @!p0 $0x1082;
	s9 =	sld [smem:$0x3FAC]  }
0x2f: {  	lr =	sadd.s32 s0, s3;
	s0 =	sld [smem:$0x3FA3]  }
0x30: {  	s3 =	sld [smem:$0x3FA6]  }
0x31: {  	[smem:$0x3FAF] =	sst s10  }
0x32: {  	s10 =	sld [smem:$0x3FAD];
	_ =	sdelay $0x3  }
0x33: {  	p0 =	seq.s32 s10, $0x1;
	s10 =	sld [smem:$0x3FAF];
	_ =	sdelay $0x3  }
0x34: {  	[smem:$0x3FAF] =	sst s10  }
0x35: {  	s10 =	sld [smem:$0x3FAE];
	_ =	sdelay $0x3  }
0x36: {  	p1 =	seq.s32 s10, $0x1;
	s10 =	sld [smem:$0x3FAF];
	_ =	sdelay $0x3  }
0x37: {  	[smem:$0x3FAF] =	sst s10  }
0x38: {  	s10 =	sld [smem:$0x3FB0]  }
0x39: {  	_ = 	snop;
	(pc) =	sbr.ind lr, $3  }
0x3a: {  	_ = 	snop  }
0x3b: {  	_ = 	snop  }
0x3c: {  	p2 =	seq.s32 s10, $0x1;
	s10 =	sld [smem:$0x3FAF]  }
0x3d: {  	_ =	shalt  }
0x3e: {  	_ =	shalt  }
0x3f: {  	_ =	shalt  }
0x40: {  	_ =	shalt  }
0x41: {  	_ =	shalt  }
0x42: {  	_ =	shalt  }
0x43: {  	_ =	shalt  }
0x44: {  	_ =	shalt  }
0x45: {  	_ =	shalt  }
0x46: {  	_ =	shalt  }
0x47: {  	_ =	shalt  }
0x48: {  	_ =	shalt  }
0x49: {  	_ =	shalt  }
0x4a: {  	_ =	shalt  }
0x4b: {  	_ =	shalt  }
0x4c: {  	_ =	shalt  }
0x4d: {  	_ =	shalt  }
0x4e: {  	_ =	shalt  }
0x4f: {  	_ =	shalt  }
0x50: {  	_ =	shalt  }
0x51: {  	_ =	shalt  }
0x52: {  	_ =	shalt  }
0x53: {  	_ =	shalt  }
0x54: {  	_ =	shalt  }
0x55: {  	_ =	shalt  }
0x56: {  	_ =	shalt  }
0x57: {  	_ =	shalt  }
0x58: {  	_ =	shalt  }
0x59: {  	_ =	shalt  }
0x5a: {  	_ =	shalt  }
0x5b: {  	_ =	shalt  }
0x5c: {  	_ =	shalt  }
0x5d: {  	_ =	shalt  }
0x5e: {  	_ =	shalt  }
0x5f: {  	_ =	shalt  }
0x60: {  	_ =	shalt  }
0x61: {  	_ =	shalt  }
0x62: {  	_ =	shalt  }
0x63: {  	_ =	shalt  }
0x64: {  	_ =	shalt  }
0x65: {  	_ =	shalt  }
0x66: {  	_ =	shalt  }
0x67: {  	_ =	shalt  }
0x68: {  	_ =	shalt  }
0x69: {  	_ =	shalt  }
0x6a: {  	_ =	shalt  }
0x6b: {  	_ =	shalt  }
0x6c: {  	_ =	shalt  }
0x6d: {  	_ =	shalt  }
0x6e: {  	_ =	shalt  }
0x6f: {  	_ =	shalt  }
0x70: {  	_ =	shalt  }
0x71: {  	_ =	shalt  }
0x72: {  	_ =	shalt  }
0x73: {  	_ =	shalt  }
0x74: {  	_ =	shalt  }
0x75: {  	_ =	shalt  }
0x76: {  	_ =	shalt  }
0x77: {  	_ =	shalt  }
0x78: {  	_ =	shalt  }
0x79: {  	_ =	shalt  }
0x7a: {  	_ =	shalt  }
0x7b: {  	_ =	shalt  }
0x7c: {  	_ =	shalt  }
0x7d: {  	_ =	shalt  }
0x7e: {  	_ =	shalt  }
0x7f: {  	_ =	shalt  }
0x80: {  	_ =	shalt  }
0x81: {  	_ =	shalt  }
0x82: {  	_ =	shalt  }
0x83: {  	_ =	shalt  }
0x84: {  	_ =	shalt  }
0x85: {  	_ =	shalt  }
0x86: {  	_ =	shalt  }
0x87: {  	_ =	shalt  }
.Lfunc_end0:
.L_simem_size_0:
called_computation.5_lowered:
.L_overlay_start_0:
0x88: {  	s2 =	sld [smem:$0x3FD9]  }
0x89: {  	s3 =	sld [smem:$0x3FFE];
	_ =	sdelay $0x1  }
0x8a: {  	s1 =	srdreg.scid  }
0x8b: {  	s0 =	sand.u32 $0x1, s1  }
0x8c: {  	s16 =	sshll.u32 s0, $0xA;
	s2 =	sadd.s32 s3, s2  }
0x8d: {  	s2 =	sadd.s32 s2, s16  }
0x8e: {  	[smem:$0x3FBB] =	sst s2  }
0x8f: {  	_ = 	snop  }
0x90: {  	(tm) =	ssettm $0x1  }
0x91: {  	s17 =	sld [smem:$0x3FFB];
	_ =	sdelay $0x3  }
0x92: {  	_ =	strace s17  }
0x93: {  	s2 =	sld [smem:$0x3FFC];
	_ =	sdelay $0x3  }
0x94: {  	_ =	strace s2  }
0x95: {  	s2 =	sld [smem:$0x3FFD];
	_ =	sdelay $0x3  }
0x96: {  	_ =	strace s2  }
0x97: {  	_ =	strace $0x8FFFFFFF  }
0x98: {  	s18 =	sld [smem:$0x3FDB];
	_ =	sdelay $0x1  }
0x99: {  	s19 =	simm.s32 $_scs_section_size  }
0x9a: {  	s4 =	simm.s32 $_size__tile_overlayer_lowered;
	s5 =	simm.s32 $_tile_overlayer_lowered  }
0x9b: {  	s22 =	simm.s32 $0x1BFF;
	s21 =	sshll.u32 s5, $0x1;
	s2 =	sadd.s32 s19, s18  }
0x9c: {  	s6 =	simm.s32 $0x0;
	s20 =	sshll.u32 s4, $0x1;
	s4 =	sadd.s32 s21, s2  }
0x9d: {  	[timem:s6], [sflag:s22] =	dma.local [hbm:s4], s20  }
0x9e: {  	_ =	swait.ge [sflag:s22], s20  }
0x9f: {  	s3 =	ssub.s32 $0x0, s20;
	[sflag:s22] =	ssyncset.done $0x0  }
0xa0: {  	[sflag:s22] =	ssyncadd.s32 s3;
	_ =	sdelay $0x1  }
0xa1: {  	s23 =	simm.s32 $0x1B8B  }
0xa2: {  	_ =	swait.ge [sflag:s23], $0x1  }
0xa3: {  	[sflag:s23] =	ssyncset.done $0x0  }
0xa4: {  	s25 =	simm.s32 $0x1B8E;
	s24 =	sld [smem:$0x3FFE];
	[sflag:s23] =	ssyncadd.s32 $0xFFFFFFFF  }
0xa5: {  	s26 =	simm.s32 $execute0_lowered;
	[smem:$0x3FD2] =	sst s25  }
0xa6: {  	s4 =	sshll.u32 s26, $0x1;
	_ =	strace $0x80000055;
	[dreg:$0x1] =	wrdreg $0xFFFFFFFF  }
0xa7: {  	s28 =	simm.s32 $_size_execute0_lowered;
	s2 =	sadd.s32 s2, s4;
	[dreg:$0x0] =	wrdreg $0x0  }
0xa8: {  	s4 =	sshll.u32 s28, $0x1;
	[dreg:$0x2] =	wrdreg s2  }
0xa9: {  	[dreg:$0x3] =	wrdreg s4  }
0xaa: {  	[dreg:$0x4] =	wrdreg $0xC0  }
0xab: {  	_ =	task [dreg:s6], $0x5FFFF  }
0xac: {  	[dreg:$0x1] =	wrdreg $0xFFFFFFFF  }
0xad: {  	[dreg:$0x0] =	wrdreg $0x60  }
0xae: {  	[dreg:$0x2] =	wrdreg s24  }
0xaf: {  	[dreg:$0x3] =	wrdreg $0x0  }
0xb0: {  	[dreg:$0x4] =	wrdreg $0x9  }
0xb1: {  	_ =	task.clear_ibuf [dreg:s6], $0x5FFFF;
	_ =	strace $0x90000055  }
0xb2: {  	s29 =	simm.s32 $0x9;
	_ =	strace $0x80000057  }
0xb3: {  	_ =	swait.ge [sflag:s29], $0x1  }
0xb4: {  	[sflag:s29] =	ssyncadd.s32 $0xFFFFFFFF  }
0xb5: {  	_ =	strace $0x90000057  }
0xb6: {  	_ =	sfence  }
0xb7: {  	s30 =	sld [smem:$0x0];
	_ =	sdelay $0x2  }
0xb8: {  	s31 =	sshll.u32 s1, $0xD;
	s1 =	sshrl.u32 s1, $0x2  }
0xb9: {  	s3 =	sand.u32 $0x4000, s31;
	s1 =	sadd.s32 s1, s30  }
0xba: {  	s0 =	sor.u32 s3, s0;
	s1 =	sshll.u32 s1, $0x11  }
0xbb: {  	s0 =	sor.u32 s1, s0  }
0xbc: {  	s0 =	sadd.s32 $0x8F2B, s0  }
0xbd: {  	[sflag:s0] =	ssyncadd.remote.s32 $0x1  }
0xbe: {  	_ =	sfence.sel $0xFFFF  }
0xbf: {  	[dreg:$0x0] =	wrdreg $0xFFFFFFFF;
	(pc) =	sbr.abs _section_cstart, $3  }
0xc0: {  	[dreg:$0x1] =	wrdreg $0xFFFFFFFF  }
0xc1: {  	_ =	task.clear_ibuf [dreg:s6], $0x2FFFF;
	_ =	strace $0x9FFFFFFF  }
0xc2: {  	(tm) =	ssettm $0x7FFFFFFF  }
0xc3: {  	_ =	shalt  }
tec
execute0_lowered:
.L_overlay_start_1:
0x0: {  	(tag) =	ssettag $0x1  }
0x1: {  	s5 =	rddreg [dreg:$0x0]  }
0x2: {  	s0 =	srdreg.scid;
	s2 =	rddreg [dreg:$0x1]  }
0x3: {  	s3 =	simm.s32 $0x0;
	s14 =	simm.s32 $0x6710;
	s4 =	sand.u32 $0x1, s0  }
0x4: {  	s15 =	simm.s32 $0x8E90;
	s0 =	stileid.u32;
	s8 =	smul.u32 $0x138800, s4  }
0x5: {  	[smem:$0x7FF] =	sst s3;
	s1 =	sshll.u32 s4, $0x4;
	s9 =	smul.u32 $0x13800, s0  }
0x6: {  	s4 =	ssub.s32 $0x2, s4;
	s30 =	smul.u32 $0x4E000, s0;
	p0 =	seq.s32 s0, $0xF  }
0x7: {  	s6 =	sor.u32 s0, s1;
	s1 =	rddreg [dreg:$0x2];
	_ =	strace $0x80000056  }
0x8: {  	s29 =	sshrl.u32 s4, $0x1;
	s7 =	smul.u32 $0x4E2, s6;
	s6 =	sshll.u32 s6, $0xB  }
0x9: {  	s28 =	sadd.s32 s9, s8;
	s13 =	ssub.s32 s4, s29;
	s4 =	simm.s32 $0x50  }
0xa: {  	s31 =	sshrl.u32 s30, $0x2;
	s11 =	sadd.s32 s6, s5;
	s4 =	simm.s32 @!p0 $0x4E  }
0xb: {  	s6 =	sadd.s32 s31, s2;
	s10 =	sadd.s32 s7, s5;
	s7 =	sshrl.u32 s28, $0x3  }
0xc: {  	s9 =	smax.u32 s13, $0x1;
	s13 =	simm.s32 $0x2710;
	s12 =	sadd.s32 s7, s5  }
0xd: {  	s5 =	simm.s32 $0x50;
	s7 =	sadd.s32 $0xCC400, s11;
	s8 =	sadd.s32 $0x74400, s10  }
0xe: {  	v0 =	vimm.f32 $0.0e+00;
	v1 =	vlaneseq.u32;
	s11 =	simm.s32 $0xB690;
	s10 =	sadd.s32 $0x6C00, s12;
	s12 =	simm.s32 $0x1  }
.LBB2_1:
0xf: {  	[tilespmem:$0xB690] =	vst v0  }
0x10: {  	[tilespmem:$0xB710] =	vst v0  }
0x11: {  	[tilespmem:$0xB790] =	vst v0  }
0x12: {  	[tilespmem:$0xB810] =	vst v0  }
0x13: {  	[tilespmem:$0xB890] =	vst v0  }
0x14: {  	[tilespmem:$0xB910] =	vst v0;
	p0 =	sne.s32 s4, $0x1  }
.Ltmp0:
0x15: {  	[tilespmem:$0xB990] =	vst v0;
	(pc) =	sbr.rel @!p0 .LBB2_3-.Ltmp0, $4  }
0x16: {  	[tilespmem:$0xBA10] =	vst v0  }
0x17: {  	[spmem:s6] =	stream.linear.scatter [tilespmem:s11], [sflag:$0x1], $0x400, $0x38;
	[tilespmem:$0xBA90] =	vst v63  }
0x18: {  	_ =	swait.ge [sflag:s12], $0x400  }
0x19: {  	s16 =	sadd.s32 $0xFFFFFFFF, s4;
	s17 =	smov.u32 s6;
	[sflag:s12] =	ssyncset.done $0x0  }
.LBB2_2:
0x1a: {  	p1 =	sne.s32 s16, $0x1;
	[sflag:s12] =	ssyncadd.s32 $0xFFFFFC00;
	s17 =	sadd.s32 $0x400, s17  }
.Ltmp1:
0x1b: {  	s16 =	sadd.s32 $0xFFFFFFFF, s16;
	(pc) =	sbr.rel @p1 .LBB2_2-.Ltmp1, $4  }
0x1c: {  	_ = 	snop  }
0x1d: {  	[spmem:s17] =	stream.linear.scatter [tilespmem:s11], [sflag:$0x1], $0x400, $0x38;
	[tilespmem:$0xBA90] =	vst v63  }
0x1e: {  	_ =	swait.ge [sflag:s12], $0x400  }
0x1f: {  	[sflag:s12] =	ssyncset.done $0x0  }
.LBB2_3:
0x20: {  	[sflag:s12] =	ssyncadd.s32 $0xFFFFFC00  }
0x21: {  	s16 =	simm.s32 $0x0;
	[bflag:$0x0] =	sbarrier.arrive $0xFFFF  }
0x22: {  	[tilespmem:s13], [sflag:$0x1] =	stream.linear.gather [hbm4b:s7+s16], $0x3E80, $0x38;
	[tilespmem:$0xBA90] =	vst v63  }
0x23: {  	_ =	swait.ge [sflag:s12], $0x3E80  }
0x24: {  	[sflag:s12] =	ssyncset.done $0x0  }
0x25: {  	[sflag:s12] =	ssyncadd.s32 $0xFFFFC180  }
0x26: {  	[tilespmem:s14], [sflag:$0x1] =	stream.linear.gather [hbm4b:s8+s16], $0x2710, $0x38;
	[tilespmem:$0xBA90] =	vst v63  }
0x27: {  	_ =	swait.ge [sflag:s12], $0x2710  }
0x28: {  	[sflag:s12] =	ssyncset.done $0x0  }
0x29: {  	[sflag:s12] =	ssyncadd.s32 $0xFFFFD8F0  }
.LBB2_4:
0x2a: {  	s17 =	smul.u32 $0x140, s16;
	_ =	sdelay $0x1  }
0x2b: {  	s17 =	sshra.s32 s17, $0x2  }
0x2c: {  	s18 =	sadd.s32 $0x6710, s17  }
0x2d: {  	s17 =	simm.s32 $0x8E90;
	v2 =	vmov s18;
	s18 =	simm.s32 $0x0  }
.LBB2_5:
0x2e: {  	_ =	sdelay $0x2  }
0x2f: {  	s19 =	sshll.u32 s18, $0x4  }
0x30: {  	v3 =	vld.idx.msk [tilespmem:v2+s19+$0x0 ss:$0x1], $0xffff;
	_ =	sdelay $0x2  }
0x31: {  	s31 =	simm.s32 $0x0  }
0x32: {  	v4 =	vmov s31  }
0x33: {  	v5 =	vperm.xlane v3, v4  }
0x34: {  	vm0 =	veq.s32 v4, v1  }
0x35: {  	v4 =	vnsel vm0, $0x0, v5  }
0x36: {  	s20 =	smov.u32 s17;
	s19 =	simm.s32 $0x1;
	[tilespmem:s17+$0x0] =	vst v4  }
.LBB2_6:
0x37: {  	p1 =	sne.s32 s19, $0xF  }
.Ltmp2:
0x38: {  	v4 =	vmov s19;
	s19 =	sadd.s32 $0x1, s19;
	(pc) =	sbr.rel @p1 .LBB2_6-.Ltmp2, $4  }
0x39: {  	v5 =	vperm.xlane v3, v4  }
0x3a: {  	vm0 =	veq.s32 v4, v1  }
0x3b: {  	s20 =	sadd.s32 $0x80, s20;
	v4 =	vnsel vm0, $0x0, v5  }
0x3c: {  	[tilespmem:s20+$0x0] =	vst v4  }
0x3d: {  	s18 =	sadd.s32 $0x1, s18  }
0x3e: {  	p1 =	sne.s32 s18, $0x5  }
.Ltmp3:
0x3f: {  	_ = 	snop;
	(pc) =	sbr.rel @p1 .LBB2_5-.Ltmp3, $2  }
0x40: {  	_ =	sdelay $0x2  }
0x41: {  	s17 =	sadd.s32 $0x800, s17  }
0x42: {  	s17 =	sshll.u32 s16, $0x7;
	s16 =	sadd.s32 $0x1, s16  }
0x43: {  	s17 =	sand.u32 $0x3FFFFF80, s17;
	p1 =	sne.s32 s16, $0x7D  }
.Ltmp4:
0x44: {  	s17 =	sadd.s32 $0x2710, s17;
	(pc) =	sbr.rel @p1 .LBB2_4-.Ltmp4, $4  }
0x45: {  	[spmem:s2] =	stream.indirect.scatter.add.f32 [tilespmem:s15], [sflag:$0x1], $0x10, s17, s5, $0xb8;
	[tilespmem:$0xBA90] =	vst v63  }
0x46: {  	_ =	swait.ge [sflag:s12], $0x500  }
0x47: {  	[sflag:s12] =	ssyncset.done $0x0  }
0x48: {  	[sflag:s12] =	ssyncadd.s32 $0xFFFFFB00  }
.Ltmp5:
0x49: {  	(pc) =	sbr.rel @!p0 .LBB2_11-.Ltmp5, $4  }
0x4a: {  	s16 =	sshll.u32 s0, $0x6;
	[bflag:$0x0] =	sbarrier.arrive $0xFFFF  }
0x4b: {  	s17 =	sshrl.u32 s6, $0x3;
	s18 =	sadd.s32 $0x80, s10;
	s16 =	sor.u32 $0x1C01, s16  }
0x4c: {  	[hbm:s10], [sflag:s16] =	dma.local [spmem:s17], $0x80  }
0x4d: {  	s19 =	smov.u32 s6;
	s17 =	sadd.s32 $0xFFFFFFFF, s4;
	_ =	swait.ge [sflag:s12], $0x80  }
.LBB2_10:
0x4e: {  	[sflag:s12] =	ssyncset.done $0x0;
	s19 =	sadd.s32 $0x400, s19;
	p0 =	sne.s32 s17, $0x1  }
.Ltmp6:
0x4f: {  	s20 =	sshrl.u32 s19, $0x3;
	[sflag:s12] =	ssyncadd.s32 $0xFFFFFF80;
	(pc) =	sbr.rel @p0 .LBB2_10-.Ltmp6, $3  }
0x50: {  	[hbm:s18], [sflag:s16] =	dma.local [spmem:s20], $0x80  }
0x51: {  	s17 =	sadd.s32 $0xFFFFFFFF, s17;
	_ =	sdelay $0x1  }
0x52: {  	s18 =	sadd.s32 $0x80, s18;
	_ =	swait.ge [sflag:s12], $0x80  }
.LBB2_11:
0x53: {  	s3 =	sadd.s32 $0x1, s3  }
0x54: {  	p0 =	sne.s32 s3, s9  }
.Ltmp7:
0x55: {  	_ = 	snop;
	(pc) =	sbr.rel @p0 .LBB2_1-.Ltmp7, $3  }
0x56: {  	_ =	sdelay $0x1  }
0x57: {  	[sflag:s12] =	ssyncset.done $0x0  }
0x58: {  	[sflag:s12] =	ssyncadd.s32 $0xFFFFFF80  }
0x59: {  	_ =	sfence.sel $0x180000  }
0x5a: {  	[bflag:$0x0] =	sbarrier.arrive $0xFFFF  }
0x5b: {  	p0 =	sne.s32 s0, $0x0;
	_ =	strace $0x90000056  }
0x5c: {  	s0 =	sadd.s32 @!p0 $0x100000, s1;
	[bflag:$0x2] =	sbarrier.arrive $0xFFFF  }
0x5d: {  	[sflag:s0] =	ssyncadd.tile.s32 @!p0 $0x1;
	_ =	shalt  }
.Lfunc_end2:
_tile_overlayer_lowered:
.L_overlay_start_2:
0x5e: {  	(tag) =	ssettag $0x2  }
0x5f: {  	s0 =	rddreg [dreg:$0x0];
	s2 =	stileid.u32  }
0x60: {  	s1 =	rddreg [dreg:$0x1];
	p0 =	sne.s32 s2, $0x0  }
0x61: {  	s3 =	rddreg [dreg:$0x2];
	[bflag:$0x3] =	sbarrier.arrive $0xFFFF;
	s2 =	simm.s32 @!p0 $0x1C01  }
0x62: {  	[timem:s3], [sflag:s2] =	dma.local @!p0 [hbm:s0], s1  }
0x63: {  	s0 =	simm.s32 @!p0 $0x1  }
0x64: {  	_ =	swait.ge @!p0 [sflag:s0], s1  }
0x65: {  	s1 =	ssub.s32 @!p0 $0x0, s1;
	[sflag:s0] =	ssyncset.done @!p0 $0x0  }
0x66: {  	[sflag:s0] =	ssyncadd.s32 @!p0 s1  }
0x67: {  	[bflag:$0x3] =	sbarrier.arrive $0xFFFF  }
0x68: {  	_ =	shalt  }

</sc_bundles>
